<compile_context>
chip_gen: v7x
topology: tpu7x:2x2x1
jax: 0.10.2.dev20260603
libtpu: 0.0.44.dev20260713+nightly
codegen_flags: <defaults>
</compile_context>

<pallas_src>
import functools

import jax
import jax.numpy as jnp
from jax import lax
from jax.experimental import pallas as pl
from jax.experimental.pallas import tpu as pltpu
from jax.experimental.pallas import tpu_sc as plsc

VOCAB = 100000
DIM = 64
BATCH = 4
SEQ = 8192
TOTAL = BATCH * SEQ
NW = 32
PER_W = TOTAL // NW
CH = 256
NST = PER_W // CH
LANES = 16
VPR = DIM // LANES

_mesh = plsc.VectorSubcoreMesh(core_axis_name="c", subcore_axis_name="s")


@functools.partial(
    pl.kernel,
    mesh=_mesh,
    out_type=jax.ShapeDtypeStruct((BATCH, SEQ, DIM), jnp.float32),
    scratch_types=[
        pltpu.VMEM((PER_W,), jnp.int32),
        pltpu.VMEM((2, CH, DIM), jnp.float32),
        pltpu.VMEM((CH, DIM), jnp.float32),
        pltpu.SemaphoreType.DMA,
        pltpu.SemaphoreType.DMA,
        pltpu.SemaphoreType.DMA,
        pltpu.SemaphoreType.DMA,
    ],
)
def _embed(ids_hbm, tok_hbm, pos_hbm, out_hbm, idx_v, rows2, pos_v,
           gsem0, gsem1, psem, osem):
    wid = lax.axis_index("s") * 2 + lax.axis_index("c")
    b = wid // (SEQ // PER_W)
    s0 = (wid % (SEQ // PER_W)) * PER_W

    pltpu.sync_copy(ids_hbm.at[b, pl.ds(s0, PER_W)], idx_v)

    gsems = (gsem0, gsem1)
    lane_iota = lax.iota(jnp.int32, LANES)

    def fire_gathers(q, buf, sem):
        def fire_group(g, _):
            v = idx_v[pl.ds(q * CH + g * LANES, LANES)]
            for l in range(LANES):
                pltpu.async_copy(tok_hbm.at[v[l]], buf.at[g * LANES + l], sem)
            return ()
        lax.fori_loop(0, CH // LANES, fire_group, ())

    def drain_gathers(buf, sem):
        def drain(r, _):
            pltpu.make_async_copy(tok_hbm.at[0], buf.at[0], sem).wait()
            return ()
        lax.fori_loop(0, CH, drain, (), unroll=4)

    def fire_pos(q):
        pltpu.async_copy(pos_hbm.at[pl.ds(s0 + q * CH, CH)], pos_v, psem)

    def wait_pos():
        pltpu.make_async_copy(pos_hbm.at[pl.ds(s0, CH)], pos_v, psem).wait()

    def fire_out(q, buf):
        pltpu.async_copy(buf, out_hbm.at[b, pl.ds(s0 + q * CH, CH)], osem)

    def wait_out(q, buf):
        pltpu.make_async_copy(
            buf, out_hbm.at[b, pl.ds(s0 + q * CH, CH)], osem).wait()

    fire_gathers(0, rows2.at[0], gsems[0])
    fire_pos(0)

    for q in range(NST):
        cur = q % 2
        if q >= 2:
            wait_out(q - 2, rows2.at[cur])
        if q + 1 < NST:
            fire_gathers(q + 1, rows2.at[(q + 1) % 2], gsems[(q + 1) % 2])
        drain_gathers(rows2.at[cur], gsems[cur])
        wait_pos()

        buf = rows2.at[cur]

        def add_row(r, _):
            for j in range(VPR):
                sl = pl.ds(j * LANES, LANES)
                buf[r, sl] = buf[r, sl] + pos_v[r, sl]
            return ()

        lax.fori_loop(0, CH, add_row, (), unroll=2)

        if q + 1 < NST:
            fire_pos(q + 1)
        fire_out(q, buf)

    wait_out(NST - 2, rows2.at[(NST - 2) % 2])
    wait_out(NST - 1, rows2.at[(NST - 1) % 2])


def kernel(input_ids, token_table, pos_table):
    return _embed(input_ids, token_table, pos_table)

# --- scband reference (transcript-rebuilt; emitter-appended) ---
"""Pipeline reference for scband-embedding-7550552507004 (READ-ONLY COPY).

The authoritative reference and input builder live on the scoring server;
editing this copy changes nothing except your own understanding.
"""

import jax, jax.numpy as jnp
import numpy as np

VOCAB = 100000
DIM = 64
MAX_SEQ_LEN = 8192
BATCH = 4
SEQ = 8192

def setup_inputs(seed: int = 0) -> dict:
    key = jax.random.key(seed)
    k1, k2, k3 = jax.random.split(key, 3)
    input_ids = jax.random.randint(k1, (BATCH, SEQ), 0, VOCAB, dtype=jnp.int64 if jax.config.jax_enable_x64 else jnp.int32)
    token_table = jax.random.normal(k2, (VOCAB, DIM), dtype=jnp.float32)
    pos_table = jax.random.normal(k3, (MAX_SEQ_LEN, DIM), dtype=jnp.float32)
    return {"input_ids": input_ids, "token_table": token_table, "pos_table": pos_table}

def reference(input_ids, token_table, pos_table):
    # token embedding: gather rows from token_table
    x = jnp.take(token_table, input_ids, axis=0)  # [B, S, D]
    # positional embedding: arange over seq_len, gather from pos_table
    t = jnp.arange(input_ids.shape[1])
    pos = jnp.take(pos_table, t, axis=0).astype(x.dtype)  # [S, D]
    return x + pos[None, :, :]

if __name__ == "__main__":
    import jax
    _d = setup_inputs()
    print(jax.jit(kernel)(*tuple(_d.values())))

</pallas_src>

<mosaic_0001>
#map = affine_map<(d0, d1) -> (0, 0)>
#map1 = affine_map<(d0, d1) -> (0, 0, 0)>
module attributes {stable_mosaic.version = 14 : i64} {
  func.func @_embed(%arg0: i32, %arg1: i32, %arg2: memref<4x8192xi32, #tpu.memory_space<hbm>>, %arg3: memref<100000x64xf32, #tpu.memory_space<hbm>>, %arg4: memref<8192x64xf32, #tpu.memory_space<hbm>>, %arg5: memref<4x8192x64xf32, #tpu.memory_space<hbm>>, %arg6: memref<1024xi32, #tpu.memory_space<vmem>>, %arg7: memref<2x256x64xf32, #tpu.memory_space<vmem>>, %arg8: memref<256x64xf32, #tpu.memory_space<vmem>>, %arg9: memref<!tpu.dma_semaphore, #tpu.memory_space<semaphore_mem>>, %arg10: memref<!tpu.dma_semaphore, #tpu.memory_space<semaphore_mem>>, %arg11: memref<!tpu.dma_semaphore, #tpu.memory_space<semaphore_mem>>, %arg12: memref<!tpu.dma_semaphore, #tpu.memory_space<semaphore_mem>>) attributes {dimension_semantics = [#tpu.dimension_semantics<core_parallel>, #tpu.dimension_semantics<subcore_parallel>], iteration_bounds = array<i64: 2, 16>, scalar_prefetch = 0 : i64, scratch_operands = 7 : i64, tpu.core_type = #tpu.core_type<sc_vector_subcore>, window_params = [{transform_indices = #map}, {transform_indices = #map}, {transform_indices = #map}, {transform_indices = #map1}]} {
    %mul3A = arith.constant 2 : i32
    %mul3A_0 = arith.muli %arg1, %mul3A : i32
    %add3A = arith.addi %mul3A_0, %arg0 : i32
    %jit3A = arith.constant 8 : i32
    %div3A = arith.divsi %add3A, %jit3A : i32
    %sign3A = arith.constant 0 : i32
    %sign3A_1 = arith.cmpi sgt, %add3A, %sign3A : i32
    %sign3A_2 = arith.extui %sign3A_1 : i1 to i32
    %sign3A_3 = arith.constant 0 : i32
    %sign3A_4 = arith.cmpi slt, %add3A, %sign3A_3 : i32
    %sign3A_5 = arith.extui %sign3A_4 : i1 to i32
    %sign3A_6 = arith.subi %sign3A_2, %sign3A_5 : i32
    %sign3A_7 = arith.constant 0 : i32
    %sign3A_8 = arith.cmpi sgt, %jit3A, %sign3A_7 : i32
    %sign3A_9 = arith.extui %sign3A_8 : i1 to i32
    %sign3A_10 = arith.constant 0 : i32
    %sign3A_11 = arith.cmpi slt, %jit3A, %sign3A_10 : i32
    %sign3A_12 = arith.extui %sign3A_11 : i1 to i32
    %sign3A_13 = arith.subi %sign3A_9, %sign3A_12 : i32
    %ne3A = arith.cmpi ne, %sign3A_6, %sign3A_13 : i32
    %rem3A = arith.remsi %add3A, %jit3A : i32
    %ne3A_14 = arith.constant 0 : i32
    %ne3A_15 = arith.cmpi ne, %rem3A, %ne3A_14 : i32
    %and3A = arith.andi %ne3A, %ne3A_15 : i1
    %sub3A = arith.constant 1 : i32
    %sub3A_16 = arith.subi %div3A, %sub3A : i32
    %select_n3A = arith.select %and3A, %sub3A_16, %div3A : i32
    %jit3A_17 = arith.constant 8 : i32
    %eq3A = arith.constant 0 : i32
    %eq3A_18 = arith.cmpi eq, %jit3A_17, %eq3A : i32
    %jit3A_19 = arith.constant 1 : i32
    %select_n3A_20 = arith.select %eq3A_18, %jit3A_19, %jit3A_17 : i32
    %rem3A_21 = arith.remsi %add3A, %select_n3A_20 : i32
    %ne3A_22 = arith.constant 0 : i32
    %ne3A_23 = arith.cmpi ne, %rem3A_21, %ne3A_22 : i32
    %lt3A = arith.constant 0 : i32
    %lt3A_24 = arith.cmpi slt, %rem3A_21, %lt3A : i32
    %lt3A_25 = arith.constant 0 : i32
    %lt3A_26 = arith.cmpi slt, %select_n3A_20, %lt3A_25 : i32
    %ne3A_27 = arith.xori %lt3A_24, %lt3A_26 : i1
    %and3A_28 = arith.andi %ne3A_27, %ne3A_23 : i1
    %add3A_29 = arith.addi %rem3A_21, %select_n3A_20 : i32
    %select_n3A_30 = arith.select %and3A_28, %add3A_29, %rem3A_21 : i32
    %mul3A_31 = arith.constant 1024 : i32
    %mul3A_32 = arith.muli %select_n3A_30, %mul3A_31 : i32
    "tpu.region"() ({
      %run_scoped3A = tpu.sem_alloc : memref<!tpu.dma_semaphore, #tpu.memory_space<semaphore_mem>>
      %dma_start3A_278 = tpu.memref_slice %arg2[%select_n3A, %mul3A_32] : memref<4x8192xi32, #tpu.memory_space<hbm>> -> memref<1x1024xi32, #tpu.memory_space<hbm>>
      %dma_start3A_279 = tpu.memref_squeeze %dma_start3A_278 : memref<1x1024xi32, #tpu.memory_space<hbm>> -> memref<1024xi32, #tpu.memory_space<hbm>>
      %dma_start3A_280 = tpu.memref_slice %arg2[%select_n3A, %mul3A_32] : memref<4x8192xi32, #tpu.memory_space<hbm>> -> memref<1x1024xi32, #tpu.memory_space<hbm>>
      %dma_start3A_281 = tpu.memref_squeeze %dma_start3A_280 : memref<1x1024xi32, #tpu.memory_space<hbm>> -> memref<1024xi32, #tpu.memory_space<hbm>>
      tpu.enqueue_dma source(%dma_start3A_281 : memref<1024xi32, #tpu.memory_space<hbm>>) target(%arg6 : memref<1024xi32, #tpu.memory_space<vmem>>) target_semaphore(%run_scoped3A : memref<!tpu.dma_semaphore, #tpu.memory_space<semaphore_mem>>)
      %dma_wait3A_282 = tpu.memref_slice %arg2[%select_n3A, %mul3A_32] : memref<4x8192xi32, #tpu.memory_space<hbm>> -> memref<1x1024xi32, #tpu.memory_space<hbm>>
      %dma_wait3A_283 = tpu.memref_squeeze %dma_wait3A_282 : memref<1x1024xi32, #tpu.memory_space<hbm>> -> memref<1024xi32, #tpu.memory_space<hbm>>
      %dma_wait3A_284 = tpu.memref_slice %arg2[%select_n3A, %mul3A_32] : memref<4x8192xi32, #tpu.memory_space<hbm>> -> memref<1x1024xi32, #tpu.memory_space<hbm>>
      %dma_wait3A_285 = tpu.memref_squeeze %dma_wait3A_284 : memref<1x1024xi32, #tpu.memory_space<hbm>> -> memref<1024xi32, #tpu.memory_space<hbm>>
      tpu.wait_dma2 semaphore(%run_scoped3A : memref<!tpu.dma_semaphore, #tpu.memory_space<semaphore_mem>>) src(%dma_wait3A_285 : memref<1024xi32, #tpu.memory_space<hbm>>) dst(%arg6 : memref<1024xi32, #tpu.memory_space<vmem>>)
      tpu.yield
    }) : () -> ()
    %iota3A = tpu.iota {dimensions = array<i32: 0>} : vector<16xi32>
    %scan3A = arith.constant 0 : i32
    %scan3A_33 = arith.constant 0 : i32
    %scan3A_34 = arith.constant 16 : i32
    %scan3A_35 = arith.addi %scan3A_33, %scan3A_34 : i32
    %scan3A_36 = arith.constant 1 : i32
    scf.for %scan3A_278 = %scan3A_33 to %scan3A_35 step %scan3A_36  : i32 {
      %mul3A_279 = arith.constant 16 : i32
      %mul3A_280 = arith.muli %scan3A_278, %mul3A_279 : i32
      %add3A_281 = arith.constant 0 : i32
      %add3A_282 = arith.addi %add3A_281, %mul3A_280 : i32
      %get3A = arith.index_cast %add3A_282 : i32 to index
      %get3A_283 = tpu.vector_load %arg6[%get3A] {strides = array<i32>} : memref<1024xi32, #tpu.memory_space<vmem>>, vector<16xi32>,
      %get3A_284 = vector.shape_cast %get3A_283 : vector<16xi32> to vector<16xi32>
      %slice3A = vector.extract_strided_slice %get3A_284 {offsets = [0], sizes = [1], strides = [1]} : vector<16xi32> to vector<1xi32>
      %squeeze3A = vector.extract %slice3A[0] : i32 from vector<1xi32>
      %mul3A_285 = arith.constant 16 : i32
      %mul3A_286 = arith.muli %scan3A_278, %mul3A_285 : i32
      %add3A_287 = arith.constant 0 : i32
      %add3A_288 = arith.addi %mul3A_286, %add3A_287 : i32
      %dma_start3A_289 = arith.constant 0 : i32
      %dma_start3A_290 = arith.constant 0 : i32
      %dma_start3A_291 = tpu.memref_slice %arg7[%scan3A, %dma_start3A_289, %dma_start3A_290] : memref<2x256x64xf32, #tpu.memory_space<vmem>> -> memref<1x256x64xf32, #tpu.memory_space<vmem>>
      %dma_start3A_292 = tpu.memref_squeeze %dma_start3A_291 : memref<1x256x64xf32, #tpu.memory_space<vmem>> -> memref<256x64xf32, #tpu.memory_space<vmem>>
      %dma_start3A_293 = arith.constant 0 : i32
      %dma_start3A_294 = tpu.memref_slice %dma_start3A_292[%add3A_288, %dma_start3A_293] : memref<256x64xf32, #tpu.memory_space<vmem>> -> memref<1x64xf32, #tpu.memory_space<vmem>>
      %dma_start3A_295 = tpu.memref_squeeze %dma_start3A_294 : memref<1x64xf32, #tpu.memory_space<vmem>> -> memref<64xf32, #tpu.memory_space<vmem>>
      %dma_start3A_296 = arith.constant 0 : i32
      %dma_start3A_297 = tpu.memref_slice %arg3[%squeeze3A, %dma_start3A_296] : memref<100000x64xf32, #tpu.memory_space<hbm>> -> memref<1x64xf32, #tpu.memory_space<hbm>>
      %dma_start3A_298 = tpu.memref_squeeze %dma_start3A_297 : memref<1x64xf32, #tpu.memory_space<hbm>> -> memref<64xf32, #tpu.memory_space<hbm>>
      %dma_start3A_299 = arith.constant 0 : i32
      %dma_start3A_300 = arith.constant 0 : i32
      %dma_start3A_301 = tpu.memref_slice %arg7[%scan3A, %dma_start3A_299, %dma_start3A_300] : memref<2x256x64xf32, #tpu.memory_space<vmem>> -> memref<1x256x64xf32, #tpu.memory_space<vmem>>
      %dma_start3A_302 = tpu.memref_squeeze %dma_start3A_301 : memref<1x256x64xf32, #tpu.memory_space<vmem>> -> memref<256x64xf32, #tpu.memory_space<vmem>>
      %dma_start3A_303 = arith.constant 0 : i32
      %dma_start3A_304 = tpu.memref_slice %dma_start3A_302[%add3A_288, %dma_start3A_303] : memref<256x64xf32, #tpu.memory_space<vmem>> -> memref<1x64xf32, #tpu.memory_space<vmem>>
      %dma_start3A_305 = tpu.memref_squeeze %dma_start3A_304 : memref<1x64xf32, #tpu.memory_space<vmem>> -> memref<64xf32, #tpu.memory_space<vmem>>
      %dma_start3A_306 = arith.constant 0 : i32
      %dma_start3A_307 = tpu.memref_slice %arg3[%squeeze3A, %dma_start3A_306] : memref<100000x64xf32, #tpu.memory_space<hbm>> -> memref<1x64xf32, #tpu.memory_space<hbm>>
      %dma_start3A_308 = tpu.memref_squeeze %dma_start3A_307 : memref<1x64xf32, #tpu.memory_space<hbm>> -> memref<64xf32, #tpu.memory_space<hbm>>
      tpu.enqueue_dma source(%dma_start3A_308 : memref<64xf32, #tpu.memory_space<hbm>>) target(%dma_start3A_305 : memref<64xf32, #tpu.memory_space<vmem>>) target_semaphore(%arg9 : memref<!tpu.dma_semaphore, #tpu.memory_space<semaphore_mem>>)
      %slice3A_309 = vector.extract_strided_slice %get3A_284 {offsets = [1], sizes = [1], strides = [1]} : vector<16xi32> to vector<1xi32>
      %squeeze3A_310 = vector.extract %slice3A_309[0] : i32 from vector<1xi32>
      %mul3A_311 = arith.constant 16 : i32
      %mul3A_312 = arith.muli %scan3A_278, %mul3A_311 : i32
      %add3A_313 = arith.constant 1 : i32
      %add3A_314 = arith.addi %mul3A_312, %add3A_313 : i32
      %dma_start3A_315 = arith.constant 0 : i32
      %dma_start3A_316 = arith.constant 0 : i32
      %dma_start3A_317 = tpu.memref_slice %arg7[%scan3A, %dma_start3A_315, %dma_start3A_316] : memref<2x256x64xf32, #tpu.memory_space<vmem>> -> memref<1x256x64xf32, #tpu.memory_space<vmem>>
      %dma_start3A_318 = tpu.memref_squeeze %dma_start3A_317 : memref<1x256x64xf32, #tpu.memory_space<vmem>> -> memref<256x64xf32, #tpu.memory_space<vmem>>
      %dma_start3A_319 = arith.constant 0 : i32
      %dma_start3A_320 = tpu.memref_slice %dma_start3A_318[%add3A_314, %dma_start3A_319] : memref<256x64xf32, #tpu.memory_space<vmem>> -> memref<1x64xf32, #tpu.memory_space<vmem>>
      %dma_start3A_321 = tpu.memref_squeeze %dma_start3A_320 : memref<1x64xf32, #tpu.memory_space<vmem>> -> memref<64xf32, #tpu.memory_space<vmem>>
      %dma_start3A_322 = arith.constant 0 : i32
      %dma_start3A_323 = tpu.memref_slice %arg3[%squeeze3A_310, %dma_start3A_322] : memref<100000x64xf32, #tpu.memory_space<hbm>> -> memref<1x64xf32, #tpu.memory_space<hbm>>
      %dma_start3A_324 = tpu.memref_squeeze %dma_start3A_323 : memref<1x64xf32, #tpu.memory_space<hbm>> -> memref<64xf32, #tpu.memory_space<hbm>>
      %dma_start3A_325 = arith.constant 0 : i32
      %dma_start3A_326 = arith.constant 0 : i32
      %dma_start3A_327 = tpu.memref_slice %arg7[%scan3A, %dma_start3A_325, %dma_start3A_326] : memref<2x256x64xf32, #tpu.memory_space<vmem>> -> memref<1x256x64xf32, #tpu.memory_space<vmem>>
      %dma_start3A_328 = tpu.memref_squeeze %dma_start3A_327 : memref<1x256x64xf32, #tpu.memory_space<vmem>> -> memref<256x64xf32, #tpu.memory_space<vmem>>
      %dma_start3A_329 = arith.constant 0 : i32
      %dma_start3A_330 = tpu.memref_slice %dma_start3A_328[%add3A_314, %dma_start3A_329] : memref<256x64xf32, #tpu.memory_space<vmem>> -> memref<1x64xf32, #tpu.memory_space<vmem>>
      %dma_start3A_331 = tpu.memref_squeeze %dma_start3A_330 : memref<1x64xf32, #tpu.memory_space<vmem>> -> memref<64xf32, #tpu.memory_space<vmem>>
      %dma_start3A_332 = arith.constant 0 : i32
      %dma_start3A_333 = tpu.memref_slice %arg3[%squeeze3A_310, %dma_start3A_332] : memref<100000x64xf32, #tpu.memory_space<hbm>> -> memref<1x64xf32, #tpu.memory_space<hbm>>
      %dma_start3A_334 = tpu.memref_squeeze %dma_start3A_333 : memref<1x64xf32, #tpu.memory_space<hbm>> -> memref<64xf32, #tpu.memory_space<hbm>>
      tpu.enqueue_dma source(%dma_start3A_334 : memref<64xf32, #tpu.memory_space<hbm>>) target(%dma_start3A_331 : memref<64xf32, #tpu.memory_space<vmem>>) target_semaphore(%arg9 : memref<!tpu.dma_semaphore, #tpu.memory_space<semaphore_mem>>)
      %slice3A_335 = vector.extract_strided_slice %get3A_284 {offsets = [2], sizes = [1], strides = [1]} : vector<16xi32> to vector<1xi32>
      %squeeze3A_336 = vector.extract %slice3A_335[0] : i32 from vector<1xi32>
      %mul3A_337 = arith.constant 16 : i32
      %mul3A_338 = arith.muli %scan3A_278, %mul3A_337 : i32
      %add3A_339 = arith.constant 2 : i32
      %add3A_340 = arith.addi %mul3A_338, %add3A_339 : i32
      %dma_start3A_341 = arith.constant 0 : i32
      %dma_start3A_342 = arith.constant 0 : i32
      %dma_start3A_343 = tpu.memref_slice %arg7[%scan3A, %dma_start3A_341, %dma_start3A_342] : memref<2x256x64xf32, #tpu.memory_space<vmem>> -> memref<1x256x64xf32, #tpu.memory_space<vmem>>
      %dma_start3A_344 = tpu.memref_squeeze %dma_start3A_343 : memref<1x256x64xf32, #tpu.memory_space<vmem>> -> memref<256x64xf32, #tpu.memory_space<vmem>>
      %dma_start3A_345 = arith.constant 0 : i32
      %dma_start3A_346 = tpu.memref_slice %dma_start3A_344[%add3A_340, %dma_start3A_345] : memref<256x64xf32, #tpu.memory_space<vmem>> -> memref<1x64xf32, #tpu.memory_space<vmem>>
      %dma_start3A_347 = tpu.memref_squeeze %dma_start3A_346 : memref<1x64xf32, #tpu.memory_space<vmem>> -> memref<64xf32, #tpu.memory_space<vmem>>
      %dma_start3A_348 = arith.constant 0 : i32
      %dma_start3A_349 = tpu.memref_slice %arg3[%squeeze3A_336, %dma_start3A_348] : memref<100000x64xf32, #tpu.memory_space<hbm>> -> memref<1x64xf32, #tpu.memory_space<hbm>>
      %dma_start3A_350 = tpu.memref_squeeze %dma_start3A_349 : memref<1x64xf32, #tpu.memory_space<hbm>> -> memref<64xf32, #tpu.memory_space<hbm>>
      %dma_start3A_351 = arith.constant 0 : i32
      %dma_start3A_352 = arith.constant 0 : i32
      %dma_start3A_353 = tpu.memref_slice %arg7[%scan3A, %dma_start3A_351, %dma_start3A_352] : memref<2x256x64xf32, #tpu.memory_space<vmem>> -> memref<1x256x64xf32, #tpu.memory_space<vmem>>
      %dma_start3A_354 = tpu.memref_squeeze %dma_start3A_353 : memref<1x256x64xf32, #tpu.memory_space<vmem>> -> memref<256x64xf32, #tpu.memory_space<vmem>>
      %dma_start3A_355 = arith.constant 0 : i32
      %dma_start3A_356 = tpu.memref_slice %dma_start3A_354[%add3A_340, %dma_start3A_355] : memref<256x64xf32, #tpu.memory_space<vmem>> -> memref<1x64xf32, #tpu.memory_space<vmem>>
      %dma_start3A_357 = tpu.memref_squeeze %dma_start3A_356 : memref<1x64xf32, #tpu.memory_space<vmem>> -> memref<64xf32, #tpu.memory_space<vmem>>
      %dma_start3A_358 = arith.constant 0 : i32
      %dma_start3A_359 = tpu.memref_slice %arg3[%squeeze3A_336, %dma_start3A_358] : memref<100000x64xf32, #tpu.memory_space<hbm>> -> memref<1x64xf32, #tpu.memory_space<hbm>>
      %dma_start3A_360 = tpu.memref_squeeze %dma_start3A_359 : memref<1x64xf32, #tpu.memory_space<hbm>> -> memref<64xf32, #tpu.memory_space<hbm>>
      tpu.enqueue_dma source(%dma_start3A_360 : memref<64xf32, #tpu.memory_space<hbm>>) target(%dma_start3A_357 : memref<64xf32, #tpu.memory_space<vmem>>) target_semaphore(%arg9 : memref<!tpu.dma_semaphore, #tpu.memory_space<semaphore_mem>>)
      %slice3A_361 = vector.extract_strided_slice %get3A_284 {offsets = [3], sizes = [1], strides = [1]} : vector<16xi32> to vector<1xi32>
      %squeeze3A_362 = vector.extract %slice3A_361[0] : i32 from vector<1xi32>
      %mul3A_363 = arith.constant 16 : i32
      %mul3A_364 = arith.muli %scan3A_278, %mul3A_363 : i32
      %add3A_365 = arith.constant 3 : i32
      %add3A_366 = arith.addi %mul3A_364, %add3A_365 : i32
      %dma_start3A_367 = arith.constant 0 : i32
      %dma_start3A_368 = arith.constant 0 : i32
      %dma_start3A_369 = tpu.memref_slice %arg7[%scan3A, %dma_start3A_367, %dma_start3A_368] : memref<2x256x64xf32, #tpu.memory_space<vmem>> -> memref<1x256x64xf32, #tpu.memory_space<vmem>>
      %dma_start3A_370 = tpu.memref_squeeze %dma_start3A_369 : memref<1x256x64xf32, #tpu.memory_space<vmem>> -> memref<256x64xf32, #tpu.memory_space<vmem>>
      %dma_start3A_371 = arith.constant 0 : i32
      %dma_start3A_372 = tpu.memref_slice %dma_start3A_370[%add3A_366, %dma_start3A_371] : memref<256x64xf32, #tpu.memory_space<vmem>> -> memref<1x64xf32, #tpu.memory_space<vmem>>
      %dma_start3A_373 = tpu.memref_squeeze %dma_start3A_372 : memref<1x64xf32, #tpu.memory_space<vmem>> -> memref<64xf32, #tpu.memory_space<vmem>>
      %dma_start3A_374 = arith.constant 0 : i32
      %dma_start3A_375 = tpu.memref_slice %arg3[%squeeze3A_362, %dma_start3A_374] : memref<100000x64xf32, #tpu.memory_space<hbm>> -> memref<1x64xf32, #tpu.memory_space<hbm>>
      %dma_start3A_376 = tpu.memref_squeeze %dma_start3A_375 : memref<1x64xf32, #tpu.memory_space<hbm>> -> memref<64xf32, #tpu.memory_space<hbm>>
      %dma_start3A_377 = arith.constant 0 : i32
      %dma_start3A_378 = arith.constant 0 : i32
      %dma_start3A_379 = tpu.memref_slice %arg7[%scan3A, %dma_start3A_377, %dma_start3A_378] : memref<2x256x64xf32, #tpu.memory_space<vmem>> -> memref<1x256x64xf32, #tpu.memory_space<vmem>>
      %dma_start3A_380 = tpu.memref_squeeze %dma_start3A_379 : memref<1x256x64xf32, #tpu.memory_space<vmem>> -> memref<256x64xf32, #tpu.memory_space<vmem>>
      %dma_start3A_381 = arith.constant 0 : i32
      %dma_start3A_382 = tpu.memref_slice %dma_start3A_380[%add3A_366, %dma_start3A_381] : memref<256x64xf32, #tpu.memory_space<vmem>> -> memref<1x64xf32, #tpu.memory_space<vmem>>
      %dma_start3A_383 = tpu.memref_squeeze %dma_start3A_382 : memref<1x64xf32, #tpu.memory_space<vmem>> -> memref<64xf32, #tpu.memory_space<vmem>>
      %dma_start3A_384 = arith.constant 0 : i32
      %dma_start3A_385 = tpu.memref_slice %arg3[%squeeze3A_362, %dma_start3A_384] : memref<100000x64xf32, #tpu.memory_space<hbm>> -> memref<1x64xf32, #tpu.memory_space<hbm>>
      %dma_start3A_386 = tpu.memref_squeeze %dma_start3A_385 : memref<1x64xf32, #tpu.memory_space<hbm>> -> memref<64xf32, #tpu.memory_space<hbm>>
      tpu.enqueue_dma source(%dma_start3A_386 : memref<64xf32, #tpu.memory_space<hbm>>) target(%dma_start3A_383 : memref<64xf32, #tpu.memory_space<vmem>>) target_semaphore(%arg9 : memref<!tpu.dma_semaphore, #tpu.memory_space<semaphore_mem>>)
      %slice3A_387 = vector.extract_strided_slice %get3A_284 {offsets = [4], sizes = [1], strides = [1]} : vector<16xi32> to vector<1xi32>
      %squeeze3A_388 = vector.extract %slice3A_387[0] : i32 from vector<1xi32>
      %mul3A_389 = arith.constant 16 : i32
      %mul3A_390 = arith.muli %scan3A_278, %mul3A_389 : i32
      %add3A_391 = arith.constant 4 : i32
      %add3A_392 = arith.addi %mul3A_390, %add3A_391 : i32
      %dma_start3A_393 = arith.constant 0 : i32
      %dma_start3A_394 = arith.constant 0 : i32
      %dma_start3A_395 = tpu.memref_slice %arg7[%scan3A, %dma_start3A_393, %dma_start3A_394] : memref<2x256x64xf32, #tpu.memory_space<vmem>> -> memref<1x256x64xf32, #tpu.memory_space<vmem>>
      %dma_start3A_396 = tpu.memref_squeeze %dma_start3A_395 : memref<1x256x64xf32, #tpu.memory_space<vmem>> -> memref<256x64xf32, #tpu.memory_space<vmem>>
      %dma_start3A_397 = arith.constant 0 : i32
      %dma_start3A_398 = tpu.memref_slice %dma_start3A_396[%add3A_392, %dma_start3A_397] : memref<256x64xf32, #tpu.memory_space<vmem>> -> memref<1x64xf32, #tpu.memory_space<vmem>>
      %dma_start3A_399 = tpu.memref_squeeze %dma_start3A_398 : memref<1x64xf32, #tpu.memory_space<vmem>> -> memref<64xf32, #tpu.memory_space<vmem>>
      %dma_start3A_400 = arith.constant 0 : i32
      %dma_start3A_401 = tpu.memref_slice %arg3[%squeeze3A_388, %dma_start3A_400] : memref<100000x64xf32, #tpu.memory_space<hbm>> -> memref<1x64xf32, #tpu.memory_space<hbm>>
      %dma_start3A_402 = tpu.memref_squeeze %dma_start3A_401 : memref<1x64xf32, #tpu.memory_space<hbm>> -> memref<64xf32, #tpu.memory_space<hbm>>
      %dma_start3A_403 = arith.constant 0 : i32
      %dma_start3A_404 = arith.constant 0 : i32
      %dma_start3A_405 = tpu.memref_slice %arg7[%scan3A, %dma_start3A_403, %dma_start3A_404] : memref<2x256x64xf32, #tpu.memory_space<vmem>> -> memref<1x256x64xf32, #tpu.memory_space<vmem>>
      %dma_start3A_406 = tpu.memref_squeeze %dma_start3A_405 : memref<1x256x64xf32, #tpu.memory_space<vmem>> -> memref<256x64xf32, #tpu.memory_space<vmem>>
      %dma_start3A_407 = arith.constant 0 : i32
      %dma_start3A_408 = tpu.memref_slice %dma_start3A_406[%add3A_392, %dma_start3A_407] : memref<256x64xf32, #tpu.memory_space<vmem>> -> memref<1x64xf32, #tpu.memory_space<vmem>>
      %dma_start3A_409 = tpu.memref_squeeze %dma_start3A_408 : memref<1x64xf32, #tpu.memory_space<vmem>> -> memref<64xf32, #tpu.memory_space<vmem>>
      %dma_start3A_410 = arith.constant 0 : i32
      %dma_start3A_411 = tpu.memref_slice %arg3[%squeeze3A_388, %dma_start3A_410] : memref<100000x64xf32, #tpu.memory_space<hbm>> -> memref<1x64xf32, #tpu.memory_space<hbm>>
      %dma_start3A_412 = tpu.memref_squeeze %dma_start3A_411 : memref<1x64xf32, #tpu.memory_space<hbm>> -> memref<64xf32, #tpu.memory_space<hbm>>
      tpu.enqueue_dma source(%dma_start3A_412 : memref<64xf32, #tpu.memory_space<hbm>>) target(%dma_start3A_409 : memref<64xf32, #tpu.memory_space<vmem>>) target_semaphore(%arg9 : memref<!tpu.dma_semaphore, #tpu.memory_space<semaphore_mem>>)
      %slice3A_413 = vector.extract_strided_slice %get3A_284 {offsets = [5], sizes = [1], strides = [1]} : vector<16xi32> to vector<1xi32>
      %squeeze3A_414 = vector.extract %slice3A_413[0] : i32 from vector<1xi32>
      %mul3A_415 = arith.constant 16 : i32
      %mul3A_416 = arith.muli %scan3A_278, %mul3A_415 : i32
      %add3A_417 = arith.constant 5 : i32
      %add3A_418 = arith.addi %mul3A_416, %add3A_417 : i32
      %dma_start3A_419 = arith.constant 0 : i32
      %dma_start3A_420 = arith.constant 0 : i32
      %dma_start3A_421 = tpu.memref_slice %arg7[%scan3A, %dma_start3A_419, %dma_start3A_420] : memref<2x256x64xf32, #tpu.memory_space<vmem>> -> memref<1x256x64xf32, #tpu.memory_space<vmem>>
      %dma_start3A_422 = tpu.memref_squeeze %dma_start3A_421 : memref<1x256x64xf32, #tpu.memory_space<vmem>> -> memref<256x64xf32, #tpu.memory_space<vmem>>
      %dma_start3A_423 = arith.constant 0 : i32
      %dma_start3A_424 = tpu.memref_slice %dma_start3A_422[%add3A_418, %dma_start3A_423] : memref<256x64xf32, #tpu.memory_space<vmem>> -> memref<1x64xf32, #tpu.memory_space<vmem>>
      %dma_start3A_425 = tpu.memref_squeeze %dma_start3A_424 : memref<1x64xf32, #tpu.memory_space<vmem>> -> memref<64xf32, #tpu.memory_space<vmem>>
      %dma_start3A_426 = arith.constant 0 : i32
      %dma_start3A_427 = tpu.memref_slice %arg3[%squeeze3A_414, %dma_start3A_426] : memref<100000x64xf32, #tpu.memory_space<hbm>> -> memref<1x64xf32, #tpu.memory_space<hbm>>
      %dma_start3A_428 = tpu.memref_squeeze %dma_start3A_427 : memref<1x64xf32, #tpu.memory_space<hbm>> -> memref<64xf32, #tpu.memory_space<hbm>>
      %dma_start3A_429 = arith.constant 0 : i32
      %dma_start3A_430 = arith.constant 0 : i32
      %dma_start3A_431 = tpu.memref_slice %arg7[%scan3A, %dma_start3A_429, %dma_start3A_430] : memref<2x256x64xf32, #tpu.memory_space<vmem>> -> memref<1x256x64xf32, #tpu.memory_space<vmem>>
      %dma_start3A_432 = tpu.memref_squeeze %dma_start3A_431 : memref<1x256x64xf32, #tpu.memory_space<vmem>> -> memref<256x64xf32, #tpu.memory_space<vmem>>
      %dma_start3A_433 = arith.constant 0 : i32
      %dma_start3A_434 = tpu.memref_slice %dma_start3A_432[%add3A_418, %dma_start3A_433] : memref<256x64xf32, #tpu.memory_space<vmem>> -> memref<1x64xf32, #tpu.memory_space<vmem>>
      %dma_start3A_435 = tpu.memref_squeeze %dma_start3A_434 : memref<1x64xf32, #tpu.memory_space<vmem>> -> memref<64xf32, #tpu.memory_space<vmem>>
      %dma_start3A_436 = arith.constant 0 : i32
      %dma_start3A_437 = tpu.memref_slice %arg3[%squeeze3A_414, %dma_start3A_436] : memref<100000x64xf32, #tpu.memory_space<hbm>> -> memref<1x64xf32, #tpu.memory_space<hbm>>
      %dma_start3A_438 = tpu.memref_squeeze %dma_start3A_437 : memref<1x64xf32, #tpu.memory_space<hbm>> -> memref<64xf32, #tpu.memory_space<hbm>>
      tpu.enqueue_dma source(%dma_start3A_438 : memref<64xf32, #tpu.memory_space<hbm>>) target(%dma_start3A_435 : memref<64xf32, #tpu.memory_space<vmem>>) target_semaphore(%arg9 : memref<!tpu.dma_semaphore, #tpu.memory_space<semaphore_mem>>)
      %slice3A_439 = vector.extract_strided_slice %get3A_284 {offsets = [6], sizes = [1], strides = [1]} : vector<16xi32> to vector<1xi32>
      %squeeze3A_440 = vector.extract %slice3A_439[0] : i32 from vector<1xi32>
      %mul3A_441 = arith.constant 16 : i32
      %mul3A_442 = arith.muli %scan3A_278, %mul3A_441 : i32
      %add3A_443 = arith.constant 6 : i32
      %add3A_444 = arith.addi %mul3A_442, %add3A_443 : i32
      %dma_start3A_445 = arith.constant 0 : i32
      %dma_start3A_446 = arith.constant 0 : i32
      %dma_start3A_447 = tpu.memref_slice %arg7[%scan3A, %dma_start3A_445, %dma_start3A_446] : memref<2x256x64xf32, #tpu.memory_space<vmem>> -> memref<1x256x64xf32, #tpu.memory_space<vmem>>
      %dma_start3A_448 = tpu.memref_squeeze %dma_start3A_447 : memref<1x256x64xf32, #tpu.memory_space<vmem>> -> memref<256x64xf32, #tpu.memory_space<vmem>>
      %dma_start3A_449 = arith.constant 0 : i32
      %dma_start3A_450 = tpu.memref_slice %dma_start3A_448[%add3A_444, %dma_start3A_449] : memref<256x64xf32, #tpu.memory_space<vmem>> -> memref<1x64xf32, #tpu.memory_space<vmem>>
      %dma_start3A_451 = tpu.memref_squeeze %dma_start3A_450 : memref<1x64xf32, #tpu.memory_space<vmem>> -> memref<64xf32, #tpu.memory_space<vmem>>
      %dma_start3A_452 = arith.constant 0 : i32
      %dma_start3A_453 = tpu.memref_slice %arg3[%squeeze3A_440, %dma_start3A_452] : memref<100000x64xf32, #tpu.memory_space<hbm>> -> memref<1x64xf32, #tpu.memory_space<hbm>>
      %dma_start3A_454 = tpu.memref_squeeze %dma_start3A_453 : memref<1x64xf32, #tpu.memory_space<hbm>> -> memref<64xf32, #tpu.memory_space<hbm>>
      %dma_start3A_455 = arith.constant 0 : i32
      %dma_start3A_456 = arith.constant 0 : i32
      %dma_start3A_457 = tpu.memref_slice %arg7[%scan3A, %dma_start3A_455, %dma_start3A_456] : memref<2x256x64xf32, #tpu.memory_space<vmem>> -> memref<1x256x64xf32, #tpu.memory_space<vmem>>
      %dma_start3A_458 = tpu.memref_squeeze %dma_start3A_457 : memref<1x256x64xf32, #tpu.memory_space<vmem>> -> memref<256x64xf32, #tpu.memory_space<vmem>>
      %dma_start3A_459 = arith.constant 0 : i32
      %dma_start3A_460 = tpu.memref_slice %dma_start3A_458[%add3A_444, %dma_start3A_459] : memref<256x64xf32, #tpu.memory_space<vmem>> -> memref<1x64xf32, #tpu.memory_space<vmem>>
      %dma_start3A_461 = tpu.memref_squeeze %dma_start3A_460 : memref<1x64xf32, #tpu.memory_space<vmem>> -> memref<64xf32, #tpu.memory_space<vmem>>
      %dma_start3A_462 = arith.constant 0 : i32
      %dma_start3A_463 = tpu.memref_slice %arg3[%squeeze3A_440, %dma_start3A_462] : memref<100000x64xf32, #tpu.memory_space<hbm>> -> memref<1x64xf32, #tpu.memory_space<hbm>>
      %dma_start3A_464 = tpu.memref_squeeze %dma_start3A_463 : memref<1x64xf32, #tpu.memory_space<hbm>> -> memref<64xf32, #tpu.memory_space<hbm>>
      tpu.enqueue_dma source(%dma_start3A_464 : memref<64xf32, #tpu.memory_space<hbm>>) target(%dma_start3A_461 : memref<64xf32, #tpu.memory_space<vmem>>) target_semaphore(%arg9 : memref<!tpu.dma_semaphore, #tpu.memory_space<semaphore_mem>>)
      %slice3A_465 = vector.extract_strided_slice %get3A_284 {offsets = [7], sizes = [1], strides = [1]} : vector<16xi32> to vector<1xi32>
      %squeeze3A_466 = vector.extract %slice3A_465[0] : i32 from vector<1xi32>
      %mul3A_467 = arith.constant 16 : i32
      %mul3A_468 = arith.muli %scan3A_278, %mul3A_467 : i32
      %add3A_469 = arith.constant 7 : i32
      %add3A_470 = arith.addi %mul3A_468, %add3A_469 : i32
      %dma_start3A_471 = arith.constant 0 : i32
      %dma_start3A_472 = arith.constant 0 : i32
      %dma_start3A_473 = tpu.memref_slice %arg7[%scan3A, %dma_start3A_471, %dma_start3A_472] : memref<2x256x64xf32, #tpu.memory_space<vmem>> -> memref<1x256x64xf32, #tpu.memory_space<vmem>>
      %dma_start3A_474 = tpu.memref_squeeze %dma_start3A_473 : memref<1x256x64xf32, #tpu.memory_space<vmem>> -> memref<256x64xf32, #tpu.memory_space<vmem>>
      %dma_start3A_475 = arith.constant 0 : i32
      %dma_start3A_476 = tpu.memref_slice %dma_start3A_474[%add3A_470, %dma_start3A_475] : memref<256x64xf32, #tpu.memory_space<vmem>> -> memref<1x64xf32, #tpu.memory_space<vmem>>
      %dma_start3A_477 = tpu.memref_squeeze %dma_start3A_476 : memref<1x64xf32, #tpu.memory_space<vmem>> -> memref<64xf32, #tpu.memory_space<vmem>>
      %dma_start3A_478 = arith.constant 0 : i32
      %dma_start3A_479 = tpu.memref_slice %arg3[%squeeze3A_466, %dma_start3A_478] : memref<100000x64xf32, #tpu.memory_space<hbm>> -> memref<1x64xf32, #tpu.memory_space<hbm>>
      %dma_start3A_480 = tpu.memref_squeeze %dma_start3A_479 : memref<1x64xf32, #tpu.memory_space<hbm>> -> memref<64xf32, #tpu.memory_space<hbm>>
      %dma_start3A_481 = arith.constant 0 : i32
      %dma_start3A_482 = arith.constant 0 : i32
      %dma_start3A_483 = tpu.memref_slice %arg7[%scan3A, %dma_start3A_481, %dma_start3A_482] : memref<2x256x64xf32, #tpu.memory_space<vmem>> -> memref<1x256x64xf32, #tpu.memory_space<vmem>>
      %dma_start3A_484 = tpu.memref_squeeze %dma_start3A_483 : memref<1x256x64xf32, #tpu.memory_space<vmem>> -> memref<256x64xf32, #tpu.memory_space<vmem>>
      %dma_start3A_485 = arith.constant 0 : i32
      %dma_start3A_486 = tpu.memref_slice %dma_start3A_484[%add3A_470, %dma_start3A_485] : memref<256x64xf32, #tpu.memory_space<vmem>> -> memref<1x64xf32, #tpu.memory_space<vmem>>
      %dma_start3A_487 = tpu.memref_squeeze %dma_start3A_486 : memref<1x64xf32, #tpu.memory_space<vmem>> -> memref<64xf32, #tpu.memory_space<vmem>>
      %dma_start3A_488 = arith.constant 0 : i32
      %dma_start3A_489 = tpu.memref_slice %arg3[%squeeze3A_466, %dma_start3A_488] : memref<100000x64xf32, #tpu.memory_space<hbm>> -> memref<1x64xf32, #tpu.memory_space<hbm>>
      %dma_start3A_490 = tpu.memref_squeeze %dma_start3A_489 : memref<1x64xf32, #tpu.memory_space<hbm>> -> memref<64xf32, #tpu.memory_space<hbm>>
      tpu.enqueue_dma source(%dma_start3A_490 : memref<64xf32, #tpu.memory_space<hbm>>) target(%dma_start3A_487 : memref<64xf32, #tpu.memory_space<vmem>>) target_semaphore(%arg9 : memref<!tpu.dma_semaphore, #tpu.memory_space<semaphore_mem>>)
      %slice3A_491 = vector.extract_strided_slice %get3A_284 {offsets = [8], sizes = [1], strides = [1]} : vector<16xi32> to vector<1xi32>
      %squeeze3A_492 = vector.extract %slice3A_491[0] : i32 from vector<1xi32>
      %mul3A_493 = arith.constant 16 : i32
      %mul3A_494 = arith.muli %scan3A_278, %mul3A_493 : i32
      %add3A_495 = arith.constant 8 : i32
      %add3A_496 = arith.addi %mul3A_494, %add3A_495 : i32
      %dma_start3A_497 = arith.constant 0 : i32
      %dma_start3A_498 = arith.constant 0 : i32
      %dma_start3A_499 = tpu.memref_slice %arg7[%scan3A, %dma_start3A_497, %dma_start3A_498] : memref<2x256x64xf32, #tpu.memory_space<vmem>> -> memref<1x256x64xf32, #tpu.memory_space<vmem>>
      %dma_start3A_500 = tpu.memref_squeeze %dma_start3A_499 : memref<1x256x64xf32, #tpu.memory_space<vmem>> -> memref<256x64xf32, #tpu.memory_space<vmem>>
      %dma_start3A_501 = arith.constant 0 : i32
      %dma_start3A_502 = tpu.memref_slice %dma_start3A_500[%add3A_496, %dma_start3A_501] : memref<256x64xf32, #tpu.memory_space<vmem>> -> memref<1x64xf32, #tpu.memory_space<vmem>>
      %dma_start3A_503 = tpu.memref_squeeze %dma_start3A_502 : memref<1x64xf32, #tpu.memory_space<vmem>> -> memref<64xf32, #tpu.memory_space<vmem>>
      %dma_start3A_504 = arith.constant 0 : i32
      %dma_start3A_505 = tpu.memref_slice %arg3[%squeeze3A_492, %dma_start3A_504] : memref<100000x64xf32, #tpu.memory_space<hbm>> -> memref<1x64xf32, #tpu.memory_space<hbm>>
      %dma_start3A_506 = tpu.memref_squeeze %dma_start3A_505 : memref<1x64xf32, #tpu.memory_space<hbm>> -> memref<64xf32, #tpu.memory_space<hbm>>
      %dma_start3A_507 = arith.constant 0 : i32
      %dma_start3A_508 = arith.constant 0 : i32
      %dma_start3A_509 = tpu.memref_slice %arg7[%scan3A, %dma_start3A_507, %dma_start3A_508] : memref<2x256x64xf32, #tpu.memory_space<vmem>> -> memref<1x256x64xf32, #tpu.memory_space<vmem>>
      %dma_start3A_510 = tpu.memref_squeeze %dma_start3A_509 : memref<1x256x64xf32, #tpu.memory_space<vmem>> -> memref<256x64xf32, #tpu.memory_space<vmem>>
      %dma_start3A_511 = arith.constant 0 : i32
      %dma_start3A_512 = tpu.memref_slice %dma_start3A_510[%add3A_496, %dma_start3A_511] : memref<256x64xf32, #tpu.memory_space<vmem>> -> memref<1x64xf32, #tpu.memory_space<vmem>>
      %dma_start3A_513 = tpu.memref_squeeze %dma_start3A_512 : memref<1x64xf32, #tpu.memory_space<vmem>> -> memref<64xf32, #tpu.memory_space<vmem>>
      %dma_start3A_514 = arith.constant 0 : i32
      %dma_start3A_515 = tpu.memref_slice %arg3[%squeeze3A_492, %dma_start3A_514] : memref<100000x64xf32, #tpu.memory_space<hbm>> -> memref<1x64xf32, #tpu.memory_space<hbm>>
      %dma_start3A_516 = tpu.memref_squeeze %dma_start3A_515 : memref<1x64xf32, #tpu.memory_space<hbm>> -> memref<64xf32, #tpu.memory_space<hbm>>
      tpu.enqueue_dma source(%dma_start3A_516 : memref<64xf32, #tpu.memory_space<hbm>>) target(%dma_start3A_513 : memref<64xf32, #tpu.memory_space<vmem>>) target_semaphore(%arg9 : memref<!tpu.dma_semaphore, #tpu.memory_space<semaphore_mem>>)
      %slice3A_517 = vector.extract_strided_slice %get3A_284 {offsets = [9], sizes = [1], strides = [1]} : vector<16xi32> to vector<1xi32>
      %squeeze3A_518 = vector.extract %slice3A_517[0] : i32 from vector<1xi32>
      %mul3A_519 = arith.constant 16 : i32
      %mul3A_520 = arith.muli %scan3A_278, %mul3A_519 : i32
      %add3A_521 = arith.constant 9 : i32
      %add3A_522 = arith.addi %mul3A_520, %add3A_521 : i32
      %dma_start3A_523 = arith.constant 0 : i32
      %dma_start3A_524 = arith.constant 0 : i32
      %dma_start3A_525 = tpu.memref_slice %arg7[%scan3A, %dma_start3A_523, %dma_start3A_524] : memref<2x256x64xf32, #tpu.memory_space<vmem>> -> memref<1x256x64xf32, #tpu.memory_space<vmem>>
      %dma_start3A_526 = tpu.memref_squeeze %dma_start3A_525 : memref<1x256x64xf32, #tpu.memory_space<vmem>> -> memref<256x64xf32, #tpu.memory_space<vmem>>
      %dma_start3A_527 = arith.constant 0 : i32
      %dma_start3A_528 = tpu.memref_slice %dma_start3A_526[%add3A_522, %dma_start3A_527] : memref<256x64xf32, #tpu.memory_space<vmem>> -> memref<1x64xf32, #tpu.memory_space<vmem>>
      %dma_start3A_529 = tpu.memref_squeeze %dma_start3A_528 : memref<1x64xf32, #tpu.memory_space<vmem>> -> memref<64xf32, #tpu.memory_space<vmem>>
      %dma_start3A_530 = arith.constant 0 : i32
      %dma_start3A_531 = tpu.memref_slice %arg3[%squeeze3A_518, %dma_start3A_530] : memref<100000x64xf32, #tpu.memory_space<hbm>> -> memref<1x64xf32, #tpu.memory_space<hbm>>
      %dma_start3A_532 = tpu.memref_squeeze %dma_start3A_531 : memref<1x64xf32, #tpu.memory_space<hbm>> -> memref<64xf32, #tpu.memory_space<hbm>>
      %dma_start3A_533 = arith.constant 0 : i32
      %dma_start3A_534 = arith.constant 0 : i32
      %dma_start3A_535 = tpu.memref_slice %arg7[%scan3A, %dma_start3A_533, %dma_start3A_534] : memref<2x256x64xf32, #tpu.memory_space<vmem>> -> memref<1x256x64xf32, #tpu.memory_space<vmem>>
      %dma_start3A_536 = tpu.memref_squeeze %dma_start3A_535 : memref<1x256x64xf32, #tpu.memory_space<vmem>> -> memref<256x64xf32, #tpu.memory_space<vmem>>
      %dma_start3A_537 = arith.constant 0 : i32
      %dma_start3A_538 = tpu.memref_slice %dma_start3A_536[%add3A_522, %dma_start3A_537] : memref<256x64xf32, #tpu.memory_space<vmem>> -> memref<1x64xf32, #tpu.memory_space<vmem>>
      %dma_start3A_539 = tpu.memref_squeeze %dma_start3A_538 : memref<1x64xf32, #tpu.memory_space<vmem>> -> memref<64xf32, #tpu.memory_space<vmem>>
      %dma_start3A_540 = arith.constant 0 : i32
      %dma_start3A_541 = tpu.memref_slice %arg3[%squeeze3A_518, %dma_start3A_540] : memref<100000x64xf32, #tpu.memory_space<hbm>> -> memref<1x64xf32, #tpu.memory_space<hbm>>
      %dma_start3A_542 = tpu.memref_squeeze %dma_start3A_541 : memref<1x64xf32, #tpu.memory_space<hbm>> -> memref<64xf32, #tpu.memory_space<hbm>>
      tpu.enqueue_dma source(%dma_start3A_542 : memref<64xf32, #tpu.memory_space<hbm>>) target(%dma_start3A_539 : memref<64xf32, #tpu.memory_space<vmem>>) target_semaphore(%arg9 : memref<!tpu.dma_semaphore, #tpu.memory_space<semaphore_mem>>)
      %slice3A_543 = vector.extract_strided_slice %get3A_284 {offsets = [10], sizes = [1], strides = [1]} : vector<16xi32> to vector<1xi32>
      %squeeze3A_544 = vector.extract %slice3A_543[0] : i32 from vector<1xi32>
      %mul3A_545 = arith.constant 16 : i32
      %mul3A_546 = arith.muli %scan3A_278, %mul3A_545 : i32
      %add3A_547 = arith.constant 10 : i32
      %add3A_548 = arith.addi %mul3A_546, %add3A_547 : i32
      %dma_start3A_549 = arith.constant 0 : i32
      %dma_start3A_550 = arith.constant 0 : i32
      %dma_start3A_551 = tpu.memref_slice %arg7[%scan3A, %dma_start3A_549, %dma_start3A_550] : memref<2x256x64xf32, #tpu.memory_space<vmem>> -> memref<1x256x64xf32, #tpu.memory_space<vmem>>
      %dma_start3A_552 = tpu.memref_squeeze %dma_start3A_551 : memref<1x256x64xf32, #tpu.memory_space<vmem>> -> memref<256x64xf32, #tpu.memory_space<vmem>>
      %dma_start3A_553 = arith.constant 0 : i32
      %dma_start3A_554 = tpu.memref_slice %dma_start3A_552[%add3A_548, %dma_start3A_553] : memref<256x64xf32, #tpu.memory_space<vmem>> -> memref<1x64xf32, #tpu.memory_space<vmem>>
      %dma_start3A_555 = tpu.memref_squeeze %dma_start3A_554 : memref<1x64xf32, #tpu.memory_space<vmem>> -> memref<64xf32, #tpu.memory_space<vmem>>
      %dma_start3A_556 = arith.constant 0 : i32
      %dma_start3A_557 = tpu.memref_slice %arg3[%squeeze3A_544, %dma_start3A_556] : memref<100000x64xf32, #tpu.memory_space<hbm>> -> memref<1x64xf32, #tpu.memory_space<hbm>>
      %dma_start3A_558 = tpu.memref_squeeze %dma_start3A_557 : memref<1x64xf32, #tpu.memory_space<hbm>> -> memref<64xf32, #tpu.memory_space<hbm>>
      %dma_start3A_559 = arith.constant 0 : i32
      %dma_start3A_560 = arith.constant 0 : i32
      %dma_start3A_561 = tpu.memref_slice %arg7[%scan3A, %dma_start3A_559, %dma_start3A_560] : memref<2x256x64xf32, #tpu.memory_space<vmem>> -> memref<1x256x64xf32, #tpu.memory_space<vmem>>
      %dma_start3A_562 = tpu.memref_squeeze %dma_start3A_561 : memref<1x256x64xf32, #tpu.memory_space<vmem>> -> memref<256x64xf32, #tpu.memory_space<vmem>>
      %dma_start3A_563 = arith.constant 0 : i32
      %dma_start3A_564 = tpu.memref_slice %dma_start3A_562[%add3A_548, %dma_start3A_563] : memref<256x64xf32, #tpu.memory_space<vmem>> -> memref<1x64xf32, #tpu.memory_space<vmem>>
      %dma_start3A_565 = tpu.memref_squeeze %dma_start3A_564 : memref<1x64xf32, #tpu.memory_space<vmem>> -> memref<64xf32, #tpu.memory_space<vmem>>
      %dma_start3A_566 = arith.constant 0 : i32
      %dma_start3A_567 = tpu.memref_slice %arg3[%squeeze3A_544, %dma_start3A_566] : memref<100000x64xf32, #tpu.memory_space<hbm>> -> memref<1x64xf32, #tpu.memory_space<hbm>>
      %dma_start3A_568 = tpu.memref_squeeze %dma_start3A_567 : memref<1x64xf32, #tpu.memory_space<hbm>> -> memref<64xf32, #tpu.memory_space<hbm>>
      tpu.enqueue_dma source(%dma_start3A_568 : memref<64xf32, #tpu.memory_space<hbm>>) target(%dma_start3A_565 : memref<64xf32, #tpu.memory_space<vmem>>) target_semaphore(%arg9 : memref<!tpu.dma_semaphore, #tpu.memory_space<semaphore_mem>>)
      %slice3A_569 = vector.extract_strided_slice %get3A_284 {offsets = [11], sizes = [1], strides = [1]} : vector<16xi32> to vector<1xi32>
      %squeeze3A_570 = vector.extract %slice3A_569[0] : i32 from vector<1xi32>
      %mul3A_571 = arith.constant 16 : i32
      %mul3A_572 = arith.muli %scan3A_278, %mul3A_571 : i32
      %add3A_573 = arith.constant 11 : i32
      %add3A_574 = arith.addi %mul3A_572, %add3A_573 : i32
      %dma_start3A_575 = arith.constant 0 : i32
      %dma_start3A_576 = arith.constant 0 : i32
      %dma_start3A_577 = tpu.memref_slice %arg7[%scan3A, %dma_start3A_575, %dma_start3A_576] : memref<2x256x64xf32, #tpu.memory_space<vmem>> -> memref<1x256x64xf32, #tpu.memory_space<vmem>>
      %dma_start3A_578 = tpu.memref_squeeze %dma_start3A_577 : memref<1x256x64xf32, #tpu.memory_space<vmem>> -> memref<256x64xf32, #tpu.memory_space<vmem>>
      %dma_start3A_579 = arith.constant 0 : i32
      %dma_start3A_580 = tpu.memref_slice %dma_start3A_578[%add3A_574, %dma_start3A_579] : memref<256x64xf32, #tpu.memory_space<vmem>> -> memref<1x64xf32, #tpu.memory_space<vmem>>
      %dma_start3A_581 = tpu.memref_squeeze %dma_start3A_580 : memref<1x64xf32, #tpu.memory_space<vmem>> -> memref<64xf32, #tpu.memory_space<vmem>>
      %dma_start3A_582 = arith.constant 0 : i32
      %dma_start3A_583 = tpu.memref_slice %arg3[%squeeze3A_570, %dma_start3A_582] : memref<100000x64xf32, #tpu.memory_space<hbm>> -> memref<1x64xf32, #tpu.memory_space<hbm>>
      %dma_start3A_584 = tpu.memref_squeeze %dma_start3A_583 : memref<1x64xf32, #tpu.memory_space<hbm>> -> memref<64xf32, #tpu.memory_space<hbm>>
      %dma_start3A_585 = arith.constant 0 : i32
      %dma_start3A_586 = arith.constant 0 : i32
      %dma_start3A_587 = tpu.memref_slice %arg7[%scan3A, %dma_start3A_585, %dma_start3A_586] : memref<2x256x64xf32, #tpu.memory_space<vmem>> -> memref<1x256x64xf32, #tpu.memory_space<vmem>>
      %dma_start3A_588 = tpu.memref_squeeze %dma_start3A_587 : memref<1x256x64xf32, #tpu.memory_space<vmem>> -> memref<256x64xf32, #tpu.memory_space<vmem>>
      %dma_start3A_589 = arith.constant 0 : i32
      %dma_start3A_590 = tpu.memref_slice %dma_start3A_588[%add3A_574, %dma_start3A_589] : memref<256x64xf32, #tpu.memory_space<vmem>> -> memref<1x64xf32, #tpu.memory_space<vmem>>
      %dma_start3A_591 = tpu.memref_squeeze %dma_start3A_590 : memref<1x64xf32, #tpu.memory_space<vmem>> -> memref<64xf32, #tpu.memory_space<vmem>>
      %dma_start3A_592 = arith.constant 0 : i32
      %dma_start3A_593 = tpu.memref_slice %arg3[%squeeze3A_570, %dma_start3A_592] : memref<100000x64xf32, #tpu.memory_space<hbm>> -> memref<1x64xf32, #tpu.memory_space<hbm>>
      %dma_start3A_594 = tpu.memref_squeeze %dma_start3A_593 : memref<1x64xf32, #tpu.memory_space<hbm>> -> memref<64xf32, #tpu.memory_space<hbm>>
      tpu.enqueue_dma source(%dma_start3A_594 : memref<64xf32, #tpu.memory_space<hbm>>) target(%dma_start3A_591 : memref<64xf32, #tpu.memory_space<vmem>>) target_semaphore(%arg9 : memref<!tpu.dma_semaphore, #tpu.memory_space<semaphore_mem>>)
      %slice3A_595 = vector.extract_strided_slice %get3A_284 {offsets = [12], sizes = [1], strides = [1]} : vector<16xi32> to vector<1xi32>
      %squeeze3A_596 = vector.extract %slice3A_595[0] : i32 from vector<1xi32>
      %mul3A_597 = arith.constant 16 : i32
      %mul3A_598 = arith.muli %scan3A_278, %mul3A_597 : i32
      %add3A_599 = arith.constant 12 : i32
      %add3A_600 = arith.addi %mul3A_598, %add3A_599 : i32
      %dma_start3A_601 = arith.constant 0 : i32
      %dma_start3A_602 = arith.constant 0 : i32
      %dma_start3A_603 = tpu.memref_slice %arg7[%scan3A, %dma_start3A_601, %dma_start3A_602] : memref<2x256x64xf32, #tpu.memory_space<vmem>> -> memref<1x256x64xf32, #tpu.memory_space<vmem>>
      %dma_start3A_604 = tpu.memref_squeeze %dma_start3A_603 : memref<1x256x64xf32, #tpu.memory_space<vmem>> -> memref<256x64xf32, #tpu.memory_space<vmem>>
      %dma_start3A_605 = arith.constant 0 : i32
      %dma_start3A_606 = tpu.memref_slice %dma_start3A_604[%add3A_600, %dma_start3A_605] : memref<256x64xf32, #tpu.memory_space<vmem>> -> memref<1x64xf32, #tpu.memory_space<vmem>>
      %dma_start3A_607 = tpu.memref_squeeze %dma_start3A_606 : memref<1x64xf32, #tpu.memory_space<vmem>> -> memref<64xf32, #tpu.memory_space<vmem>>
      %dma_start3A_608 = arith.constant 0 : i32
      %dma_start3A_609 = tpu.memref_slice %arg3[%squeeze3A_596, %dma_start3A_608] : memref<100000x64xf32, #tpu.memory_space<hbm>> -> memref<1x64xf32, #tpu.memory_space<hbm>>
      %dma_start3A_610 = tpu.memref_squeeze %dma_start3A_609 : memref<1x64xf32, #tpu.memory_space<hbm>> -> memref<64xf32, #tpu.memory_space<hbm>>
      %dma_start3A_611 = arith.constant 0 : i32
      %dma_start3A_612 = arith.constant 0 : i32
      %dma_start3A_613 = tpu.memref_slice %arg7[%scan3A, %dma_start3A_611, %dma_start3A_612] : memref<2x256x64xf32, #tpu.memory_space<vmem>> -> memref<1x256x64xf32, #tpu.memory_space<vmem>>
      %dma_start3A_614 = tpu.memref_squeeze %dma_start3A_613 : memref<1x256x64xf32, #tpu.memory_space<vmem>> -> memref<256x64xf32, #tpu.memory_space<vmem>>
      %dma_start3A_615 = arith.constant 0 : i32
      %dma_start3A_616 = tpu.memref_slice %dma_start3A_614[%add3A_600, %dma_start3A_615] : memref<256x64xf32, #tpu.memory_space<vmem>> -> memref<1x64xf32, #tpu.memory_space<vmem>>
      %dma_start3A_617 = tpu.memref_squeeze %dma_start3A_616 : memref<1x64xf32, #tpu.memory_space<vmem>> -> memref<64xf32, #tpu.memory_space<vmem>>
      %dma_start3A_618 = arith.constant 0 : i32
      %dma_start3A_619 = tpu.memref_slice %arg3[%squeeze3A_596, %dma_start3A_618] : memref<100000x64xf32, #tpu.memory_space<hbm>> -> memref<1x64xf32, #tpu.memory_space<hbm>>
      %dma_start3A_620 = tpu.memref_squeeze %dma_start3A_619 : memref<1x64xf32, #tpu.memory_space<hbm>> -> memref<64xf32, #tpu.memory_space<hbm>>
      tpu.enqueue_dma source(%dma_start3A_620 : memref<64xf32, #tpu.memory_space<hbm>>) target(%dma_start3A_617 : memref<64xf32, #tpu.memory_space<vmem>>) target_semaphore(%arg9 : memref<!tpu.dma_semaphore, #tpu.memory_space<semaphore_mem>>)
      %slice3A_621 = vector.extract_strided_slice %get3A_284 {offsets = [13], sizes = [1], strides = [1]} : vector<16xi32> to vector<1xi32>
      %squeeze3A_622 = vector.extract %slice3A_621[0] : i32 from vector<1xi32>
      %mul3A_623 = arith.constant 16 : i32
      %mul3A_624 = arith.muli %scan3A_278, %mul3A_623 : i32
      %add3A_625 = arith.constant 13 : i32
      %add3A_626 = arith.addi %mul3A_624, %add3A_625 : i32
      %dma_start3A_627 = arith.constant 0 : i32
      %dma_start3A_628 = arith.constant 0 : i32
      %dma_start3A_629 = tpu.memref_slice %arg7[%scan3A, %dma_start3A_627, %dma_start3A_628] : memref<2x256x64xf32, #tpu.memory_space<vmem>> -> memref<1x256x64xf32, #tpu.memory_space<vmem>>
      %dma_start3A_630 = tpu.memref_squeeze %dma_start3A_629 : memref<1x256x64xf32, #tpu.memory_space<vmem>> -> memref<256x64xf32, #tpu.memory_space<vmem>>
      %dma_start3A_631 = arith.constant 0 : i32
      %dma_start3A_632 = tpu.memref_slice %dma_start3A_630[%add3A_626, %dma_start3A_631] : memref<256x64xf32, #tpu.memory_space<vmem>> -> memref<1x64xf32, #tpu.memory_space<vmem>>
      %dma_start3A_633 = tpu.memref_squeeze %dma_start3A_632 : memref<1x64xf32, #tpu.memory_space<vmem>> -> memref<64xf32, #tpu.memory_space<vmem>>
      %dma_start3A_634 = arith.constant 0 : i32
      %dma_start3A_635 = tpu.memref_slice %arg3[%squeeze3A_622, %dma_start3A_634] : memref<100000x64xf32, #tpu.memory_space<hbm>> -> memref<1x64xf32, #tpu.memory_space<hbm>>
      %dma_start3A_636 = tpu.memref_squeeze %dma_start3A_635 : memref<1x64xf32, #tpu.memory_space<hbm>> -> memref<64xf32, #tpu.memory_space<hbm>>
      %dma_start3A_637 = arith.constant 0 : i32
      %dma_start3A_638 = arith.constant 0 : i32
      %dma_start3A_639 = tpu.memref_slice %arg7[%scan3A, %dma_start3A_637, %dma_start3A_638] : memref<2x256x64xf32, #tpu.memory_space<vmem>> -> memref<1x256x64xf32, #tpu.memory_space<vmem>>
      %dma_start3A_640 = tpu.memref_squeeze %dma_start3A_639 : memref<1x256x64xf32, #tpu.memory_space<vmem>> -> memref<256x64xf32, #tpu.memory_space<vmem>>
      %dma_start3A_641 = arith.constant 0 : i32
      %dma_start3A_642 = tpu.memref_slice %dma_start3A_640[%add3A_626, %dma_start3A_641] : memref<256x64xf32, #tpu.memory_space<vmem>> -> memref<1x64xf32, #tpu.memory_space<vmem>>
      %dma_start3A_643 = tpu.memref_squeeze %dma_start3A_642 : memref<1x64xf32, #tpu.memory_space<vmem>> -> memref<64xf32, #tpu.memory_space<vmem>>
      %dma_start3A_644 = arith.constant 0 : i32
      %dma_start3A_645 = tpu.memref_slice %arg3[%squeeze3A_622, %dma_start3A_644] : memref<100000x64xf32, #tpu.memory_space<hbm>> -> memref<1x64xf32, #tpu.memory_space<hbm>>
      %dma_start3A_646 = tpu.memref_squeeze %dma_start3A_645 : memref<1x64xf32, #tpu.memory_space<hbm>> -> memref<64xf32, #tpu.memory_space<hbm>>
      tpu.enqueue_dma source(%dma_start3A_646 : memref<64xf32, #tpu.memory_space<hbm>>) target(%dma_start3A_643 : memref<64xf32, #tpu.memory_space<vmem>>) target_semaphore(%arg9 : memref<!tpu.dma_semaphore, #tpu.memory_space<semaphore_mem>>)
      %slice3A_647 = vector.extract_strided_slice %get3A_284 {offsets = [14], sizes = [1], strides = [1]} : vector<16xi32> to vector<1xi32>
      %squeeze3A_648 = vector.extract %slice3A_647[0] : i32 from vector<1xi32>
      %mul3A_649 = arith.constant 16 : i32
      %mul3A_650 = arith.muli %scan3A_278, %mul3A_649 : i32
      %add3A_651 = arith.constant 14 : i32
      %add3A_652 = arith.addi %mul3A_650, %add3A_651 : i32
      %dma_start3A_653 = arith.constant 0 : i32
      %dma_start3A_654 = arith.constant 0 : i32
      %dma_start3A_655 = tpu.memref_slice %arg7[%scan3A, %dma_start3A_653, %dma_start3A_654] : memref<2x256x64xf32, #tpu.memory_space<vmem>> -> memref<1x256x64xf32, #tpu.memory_space<vmem>>
      %dma_start3A_656 = tpu.memref_squeeze %dma_start3A_655 : memref<1x256x64xf32, #tpu.memory_space<vmem>> -> memref<256x64xf32, #tpu.memory_space<vmem>>
      %dma_start3A_657 = arith.constant 0 : i32
      %dma_start3A_658 = tpu.memref_slice %dma_start3A_656[%add3A_652, %dma_start3A_657] : memref<256x64xf32, #tpu.memory_space<vmem>> -> memref<1x64xf32, #tpu.memory_space<vmem>>
      %dma_start3A_659 = tpu.memref_squeeze %dma_start3A_658 : memref<1x64xf32, #tpu.memory_space<vmem>> -> memref<64xf32, #tpu.memory_space<vmem>>
      %dma_start3A_660 = arith.constant 0 : i32
      %dma_start3A_661 = tpu.memref_slice %arg3[%squeeze3A_648, %dma_start3A_660] : memref<100000x64xf32, #tpu.memory_space<hbm>> -> memref<1x64xf32, #tpu.memory_space<hbm>>
      %dma_start3A_662 = tpu.memref_squeeze %dma_start3A_661 : memref<1x64xf32, #tpu.memory_space<hbm>> -> memref<64xf32, #tpu.memory_space<hbm>>
      %dma_start3A_663 = arith.constant 0 : i32
      %dma_start3A_664 = arith.constant 0 : i32
      %dma_start3A_665 = tpu.memref_slice %arg7[%scan3A, %dma_start3A_663, %dma_start3A_664] : memref<2x256x64xf32, #tpu.memory_space<vmem>> -> memref<1x256x64xf32, #tpu.memory_space<vmem>>
      %dma_start3A_666 = tpu.memref_squeeze %dma_start3A_665 : memref<1x256x64xf32, #tpu.memory_space<vmem>> -> memref<256x64xf32, #tpu.memory_space<vmem>>
      %dma_start3A_667 = arith.constant 0 : i32
      %dma_start3A_668 = tpu.memref_slice %dma_start3A_666[%add3A_652, %dma_start3A_667] : memref<256x64xf32, #tpu.memory_space<vmem>> -> memref<1x64xf32, #tpu.memory_space<vmem>>
      %dma_start3A_669 = tpu.memref_squeeze %dma_start3A_668 : memref<1x64xf32, #tpu.memory_space<vmem>> -> memref<64xf32, #tpu.memory_space<vmem>>
      %dma_start3A_670 = arith.constant 0 : i32
      %dma_start3A_671 = tpu.memref_slice %arg3[%squeeze3A_648, %dma_start3A_670] : memref<100000x64xf32, #tpu.memory_space<hbm>> -> memref<1x64xf32, #tpu.memory_space<hbm>>
      %dma_start3A_672 = tpu.memref_squeeze %dma_start3A_671 : memref<1x64xf32, #tpu.memory_space<hbm>> -> memref<64xf32, #tpu.memory_space<hbm>>
      tpu.enqueue_dma source(%dma_start3A_672 : memref<64xf32, #tpu.memory_space<hbm>>) target(%dma_start3A_669 : memref<64xf32, #tpu.memory_space<vmem>>) target_semaphore(%arg9 : memref<!tpu.dma_semaphore, #tpu.memory_space<semaphore_mem>>)
      %slice3A_673 = vector.extract_strided_slice %get3A_284 {offsets = [15], sizes = [1], strides = [1]} : vector<16xi32> to vector<1xi32>
      %squeeze3A_674 = vector.extract %slice3A_673[0] : i32 from vector<1xi32>
      %mul3A_675 = arith.constant 16 : i32
      %mul3A_676 = arith.muli %scan3A_278, %mul3A_675 : i32
      %add3A_677 = arith.constant 15 : i32
      %add3A_678 = arith.addi %mul3A_676, %add3A_677 : i32
      %dma_start3A_679 = arith.constant 0 : i32
      %dma_start3A_680 = arith.constant 0 : i32
      %dma_start3A_681 = tpu.memref_slice %arg7[%scan3A, %dma_start3A_679, %dma_start3A_680] : memref<2x256x64xf32, #tpu.memory_space<vmem>> -> memref<1x256x64xf32, #tpu.memory_space<vmem>>
      %dma_start3A_682 = tpu.memref_squeeze %dma_start3A_681 : memref<1x256x64xf32, #tpu.memory_space<vmem>> -> memref<256x64xf32, #tpu.memory_space<vmem>>
      %dma_start3A_683 = arith.constant 0 : i32
      %dma_start3A_684 = tpu.memref_slice %dma_start3A_682[%add3A_678, %dma_start3A_683] : memref<256x64xf32, #tpu.memory_space<vmem>> -> memref<1x64xf32, #tpu.memory_space<vmem>>
      %dma_start3A_685 = tpu.memref_squeeze %dma_start3A_684 : memref<1x64xf32, #tpu.memory_space<vmem>> -> memref<64xf32, #tpu.memory_space<vmem>>
      %dma_start3A_686 = arith.constant 0 : i32
      %dma_start3A_687 = tpu.memref_slice %arg3[%squeeze3A_674, %dma_start3A_686] : memref<100000x64xf32, #tpu.memory_space<hbm>> -> memref<1x64xf32, #tpu.memory_space<hbm>>
      %dma_start3A_688 = tpu.memref_squeeze %dma_start3A_687 : memref<1x64xf32, #tpu.memory_space<hbm>> -> memref<64xf32, #tpu.memory_space<hbm>>
      %dma_start3A_689 = arith.constant 0 : i32
      %dma_start3A_690 = arith.constant 0 : i32
      %dma_start3A_691 = tpu.memref_slice %arg7[%scan3A, %dma_start3A_689, %dma_start3A_690] : memref<2x256x64xf32, #tpu.memory_space<vmem>> -> memref<1x256x64xf32, #tpu.memory_space<vmem>>
      %dma_start3A_692 = tpu.memref_squeeze %dma_start3A_691 : memref<1x256x64xf32, #tpu.memory_space<vmem>> -> memref<256x64xf32, #tpu.memory_space<vmem>>
      %dma_start3A_693 = arith.constant 0 : i32
      %dma_start3A_694 = tpu.memref_slice %dma_start3A_692[%add3A_678, %dma_start3A_693] : memref<256x64xf32, #tpu.memory_space<vmem>> -> memref<1x64xf32, #tpu.memory_space<vmem>>
      %dma_start3A_695 = tpu.memref_squeeze %dma_start3A_694 : memref<1x64xf32, #tpu.memory_space<vmem>> -> memref<64xf32, #tpu.memory_space<vmem>>
      %dma_start3A_696 = arith.constant 0 : i32
      %dma_start3A_697 = tpu.memref_slice %arg3[%squeeze3A_674, %dma_start3A_696] : memref<100000x64xf32, #tpu.memory_space<hbm>> -> memref<1x64xf32, #tpu.memory_space<hbm>>
      %dma_start3A_698 = tpu.memref_squeeze %dma_start3A_697 : memref<1x64xf32, #tpu.memory_space<hbm>> -> memref<64xf32, #tpu.memory_space<hbm>>
      tpu.enqueue_dma source(%dma_start3A_698 : memref<64xf32, #tpu.memory_space<hbm>>) target(%dma_start3A_695 : memref<64xf32, #tpu.memory_space<vmem>>) target_semaphore(%arg9 : memref<!tpu.dma_semaphore, #tpu.memory_space<semaphore_mem>>)
    }
    %scan3A_37 = arith.constant 16 : i32
    %add3A_38 = arith.constant 0 : i32
    %add3A_39 = arith.addi %mul3A_32, %add3A_38 : i32
    %dma_start3A = arith.constant 0 : i32
    %dma_start3A_40 = tpu.memref_slice %arg4[%add3A_39, %dma_start3A] : memref<8192x64xf32, #tpu.memory_space<hbm>> -> memref<256x64xf32, #tpu.memory_space<hbm>>
    %dma_start3A_41 = arith.constant 0 : i32
    %dma_start3A_42 = tpu.memref_slice %arg4[%add3A_39, %dma_start3A_41] : memref<8192x64xf32, #tpu.memory_space<hbm>> -> memref<256x64xf32, #tpu.memory_space<hbm>>
    tpu.enqueue_dma source(%dma_start3A_42 : memref<256x64xf32, #tpu.memory_space<hbm>>) target(%arg8 : memref<256x64xf32, #tpu.memory_space<vmem>>) target_semaphore(%arg11 : memref<!tpu.dma_semaphore, #tpu.memory_space<semaphore_mem>>)
    %scan3A_43 = arith.constant 1 : i32
    %scan3A_44 = arith.constant 0 : i32
    %scan3A_45 = arith.constant 16 : i32
    %scan3A_46 = arith.addi %scan3A_44, %scan3A_45 : i32
    %scan3A_47 = arith.constant 1 : i32
    scf.for %scan3A_278 = %scan3A_44 to %scan3A_46 step %scan3A_47  : i32 {
      %mul3A_279 = arith.constant 16 : i32
      %mul3A_280 = arith.muli %scan3A_278, %mul3A_279 : i32
      %add3A_281 = arith.constant 256 : i32
      %add3A_282 = arith.addi %add3A_281, %mul3A_280 : i32
      %get3A = arith.index_cast %add3A_282 : i32 to index
      %get3A_283 = tpu.vector_load %arg6[%get3A] {strides = array<i32>} : memref<1024xi32, #tpu.memory_space<vmem>>, vector<16xi32>,
      %get3A_284 = vector.shape_cast %get3A_283 : vector<16xi32> to vector<16xi32>
      %slice3A = vector.extract_strided_slice %get3A_284 {offsets = [0], sizes = [1], strides = [1]} : vector<16xi32> to vector<1xi32>
      %squeeze3A = vector.extract %slice3A[0] : i32 from vector<1xi32>
      %mul3A_285 = arith.constant 16 : i32
      %mul3A_286 = arith.muli %scan3A_278, %mul3A_285 : i32
      %add3A_287 = arith.constant 0 : i32
      %add3A_288 = arith.addi %mul3A_286, %add3A_287 : i32
      %dma_start3A_289 = arith.constant 0 : i32
      %dma_start3A_290 = arith.constant 0 : i32
      %dma_start3A_291 = tpu.memref_slice %arg7[%scan3A_43, %dma_start3A_289, %dma_start3A_290] : memref<2x256x64xf32, #tpu.memory_space<vmem>> -> memref<1x256x64xf32, #tpu.memory_space<vmem>>
      %dma_start3A_292 = tpu.memref_squeeze %dma_start3A_291 : memref<1x256x64xf32, #tpu.memory_space<vmem>> -> memref<256x64xf32, #tpu.memory_space<vmem>>
      %dma_start3A_293 = arith.constant 0 : i32
      %dma_start3A_294 = tpu.memref_slice %dma_start3A_292[%add3A_288, %dma_start3A_293] : memref<256x64xf32, #tpu.memory_space<vmem>> -> memref<1x64xf32, #tpu.memory_space<vmem>>
      %dma_start3A_295 = tpu.memref_squeeze %dma_start3A_294 : memref<1x64xf32, #tpu.memory_space<vmem>> -> memref<64xf32, #tpu.memory_space<vmem>>
      %dma_start3A_296 = arith.constant 0 : i32
      %dma_start3A_297 = tpu.memref_slice %arg3[%squeeze3A, %dma_start3A_296] : memref<100000x64xf32, #tpu.memory_space<hbm>> -> memref<1x64xf32, #tpu.memory_space<hbm>>
      %dma_start3A_298 = tpu.memref_squeeze %dma_start3A_297 : memref<1x64xf32, #tpu.memory_space<hbm>> -> memref<64xf32, #tpu.memory_space<hbm>>
      %dma_start3A_299 = arith.constant 0 : i32
      %dma_start3A_300 = arith.constant 0 : i32
      %dma_start3A_301 = tpu.memref_slice %arg7[%scan3A_43, %dma_start3A_299, %dma_start3A_300] : memref<2x256x64xf32, #tpu.memory_space<vmem>> -> memref<1x256x64xf32, #tpu.memory_space<vmem>>
      %dma_start3A_302 = tpu.memref_squeeze %dma_start3A_301 : memref<1x256x64xf32, #tpu.memory_space<vmem>> -> memref<256x64xf32, #tpu.memory_space<vmem>>
      %dma_start3A_303 = arith.constant 0 : i32
      %dma_start3A_304 = tpu.memref_slice %dma_start3A_302[%add3A_288, %dma_start3A_303] : memref<256x64xf32, #tpu.memory_space<vmem>> -> memref<1x64xf32, #tpu.memory_space<vmem>>
      %dma_start3A_305 = tpu.memref_squeeze %dma_start3A_304 : memref<1x64xf32, #tpu.memory_space<vmem>> -> memref<64xf32, #tpu.memory_space<vmem>>
      %dma_start3A_306 = arith.constant 0 : i32
      %dma_start3A_307 = tpu.memref_slice %arg3[%squeeze3A, %dma_start3A_306] : memref<100000x64xf32, #tpu.memory_space<hbm>> -> memref<1x64xf32, #tpu.memory_space<hbm>>
      %dma_start3A_308 = tpu.memref_squeeze %dma_start3A_307 : memref<1x64xf32, #tpu.memory_space<hbm>> -> memref<64xf32, #tpu.memory_space<hbm>>
      tpu.enqueue_dma source(%dma_start3A_308 : memref<64xf32, #tpu.memory_space<hbm>>) target(%dma_start3A_305 : memref<64xf32, #tpu.memory_space<vmem>>) target_semaphore(%arg10 : memref<!tpu.dma_semaphore, #tpu.memory_space<semaphore_mem>>)
      %slice3A_309 = vector.extract_strided_slice %get3A_284 {offsets = [1], sizes = [1], strides = [1]} : vector<16xi32> to vector<1xi32>
      %squeeze3A_310 = vector.extract %slice3A_309[0] : i32 from vector<1xi32>
      %mul3A_311 = arith.constant 16 : i32
      %mul3A_312 = arith.muli %scan3A_278, %mul3A_311 : i32
      %add3A_313 = arith.constant 1 : i32
      %add3A_314 = arith.addi %mul3A_312, %add3A_313 : i32
      %dma_start3A_315 = arith.constant 0 : i32
      %dma_start3A_316 = arith.constant 0 : i32
      %dma_start3A_317 = tpu.memref_slice %arg7[%scan3A_43, %dma_start3A_315, %dma_start3A_316] : memref<2x256x64xf32, #tpu.memory_space<vmem>> -> memref<1x256x64xf32, #tpu.memory_space<vmem>>
      %dma_start3A_318 = tpu.memref_squeeze %dma_start3A_317 : memref<1x256x64xf32, #tpu.memory_space<vmem>> -> memref<256x64xf32, #tpu.memory_space<vmem>>
      %dma_start3A_319 = arith.constant 0 : i32
      %dma_start3A_320 = tpu.memref_slice %dma_start3A_318[%add3A_314, %dma_start3A_319] : memref<256x64xf32, #tpu.memory_space<vmem>> -> memref<1x64xf32, #tpu.memory_space<vmem>>
      %dma_start3A_321 = tpu.memref_squeeze %dma_start3A_320 : memref<1x64xf32, #tpu.memory_space<vmem>> -> memref<64xf32, #tpu.memory_space<vmem>>
      %dma_start3A_322 = arith.constant 0 : i32
      %dma_start3A_323 = tpu.memref_slice %arg3[%squeeze3A_310, %dma_start3A_322] : memref<100000x64xf32, #tpu.memory_space<hbm>> -> memref<1x64xf32, #tpu.memory_space<hbm>>
      %dma_start3A_324 = tpu.memref_squeeze %dma_start3A_323 : memref<1x64xf32, #tpu.memory_space<hbm>> -> memref<64xf32, #tpu.memory_space<hbm>>
      %dma_start3A_325 = arith.constant 0 : i32
      %dma_start3A_326 = arith.constant 0 : i32
      %dma_start3A_327 = tpu.memref_slice %arg7[%scan3A_43, %dma_start3A_325, %dma_start3A_326] : memref<2x256x64xf32, #tpu.memory_space<vmem>> -> memref<1x256x64xf32, #tpu.memory_space<vmem>>
      %dma_start3A_328 = tpu.memref_squeeze %dma_start3A_327 : memref<1x256x64xf32, #tpu.memory_space<vmem>> -> memref<256x64xf32, #tpu.memory_space<vmem>>
      %dma_start3A_329 = arith.constant 0 : i32
      %dma_start3A_330 = tpu.memref_slice %dma_start3A_328[%add3A_314, %dma_start3A_329] : memref<256x64xf32, #tpu.memory_space<vmem>> -> memref<1x64xf32, #tpu.memory_space<vmem>>
      %dma_start3A_331 = tpu.memref_squeeze %dma_start3A_330 : memref<1x64xf32, #tpu.memory_space<vmem>> -> memref<64xf32, #tpu.memory_space<vmem>>
      %dma_start3A_332 = arith.constant 0 : i32
      %dma_start3A_333 = tpu.memref_slice %arg3[%squeeze3A_310, %dma_start3A_332] : memref<100000x64xf32, #tpu.memory_space<hbm>> -> memref<1x64xf32, #tpu.memory_space<hbm>>
      %dma_start3A_334 = tpu.memref_squeeze %dma_start3A_333 : memref<1x64xf32, #tpu.memory_space<hbm>> -> memref<64xf32, #tpu.memory_space<hbm>>
      tpu.enqueue_dma source(%dma_start3A_334 : memref<64xf32, #tpu.memory_space<hbm>>) target(%dma_start3A_331 : memref<64xf32, #tpu.memory_space<vmem>>) target_semaphore(%arg10 : memref<!tpu.dma_semaphore, #tpu.memory_space<semaphore_mem>>)
      %slice3A_335 = vector.extract_strided_slice %get3A_284 {offsets = [2], sizes = [1], strides = [1]} : vector<16xi32> to vector<1xi32>
      %squeeze3A_336 = vector.extract %slice3A_335[0] : i32 from vector<1xi32>
      %mul3A_337 = arith.constant 16 : i32
      %mul3A_338 = arith.muli %scan3A_278, %mul3A_337 : i32
      %add3A_339 = arith.constant 2 : i32
      %add3A_340 = arith.addi %mul3A_338, %add3A_339 : i32
      %dma_start3A_341 = arith.constant 0 : i32
      %dma_start3A_342 = arith.constant 0 : i32
      %dma_start3A_343 = tpu.memref_slice %arg7[%scan3A_43, %dma_start3A_341, %dma_start3A_342] : memref<2x256x64xf32, #tpu.memory_space<vmem>> -> memref<1x256x64xf32, #tpu.memory_space<vmem>>
      %dma_start3A_344 = tpu.memref_squeeze %dma_start3A_343 : memref<1x256x64xf32, #tpu.memory_space<vmem>> -> memref<256x64xf32, #tpu.memory_space<vmem>>
      %dma_start3A_345 = arith.constant 0 : i32
      %dma_start3A_346 = tpu.memref_slice %dma_start3A_344[%add3A_340, %dma_start3A_345] : memref<256x64xf32, #tpu.memory_space<vmem>> -> memref<1x64xf32, #tpu.memory_space<vmem>>
      %dma_start3A_347 = tpu.memref_squeeze %dma_start3A_346 : memref<1x64xf32, #tpu.memory_space<vmem>> -> memref<64xf32, #tpu.memory_space<vmem>>
      %dma_start3A_348 = arith.constant 0 : i32
      %dma_start3A_349 = tpu.memref_slice %arg3[%squeeze3A_336, %dma_start3A_348] : memref<100000x64xf32, #tpu.memory_space<hbm>> -> memref<1x64xf32, #tpu.memory_space<hbm>>
      %dma_start3A_350 = tpu.memref_squeeze %dma_start3A_349 : memref<1x64xf32, #tpu.memory_space<hbm>> -> memref<64xf32, #tpu.memory_space<hbm>>
      %dma_start3A_351 = arith.constant 0 : i32
      %dma_start3A_352 = arith.constant 0 : i32
      %dma_start3A_353 = tpu.memref_slice %arg7[%scan3A_43, %dma_start3A_351, %dma_start3A_352] : memref<2x256x64xf32, #tpu.memory_space<vmem>> -> memref<1x256x64xf32, #tpu.memory_space<vmem>>
      %dma_start3A_354 = tpu.memref_squeeze %dma_start3A_353 : memref<1x256x64xf32, #tpu.memory_space<vmem>> -> memref<256x64xf32, #tpu.memory_space<vmem>>
      %dma_start3A_355 = arith.constant 0 : i32
      %dma_start3A_356 = tpu.memref_slice %dma_start3A_354[%add3A_340, %dma_start3A_355] : memref<256x64xf32, #tpu.memory_space<vmem>> -> memref<1x64xf32, #tpu.memory_space<vmem>>
      %dma_start3A_357 = tpu.memref_squeeze %dma_start3A_356 : memref<1x64xf32, #tpu.memory_space<vmem>> -> memref<64xf32, #tpu.memory_space<vmem>>
      %dma_start3A_358 = arith.constant 0 : i32
      %dma_start3A_359 = tpu.memref_slice %arg3[%squeeze3A_336, %dma_start3A_358] : memref<100000x64xf32, #tpu.memory_space<hbm>> -> memref<1x64xf32, #tpu.memory_space<hbm>>
      %dma_start3A_360 = tpu.memref_squeeze %dma_start3A_359 : memref<1x64xf32, #tpu.memory_space<hbm>> -> memref<64xf32, #tpu.memory_space<hbm>>
      tpu.enqueue_dma source(%dma_start3A_360 : memref<64xf32, #tpu.memory_space<hbm>>) target(%dma_start3A_357 : memref<64xf32, #tpu.memory_space<vmem>>) target_semaphore(%arg10 : memref<!tpu.dma_semaphore, #tpu.memory_space<semaphore_mem>>)
      %slice3A_361 = vector.extract_strided_slice %get3A_284 {offsets = [3], sizes = [1], strides = [1]} : vector<16xi32> to vector<1xi32>
      %squeeze3A_362 = vector.extract %slice3A_361[0] : i32 from vector<1xi32>
      %mul3A_363 = arith.constant 16 : i32
      %mul3A_364 = arith.muli %scan3A_278, %mul3A_363 : i32
      %add3A_365 = arith.constant 3 : i32
      %add3A_366 = arith.addi %mul3A_364, %add3A_365 : i32
      %dma_start3A_367 = arith.constant 0 : i32
      %dma_start3A_368 = arith.constant 0 : i32
      %dma_start3A_369 = tpu.memref_slice %arg7[%scan3A_43, %dma_start3A_367, %dma_start3A_368] : memref<2x256x64xf32, #tpu.memory_space<vmem>> -> memref<1x256x64xf32, #tpu.memory_space<vmem>>
      %dma_start3A_370 = tpu.memref_squeeze %dma_start3A_369 : memref<1x256x64xf32, #tpu.memory_space<vmem>> -> memref<256x64xf32, #tpu.memory_space<vmem>>
      %dma_start3A_371 = arith.constant 0 : i32
      %dma_start3A_372 = tpu.memref_slice %dma_start3A_370[%add3A_366, %dma_start3A_371] : memref<256x64xf32, #tpu.memory_space<vmem>> -> memref<1x64xf32, #tpu.memory_space<vmem>>
      %dma_start3A_373 = tpu.memref_squeeze %dma_start3A_372 : memref<1x64xf32, #tpu.memory_space<vmem>> -> memref<64xf32, #tpu.memory_space<vmem>>
      %dma_start3A_374 = arith.constant 0 : i32
      %dma_start3A_375 = tpu.memref_slice %arg3[%squeeze3A_362, %dma_start3A_374] : memref<100000x64xf32, #tpu.memory_space<hbm>> -> memref<1x64xf32, #tpu.memory_space<hbm>>
      %dma_start3A_376 = tpu.memref_squeeze %dma_start3A_375 : memref<1x64xf32, #tpu.memory_space<hbm>> -> memref<64xf32, #tpu.memory_space<hbm>>
      %dma_start3A_377 = arith.constant 0 : i32
      %dma_start3A_378 = arith.constant 0 : i32
      %dma_start3A_379 = tpu.memref_slice %arg7[%scan3A_43, %dma_start3A_377, %dma_start3A_378] : memref<2x256x64xf32, #tpu.memory_space<vmem>> -> memref<1x256x64xf32, #tpu.memory_space<vmem>>
      %dma_start3A_380 = tpu.memref_squeeze %dma_start3A_379 : memref<1x256x64xf32, #tpu.memory_space<vmem>> -> memref<256x64xf32, #tpu.memory_space<vmem>>
      %dma_start3A_381 = arith.constant 0 : i32
      %dma_start3A_382 = tpu.memref_slice %dma_start3A_380[%add3A_366, %dma_start3A_381] : memref<256x64xf32, #tpu.memory_space<vmem>> -> memref<1x64xf32, #tpu.memory_space<vmem>>
      %dma_start3A_383 = tpu.memref_squeeze %dma_start3A_382 : memref<1x64xf32, #tpu.memory_space<vmem>> -> memref<64xf32, #tpu.memory_space<vmem>>
      %dma_start3A_384 = arith.constant 0 : i32
      %dma_start3A_385 = tpu.memref_slice %arg3[%squeeze3A_362, %dma_start3A_384] : memref<100000x64xf32, #tpu.memory_space<hbm>> -> memref<1x64xf32, #tpu.memory_space<hbm>>
      %dma_start3A_386 = tpu.memref_squeeze %dma_start3A_385 : memref<1x64xf32, #tpu.memory_space<hbm>> -> memref<64xf32, #tpu.memory_space<hbm>>
      tpu.enqueue_dma source(%dma_start3A_386 : memref<64xf32, #tpu.memory_space<hbm>>) target(%dma_start3A_383 : memref<64xf32, #tpu.memory_space<vmem>>) target_semaphore(%arg10 : memref<!tpu.dma_semaphore, #tpu.memory_space<semaphore_mem>>)
      %slice3A_387 = vector.extract_strided_slice %get3A_284 {offsets = [4], sizes = [1], strides = [1]} : vector<16xi32> to vector<1xi32>
      %squeeze3A_388 = vector.extract %slice3A_387[0] : i32 from vector<1xi32>
      %mul3A_389 = arith.constant 16 : i32
      %mul3A_390 = arith.muli %scan3A_278, %mul3A_389 : i32
      %add3A_391 = arith.constant 4 : i32
      %add3A_392 = arith.addi %mul3A_390, %add3A_391 : i32
      %dma_start3A_393 = arith.constant 0 : i32
      %dma_start3A_394 = arith.constant 0 : i32
      %dma_start3A_395 = tpu.memref_slice %arg7[%scan3A_43, %dma_start3A_393, %dma_start3A_394] : memref<2x256x64xf32, #tpu.memory_space<vmem>> -> memref<1x256x64xf32, #tpu.memory_space<vmem>>
      %dma_start3A_396 = tpu.memref_squeeze %dma_start3A_395 : memref<1x256x64xf32, #tpu.memory_space<vmem>> -> memref<256x64xf32, #tpu.memory_space<vmem>>
      %dma_start3A_397 = arith.constant 0 : i32
      %dma_start3A_398 = tpu.memref_slice %dma_start3A_396[%add3A_392, %dma_start3A_397] : memref<256x64xf32, #tpu.memory_space<vmem>> -> memref<1x64xf32, #tpu.memory_space<vmem>>
      %dma_start3A_399 = tpu.memref_squeeze %dma_start3A_398 : memref<1x64xf32, #tpu.memory_space<vmem>> -> memref<64xf32, #tpu.memory_space<vmem>>
      %dma_start3A_400 = arith.constant 0 : i32
      %dma_start3A_401 = tpu.memref_slice %arg3[%squeeze3A_388, %dma_start3A_400] : memref<100000x64xf32, #tpu.memory_space<hbm>> -> memref<1x64xf32, #tpu.memory_space<hbm>>
      %dma_start3A_402 = tpu.memref_squeeze %dma_start3A_401 : memref<1x64xf32, #tpu.memory_space<hbm>> -> memref<64xf32, #tpu.memory_space<hbm>>
      %dma_start3A_403 = arith.constant 0 : i32
      %dma_start3A_404 = arith.constant 0 : i32
      %dma_start3A_405 = tpu.memref_slice %arg7[%scan3A_43, %dma_start3A_403, %dma_start3A_404] : memref<2x256x64xf32, #tpu.memory_space<vmem>> -> memref<1x256x64xf32, #tpu.memory_space<vmem>>
      %dma_start3A_406 = tpu.memref_squeeze %dma_start3A_405 : memref<1x256x64xf32, #tpu.memory_space<vmem>> -> memref<256x64xf32, #tpu.memory_space<vmem>>
      %dma_start3A_407 = arith.constant 0 : i32
      %dma_start3A_408 = tpu.memref_slice %dma_start3A_406[%add3A_392, %dma_start3A_407] : memref<256x64xf32, #tpu.memory_space<vmem>> -> memref<1x64xf32, #tpu.memory_space<vmem>>
      %dma_start3A_409 = tpu.memref_squeeze %dma_start3A_408 : memref<1x64xf32, #tpu.memory_space<vmem>> -> memref<64xf32, #tpu.memory_space<vmem>>
      %dma_start3A_410 = arith.constant 0 : i32
      %dma_start3A_411 = tpu.memref_slice %arg3[%squeeze3A_388, %dma_start3A_410] : memref<100000x64xf32, #tpu.memory_space<hbm>> -> memref<1x64xf32, #tpu.memory_space<hbm>>
      %dma_start3A_412 = tpu.memref_squeeze %dma_start3A_411 : memref<1x64xf32, #tpu.memory_space<hbm>> -> memref<64xf32, #tpu.memory_space<hbm>>
      tpu.enqueue_dma source(%dma_start3A_412 : memref<64xf32, #tpu.memory_space<hbm>>) target(%dma_start3A_409 : memref<64xf32, #tpu.memory_space<vmem>>) target_semaphore(%arg10 : memref<!tpu.dma_semaphore, #tpu.memory_space<semaphore_mem>>)
      %slice3A_413 = vector.extract_strided_slice %get3A_284 {offsets = [5], sizes = [1], strides = [1]} : vector<16xi32> to vector<1xi32>
      %squeeze3A_414 = vector.extract %slice3A_413[0] : i32 from vector<1xi32>
      %mul3A_415 = arith.constant 16 : i32
      %mul3A_416 = arith.muli %scan3A_278, %mul3A_415 : i32
      %add3A_417 = arith.constant 5 : i32
      %add3A_418 = arith.addi %mul3A_416, %add3A_417 : i32
      %dma_start3A_419 = arith.constant 0 : i32
      %dma_start3A_420 = arith.constant 0 : i32
      %dma_start3A_421 = tpu.memref_slice %arg7[%scan3A_43, %dma_start3A_419, %dma_start3A_420] : memref<2x256x64xf32, #tpu.memory_space<vmem>> -> memref<1x256x64xf32, #tpu.memory_space<vmem>>
      %dma_start3A_422 = tpu.memref_squeeze %dma_start3A_421 : memref<1x256x64xf32, #tpu.memory_space<vmem>> -> memref<256x64xf32, #tpu.memory_space<vmem>>
      %dma_start3A_423 = arith.constant 0 : i32
      %dma_start3A_424 = tpu.memref_slice %dma_start3A_422[%add3A_418, %dma_start3A_423] : memref<256x64xf32, #tpu.memory_space<vmem>> -> memref<1x64xf32, #tpu.memory_space<vmem>>
      %dma_start3A_425 = tpu.memref_squeeze %dma_start3A_424 : memref<1x64xf32, #tpu.memory_space<vmem>> -> memref<64xf32, #tpu.memory_space<vmem>>
      %dma_start3A_426 = arith.constant 0 : i32
      %dma_start3A_427 = tpu.memref_slice %arg3[%squeeze3A_414, %dma_start3A_426] : memref<100000x64xf32, #tpu.memory_space<hbm>> -> memref<1x64xf32, #tpu.memory_space<hbm>>
      %dma_start3A_428 = tpu.memref_squeeze %dma_start3A_427 : memref<1x64xf32, #tpu.memory_space<hbm>> -> memref<64xf32, #tpu.memory_space<hbm>>
      %dma_start3A_429 = arith.constant 0 : i32
      %dma_start3A_430 = arith.constant 0 : i32
      %dma_start3A_431 = tpu.memref_slice %arg7[%scan3A_43, %dma_start3A_429, %dma_start3A_430] : memref<2x256x64xf32, #tpu.memory_space<vmem>> -> memref<1x256x64xf32, #tpu.memory_space<vmem>>
      %dma_start3A_432 = tpu.memref_squeeze %dma_start3A_431 : memref<1x256x64xf32, #tpu.memory_space<vmem>> -> memref<256x64xf32, #tpu.memory_space<vmem>>
      %dma_start3A_433 = arith.constant 0 : i32
      %dma_start3A_434 = tpu.memref_slice %dma_start3A_432[%add3A_418, %dma_start3A_433] : memref<256x64xf32, #tpu.memory_space<vmem>> -> memref<1x64xf32, #tpu.memory_space<vmem>>
      %dma_start3A_435 = tpu.memref_squeeze %dma_start3A_434 : memref<1x64xf32, #tpu.memory_space<vmem>> -> memref<64xf32, #tpu.memory_space<vmem>>
      %dma_start3A_436 = arith.constant 0 : i32
      %dma_start3A_437 = tpu.memref_slice %arg3[%squeeze3A_414, %dma_start3A_436] : memref<100000x64xf32, #tpu.memory_space<hbm>> -> memref<1x64xf32, #tpu.memory_space<hbm>>
      %dma_start3A_438 = tpu.memref_squeeze %dma_start3A_437 : memref<1x64xf32, #tpu.memory_space<hbm>> -> memref<64xf32, #tpu.memory_space<hbm>>
      tpu.enqueue_dma source(%dma_start3A_438 : memref<64xf32, #tpu.memory_space<hbm>>) target(%dma_start3A_435 : memref<64xf32, #tpu.memory_space<vmem>>) target_semaphore(%arg10 : memref<!tpu.dma_semaphore, #tpu.memory_space<semaphore_mem>>)
      %slice3A_439 = vector.extract_strided_slice %get3A_284 {offsets = [6], sizes = [1], strides = [1]} : vector<16xi32> to vector<1xi32>
      %squeeze3A_440 = vector.extract %slice3A_439[0] : i32 from vector<1xi32>
      %mul3A_441 = arith.constant 16 : i32
      %mul3A_442 = arith.muli %scan3A_278, %mul3A_441 : i32
      %add3A_443 = arith.constant 6 : i32
      %add3A_444 = arith.addi %mul3A_442, %add3A_443 : i32
      %dma_start3A_445 = arith.constant 0 : i32
      %dma_start3A_446 = arith.constant 0 : i32
      %dma_start3A_447 = tpu.memref_slice %arg7[%scan3A_43, %dma_start3A_445, %dma_start3A_446] : memref<2x256x64xf32, #tpu.memory_space<vmem>> -> memref<1x256x64xf32, #tpu.memory_space<vmem>>
      %dma_start3A_448 = tpu.memref_squeeze %dma_start3A_447 : memref<1x256x64xf32, #tpu.memory_space<vmem>> -> memref<256x64xf32, #tpu.memory_space<vmem>>
      %dma_start3A_449 = arith.constant 0 : i32
      %dma_start3A_450 = tpu.memref_slice %dma_start3A_448[%add3A_444, %dma_start3A_449] : memref<256x64xf32, #tpu.memory_space<vmem>> -> memref<1x64xf32, #tpu.memory_space<vmem>>
      %dma_start3A_451 = tpu.memref_squeeze %dma_start3A_450 : memref<1x64xf32, #tpu.memory_space<vmem>> -> memref<64xf32, #tpu.memory_space<vmem>>
      %dma_start3A_452 = arith.constant 0 : i32
      %dma_start3A_453 = tpu.memref_slice %arg3[%squeeze3A_440, %dma_start3A_452] : memref<100000x64xf32, #tpu.memory_space<hbm>> -> memref<1x64xf32, #tpu.memory_space<hbm>>
      %dma_start3A_454 = tpu.memref_squeeze %dma_start3A_453 : memref<1x64xf32, #tpu.memory_space<hbm>> -> memref<64xf32, #tpu.memory_space<hbm>>
      %dma_start3A_455 = arith.constant 0 : i32
      %dma_start3A_456 = arith.constant 0 : i32
      %dma_start3A_457 = tpu.memref_slice %arg7[%scan3A_43, %dma_start3A_455, %dma_start3A_456] : memref<2x256x64xf32, #tpu.memory_space<vmem>> -> memref<1x256x64xf32, #tpu.memory_space<vmem>>
      %dma_start3A_458 = tpu.memref_squeeze %dma_start3A_457 : memref<1x256x64xf32, #tpu.memory_space<vmem>> -> memref<256x64xf32, #tpu.memory_space<vmem>>
      %dma_start3A_459 = arith.constant 0 : i32
      %dma_start3A_460 = tpu.memref_slice %dma_start3A_458[%add3A_444, %dma_start3A_459] : memref<256x64xf32, #tpu.memory_space<vmem>> -> memref<1x64xf32, #tpu.memory_space<vmem>>
      %dma_start3A_461 = tpu.memref_squeeze %dma_start3A_460 : memref<1x64xf32, #tpu.memory_space<vmem>> -> memref<64xf32, #tpu.memory_space<vmem>>
      %dma_start3A_462 = arith.constant 0 : i32
      %dma_start3A_463 = tpu.memref_slice %arg3[%squeeze3A_440, %dma_start3A_462] : memref<100000x64xf32, #tpu.memory_space<hbm>> -> memref<1x64xf32, #tpu.memory_space<hbm>>
      %dma_start3A_464 = tpu.memref_squeeze %dma_start3A_463 : memref<1x64xf32, #tpu.memory_space<hbm>> -> memref<64xf32, #tpu.memory_space<hbm>>
      tpu.enqueue_dma source(%dma_start3A_464 : memref<64xf32, #tpu.memory_space<hbm>>) target(%dma_start3A_461 : memref<64xf32, #tpu.memory_space<vmem>>) target_semaphore(%arg10 : memref<!tpu.dma_semaphore, #tpu.memory_space<semaphore_mem>>)
      %slice3A_465 = vector.extract_strided_slice %get3A_284 {offsets = [7], sizes = [1], strides = [1]} : vector<16xi32> to vector<1xi32>
      %squeeze3A_466 = vector.extract %slice3A_465[0] : i32 from vector<1xi32>
      %mul3A_467 = arith.constant 16 : i32
      %mul3A_468 = arith.muli %scan3A_278, %mul3A_467 : i32
      %add3A_469 = arith.constant 7 : i32
      %add3A_470 = arith.addi %mul3A_468, %add3A_469 : i32
      %dma_start3A_471 = arith.constant 0 : i32
      %dma_start3A_472 = arith.constant 0 : i32
      %dma_start3A_473 = tpu.memref_slice %arg7[%scan3A_43, %dma_start3A_471, %dma_start3A_472] : memref<2x256x64xf32, #tpu.memory_space<vmem>> -> memref<1x256x64xf32, #tpu.memory_space<vmem>>
      %dma_start3A_474 = tpu.memref_squeeze %dma_start3A_473 : memref<1x256x64xf32, #tpu.memory_space<vmem>> -> memref<256x64xf32, #tpu.memory_space<vmem>>
      %dma_start3A_475 = arith.constant 0 : i32
      %dma_start3A_476 = tpu.memref_slice %dma_start3A_474[%add3A_470, %dma_start3A_475] : memref<256x64xf32, #tpu.memory_space<vmem>> -> memref<1x64xf32, #tpu.memory_space<vmem>>
      %dma_start3A_477 = tpu.memref_squeeze %dma_start3A_476 : memref<1x64xf32, #tpu.memory_space<vmem>> -> memref<64xf32, #tpu.memory_space<vmem>>
      %dma_start3A_478 = arith.constant 0 : i32
      %dma_start3A_479 = tpu.memref_slice %arg3[%squeeze3A_466, %dma_start3A_478] : memref<100000x64xf32, #tpu.memory_space<hbm>> -> memref<1x64xf32, #tpu.memory_space<hbm>>
      %dma_start3A_480 = tpu.memref_squeeze %dma_start3A_479 : memref<1x64xf32, #tpu.memory_space<hbm>> -> memref<64xf32, #tpu.memory_space<hbm>>
      %dma_start3A_481 = arith.constant 0 : i32
      %dma_start3A_482 = arith.constant 0 : i32
      %dma_start3A_483 = tpu.memref_slice %arg7[%scan3A_43, %dma_start3A_481, %dma_start3A_482] : memref<2x256x64xf32, #tpu.memory_space<vmem>> -> memref<1x256x64xf32, #tpu.memory_space<vmem>>
      %dma_start3A_484 = tpu.memref_squeeze %dma_start3A_483 : memref<1x256x64xf32, #tpu.memory_space<vmem>> -> memref<256x64xf32, #tpu.memory_space<vmem>>
      %dma_start3A_485 = arith.constant 0 : i32
      %dma_start3A_486 = tpu.memref_slice %dma_start3A_484[%add3A_470, %dma_start3A_485] : memref<256x64xf32, #tpu.memory_space<vmem>> -> memref<1x64xf32, #tpu.memory_space<vmem>>
      %dma_start3A_487 = tpu.memref_squeeze %dma_start3A_486 : memref<1x64xf32, #tpu.memory_space<vmem>> -> memref<64xf32, #tpu.memory_space<vmem>>
      %dma_start3A_488 = arith.constant 0 : i32
      %dma_start3A_489 = tpu.memref_slice %arg3[%squeeze3A_466, %dma_start3A_488] : memref<100000x64xf32, #tpu.memory_space<hbm>> -> memref<1x64xf32, #tpu.memory_space<hbm>>
      %dma_start3A_490 = tpu.memref_squeeze %dma_start3A_489 : memref<1x64xf32, #tpu.memory_space<hbm>> -> memref<64xf32, #tpu.memory_space<hbm>>
      tpu.enqueue_dma source(%dma_start3A_490 : memref<64xf32, #tpu.memory_space<hbm>>) target(%dma_start3A_487 : memref<64xf32, #tpu.memory_space<vmem>>) target_semaphore(%arg10 : memref<!tpu.dma_semaphore, #tpu.memory_space<semaphore_mem>>)
      %slice3A_491 = vector.extract_strided_slice %get3A_284 {offsets = [8], sizes = [1], strides = [1]} : vector<16xi32> to vector<1xi32>
      %squeeze3A_492 = vector.extract %slice3A_491[0] : i32 from vector<1xi32>
      %mul3A_493 = arith.constant 16 : i32
      %mul3A_494 = arith.muli %scan3A_278, %mul3A_493 : i32
      %add3A_495 = arith.constant 8 : i32
      %add3A_496 = arith.addi %mul3A_494, %add3A_495 : i32
      %dma_start3A_497 = arith.constant 0 : i32
      %dma_start3A_498 = arith.constant 0 : i32
      %dma_start3A_499 = tpu.memref_slice %arg7[%scan3A_43, %dma_start3A_497, %dma_start3A_498] : memref<2x256x64xf32, #tpu.memory_space<vmem>> -> memref<1x256x64xf32, #tpu.memory_space<vmem>>
      %dma_start3A_500 = tpu.memref_squeeze %dma_start3A_499 : memref<1x256x64xf32, #tpu.memory_space<vmem>> -> memref<256x64xf32, #tpu.memory_space<vmem>>
      %dma_start3A_501 = arith.constant 0 : i32
      %dma_start3A_502 = tpu.memref_slice %dma_start3A_500[%add3A_496, %dma_start3A_501] : memref<256x64xf32, #tpu.memory_space<vmem>> -> memref<1x64xf32, #tpu.memory_space<vmem>>
      %dma_start3A_503 = tpu.memref_squeeze %dma_start3A_502 : memref<1x64xf32, #tpu.memory_space<vmem>> -> memref<64xf32, #tpu.memory_space<vmem>>
      %dma_start3A_504 = arith.constant 0 : i32
      %dma_start3A_505 = tpu.memref_slice %arg3[%squeeze3A_492, %dma_start3A_504] : memref<100000x64xf32, #tpu.memory_space<hbm>> -> memref<1x64xf32, #tpu.memory_space<hbm>>
      %dma_start3A_506 = tpu.memref_squeeze %dma_start3A_505 : memref<1x64xf32, #tpu.memory_space<hbm>> -> memref<64xf32, #tpu.memory_space<hbm>>
      %dma_start3A_507 = arith.constant 0 : i32
      %dma_start3A_508 = arith.constant 0 : i32
      %dma_start3A_509 = tpu.memref_slice %arg7[%scan3A_43, %dma_start3A_507, %dma_start3A_508] : memref<2x256x64xf32, #tpu.memory_space<vmem>> -> memref<1x256x64xf32, #tpu.memory_space<vmem>>
      %dma_start3A_510 = tpu.memref_squeeze %dma_start3A_509 : memref<1x256x64xf32, #tpu.memory_space<vmem>> -> memref<256x64xf32, #tpu.memory_space<vmem>>
      %dma_start3A_511 = arith.constant 0 : i32
      %dma_start3A_512 = tpu.memref_slice %dma_start3A_510[%add3A_496, %dma_start3A_511] : memref<256x64xf32, #tpu.memory_space<vmem>> -> memref<1x64xf32, #tpu.memory_space<vmem>>
      %dma_start3A_513 = tpu.memref_squeeze %dma_start3A_512 : memref<1x64xf32, #tpu.memory_space<vmem>> -> memref<64xf32, #tpu.memory_space<vmem>>
      %dma_start3A_514 = arith.constant 0 : i32
      %dma_start3A_515 = tpu.memref_slice %arg3[%squeeze3A_492, %dma_start3A_514] : memref<100000x64xf32, #tpu.memory_space<hbm>> -> memref<1x64xf32, #tpu.memory_space<hbm>>
      %dma_start3A_516 = tpu.memref_squeeze %dma_start3A_515 : memref<1x64xf32, #tpu.memory_space<hbm>> -> memref<64xf32, #tpu.memory_space<hbm>>
      tpu.enqueue_dma source(%dma_start3A_516 : memref<64xf32, #tpu.memory_space<hbm>>) target(%dma_start3A_513 : memref<64xf32, #tpu.memory_space<vmem>>) target_semaphore(%arg10 : memref<!tpu.dma_semaphore, #tpu.memory_space<semaphore_mem>>)
      %slice3A_517 = vector.extract_strided_slice %get3A_284 {offsets = [9], sizes = [1], strides = [1]} : vector<16xi32> to vector<1xi32>
      %squeeze3A_518 = vector.extract %slice3A_517[0] : i32 from vector<1xi32>
      %mul3A_519 = arith.constant 16 : i32
      %mul3A_520 = arith.muli %scan3A_278, %mul3A_519 : i32
      %add3A_521 = arith.constant 9 : i32
      %add3A_522 = arith.addi %mul3A_520, %add3A_521 : i32
      %dma_start3A_523 = arith.constant 0 : i32
      %dma_start3A_524 = arith.constant 0 : i32
      %dma_start3A_525 = tpu.memref_slice %arg7[%scan3A_43, %dma_start3A_523, %dma_start3A_524] : memref<2x256x64xf32, #tpu.memory_space<vmem>> -> memref<1x256x64xf32, #tpu.memory_space<vmem>>
      %dma_start3A_526 = tpu.memref_squeeze %dma_start3A_525 : memref<1x256x64xf32, #tpu.memory_space<vmem>> -> memref<256x64xf32, #tpu.memory_space<vmem>>
      %dma_start3A_527 = arith.constant 0 : i32
      %dma_start3A_528 = tpu.memref_slice %dma_start3A_526[%add3A_522, %dma_start3A_527] : memref<256x64xf32, #tpu.memory_space<vmem>> -> memref<1x64xf32, #tpu.memory_space<vmem>>
      %dma_start3A_529 = tpu.memref_squeeze %dma_start3A_528 : memref<1x64xf32, #tpu.memory_space<vmem>> -> memref<64xf32, #tpu.memory_space<vmem>>
      %dma_start3A_530 = arith.constant 0 : i32
      %dma_start3A_531 = tpu.memref_slice %arg3[%squeeze3A_518, %dma_start3A_530] : memref<100000x64xf32, #tpu.memory_space<hbm>> -> memref<1x64xf32, #tpu.memory_space<hbm>>
      %dma_start3A_532 = tpu.memref_squeeze %dma_start3A_531 : memref<1x64xf32, #tpu.memory_space<hbm>> -> memref<64xf32, #tpu.memory_space<hbm>>
      %dma_start3A_533 = arith.constant 0 : i32
      %dma_start3A_534 = arith.constant 0 : i32
      %dma_start3A_535 = tpu.memref_slice %arg7[%scan3A_43, %dma_start3A_533, %dma_start3A_534] : memref<2x256x64xf32, #tpu.memory_space<vmem>> -> memref<1x256x64xf32, #tpu.memory_space<vmem>>
      %dma_start3A_536 = tpu.memref_squeeze %dma_start3A_535 : memref<1x256x64xf32, #tpu.memory_space<vmem>> -> memref<256x64xf32, #tpu.memory_space<vmem>>
      %dma_start3A_537 = arith.constant 0 : i32
      %dma_start3A_538 = tpu.memref_slice %dma_start3A_536[%add3A_522, %dma_start3A_537] : memref<256x64xf32, #tpu.memory_space<vmem>> -> memref<1x64xf32, #tpu.memory_space<vmem>>
      %dma_start3A_539 = tpu.memref_squeeze %dma_start3A_538 : memref<1x64xf32, #tpu.memory_space<vmem>> -> memref<64xf32, #tpu.memory_space<vmem>>
      %dma_start3A_540 = arith.constant 0 : i32
      %dma_start3A_541 = tpu.memref_slice %arg3[%squeeze3A_518, %dma_start3A_540] : memref<100000x64xf32, #tpu.memory_space<hbm>> -> memref<1x64xf32, #tpu.memory_space<hbm>>
      %dma_start3A_542 = tpu.memref_squeeze %dma_start3A_541 : memref<1x64xf32, #tpu.memory_space<hbm>> -> memref<64xf32, #tpu.memory_space<hbm>>
      tpu.enqueue_dma source(%dma_start3A_542 : memref<64xf32, #tpu.memory_space<hbm>>) target(%dma_start3A_539 : memref<64xf32, #tpu.memory_space<vmem>>) target_semaphore(%arg10 : memref<!tpu.dma_semaphore, #tpu.memory_space<semaphore_mem>>)
      %slice3A_543 = vector.extract_strided_slice %get3A_284 {offsets = [10], sizes = [1], strides = [1]} : vector<16xi32> to vector<1xi32>
      %squeeze3A_544 = vector.extract %slice3A_543[0] : i32 from vector<1xi32>
      %mul3A_545 = arith.constant 16 : i32
      %mul3A_546 = arith.muli %scan3A_278, %mul3A_545 : i32
      %add3A_547 = arith.constant 10 : i32
      %add3A_548 = arith.addi %mul3A_546, %add3A_547 : i32
      %dma_start3A_549 = arith.constant 0 : i32
      %dma_start3A_550 = arith.constant 0 : i32
      %dma_start3A_551 = tpu.memref_slice %arg7[%scan3A_43, %dma_start3A_549, %dma_start3A_550] : memref<2x256x64xf32, #tpu.memory_space<vmem>> -> memref<1x256x64xf32, #tpu.memory_space<vmem>>
      %dma_start3A_552 = tpu.memref_squeeze %dma_start3A_551 : memref<1x256x64xf32, #tpu.memory_space<vmem>> -> memref<256x64xf32, #tpu.memory_space<vmem>>
      %dma_start3A_553 = arith.constant 0 : i32
      %dma_start3A_554 = tpu.memref_slice %dma_start3A_552[%add3A_548, %dma_start3A_553] : memref<256x64xf32, #tpu.memory_space<vmem>> -> memref<1x64xf32, #tpu.memory_space<vmem>>
      %dma_start3A_555 = tpu.memref_squeeze %dma_start3A_554 : memref<1x64xf32, #tpu.memory_space<vmem>> -> memref<64xf32, #tpu.memory_space<vmem>>
      %dma_start3A_556 = arith.constant 0 : i32
      %dma_start3A_557 = tpu.memref_slice %arg3[%squeeze3A_544, %dma_start3A_556] : memref<100000x64xf32, #tpu.memory_space<hbm>> -> memref<1x64xf32, #tpu.memory_space<hbm>>
      %dma_start3A_558 = tpu.memref_squeeze %dma_start3A_557 : memref<1x64xf32, #tpu.memory_space<hbm>> -> memref<64xf32, #tpu.memory_space<hbm>>
      %dma_start3A_559 = arith.constant 0 : i32
      %dma_start3A_560 = arith.constant 0 : i32
      %dma_start3A_561 = tpu.memref_slice %arg7[%scan3A_43, %dma_start3A_559, %dma_start3A_560] : memref<2x256x64xf32, #tpu.memory_space<vmem>> -> memref<1x256x64xf32, #tpu.memory_space<vmem>>
      %dma_start3A_562 = tpu.memref_squeeze %dma_start3A_561 : memref<1x256x64xf32, #tpu.memory_space<vmem>> -> memref<256x64xf32, #tpu.memory_space<vmem>>
      %dma_start3A_563 = arith.constant 0 : i32
      %dma_start3A_564 = tpu.memref_slice %dma_start3A_562[%add3A_548, %dma_start3A_563] : memref<256x64xf32, #tpu.memory_space<vmem>> -> memref<1x64xf32, #tpu.memory_space<vmem>>
      %dma_start3A_565 = tpu.memref_squeeze %dma_start3A_564 : memref<1x64xf32, #tpu.memory_space<vmem>> -> memref<64xf32, #tpu.memory_space<vmem>>
      %dma_start3A_566 = arith.constant 0 : i32
      %dma_start3A_567 = tpu.memref_slice %arg3[%squeeze3A_544, %dma_start3A_566] : memref<100000x64xf32, #tpu.memory_space<hbm>> -> memref<1x64xf32, #tpu.memory_space<hbm>>
      %dma_start3A_568 = tpu.memref_squeeze %dma_start3A_567 : memref<1x64xf32, #tpu.memory_space<hbm>> -> memref<64xf32, #tpu.memory_space<hbm>>
      tpu.enqueue_dma source(%dma_start3A_568 : memref<64xf32, #tpu.memory_space<hbm>>) target(%dma_start3A_565 : memref<64xf32, #tpu.memory_space<vmem>>) target_semaphore(%arg10 : memref<!tpu.dma_semaphore, #tpu.memory_space<semaphore_mem>>)
      %slice3A_569 = vector.extract_strided_slice %get3A_284 {offsets = [11], sizes = [1], strides = [1]} : vector<16xi32> to vector<1xi32>
      %squeeze3A_570 = vector.extract %slice3A_569[0] : i32 from vector<1xi32>
      %mul3A_571 = arith.constant 16 : i32
      %mul3A_572 = arith.muli %scan3A_278, %mul3A_571 : i32
      %add3A_573 = arith.constant 11 : i32
      %add3A_574 = arith.addi %mul3A_572, %add3A_573 : i32
      %dma_start3A_575 = arith.constant 0 : i32
      %dma_start3A_576 = arith.constant 0 : i32
      %dma_start3A_577 = tpu.memref_slice %arg7[%scan3A_43, %dma_start3A_575, %dma_start3A_576] : memref<2x256x64xf32, #tpu.memory_space<vmem>> -> memref<1x256x64xf32, #tpu.memory_space<vmem>>
      %dma_start3A_578 = tpu.memref_squeeze %dma_start3A_577 : memref<1x256x64xf32, #tpu.memory_space<vmem>> -> memref<256x64xf32, #tpu.memory_space<vmem>>
      %dma_start3A_579 = arith.constant 0 : i32
      %dma_start3A_580 = tpu.memref_slice %dma_start3A_578[%add3A_574, %dma_start3A_579] : memref<256x64xf32, #tpu.memory_space<vmem>> -> memref<1x64xf32, #tpu.memory_space<vmem>>
      %dma_start3A_581 = tpu.memref_squeeze %dma_start3A_580 : memref<1x64xf32, #tpu.memory_space<vmem>> -> memref<64xf32, #tpu.memory_space<vmem>>
      %dma_start3A_582 = arith.constant 0 : i32
      %dma_start3A_583 = tpu.memref_slice %arg3[%squeeze3A_570, %dma_start3A_582] : memref<100000x64xf32, #tpu.memory_space<hbm>> -> memref<1x64xf32, #tpu.memory_space<hbm>>
      %dma_start3A_584 = tpu.memref_squeeze %dma_start3A_583 : memref<1x64xf32, #tpu.memory_space<hbm>> -> memref<64xf32, #tpu.memory_space<hbm>>
      %dma_start3A_585 = arith.constant 0 : i32
      %dma_start3A_586 = arith.constant 0 : i32
      %dma_start3A_587 = tpu.memref_slice %arg7[%scan3A_43, %dma_start3A_585, %dma_start3A_586] : memref<2x256x64xf32, #tpu.memory_space<vmem>> -> memref<1x256x64xf32, #tpu.memory_space<vmem>>
      %dma_start3A_588 = tpu.memref_squeeze %dma_start3A_587 : memref<1x256x64xf32, #tpu.memory_space<vmem>> -> memref<256x64xf32, #tpu.memory_space<vmem>>
      %dma_start3A_589 = arith.constant 0 : i32
      %dma_start3A_590 = tpu.memref_slice %dma_start3A_588[%add3A_574, %dma_start3A_589] : memref<256x64xf32, #tpu.memory_space<vmem>> -> memref<1x64xf32, #tpu.memory_space<vmem>>
      %dma_start3A_591 = tpu.memref_squeeze %dma_start3A_590 : memref<1x64xf32, #tpu.memory_space<vmem>> -> memref<64xf32, #tpu.memory_space<vmem>>
      %dma_start3A_592 = arith.constant 0 : i32
      %dma_start3A_593 = tpu.memref_slice %arg3[%squeeze3A_570, %dma_start3A_592] : memref<100000x64xf32, #tpu.memory_space<hbm>> -> memref<1x64xf32, #tpu.memory_space<hbm>>
      %dma_start3A_594 = tpu.memref_squeeze %dma_start3A_593 : memref<1x64xf32, #tpu.memory_space<hbm>> -> memref<64xf32, #tpu.memory_space<hbm>>
      tpu.enqueue_dma source(%dma_start3A_594 : memref<64xf32, #tpu.memory_space<hbm>>) target(%dma_start3A_591 : memref<64xf32, #tpu.memory_space<vmem>>) target_semaphore(%arg10 : memref<!tpu.dma_semaphore, #tpu.memory_space<semaphore_mem>>)
      %slice3A_595 = vector.extract_strided_slice %get3A_284 {offsets = [12], sizes = [1], strides = [1]} : vector<16xi32> to vector<1xi32>
      %squeeze3A_596 = vector.extract %slice3A_595[0] : i32 from vector<1xi32>
      %mul3A_597 = arith.constant 16 : i32
      %mul3A_598 = arith.muli %scan3A_278, %mul3A_597 : i32
      %add3A_599 = arith.constant 12 : i32
      %add3A_600 = arith.addi %mul3A_598, %add3A_599 : i32
      %dma_start3A_601 = arith.constant 0 : i32
      %dma_start3A_602 = arith.constant 0 : i32
      %dma_start3A_603 = tpu.memref_slice %arg7[%scan3A_43, %dma_start3A_601, %dma_start3A_602] : memref<2x256x64xf32, #tpu.memory_space<vmem>> -> memref<1x256x64xf32, #tpu.memory_space<vmem>>
      %dma_start3A_604 = tpu.memref_squeeze %dma_start3A_603 : memref<1x256x64xf32, #tpu.memory_space<vmem>> -> memref<256x64xf32, #tpu.memory_space<vmem>>
      %dma_start3A_605 = arith.constant 0 : i32
      %dma_start3A_606 = tpu.memref_slice %dma_start3A_604[%add3A_600, %dma_start3A_605] : memref<256x64xf32, #tpu.memory_space<vmem>> -> memref<1x64xf32, #tpu.memory_space<vmem>>
      %dma_start3A_607 = tpu.memref_squeeze %dma_start3A_606 : memref<1x64xf32, #tpu.memory_space<vmem>> -> memref<64xf32, #tpu.memory_space<vmem>>
      %dma_start3A_608 = arith.constant 0 : i32
      %dma_start3A_609 = tpu.memref_slice %arg3[%squeeze3A_596, %dma_start3A_608] : memref<100000x64xf32, #tpu.memory_space<hbm>> -> memref<1x64xf32, #tpu.memory_space<hbm>>
      %dma_start3A_610 = tpu.memref_squeeze %dma_start3A_609 : memref<1x64xf32, #tpu.memory_space<hbm>> -> memref<64xf32, #tpu.memory_space<hbm>>
      %dma_start3A_611 = arith.constant 0 : i32
      %dma_start3A_612 = arith.constant 0 : i32
      %dma_start3A_613 = tpu.memref_slice %arg7[%scan3A_43, %dma_start3A_611, %dma_start3A_612] : memref<2x256x64xf32, #tpu.memory_space<vmem>> -> memref<1x256x64xf32, #tpu.memory_space<vmem>>
      %dma_start3A_614 = tpu.memref_squeeze %dma_start3A_613 : memref<1x256x64xf32, #tpu.memory_space<vmem>> -> memref<256x64xf32, #tpu.memory_space<vmem>>
      %dma_start3A_615 = arith.constant 0 : i32
      %dma_start3A_616 = tpu.memref_slice %dma_start3A_614[%add3A_600, %dma_start3A_615] : memref<256x64xf32, #tpu.memory_space<vmem>> -> memref<1x64xf32, #tpu.memory_space<vmem>>
      %dma_start3A_617 = tpu.memref_squeeze %dma_start3A_616 : memref<1x64xf32, #tpu.memory_space<vmem>> -> memref<64xf32, #tpu.memory_space<vmem>>
      %dma_start3A_618 = arith.constant 0 : i32
      %dma_start3A_619 = tpu.memref_slice %arg3[%squeeze3A_596, %dma_start3A_618] : memref<100000x64xf32, #tpu.memory_space<hbm>> -> memref<1x64xf32, #tpu.memory_space<hbm>>
      %dma_start3A_620 = tpu.memref_squeeze %dma_start3A_619 : memref<1x64xf32, #tpu.memory_space<hbm>> -> memref<64xf32, #tpu.memory_space<hbm>>
      tpu.enqueue_dma source(%dma_start3A_620 : memref<64xf32, #tpu.memory_space<hbm>>) target(%dma_start3A_617 : memref<64xf32, #tpu.memory_space<vmem>>) target_semaphore(%arg10 : memref<!tpu.dma_semaphore, #tpu.memory_space<semaphore_mem>>)
      %slice3A_621 = vector.extract_strided_slice %get3A_284 {offsets = [13], sizes = [1], strides = [1]} : vector<16xi32> to vector<1xi32>
      %squeeze3A_622 = vector.extract %slice3A_621[0] : i32 from vector<1xi32>
      %mul3A_623 = arith.constant 16 : i32
      %mul3A_624 = arith.muli %scan3A_278, %mul3A_623 : i32
      %add3A_625 = arith.constant 13 : i32
      %add3A_626 = arith.addi %mul3A_624, %add3A_625 : i32
      %dma_start3A_627 = arith.constant 0 : i32
      %dma_start3A_628 = arith.constant 0 : i32
      %dma_start3A_629 = tpu.memref_slice %arg7[%scan3A_43, %dma_start3A_627, %dma_start3A_628] : memref<2x256x64xf32, #tpu.memory_space<vmem>> -> memref<1x256x64xf32, #tpu.memory_space<vmem>>
      %dma_start3A_630 = tpu.memref_squeeze %dma_start3A_629 : memref<1x256x64xf32, #tpu.memory_space<vmem>> -> memref<256x64xf32, #tpu.memory_space<vmem>>
      %dma_start3A_631 = arith.constant 0 : i32
      %dma_start3A_632 = tpu.memref_slice %dma_start3A_630[%add3A_626, %dma_start3A_631] : memref<256x64xf32, #tpu.memory_space<vmem>> -> memref<1x64xf32, #tpu.memory_space<vmem>>
      %dma_start3A_633 = tpu.memref_squeeze %dma_start3A_632 : memref<1x64xf32, #tpu.memory_space<vmem>> -> memref<64xf32, #tpu.memory_space<vmem>>
      %dma_start3A_634 = arith.constant 0 : i32
      %dma_start3A_635 = tpu.memref_slice %arg3[%squeeze3A_622, %dma_start3A_634] : memref<100000x64xf32, #tpu.memory_space<hbm>> -> memref<1x64xf32, #tpu.memory_space<hbm>>
      %dma_start3A_636 = tpu.memref_squeeze %dma_start3A_635 : memref<1x64xf32, #tpu.memory_space<hbm>> -> memref<64xf32, #tpu.memory_space<hbm>>
      %dma_start3A_637 = arith.constant 0 : i32
      %dma_start3A_638 = arith.constant 0 : i32
      %dma_start3A_639 = tpu.memref_slice %arg7[%scan3A_43, %dma_start3A_637, %dma_start3A_638] : memref<2x256x64xf32, #tpu.memory_space<vmem>> -> memref<1x256x64xf32, #tpu.memory_space<vmem>>
      %dma_start3A_640 = tpu.memref_squeeze %dma_start3A_639 : memref<1x256x64xf32, #tpu.memory_space<vmem>> -> memref<256x64xf32, #tpu.memory_space<vmem>>
      %dma_start3A_641 = arith.constant 0 : i32
      %dma_start3A_642 = tpu.memref_slice %dma_start3A_640[%add3A_626, %dma_start3A_641] : memref<256x64xf32, #tpu.memory_space<vmem>> -> memref<1x64xf32, #tpu.memory_space<vmem>>
      %dma_start3A_643 = tpu.memref_squeeze %dma_start3A_642 : memref<1x64xf32, #tpu.memory_space<vmem>> -> memref<64xf32, #tpu.memory_space<vmem>>
      %dma_start3A_644 = arith.constant 0 : i32
      %dma_start3A_645 = tpu.memref_slice %arg3[%squeeze3A_622, %dma_start3A_644] : memref<100000x64xf32, #tpu.memory_space<hbm>> -> memref<1x64xf32, #tpu.memory_space<hbm>>
      %dma_start3A_646 = tpu.memref_squeeze %dma_start3A_645 : memref<1x64xf32, #tpu.memory_space<hbm>> -> memref<64xf32, #tpu.memory_space<hbm>>
      tpu.enqueue_dma source(%dma_start3A_646 : memref<64xf32, #tpu.memory_space<hbm>>) target(%dma_start3A_643 : memref<64xf32, #tpu.memory_space<vmem>>) target_semaphore(%arg10 : memref<!tpu.dma_semaphore, #tpu.memory_space<semaphore_mem>>)
      %slice3A_647 = vector.extract_strided_slice %get3A_284 {offsets = [14], sizes = [1], strides = [1]} : vector<16xi32> to vector<1xi32>
      %squeeze3A_648 = vector.extract %slice3A_647[0] : i32 from vector<1xi32>
      %mul3A_649 = arith.constant 16 : i32
      %mul3A_650 = arith.muli %scan3A_278, %mul3A_649 : i32
      %add3A_651 = arith.constant 14 : i32
      %add3A_652 = arith.addi %mul3A_650, %add3A_651 : i32
      %dma_start3A_653 = arith.constant 0 : i32
      %dma_start3A_654 = arith.constant 0 : i32
      %dma_start3A_655 = tpu.memref_slice %arg7[%scan3A_43, %dma_start3A_653, %dma_start3A_654] : memref<2x256x64xf32, #tpu.memory_space<vmem>> -> memref<1x256x64xf32, #tpu.memory_space<vmem>>
      %dma_start3A_656 = tpu.memref_squeeze %dma_start3A_655 : memref<1x256x64xf32, #tpu.memory_space<vmem>> -> memref<256x64xf32, #tpu.memory_space<vmem>>
      %dma_start3A_657 = arith.constant 0 : i32
      %dma_start3A_658 = tpu.memref_slice %dma_start3A_656[%add3A_652, %dma_start3A_657] : memref<256x64xf32, #tpu.memory_space<vmem>> -> memref<1x64xf32, #tpu.memory_space<vmem>>
      %dma_start3A_659 = tpu.memref_squeeze %dma_start3A_658 : memref<1x64xf32, #tpu.memory_space<vmem>> -> memref<64xf32, #tpu.memory_space<vmem>>
      %dma_start3A_660 = arith.constant 0 : i32
      %dma_start3A_661 = tpu.memref_slice %arg3[%squeeze3A_648, %dma_start3A_660] : memref<100000x64xf32, #tpu.memory_space<hbm>> -> memref<1x64xf32, #tpu.memory_space<hbm>>
      %dma_start3A_662 = tpu.memref_squeeze %dma_start3A_661 : memref<1x64xf32, #tpu.memory_space<hbm>> -> memref<64xf32, #tpu.memory_space<hbm>>
      %dma_start3A_663 = arith.constant 0 : i32
      %dma_start3A_664 = arith.constant 0 : i32
      %dma_start3A_665 = tpu.memref_slice %arg7[%scan3A_43, %dma_start3A_663, %dma_start3A_664] : memref<2x256x64xf32, #tpu.memory_space<vmem>> -> memref<1x256x64xf32, #tpu.memory_space<vmem>>
      %dma_start3A_666 = tpu.memref_squeeze %dma_start3A_665 : memref<1x256x64xf32, #tpu.memory_space<vmem>> -> memref<256x64xf32, #tpu.memory_space<vmem>>
      %dma_start3A_667 = arith.constant 0 : i32
      %dma_start3A_668 = tpu.memref_slice %dma_start3A_666[%add3A_652, %dma_start3A_667] : memref<256x64xf32, #tpu.memory_space<vmem>> -> memref<1x64xf32, #tpu.memory_space<vmem>>
      %dma_start3A_669 = tpu.memref_squeeze %dma_start3A_668 : memref<1x64xf32, #tpu.memory_space<vmem>> -> memref<64xf32, #tpu.memory_space<vmem>>
      %dma_start3A_670 = arith.constant 0 : i32
      %dma_start3A_671 = tpu.memref_slice %arg3[%squeeze3A_648, %dma_start3A_670] : memref<100000x64xf32, #tpu.memory_space<hbm>> -> memref<1x64xf32, #tpu.memory_space<hbm>>
      %dma_start3A_672 = tpu.memref_squeeze %dma_start3A_671 : memref<1x64xf32, #tpu.memory_space<hbm>> -> memref<64xf32, #tpu.memory_space<hbm>>
      tpu.enqueue_dma source(%dma_start3A_672 : memref<64xf32, #tpu.memory_space<hbm>>) target(%dma_start3A_669 : memref<64xf32, #tpu.memory_space<vmem>>) target_semaphore(%arg10 : memref<!tpu.dma_semaphore, #tpu.memory_space<semaphore_mem>>)
      %slice3A_673 = vector.extract_strided_slice %get3A_284 {offsets = [15], sizes = [1], strides = [1]} : vector<16xi32> to vector<1xi32>
      %squeeze3A_674 = vector.extract %slice3A_673[0] : i32 from vector<1xi32>
      %mul3A_675 = arith.constant 16 : i32
      %mul3A_676 = arith.muli %scan3A_278, %mul3A_675 : i32
      %add3A_677 = arith.constant 15 : i32
      %add3A_678 = arith.addi %mul3A_676, %add3A_677 : i32
      %dma_start3A_679 = arith.constant 0 : i32
      %dma_start3A_680 = arith.constant 0 : i32
      %dma_start3A_681 = tpu.memref_slice %arg7[%scan3A_43, %dma_start3A_679, %dma_start3A_680] : memref<2x256x64xf32, #tpu.memory_space<vmem>> -> memref<1x256x64xf32, #tpu.memory_space<vmem>>
      %dma_start3A_682 = tpu.memref_squeeze %dma_start3A_681 : memref<1x256x64xf32, #tpu.memory_space<vmem>> -> memref<256x64xf32, #tpu.memory_space<vmem>>
      %dma_start3A_683 = arith.constant 0 : i32
      %dma_start3A_684 = tpu.memref_slice %dma_start3A_682[%add3A_678, %dma_start3A_683] : memref<256x64xf32, #tpu.memory_space<vmem>> -> memref<1x64xf32, #tpu.memory_space<vmem>>
      %dma_start3A_685 = tpu.memref_squeeze %dma_start3A_684 : memref<1x64xf32, #tpu.memory_space<vmem>> -> memref<64xf32, #tpu.memory_space<vmem>>
      %dma_start3A_686 = arith.constant 0 : i32
      %dma_start3A_687 = tpu.memref_slice %arg3[%squeeze3A_674, %dma_start3A_686] : memref<100000x64xf32, #tpu.memory_space<hbm>> -> memref<1x64xf32, #tpu.memory_space<hbm>>
      %dma_start3A_688 = tpu.memref_squeeze %dma_start3A_687 : memref<1x64xf32, #tpu.memory_space<hbm>> -> memref<64xf32, #tpu.memory_space<hbm>>
      %dma_start3A_689 = arith.constant 0 : i32
      %dma_start3A_690 = arith.constant 0 : i32
      %dma_start3A_691 = tpu.memref_slice %arg7[%scan3A_43, %dma_start3A_689, %dma_start3A_690] : memref<2x256x64xf32, #tpu.memory_space<vmem>> -> memref<1x256x64xf32, #tpu.memory_space<vmem>>
      %dma_start3A_692 = tpu.memref_squeeze %dma_start3A_691 : memref<1x256x64xf32, #tpu.memory_space<vmem>> -> memref<256x64xf32, #tpu.memory_space<vmem>>
      %dma_start3A_693 = arith.constant 0 : i32
      %dma_start3A_694 = tpu.memref_slice %dma_start3A_692[%add3A_678, %dma_start3A_693] : memref<256x64xf32, #tpu.memory_space<vmem>> -> memref<1x64xf32, #tpu.memory_space<vmem>>
      %dma_start3A_695 = tpu.memref_squeeze %dma_start3A_694 : memref<1x64xf32, #tpu.memory_space<vmem>> -> memref<64xf32, #tpu.memory_space<vmem>>
      %dma_start3A_696 = arith.constant 0 : i32
      %dma_start3A_697 = tpu.memref_slice %arg3[%squeeze3A_674, %dma_start3A_696] : memref<100000x64xf32, #tpu.memory_space<hbm>> -> memref<1x64xf32, #tpu.memory_space<hbm>>
      %dma_start3A_698 = tpu.memref_squeeze %dma_start3A_697 : memref<1x64xf32, #tpu.memory_space<hbm>> -> memref<64xf32, #tpu.memory_space<hbm>>
      tpu.enqueue_dma source(%dma_start3A_698 : memref<64xf32, #tpu.memory_space<hbm>>) target(%dma_start3A_695 : memref<64xf32, #tpu.memory_space<vmem>>) target_semaphore(%arg10 : memref<!tpu.dma_semaphore, #tpu.memory_space<semaphore_mem>>)
    }
    %scan3A_48 = arith.constant 16 : i32
    %scan3A_49 = arith.constant 0 : i32
    %scan3A_50 = arith.constant 0 : i32
    %scan3A_51 = arith.constant 256 : i32
    %scan3A_52 = arith.addi %scan3A_50, %scan3A_51 : i32
    %scan3A_53 = arith.constant 4 : i32
    scf.for %scan3A_278 = %scan3A_50 to %scan3A_52 step %scan3A_53  : i32 {
      %dma_wait3A_279 = arith.constant 0 : i32
      %dma_wait3A_280 = arith.constant 0 : i32
      %dma_wait3A_281 = arith.constant 0 : i32
      %dma_wait3A_282 = arith.constant 0 : i32
      %dma_wait3A_283 = tpu.memref_slice %arg7[%scan3A_49, %dma_wait3A_281, %dma_wait3A_282] : memref<2x256x64xf32, #tpu.memory_space<vmem>> -> memref<1x256x64xf32, #tpu.memory_space<vmem>>
      %dma_wait3A_284 = tpu.memref_squeeze %dma_wait3A_283 : memref<1x256x64xf32, #tpu.memory_space<vmem>> -> memref<256x64xf32, #tpu.memory_space<vmem>>
      %dma_wait3A_285 = arith.constant 0 : i32
      %dma_wait3A_286 = tpu.memref_slice %dma_wait3A_284[%dma_wait3A_280, %dma_wait3A_285] : memref<256x64xf32, #tpu.memory_space<vmem>> -> memref<1x64xf32, #tpu.memory_space<vmem>>
      %dma_wait3A_287 = tpu.memref_squeeze %dma_wait3A_286 : memref<1x64xf32, #tpu.memory_space<vmem>> -> memref<64xf32, #tpu.memory_space<vmem>>
      %dma_wait3A_288 = arith.constant 0 : i32
      %dma_wait3A_289 = tpu.memref_slice %arg3[%dma_wait3A_279, %dma_wait3A_288] : memref<100000x64xf32, #tpu.memory_space<hbm>> -> memref<1x64xf32, #tpu.memory_space<hbm>>
      %dma_wait3A_290 = tpu.memref_squeeze %dma_wait3A_289 : memref<1x64xf32, #tpu.memory_space<hbm>> -> memref<64xf32, #tpu.memory_space<hbm>>
      %dma_wait3A_291 = arith.constant 0 : i32
      %dma_wait3A_292 = arith.constant 0 : i32
      %dma_wait3A_293 = tpu.memref_slice %arg7[%scan3A_49, %dma_wait3A_291, %dma_wait3A_292] : memref<2x256x64xf32, #tpu.memory_space<vmem>> -> memref<1x256x64xf32, #tpu.memory_space<vmem>>
      %dma_wait3A_294 = tpu.memref_squeeze %dma_wait3A_293 : memref<1x256x64xf32, #tpu.memory_space<vmem>> -> memref<256x64xf32, #tpu.memory_space<vmem>>
      %dma_wait3A_295 = arith.constant 0 : i32
      %dma_wait3A_296 = tpu.memref_slice %dma_wait3A_294[%dma_wait3A_280, %dma_wait3A_295] : memref<256x64xf32, #tpu.memory_space<vmem>> -> memref<1x64xf32, #tpu.memory_space<vmem>>
      %dma_wait3A_297 = tpu.memref_squeeze %dma_wait3A_296 : memref<1x64xf32, #tpu.memory_space<vmem>> -> memref<64xf32, #tpu.memory_space<vmem>>
      %dma_wait3A_298 = arith.constant 0 : i32
      %dma_wait3A_299 = tpu.memref_slice %arg3[%dma_wait3A_279, %dma_wait3A_298] : memref<100000x64xf32, #tpu.memory_space<hbm>> -> memref<1x64xf32, #tpu.memory_space<hbm>>
      %dma_wait3A_300 = tpu.memref_squeeze %dma_wait3A_299 : memref<1x64xf32, #tpu.memory_space<hbm>> -> memref<64xf32, #tpu.memory_space<hbm>>
      tpu.wait_dma2 semaphore(%arg9 : memref<!tpu.dma_semaphore, #tpu.memory_space<semaphore_mem>>) src(%dma_wait3A_300 : memref<64xf32, #tpu.memory_space<hbm>>) dst(%dma_wait3A_297 : memref<64xf32, #tpu.memory_space<vmem>>)
      %scan3A_301 = arith.constant 1 : i32
      %scan3A_302 = arith.addi %scan3A_278, %scan3A_301 : i32
      %dma_wait3A_303 = arith.constant 0 : i32
      %dma_wait3A_304 = arith.constant 0 : i32
      %dma_wait3A_305 = arith.constant 0 : i32
      %dma_wait3A_306 = arith.constant 0 : i32
      %dma_wait3A_307 = tpu.memref_slice %arg7[%scan3A_49, %dma_wait3A_305, %dma_wait3A_306] : memref<2x256x64xf32, #tpu.memory_space<vmem>> -> memref<1x256x64xf32, #tpu.memory_space<vmem>>
      %dma_wait3A_308 = tpu.memref_squeeze %dma_wait3A_307 : memref<1x256x64xf32, #tpu.memory_space<vmem>> -> memref<256x64xf32, #tpu.memory_space<vmem>>
      %dma_wait3A_309 = arith.constant 0 : i32
      %dma_wait3A_310 = tpu.memref_slice %dma_wait3A_308[%dma_wait3A_304, %dma_wait3A_309] : memref<256x64xf32, #tpu.memory_space<vmem>> -> memref<1x64xf32, #tpu.memory_space<vmem>>
      %dma_wait3A_311 = tpu.memref_squeeze %dma_wait3A_310 : memref<1x64xf32, #tpu.memory_space<vmem>> -> memref<64xf32, #tpu.memory_space<vmem>>
      %dma_wait3A_312 = arith.constant 0 : i32
      %dma_wait3A_313 = tpu.memref_slice %arg3[%dma_wait3A_303, %dma_wait3A_312] : memref<100000x64xf32, #tpu.memory_space<hbm>> -> memref<1x64xf32, #tpu.memory_space<hbm>>
      %dma_wait3A_314 = tpu.memref_squeeze %dma_wait3A_313 : memref<1x64xf32, #tpu.memory_space<hbm>> -> memref<64xf32, #tpu.memory_space<hbm>>
      %dma_wait3A_315 = arith.constant 0 : i32
      %dma_wait3A_316 = arith.constant 0 : i32
      %dma_wait3A_317 = tpu.memref_slice %arg7[%scan3A_49, %dma_wait3A_315, %dma_wait3A_316] : memref<2x256x64xf32, #tpu.memory_space<vmem>> -> memref<1x256x64xf32, #tpu.memory_space<vmem>>
      %dma_wait3A_318 = tpu.memref_squeeze %dma_wait3A_317 : memref<1x256x64xf32, #tpu.memory_space<vmem>> -> memref<256x64xf32, #tpu.memory_space<vmem>>
      %dma_wait3A_319 = arith.constant 0 : i32
      %dma_wait3A_320 = tpu.memref_slice %dma_wait3A_318[%dma_wait3A_304, %dma_wait3A_319] : memref<256x64xf32, #tpu.memory_space<vmem>> -> memref<1x64xf32, #tpu.memory_space<vmem>>
      %dma_wait3A_321 = tpu.memref_squeeze %dma_wait3A_320 : memref<1x64xf32, #tpu.memory_space<vmem>> -> memref<64xf32, #tpu.memory_space<vmem>>
      %dma_wait3A_322 = arith.constant 0 : i32
      %dma_wait3A_323 = tpu.memref_slice %arg3[%dma_wait3A_303, %dma_wait3A_322] : memref<100000x64xf32, #tpu.memory_space<hbm>> -> memref<1x64xf32, #tpu.memory_space<hbm>>
      %dma_wait3A_324 = tpu.memref_squeeze %dma_wait3A_323 : memref<1x64xf32, #tpu.memory_space<hbm>> -> memref<64xf32, #tpu.memory_space<hbm>>
      tpu.wait_dma2 semaphore(%arg9 : memref<!tpu.dma_semaphore, #tpu.memory_space<semaphore_mem>>) src(%dma_wait3A_324 : memref<64xf32, #tpu.memory_space<hbm>>) dst(%dma_wait3A_321 : memref<64xf32, #tpu.memory_space<vmem>>)
      %scan3A_325 = arith.constant 2 : i32
      %scan3A_326 = arith.addi %scan3A_278, %scan3A_325 : i32
      %dma_wait3A_327 = arith.constant 0 : i32
      %dma_wait3A_328 = arith.constant 0 : i32
      %dma_wait3A_329 = arith.constant 0 : i32
      %dma_wait3A_330 = arith.constant 0 : i32
      %dma_wait3A_331 = tpu.memref_slice %arg7[%scan3A_49, %dma_wait3A_329, %dma_wait3A_330] : memref<2x256x64xf32, #tpu.memory_space<vmem>> -> memref<1x256x64xf32, #tpu.memory_space<vmem>>
      %dma_wait3A_332 = tpu.memref_squeeze %dma_wait3A_331 : memref<1x256x64xf32, #tpu.memory_space<vmem>> -> memref<256x64xf32, #tpu.memory_space<vmem>>
      %dma_wait3A_333 = arith.constant 0 : i32
      %dma_wait3A_334 = tpu.memref_slice %dma_wait3A_332[%dma_wait3A_328, %dma_wait3A_333] : memref<256x64xf32, #tpu.memory_space<vmem>> -> memref<1x64xf32, #tpu.memory_space<vmem>>
      %dma_wait3A_335 = tpu.memref_squeeze %dma_wait3A_334 : memref<1x64xf32, #tpu.memory_space<vmem>> -> memref<64xf32, #tpu.memory_space<vmem>>
      %dma_wait3A_336 = arith.constant 0 : i32
      %dma_wait3A_337 = tpu.memref_slice %arg3[%dma_wait3A_327, %dma_wait3A_336] : memref<100000x64xf32, #tpu.memory_space<hbm>> -> memref<1x64xf32, #tpu.memory_space<hbm>>
      %dma_wait3A_338 = tpu.memref_squeeze %dma_wait3A_337 : memref<1x64xf32, #tpu.memory_space<hbm>> -> memref<64xf32, #tpu.memory_space<hbm>>
      %dma_wait3A_339 = arith.constant 0 : i32
      %dma_wait3A_340 = arith.constant 0 : i32
      %dma_wait3A_341 = tpu.memref_slice %arg7[%scan3A_49, %dma_wait3A_339, %dma_wait3A_340] : memref<2x256x64xf32, #tpu.memory_space<vmem>> -> memref<1x256x64xf32, #tpu.memory_space<vmem>>
      %dma_wait3A_342 = tpu.memref_squeeze %dma_wait3A_341 : memref<1x256x64xf32, #tpu.memory_space<vmem>> -> memref<256x64xf32, #tpu.memory_space<vmem>>
      %dma_wait3A_343 = arith.constant 0 : i32
      %dma_wait3A_344 = tpu.memref_slice %dma_wait3A_342[%dma_wait3A_328, %dma_wait3A_343] : memref<256x64xf32, #tpu.memory_space<vmem>> -> memref<1x64xf32, #tpu.memory_space<vmem>>
      %dma_wait3A_345 = tpu.memref_squeeze %dma_wait3A_344 : memref<1x64xf32, #tpu.memory_space<vmem>> -> memref<64xf32, #tpu.memory_space<vmem>>
      %dma_wait3A_346 = arith.constant 0 : i32
      %dma_wait3A_347 = tpu.memref_slice %arg3[%dma_wait3A_327, %dma_wait3A_346] : memref<100000x64xf32, #tpu.memory_space<hbm>> -> memref<1x64xf32, #tpu.memory_space<hbm>>
      %dma_wait3A_348 = tpu.memref_squeeze %dma_wait3A_347 : memref<1x64xf32, #tpu.memory_space<hbm>> -> memref<64xf32, #tpu.memory_space<hbm>>
      tpu.wait_dma2 semaphore(%arg9 : memref<!tpu.dma_semaphore, #tpu.memory_space<semaphore_mem>>) src(%dma_wait3A_348 : memref<64xf32, #tpu.memory_space<hbm>>) dst(%dma_wait3A_345 : memref<64xf32, #tpu.memory_space<vmem>>)
      %scan3A_349 = arith.constant 3 : i32
      %scan3A_350 = arith.addi %scan3A_278, %scan3A_349 : i32
      %dma_wait3A_351 = arith.constant 0 : i32
      %dma_wait3A_352 = arith.constant 0 : i32
      %dma_wait3A_353 = arith.constant 0 : i32
      %dma_wait3A_354 = arith.constant 0 : i32
      %dma_wait3A_355 = tpu.memref_slice %arg7[%scan3A_49, %dma_wait3A_353, %dma_wait3A_354] : memref<2x256x64xf32, #tpu.memory_space<vmem>> -> memref<1x256x64xf32, #tpu.memory_space<vmem>>
      %dma_wait3A_356 = tpu.memref_squeeze %dma_wait3A_355 : memref<1x256x64xf32, #tpu.memory_space<vmem>> -> memref<256x64xf32, #tpu.memory_space<vmem>>
      %dma_wait3A_357 = arith.constant 0 : i32
      %dma_wait3A_358 = tpu.memref_slice %dma_wait3A_356[%dma_wait3A_352, %dma_wait3A_357] : memref<256x64xf32, #tpu.memory_space<vmem>> -> memref<1x64xf32, #tpu.memory_space<vmem>>
      %dma_wait3A_359 = tpu.memref_squeeze %dma_wait3A_358 : memref<1x64xf32, #tpu.memory_space<vmem>> -> memref<64xf32, #tpu.memory_space<vmem>>
      %dma_wait3A_360 = arith.constant 0 : i32
      %dma_wait3A_361 = tpu.memref_slice %arg3[%dma_wait3A_351, %dma_wait3A_360] : memref<100000x64xf32, #tpu.memory_space<hbm>> -> memref<1x64xf32, #tpu.memory_space<hbm>>
      %dma_wait3A_362 = tpu.memref_squeeze %dma_wait3A_361 : memref<1x64xf32, #tpu.memory_space<hbm>> -> memref<64xf32, #tpu.memory_space<hbm>>
      %dma_wait3A_363 = arith.constant 0 : i32
      %dma_wait3A_364 = arith.constant 0 : i32
      %dma_wait3A_365 = tpu.memref_slice %arg7[%scan3A_49, %dma_wait3A_363, %dma_wait3A_364] : memref<2x256x64xf32, #tpu.memory_space<vmem>> -> memref<1x256x64xf32, #tpu.memory_space<vmem>>
      %dma_wait3A_366 = tpu.memref_squeeze %dma_wait3A_365 : memref<1x256x64xf32, #tpu.memory_space<vmem>> -> memref<256x64xf32, #tpu.memory_space<vmem>>
      %dma_wait3A_367 = arith.constant 0 : i32
      %dma_wait3A_368 = tpu.memref_slice %dma_wait3A_366[%dma_wait3A_352, %dma_wait3A_367] : memref<256x64xf32, #tpu.memory_space<vmem>> -> memref<1x64xf32, #tpu.memory_space<vmem>>
      %dma_wait3A_369 = tpu.memref_squeeze %dma_wait3A_368 : memref<1x64xf32, #tpu.memory_space<vmem>> -> memref<64xf32, #tpu.memory_space<vmem>>
      %dma_wait3A_370 = arith.constant 0 : i32
      %dma_wait3A_371 = tpu.memref_slice %arg3[%dma_wait3A_351, %dma_wait3A_370] : memref<100000x64xf32, #tpu.memory_space<hbm>> -> memref<1x64xf32, #tpu.memory_space<hbm>>
      %dma_wait3A_372 = tpu.memref_squeeze %dma_wait3A_371 : memref<1x64xf32, #tpu.memory_space<hbm>> -> memref<64xf32, #tpu.memory_space<hbm>>
      tpu.wait_dma2 semaphore(%arg9 : memref<!tpu.dma_semaphore, #tpu.memory_space<semaphore_mem>>) src(%dma_wait3A_372 : memref<64xf32, #tpu.memory_space<hbm>>) dst(%dma_wait3A_369 : memref<64xf32, #tpu.memory_space<vmem>>)
    }
    %scan3A_54 = arith.constant 256 : i32
    %dma_wait3A = arith.constant 0 : i32
    %dma_wait3A_55 = tpu.memref_slice %arg4[%mul3A_32, %dma_wait3A] : memref<8192x64xf32, #tpu.memory_space<hbm>> -> memref<256x64xf32, #tpu.memory_space<hbm>>
    %dma_wait3A_56 = arith.constant 0 : i32
    %dma_wait3A_57 = tpu.memref_slice %arg4[%mul3A_32, %dma_wait3A_56] : memref<8192x64xf32, #tpu.memory_space<hbm>> -> memref<256x64xf32, #tpu.memory_space<hbm>>
    tpu.wait_dma2 semaphore(%arg11 : memref<!tpu.dma_semaphore, #tpu.memory_space<semaphore_mem>>) src(%dma_wait3A_57 : memref<256x64xf32, #tpu.memory_space<hbm>>) dst(%arg8 : memref<256x64xf32, #tpu.memory_space<vmem>>)
    %scan3A_58 = arith.constant 0 : i32
    %scan3A_59 = arith.constant 0 : i32
    %scan3A_60 = arith.constant 256 : i32
    %scan3A_61 = arith.addi %scan3A_59, %scan3A_60 : i32
    %scan3A_62 = arith.constant 2 : i32
    scf.for %scan3A_278 = %scan3A_59 to %scan3A_61 step %scan3A_62  : i32 {
      %get3A = arith.constant 0 : i32
      %get3A_279 = arith.constant 0 : i32
      %get3A_280 = tpu.memref_slice %arg7[%scan3A_58, %get3A, %get3A_279] : memref<2x256x64xf32, #tpu.memory_space<vmem>> -> memref<1x256x64xf32, #tpu.memory_space<vmem>>
      %get3A_281 = tpu.memref_squeeze %get3A_280 : memref<1x256x64xf32, #tpu.memory_space<vmem>> -> memref<256x64xf32, #tpu.memory_space<vmem>>
      %get3A_282 = arith.index_cast %scan3A_278 : i32 to index
      %get3A_283 = arith.constant 0 : index
      %get3A_284 = tpu.vector_load %get3A_281[%get3A_282, %get3A_283] {strides = array<i32>} : memref<256x64xf32, #tpu.memory_space<vmem>>, vector<1x16xf32>,
      %get3A_285 = vector.shape_cast %get3A_284 : vector<1x16xf32> to vector<16xf32>
      %get3A_286 = arith.index_cast %scan3A_278 : i32 to index
      %get3A_287 = arith.constant 0 : index
      %get3A_288 = tpu.vector_load %arg8[%get3A_286, %get3A_287] {strides = array<i32>} : memref<256x64xf32, #tpu.memory_space<vmem>>, vector<1x16xf32>,
      %get3A_289 = vector.shape_cast %get3A_288 : vector<1x16xf32> to vector<16xf32>
      %add3A_290 = arith.addf %get3A_285, %get3A_289 : vector<16xf32>
      %swap3A = arith.constant 0 : i32
      %swap3A_291 = arith.constant 0 : i32
      %swap3A_292 = tpu.memref_slice %arg7[%scan3A_58, %swap3A, %swap3A_291] : memref<2x256x64xf32, #tpu.memory_space<vmem>> -> memref<1x256x64xf32, #tpu.memory_space<vmem>>
      %swap3A_293 = tpu.memref_squeeze %swap3A_292 : memref<1x256x64xf32, #tpu.memory_space<vmem>> -> memref<256x64xf32, #tpu.memory_space<vmem>>
      %swap3A_294 = arith.index_cast %scan3A_278 : i32 to index
      %swap3A_295 = arith.constant 0 : index
      %swap3A_296 = tpu.vector_load %swap3A_293[%swap3A_294, %swap3A_295] {strides = array<i32>} : memref<256x64xf32, #tpu.memory_space<vmem>>, vector<1x16xf32>,
      %swap3A_297 = vector.shape_cast %swap3A_296 : vector<1x16xf32> to vector<16xf32>
      %swap3A_298 = vector.shape_cast %add3A_290 : vector<16xf32> to vector<1x16xf32>
      tpu.vector_store %swap3A_293[%swap3A_294, %swap3A_295], %swap3A_298 {strides = array<i32>} : memref<256x64xf32, #tpu.memory_space<vmem>>, vector<1x16xf32>,
      %get3A_299 = arith.constant 0 : i32
      %get3A_300 = arith.constant 0 : i32
      %get3A_301 = tpu.memref_slice %arg7[%scan3A_58, %get3A_299, %get3A_300] : memref<2x256x64xf32, #tpu.memory_space<vmem>> -> memref<1x256x64xf32, #tpu.memory_space<vmem>>
      %get3A_302 = tpu.memref_squeeze %get3A_301 : memref<1x256x64xf32, #tpu.memory_space<vmem>> -> memref<256x64xf32, #tpu.memory_space<vmem>>
      %get3A_303 = arith.index_cast %scan3A_278 : i32 to index
      %get3A_304 = arith.constant 16 : index
      %get3A_305 = tpu.vector_load %get3A_302[%get3A_303, %get3A_304] {strides = array<i32>} : memref<256x64xf32, #tpu.memory_space<vmem>>, vector<1x16xf32>,
      %get3A_306 = vector.shape_cast %get3A_305 : vector<1x16xf32> to vector<16xf32>
      %get3A_307 = arith.index_cast %scan3A_278 : i32 to index
      %get3A_308 = arith.constant 16 : index
      %get3A_309 = tpu.vector_load %arg8[%get3A_307, %get3A_308] {strides = array<i32>} : memref<256x64xf32, #tpu.memory_space<vmem>>, vector<1x16xf32>,
      %get3A_310 = vector.shape_cast %get3A_309 : vector<1x16xf32> to vector<16xf32>
      %add3A_311 = arith.addf %get3A_306, %get3A_310 : vector<16xf32>
      %swap3A_312 = arith.constant 0 : i32
      %swap3A_313 = arith.constant 0 : i32
      %swap3A_314 = tpu.memref_slice %arg7[%scan3A_58, %swap3A_312, %swap3A_313] : memref<2x256x64xf32, #tpu.memory_space<vmem>> -> memref<1x256x64xf32, #tpu.memory_space<vmem>>
      %swap3A_315 = tpu.memref_squeeze %swap3A_314 : memref<1x256x64xf32, #tpu.memory_space<vmem>> -> memref<256x64xf32, #tpu.memory_space<vmem>>
      %swap3A_316 = arith.index_cast %scan3A_278 : i32 to index
      %swap3A_317 = arith.constant 16 : index
      %swap3A_318 = tpu.vector_load %swap3A_315[%swap3A_316, %swap3A_317] {strides = array<i32>} : memref<256x64xf32, #tpu.memory_space<vmem>>, vector<1x16xf32>,
      %swap3A_319 = vector.shape_cast %swap3A_318 : vector<1x16xf32> to vector<16xf32>
      %swap3A_320 = vector.shape_cast %add3A_311 : vector<16xf32> to vector<1x16xf32>
      tpu.vector_store %swap3A_315[%swap3A_316, %swap3A_317], %swap3A_320 {strides = array<i32>} : memref<256x64xf32, #tpu.memory_space<vmem>>, vector<1x16xf32>,
      %get3A_321 = arith.constant 0 : i32
      %get3A_322 = arith.constant 0 : i32
      %get3A_323 = tpu.memref_slice %arg7[%scan3A_58, %get3A_321, %get3A_322] : memref<2x256x64xf32, #tpu.memory_space<vmem>> -> memref<1x256x64xf32, #tpu.memory_space<vmem>>
      %get3A_324 = tpu.memref_squeeze %get3A_323 : memref<1x256x64xf32, #tpu.memory_space<vmem>> -> memref<256x64xf32, #tpu.memory_space<vmem>>
      %get3A_325 = arith.index_cast %scan3A_278 : i32 to index
      %get3A_326 = arith.constant 32 : index
      %get3A_327 = tpu.vector_load %get3A_324[%get3A_325, %get3A_326] {strides = array<i32>} : memref<256x64xf32, #tpu.memory_space<vmem>>, vector<1x16xf32>,
      %get3A_328 = vector.shape_cast %get3A_327 : vector<1x16xf32> to vector<16xf32>
      %get3A_329 = arith.index_cast %scan3A_278 : i32 to index
      %get3A_330 = arith.constant 32 : index
      %get3A_331 = tpu.vector_load %arg8[%get3A_329, %get3A_330] {strides = array<i32>} : memref<256x64xf32, #tpu.memory_space<vmem>>, vector<1x16xf32>,
      %get3A_332 = vector.shape_cast %get3A_331 : vector<1x16xf32> to vector<16xf32>
      %add3A_333 = arith.addf %get3A_328, %get3A_332 : vector<16xf32>
      %swap3A_334 = arith.constant 0 : i32
      %swap3A_335 = arith.constant 0 : i32
      %swap3A_336 = tpu.memref_slice %arg7[%scan3A_58, %swap3A_334, %swap3A_335] : memref<2x256x64xf32, #tpu.memory_space<vmem>> -> memref<1x256x64xf32, #tpu.memory_space<vmem>>
      %swap3A_337 = tpu.memref_squeeze %swap3A_336 : memref<1x256x64xf32, #tpu.memory_space<vmem>> -> memref<256x64xf32, #tpu.memory_space<vmem>>
      %swap3A_338 = arith.index_cast %scan3A_278 : i32 to index
      %swap3A_339 = arith.constant 32 : index
      %swap3A_340 = tpu.vector_load %swap3A_337[%swap3A_338, %swap3A_339] {strides = array<i32>} : memref<256x64xf32, #tpu.memory_space<vmem>>, vector<1x16xf32>,
      %swap3A_341 = vector.shape_cast %swap3A_340 : vector<1x16xf32> to vector<16xf32>
      %swap3A_342 = vector.shape_cast %add3A_333 : vector<16xf32> to vector<1x16xf32>
      tpu.vector_store %swap3A_337[%swap3A_338, %swap3A_339], %swap3A_342 {strides = array<i32>} : memref<256x64xf32, #tpu.memory_space<vmem>>, vector<1x16xf32>,
      %get3A_343 = arith.constant 0 : i32
      %get3A_344 = arith.constant 0 : i32
      %get3A_345 = tpu.memref_slice %arg7[%scan3A_58, %get3A_343, %get3A_344] : memref<2x256x64xf32, #tpu.memory_space<vmem>> -> memref<1x256x64xf32, #tpu.memory_space<vmem>>
      %get3A_346 = tpu.memref_squeeze %get3A_345 : memref<1x256x64xf32, #tpu.memory_space<vmem>> -> memref<256x64xf32, #tpu.memory_space<vmem>>
      %get3A_347 = arith.index_cast %scan3A_278 : i32 to index
      %get3A_348 = arith.constant 48 : index
      %get3A_349 = tpu.vector_load %get3A_346[%get3A_347, %get3A_348] {strides = array<i32>} : memref<256x64xf32, #tpu.memory_space<vmem>>, vector<1x16xf32>,
      %get3A_350 = vector.shape_cast %get3A_349 : vector<1x16xf32> to vector<16xf32>
      %get3A_351 = arith.index_cast %scan3A_278 : i32 to index
      %get3A_352 = arith.constant 48 : index
      %get3A_353 = tpu.vector_load %arg8[%get3A_351, %get3A_352] {strides = array<i32>} : memref<256x64xf32, #tpu.memory_space<vmem>>, vector<1x16xf32>,
      %get3A_354 = vector.shape_cast %get3A_353 : vector<1x16xf32> to vector<16xf32>
      %add3A_355 = arith.addf %get3A_350, %get3A_354 : vector<16xf32>
      %swap3A_356 = arith.constant 0 : i32
      %swap3A_357 = arith.constant 0 : i32
      %swap3A_358 = tpu.memref_slice %arg7[%scan3A_58, %swap3A_356, %swap3A_357] : memref<2x256x64xf32, #tpu.memory_space<vmem>> -> memref<1x256x64xf32, #tpu.memory_space<vmem>>
      %swap3A_359 = tpu.memref_squeeze %swap3A_358 : memref<1x256x64xf32, #tpu.memory_space<vmem>> -> memref<256x64xf32, #tpu.memory_space<vmem>>
      %swap3A_360 = arith.index_cast %scan3A_278 : i32 to index
      %swap3A_361 = arith.constant 48 : index
      %swap3A_362 = tpu.vector_load %swap3A_359[%swap3A_360, %swap3A_361] {strides = array<i32>} : memref<256x64xf32, #tpu.memory_space<vmem>>, vector<1x16xf32>,
      %swap3A_363 = vector.shape_cast %swap3A_362 : vector<1x16xf32> to vector<16xf32>
      %swap3A_364 = vector.shape_cast %add3A_355 : vector<16xf32> to vector<1x16xf32>
      tpu.vector_store %swap3A_359[%swap3A_360, %swap3A_361], %swap3A_364 {strides = array<i32>} : memref<256x64xf32, #tpu.memory_space<vmem>>, vector<1x16xf32>,
      %scan3A_365 = arith.constant 1 : i32
      %scan3A_366 = arith.addi %scan3A_278, %scan3A_365 : i32
      %get3A_367 = arith.constant 0 : i32
      %get3A_368 = arith.constant 0 : i32
      %get3A_369 = tpu.memref_slice %arg7[%scan3A_58, %get3A_367, %get3A_368] : memref<2x256x64xf32, #tpu.memory_space<vmem>> -> memref<1x256x64xf32, #tpu.memory_space<vmem>>
      %get3A_370 = tpu.memref_squeeze %get3A_369 : memref<1x256x64xf32, #tpu.memory_space<vmem>> -> memref<256x64xf32, #tpu.memory_space<vmem>>
      %get3A_371 = arith.index_cast %scan3A_366 : i32 to index
      %get3A_372 = arith.constant 0 : index
      %get3A_373 = tpu.vector_load %get3A_370[%get3A_371, %get3A_372] {strides = array<i32>} : memref<256x64xf32, #tpu.memory_space<vmem>>, vector<1x16xf32>,
      %get3A_374 = vector.shape_cast %get3A_373 : vector<1x16xf32> to vector<16xf32>
      %get3A_375 = arith.index_cast %scan3A_366 : i32 to index
      %get3A_376 = arith.constant 0 : index
      %get3A_377 = tpu.vector_load %arg8[%get3A_375, %get3A_376] {strides = array<i32>} : memref<256x64xf32, #tpu.memory_space<vmem>>, vector<1x16xf32>,
      %get3A_378 = vector.shape_cast %get3A_377 : vector<1x16xf32> to vector<16xf32>
      %add3A_379 = arith.addf %get3A_374, %get3A_378 : vector<16xf32>
      %swap3A_380 = arith.constant 0 : i32
      %swap3A_381 = arith.constant 0 : i32
      %swap3A_382 = tpu.memref_slice %arg7[%scan3A_58, %swap3A_380, %swap3A_381] : memref<2x256x64xf32, #tpu.memory_space<vmem>> -> memref<1x256x64xf32, #tpu.memory_space<vmem>>
      %swap3A_383 = tpu.memref_squeeze %swap3A_382 : memref<1x256x64xf32, #tpu.memory_space<vmem>> -> memref<256x64xf32, #tpu.memory_space<vmem>>
      %swap3A_384 = arith.index_cast %scan3A_366 : i32 to index
      %swap3A_385 = arith.constant 0 : index
      %swap3A_386 = tpu.vector_load %swap3A_383[%swap3A_384, %swap3A_385] {strides = array<i32>} : memref<256x64xf32, #tpu.memory_space<vmem>>, vector<1x16xf32>,
      %swap3A_387 = vector.shape_cast %swap3A_386 : vector<1x16xf32> to vector<16xf32>
      %swap3A_388 = vector.shape_cast %add3A_379 : vector<16xf32> to vector<1x16xf32>
      tpu.vector_store %swap3A_383[%swap3A_384, %swap3A_385], %swap3A_388 {strides = array<i32>} : memref<256x64xf32, #tpu.memory_space<vmem>>, vector<1x16xf32>,
      %get3A_389 = arith.constant 0 : i32
      %get3A_390 = arith.constant 0 : i32
      %get3A_391 = tpu.memref_slice %arg7[%scan3A_58, %get3A_389, %get3A_390] : memref<2x256x64xf32, #tpu.memory_space<vmem>> -> memref<1x256x64xf32, #tpu.memory_space<vmem>>
      %get3A_392 = tpu.memref_squeeze %get3A_391 : memref<1x256x64xf32, #tpu.memory_space<vmem>> -> memref<256x64xf32, #tpu.memory_space<vmem>>
      %get3A_393 = arith.index_cast %scan3A_366 : i32 to index
      %get3A_394 = arith.constant 16 : index
      %get3A_395 = tpu.vector_load %get3A_392[%get3A_393, %get3A_394] {strides = array<i32>} : memref<256x64xf32, #tpu.memory_space<vmem>>, vector<1x16xf32>,
      %get3A_396 = vector.shape_cast %get3A_395 : vector<1x16xf32> to vector<16xf32>
      %get3A_397 = arith.index_cast %scan3A_366 : i32 to index
      %get3A_398 = arith.constant 16 : index
      %get3A_399 = tpu.vector_load %arg8[%get3A_397, %get3A_398] {strides = array<i32>} : memref<256x64xf32, #tpu.memory_space<vmem>>, vector<1x16xf32>,
      %get3A_400 = vector.shape_cast %get3A_399 : vector<1x16xf32> to vector<16xf32>
      %add3A_401 = arith.addf %get3A_396, %get3A_400 : vector<16xf32>
      %swap3A_402 = arith.constant 0 : i32
      %swap3A_403 = arith.constant 0 : i32
      %swap3A_404 = tpu.memref_slice %arg7[%scan3A_58, %swap3A_402, %swap3A_403] : memref<2x256x64xf32, #tpu.memory_space<vmem>> -> memref<1x256x64xf32, #tpu.memory_space<vmem>>
      %swap3A_405 = tpu.memref_squeeze %swap3A_404 : memref<1x256x64xf32, #tpu.memory_space<vmem>> -> memref<256x64xf32, #tpu.memory_space<vmem>>
      %swap3A_406 = arith.index_cast %scan3A_366 : i32 to index
      %swap3A_407 = arith.constant 16 : index
      %swap3A_408 = tpu.vector_load %swap3A_405[%swap3A_406, %swap3A_407] {strides = array<i32>} : memref<256x64xf32, #tpu.memory_space<vmem>>, vector<1x16xf32>,
      %swap3A_409 = vector.shape_cast %swap3A_408 : vector<1x16xf32> to vector<16xf32>
      %swap3A_410 = vector.shape_cast %add3A_401 : vector<16xf32> to vector<1x16xf32>
      tpu.vector_store %swap3A_405[%swap3A_406, %swap3A_407], %swap3A_410 {strides = array<i32>} : memref<256x64xf32, #tpu.memory_space<vmem>>, vector<1x16xf32>,
      %get3A_411 = arith.constant 0 : i32
      %get3A_412 = arith.constant 0 : i32
      %get3A_413 = tpu.memref_slice %arg7[%scan3A_58, %get3A_411, %get3A_412] : memref<2x256x64xf32, #tpu.memory_space<vmem>> -> memref<1x256x64xf32, #tpu.memory_space<vmem>>
      %get3A_414 = tpu.memref_squeeze %get3A_413 : memref<1x256x64xf32, #tpu.memory_space<vmem>> -> memref<256x64xf32, #tpu.memory_space<vmem>>
      %get3A_415 = arith.index_cast %scan3A_366 : i32 to index
      %get3A_416 = arith.constant 32 : index
      %get3A_417 = tpu.vector_load %get3A_414[%get3A_415, %get3A_416] {strides = array<i32>} : memref<256x64xf32, #tpu.memory_space<vmem>>, vector<1x16xf32>,
      %get3A_418 = vector.shape_cast %get3A_417 : vector<1x16xf32> to vector<16xf32>
      %get3A_419 = arith.index_cast %scan3A_366 : i32 to index
      %get3A_420 = arith.constant 32 : index
      %get3A_421 = tpu.vector_load %arg8[%get3A_419, %get3A_420] {strides = array<i32>} : memref<256x64xf32, #tpu.memory_space<vmem>>, vector<1x16xf32>,
      %get3A_422 = vector.shape_cast %get3A_421 : vector<1x16xf32> to vector<16xf32>
      %add3A_423 = arith.addf %get3A_418, %get3A_422 : vector<16xf32>
      %swap3A_424 = arith.constant 0 : i32
      %swap3A_425 = arith.constant 0 : i32
      %swap3A_426 = tpu.memref_slice %arg7[%scan3A_58, %swap3A_424, %swap3A_425] : memref<2x256x64xf32, #tpu.memory_space<vmem>> -> memref<1x256x64xf32, #tpu.memory_space<vmem>>
      %swap3A_427 = tpu.memref_squeeze %swap3A_426 : memref<1x256x64xf32, #tpu.memory_space<vmem>> -> memref<256x64xf32, #tpu.memory_space<vmem>>
      %swap3A_428 = arith.index_cast %scan3A_366 : i32 to index
      %swap3A_429 = arith.constant 32 : index
      %swap3A_430 = tpu.vector_load %swap3A_427[%swap3A_428, %swap3A_429] {strides = array<i32>} : memref<256x64xf32, #tpu.memory_space<vmem>>, vector<1x16xf32>,
      %swap3A_431 = vector.shape_cast %swap3A_430 : vector<1x16xf32> to vector<16xf32>
      %swap3A_432 = vector.shape_cast %add3A_423 : vector<16xf32> to vector<1x16xf32>
      tpu.vector_store %swap3A_427[%swap3A_428, %swap3A_429], %swap3A_432 {strides = array<i32>} : memref<256x64xf32, #tpu.memory_space<vmem>>, vector<1x16xf32>,
      %get3A_433 = arith.constant 0 : i32
      %get3A_434 = arith.constant 0 : i32
      %get3A_435 = tpu.memref_slice %arg7[%scan3A_58, %get3A_433, %get3A_434] : memref<2x256x64xf32, #tpu.memory_space<vmem>> -> memref<1x256x64xf32, #tpu.memory_space<vmem>>
      %get3A_436 = tpu.memref_squeeze %get3A_435 : memref<1x256x64xf32, #tpu.memory_space<vmem>> -> memref<256x64xf32, #tpu.memory_space<vmem>>
      %get3A_437 = arith.index_cast %scan3A_366 : i32 to index
      %get3A_438 = arith.constant 48 : index
      %get3A_439 = tpu.vector_load %get3A_436[%get3A_437, %get3A_438] {strides = array<i32>} : memref<256x64xf32, #tpu.memory_space<vmem>>, vector<1x16xf32>,
      %get3A_440 = vector.shape_cast %get3A_439 : vector<1x16xf32> to vector<16xf32>
      %get3A_441 = arith.index_cast %scan3A_366 : i32 to index
      %get3A_442 = arith.constant 48 : index
      %get3A_443 = tpu.vector_load %arg8[%get3A_441, %get3A_442] {strides = array<i32>} : memref<256x64xf32, #tpu.memory_space<vmem>>, vector<1x16xf32>,
      %get3A_444 = vector.shape_cast %get3A_443 : vector<1x16xf32> to vector<16xf32>
      %add3A_445 = arith.addf %get3A_440, %get3A_444 : vector<16xf32>
      %swap3A_446 = arith.constant 0 : i32
      %swap3A_447 = arith.constant 0 : i32
      %swap3A_448 = tpu.memref_slice %arg7[%scan3A_58, %swap3A_446, %swap3A_447] : memref<2x256x64xf32, #tpu.memory_space<vmem>> -> memref<1x256x64xf32, #tpu.memory_space<vmem>>
      %swap3A_449 = tpu.memref_squeeze %swap3A_448 : memref<1x256x64xf32, #tpu.memory_space<vmem>> -> memref<256x64xf32, #tpu.memory_space<vmem>>
      %swap3A_450 = arith.index_cast %scan3A_366 : i32 to index
      %swap3A_451 = arith.constant 48 : index
      %swap3A_452 = tpu.vector_load %swap3A_449[%swap3A_450, %swap3A_451] {strides = array<i32>} : memref<256x64xf32, #tpu.memory_space<vmem>>, vector<1x16xf32>,
      %swap3A_453 = vector.shape_cast %swap3A_452 : vector<1x16xf32> to vector<16xf32>
      %swap3A_454 = vector.shape_cast %add3A_445 : vector<16xf32> to vector<1x16xf32>
      tpu.vector_store %swap3A_449[%swap3A_450, %swap3A_451], %swap3A_454 {strides = array<i32>} : memref<256x64xf32, #tpu.memory_space<vmem>>, vector<1x16xf32>,
    }
    %scan3A_63 = arith.constant 256 : i32
    %add3A_64 = arith.constant 256 : i32
    %add3A_65 = arith.addi %mul3A_32, %add3A_64 : i32
    %dma_start3A_66 = arith.constant 0 : i32
    %dma_start3A_67 = tpu.memref_slice %arg4[%add3A_65, %dma_start3A_66] : memref<8192x64xf32, #tpu.memory_space<hbm>> -> memref<256x64xf32, #tpu.memory_space<hbm>>
    %dma_start3A_68 = arith.constant 0 : i32
    %dma_start3A_69 = tpu.memref_slice %arg4[%add3A_65, %dma_start3A_68] : memref<8192x64xf32, #tpu.memory_space<hbm>> -> memref<256x64xf32, #tpu.memory_space<hbm>>
    tpu.enqueue_dma source(%dma_start3A_69 : memref<256x64xf32, #tpu.memory_space<hbm>>) target(%arg8 : memref<256x64xf32, #tpu.memory_space<vmem>>) target_semaphore(%arg11 : memref<!tpu.dma_semaphore, #tpu.memory_space<semaphore_mem>>)
    %add3A_70 = arith.constant 0 : i32
    %add3A_71 = arith.addi %mul3A_32, %add3A_70 : i32
    %dma_start3A_72 = arith.constant 0 : i32
    %dma_start3A_73 = arith.constant 0 : i32
    %dma_start3A_74 = arith.constant 0 : i32
    %dma_start3A_75 = tpu.memref_slice %arg7[%dma_start3A_72, %dma_start3A_73, %dma_start3A_74] : memref<2x256x64xf32, #tpu.memory_space<vmem>> -> memref<1x256x64xf32, #tpu.memory_space<vmem>>
    %dma_start3A_76 = tpu.memref_squeeze %dma_start3A_75 : memref<1x256x64xf32, #tpu.memory_space<vmem>> -> memref<256x64xf32, #tpu.memory_space<vmem>>
    %dma_start3A_77 = arith.constant 0 : i32
    %dma_start3A_78 = tpu.memref_slice %arg5[%select_n3A, %add3A_71, %dma_start3A_77] : memref<4x8192x64xf32, #tpu.memory_space<hbm>> -> memref<1x256x64xf32, #tpu.memory_space<hbm>>
    %dma_start3A_79 = tpu.memref_squeeze %dma_start3A_78 : memref<1x256x64xf32, #tpu.memory_space<hbm>> -> memref<256x64xf32, #tpu.memory_space<hbm>>
    %dma_start3A_80 = arith.constant 0 : i32
    %dma_start3A_81 = tpu.memref_slice %arg5[%select_n3A, %add3A_71, %dma_start3A_80] : memref<4x8192x64xf32, #tpu.memory_space<hbm>> -> memref<1x256x64xf32, #tpu.memory_space<hbm>>
    %dma_start3A_82 = tpu.memref_squeeze %dma_start3A_81 : memref<1x256x64xf32, #tpu.memory_space<hbm>> -> memref<256x64xf32, #tpu.memory_space<hbm>>
    %dma_start3A_83 = arith.constant 0 : i32
    %dma_start3A_84 = arith.constant 0 : i32
    %dma_start3A_85 = tpu.memref_slice %arg7[%dma_start3A_72, %dma_start3A_83, %dma_start3A_84] : memref<2x256x64xf32, #tpu.memory_space<vmem>> -> memref<1x256x64xf32, #tpu.memory_space<vmem>>
    %dma_start3A_86 = tpu.memref_squeeze %dma_start3A_85 : memref<1x256x64xf32, #tpu.memory_space<vmem>> -> memref<256x64xf32, #tpu.memory_space<vmem>>
    tpu.enqueue_dma source(%dma_start3A_86 : memref<256x64xf32, #tpu.memory_space<vmem>>) target(%dma_start3A_82 : memref<256x64xf32, #tpu.memory_space<hbm>>) target_semaphore(%arg12 : memref<!tpu.dma_semaphore, #tpu.memory_space<semaphore_mem>>)
    %scan3A_87 = arith.constant 0 : i32
    %scan3A_88 = arith.constant 0 : i32
    %scan3A_89 = arith.constant 16 : i32
    %scan3A_90 = arith.addi %scan3A_88, %scan3A_89 : i32
    %scan3A_91 = arith.constant 1 : i32
    scf.for %scan3A_278 = %scan3A_88 to %scan3A_90 step %scan3A_91  : i32 {
      %mul3A_279 = arith.constant 16 : i32
      %mul3A_280 = arith.muli %scan3A_278, %mul3A_279 : i32
      %add3A_281 = arith.constant 512 : i32
      %add3A_282 = arith.addi %add3A_281, %mul3A_280 : i32
      %get3A = arith.index_cast %add3A_282 : i32 to index
      %get3A_283 = tpu.vector_load %arg6[%get3A] {strides = array<i32>} : memref<1024xi32, #tpu.memory_space<vmem>>, vector<16xi32>,
      %get3A_284 = vector.shape_cast %get3A_283 : vector<16xi32> to vector<16xi32>
      %slice3A = vector.extract_strided_slice %get3A_284 {offsets = [0], sizes = [1], strides = [1]} : vector<16xi32> to vector<1xi32>
      %squeeze3A = vector.extract %slice3A[0] : i32 from vector<1xi32>
      %mul3A_285 = arith.constant 16 : i32
      %mul3A_286 = arith.muli %scan3A_278, %mul3A_285 : i32
      %add3A_287 = arith.constant 0 : i32
      %add3A_288 = arith.addi %mul3A_286, %add3A_287 : i32
      %dma_start3A_289 = arith.constant 0 : i32
      %dma_start3A_290 = arith.constant 0 : i32
      %dma_start3A_291 = tpu.memref_slice %arg7[%scan3A_87, %dma_start3A_289, %dma_start3A_290] : memref<2x256x64xf32, #tpu.memory_space<vmem>> -> memref<1x256x64xf32, #tpu.memory_space<vmem>>
      %dma_start3A_292 = tpu.memref_squeeze %dma_start3A_291 : memref<1x256x64xf32, #tpu.memory_space<vmem>> -> memref<256x64xf32, #tpu.memory_space<vmem>>
      %dma_start3A_293 = arith.constant 0 : i32
      %dma_start3A_294 = tpu.memref_slice %dma_start3A_292[%add3A_288, %dma_start3A_293] : memref<256x64xf32, #tpu.memory_space<vmem>> -> memref<1x64xf32, #tpu.memory_space<vmem>>
      %dma_start3A_295 = tpu.memref_squeeze %dma_start3A_294 : memref<1x64xf32, #tpu.memory_space<vmem>> -> memref<64xf32, #tpu.memory_space<vmem>>
      %dma_start3A_296 = arith.constant 0 : i32
      %dma_start3A_297 = tpu.memref_slice %arg3[%squeeze3A, %dma_start3A_296] : memref<100000x64xf32, #tpu.memory_space<hbm>> -> memref<1x64xf32, #tpu.memory_space<hbm>>
      %dma_start3A_298 = tpu.memref_squeeze %dma_start3A_297 : memref<1x64xf32, #tpu.memory_space<hbm>> -> memref<64xf32, #tpu.memory_space<hbm>>
      %dma_start3A_299 = arith.constant 0 : i32
      %dma_start3A_300 = arith.constant 0 : i32
      %dma_start3A_301 = tpu.memref_slice %arg7[%scan3A_87, %dma_start3A_299, %dma_start3A_300] : memref<2x256x64xf32, #tpu.memory_space<vmem>> -> memref<1x256x64xf32, #tpu.memory_space<vmem>>
      %dma_start3A_302 = tpu.memref_squeeze %dma_start3A_301 : memref<1x256x64xf32, #tpu.memory_space<vmem>> -> memref<256x64xf32, #tpu.memory_space<vmem>>
      %dma_start3A_303 = arith.constant 0 : i32
      %dma_start3A_304 = tpu.memref_slice %dma_start3A_302[%add3A_288, %dma_start3A_303] : memref<256x64xf32, #tpu.memory_space<vmem>> -> memref<1x64xf32, #tpu.memory_space<vmem>>
      %dma_start3A_305 = tpu.memref_squeeze %dma_start3A_304 : memref<1x64xf32, #tpu.memory_space<vmem>> -> memref<64xf32, #tpu.memory_space<vmem>>
      %dma_start3A_306 = arith.constant 0 : i32
      %dma_start3A_307 = tpu.memref_slice %arg3[%squeeze3A, %dma_start3A_306] : memref<100000x64xf32, #tpu.memory_space<hbm>> -> memref<1x64xf32, #tpu.memory_space<hbm>>
      %dma_start3A_308 = tpu.memref_squeeze %dma_start3A_307 : memref<1x64xf32, #tpu.memory_space<hbm>> -> memref<64xf32, #tpu.memory_space<hbm>>
      tpu.enqueue_dma source(%dma_start3A_308 : memref<64xf32, #tpu.memory_space<hbm>>) target(%dma_start3A_305 : memref<64xf32, #tpu.memory_space<vmem>>) target_semaphore(%arg9 : memref<!tpu.dma_semaphore, #tpu.memory_space<semaphore_mem>>)
      %slice3A_309 = vector.extract_strided_slice %get3A_284 {offsets = [1], sizes = [1], strides = [1]} : vector<16xi32> to vector<1xi32>
      %squeeze3A_310 = vector.extract %slice3A_309[0] : i32 from vector<1xi32>
      %mul3A_311 = arith.constant 16 : i32
      %mul3A_312 = arith.muli %scan3A_278, %mul3A_311 : i32
      %add3A_313 = arith.constant 1 : i32
      %add3A_314 = arith.addi %mul3A_312, %add3A_313 : i32
      %dma_start3A_315 = arith.constant 0 : i32
      %dma_start3A_316 = arith.constant 0 : i32
      %dma_start3A_317 = tpu.memref_slice %arg7[%scan3A_87, %dma_start3A_315, %dma_start3A_316] : memref<2x256x64xf32, #tpu.memory_space<vmem>> -> memref<1x256x64xf32, #tpu.memory_space<vmem>>
      %dma_start3A_318 = tpu.memref_squeeze %dma_start3A_317 : memref<1x256x64xf32, #tpu.memory_space<vmem>> -> memref<256x64xf32, #tpu.memory_space<vmem>>
      %dma_start3A_319 = arith.constant 0 : i32
      %dma_start3A_320 = tpu.memref_slice %dma_start3A_318[%add3A_314, %dma_start3A_319] : memref<256x64xf32, #tpu.memory_space<vmem>> -> memref<1x64xf32, #tpu.memory_space<vmem>>
      %dma_start3A_321 = tpu.memref_squeeze %dma_start3A_320 : memref<1x64xf32, #tpu.memory_space<vmem>> -> memref<64xf32, #tpu.memory_space<vmem>>
      %dma_start3A_322 = arith.constant 0 : i32
      %dma_start3A_323 = tpu.memref_slice %arg3[%squeeze3A_310, %dma_start3A_322] : memref<100000x64xf32, #tpu.memory_space<hbm>> -> memref<1x64xf32, #tpu.memory_space<hbm>>
      %dma_start3A_324 = tpu.memref_squeeze %dma_start3A_323 : memref<1x64xf32, #tpu.memory_space<hbm>> -> memref<64xf32, #tpu.memory_space<hbm>>
      %dma_start3A_325 = arith.constant 0 : i32
      %dma_start3A_326 = arith.constant 0 : i32
      %dma_start3A_327 = tpu.memref_slice %arg7[%scan3A_87, %dma_start3A_325, %dma_start3A_326] : memref<2x256x64xf32, #tpu.memory_space<vmem>> -> memref<1x256x64xf32, #tpu.memory_space<vmem>>
      %dma_start3A_328 = tpu.memref_squeeze %dma_start3A_327 : memref<1x256x64xf32, #tpu.memory_space<vmem>> -> memref<256x64xf32, #tpu.memory_space<vmem>>
      %dma_start3A_329 = arith.constant 0 : i32
      %dma_start3A_330 = tpu.memref_slice %dma_start3A_328[%add3A_314, %dma_start3A_329] : memref<256x64xf32, #tpu.memory_space<vmem>> -> memref<1x64xf32, #tpu.memory_space<vmem>>
      %dma_start3A_331 = tpu.memref_squeeze %dma_start3A_330 : memref<1x64xf32, #tpu.memory_space<vmem>> -> memref<64xf32, #tpu.memory_space<vmem>>
      %dma_start3A_332 = arith.constant 0 : i32
      %dma_start3A_333 = tpu.memref_slice %arg3[%squeeze3A_310, %dma_start3A_332] : memref<100000x64xf32, #tpu.memory_space<hbm>> -> memref<1x64xf32, #tpu.memory_space<hbm>>
      %dma_start3A_334 = tpu.memref_squeeze %dma_start3A_333 : memref<1x64xf32, #tpu.memory_space<hbm>> -> memref<64xf32, #tpu.memory_space<hbm>>
      tpu.enqueue_dma source(%dma_start3A_334 : memref<64xf32, #tpu.memory_space<hbm>>) target(%dma_start3A_331 : memref<64xf32, #tpu.memory_space<vmem>>) target_semaphore(%arg9 : memref<!tpu.dma_semaphore, #tpu.memory_space<semaphore_mem>>)
      %slice3A_335 = vector.extract_strided_slice %get3A_284 {offsets = [2], sizes = [1], strides = [1]} : vector<16xi32> to vector<1xi32>
      %squeeze3A_336 = vector.extract %slice3A_335[0] : i32 from vector<1xi32>
      %mul3A_337 = arith.constant 16 : i32
      %mul3A_338 = arith.muli %scan3A_278, %mul3A_337 : i32
      %add3A_339 = arith.constant 2 : i32
      %add3A_340 = arith.addi %mul3A_338, %add3A_339 : i32
      %dma_start3A_341 = arith.constant 0 : i32
      %dma_start3A_342 = arith.constant 0 : i32
      %dma_start3A_343 = tpu.memref_slice %arg7[%scan3A_87, %dma_start3A_341, %dma_start3A_342] : memref<2x256x64xf32, #tpu.memory_space<vmem>> -> memref<1x256x64xf32, #tpu.memory_space<vmem>>
      %dma_start3A_344 = tpu.memref_squeeze %dma_start3A_343 : memref<1x256x64xf32, #tpu.memory_space<vmem>> -> memref<256x64xf32, #tpu.memory_space<vmem>>
      %dma_start3A_345 = arith.constant 0 : i32
      %dma_start3A_346 = tpu.memref_slice %dma_start3A_344[%add3A_340, %dma_start3A_345] : memref<256x64xf32, #tpu.memory_space<vmem>> -> memref<1x64xf32, #tpu.memory_space<vmem>>
      %dma_start3A_347 = tpu.memref_squeeze %dma_start3A_346 : memref<1x64xf32, #tpu.memory_space<vmem>> -> memref<64xf32, #tpu.memory_space<vmem>>
      %dma_start3A_348 = arith.constant 0 : i32
      %dma_start3A_349 = tpu.memref_slice %arg3[%squeeze3A_336, %dma_start3A_348] : memref<100000x64xf32, #tpu.memory_space<hbm>> -> memref<1x64xf32, #tpu.memory_space<hbm>>
      %dma_start3A_350 = tpu.memref_squeeze %dma_start3A_349 : memref<1x64xf32, #tpu.memory_space<hbm>> -> memref<64xf32, #tpu.memory_space<hbm>>
      %dma_start3A_351 = arith.constant 0 : i32
      %dma_start3A_352 = arith.constant 0 : i32
      %dma_start3A_353 = tpu.memref_slice %arg7[%scan3A_87, %dma_start3A_351, %dma_start3A_352] : memref<2x256x64xf32, #tpu.memory_space<vmem>> -> memref<1x256x64xf32, #tpu.memory_space<vmem>>
      %dma_start3A_354 = tpu.memref_squeeze %dma_start3A_353 : memref<1x256x64xf32, #tpu.memory_space<vmem>> -> memref<256x64xf32, #tpu.memory_space<vmem>>
      %dma_start3A_355 = arith.constant 0 : i32
      %dma_start3A_356 = tpu.memref_slice %dma_start3A_354[%add3A_340, %dma_start3A_355] : memref<256x64xf32, #tpu.memory_space<vmem>> -> memref<1x64xf32, #tpu.memory_space<vmem>>
      %dma_start3A_357 = tpu.memref_squeeze %dma_start3A_356 : memref<1x64xf32, #tpu.memory_space<vmem>> -> memref<64xf32, #tpu.memory_space<vmem>>
      %dma_start3A_358 = arith.constant 0 : i32
      %dma_start3A_359 = tpu.memref_slice %arg3[%squeeze3A_336, %dma_start3A_358] : memref<100000x64xf32, #tpu.memory_space<hbm>> -> memref<1x64xf32, #tpu.memory_space<hbm>>
      %dma_start3A_360 = tpu.memref_squeeze %dma_start3A_359 : memref<1x64xf32, #tpu.memory_space<hbm>> -> memref<64xf32, #tpu.memory_space<hbm>>
      tpu.enqueue_dma source(%dma_start3A_360 : memref<64xf32, #tpu.memory_space<hbm>>) target(%dma_start3A_357 : memref<64xf32, #tpu.memory_space<vmem>>) target_semaphore(%arg9 : memref<!tpu.dma_semaphore, #tpu.memory_space<semaphore_mem>>)
      %slice3A_361 = vector.extract_strided_slice %get3A_284 {offsets = [3], sizes = [1], strides = [1]} : vector<16xi32> to vector<1xi32>
      %squeeze3A_362 = vector.extract %slice3A_361[0] : i32 from vector<1xi32>
      %mul3A_363 = arith.constant 16 : i32
      %mul3A_364 = arith.muli %scan3A_278, %mul3A_363 : i32
      %add3A_365 = arith.constant 3 : i32
      %add3A_366 = arith.addi %mul3A_364, %add3A_365 : i32
      %dma_start3A_367 = arith.constant 0 : i32
      %dma_start3A_368 = arith.constant 0 : i32
      %dma_start3A_369 = tpu.memref_slice %arg7[%scan3A_87, %dma_start3A_367, %dma_start3A_368] : memref<2x256x64xf32, #tpu.memory_space<vmem>> -> memref<1x256x64xf32, #tpu.memory_space<vmem>>
      %dma_start3A_370 = tpu.memref_squeeze %dma_start3A_369 : memref<1x256x64xf32, #tpu.memory_space<vmem>> -> memref<256x64xf32, #tpu.memory_space<vmem>>
      %dma_start3A_371 = arith.constant 0 : i32
      %dma_start3A_372 = tpu.memref_slice %dma_start3A_370[%add3A_366, %dma_start3A_371] : memref<256x64xf32, #tpu.memory_space<vmem>> -> memref<1x64xf32, #tpu.memory_space<vmem>>
      %dma_start3A_373 = tpu.memref_squeeze %dma_start3A_372 : memref<1x64xf32, #tpu.memory_space<vmem>> -> memref<64xf32, #tpu.memory_space<vmem>>
      %dma_start3A_374 = arith.constant 0 : i32
      %dma_start3A_375 = tpu.memref_slice %arg3[%squeeze3A_362, %dma_start3A_374] : memref<100000x64xf32, #tpu.memory_space<hbm>> -> memref<1x64xf32, #tpu.memory_space<hbm>>
      %dma_start3A_376 = tpu.memref_squeeze %dma_start3A_375 : memref<1x64xf32, #tpu.memory_space<hbm>> -> memref<64xf32, #tpu.memory_space<hbm>>
      %dma_start3A_377 = arith.constant 0 : i32
      %dma_start3A_378 = arith.constant 0 : i32
      %dma_start3A_379 = tpu.memref_slice %arg7[%scan3A_87, %dma_start3A_377, %dma_start3A_378] : memref<2x256x64xf32, #tpu.memory_space<vmem>> -> memref<1x256x64xf32, #tpu.memory_space<vmem>>
      %dma_start3A_380 = tpu.memref_squeeze %dma_start3A_379 : memref<1x256x64xf32, #tpu.memory_space<vmem>> -> memref<256x64xf32, #tpu.memory_space<vmem>>
      %dma_start3A_381 = arith.constant 0 : i32
      %dma_start3A_382 = tpu.memref_slice %dma_start3A_380[%add3A_366, %dma_start3A_381] : memref<256x64xf32, #tpu.memory_space<vmem>> -> memref<1x64xf32, #tpu.memory_space<vmem>>
      %dma_start3A_383 = tpu.memref_squeeze %dma_start3A_382 : memref<1x64xf32, #tpu.memory_space<vmem>> -> memref<64xf32, #tpu.memory_space<vmem>>
      %dma_start3A_384 = arith.constant 0 : i32
      %dma_start3A_385 = tpu.memref_slice %arg3[%squeeze3A_362, %dma_start3A_384] : memref<100000x64xf32, #tpu.memory_space<hbm>> -> memref<1x64xf32, #tpu.memory_space<hbm>>
      %dma_start3A_386 = tpu.memref_squeeze %dma_start3A_385 : memref<1x64xf32, #tpu.memory_space<hbm>> -> memref<64xf32, #tpu.memory_space<hbm>>
      tpu.enqueue_dma source(%dma_start3A_386 : memref<64xf32, #tpu.memory_space<hbm>>) target(%dma_start3A_383 : memref<64xf32, #tpu.memory_space<vmem>>) target_semaphore(%arg9 : memref<!tpu.dma_semaphore, #tpu.memory_space<semaphore_mem>>)
      %slice3A_387 = vector.extract_strided_slice %get3A_284 {offsets = [4], sizes = [1], strides = [1]} : vector<16xi32> to vector<1xi32>
      %squeeze3A_388 = vector.extract %slice3A_387[0] : i32 from vector<1xi32>
      %mul3A_389 = arith.constant 16 : i32
      %mul3A_390 = arith.muli %scan3A_278, %mul3A_389 : i32
      %add3A_391 = arith.constant 4 : i32
      %add3A_392 = arith.addi %mul3A_390, %add3A_391 : i32
      %dma_start3A_393 = arith.constant 0 : i32
      %dma_start3A_394 = arith.constant 0 : i32
      %dma_start3A_395 = tpu.memref_slice %arg7[%scan3A_87, %dma_start3A_393, %dma_start3A_394] : memref<2x256x64xf32, #tpu.memory_space<vmem>> -> memref<1x256x64xf32, #tpu.memory_space<vmem>>
      %dma_start3A_396 = tpu.memref_squeeze %dma_start3A_395 : memref<1x256x64xf32, #tpu.memory_space<vmem>> -> memref<256x64xf32, #tpu.memory_space<vmem>>
      %dma_start3A_397 = arith.constant 0 : i32
      %dma_start3A_398 = tpu.memref_slice %dma_start3A_396[%add3A_392, %dma_start3A_397] : memref<256x64xf32, #tpu.memory_space<vmem>> -> memref<1x64xf32, #tpu.memory_space<vmem>>
      %dma_start3A_399 = tpu.memref_squeeze %dma_start3A_398 : memref<1x64xf32, #tpu.memory_space<vmem>> -> memref<64xf32, #tpu.memory_space<vmem>>
      %dma_start3A_400 = arith.constant 0 : i32
      %dma_start3A_401 = tpu.memref_slice %arg3[%squeeze3A_388, %dma_start3A_400] : memref<100000x64xf32, #tpu.memory_space<hbm>> -> memref<1x64xf32, #tpu.memory_space<hbm>>
      %dma_start3A_402 = tpu.memref_squeeze %dma_start3A_401 : memref<1x64xf32, #tpu.memory_space<hbm>> -> memref<64xf32, #tpu.memory_space<hbm>>
      %dma_start3A_403 = arith.constant 0 : i32
      %dma_start3A_404 = arith.constant 0 : i32
      %dma_start3A_405 = tpu.memref_slice %arg7[%scan3A_87, %dma_start3A_403, %dma_start3A_404] : memref<2x256x64xf32, #tpu.memory_space<vmem>> -> memref<1x256x64xf32, #tpu.memory_space<vmem>>
      %dma_start3A_406 = tpu.memref_squeeze %dma_start3A_405 : memref<1x256x64xf32, #tpu.memory_space<vmem>> -> memref<256x64xf32, #tpu.memory_space<vmem>>
      %dma_start3A_407 = arith.constant 0 : i32
      %dma_start3A_408 = tpu.memref_slice %dma_start3A_406[%add3A_392, %dma_start3A_407] : memref<256x64xf32, #tpu.memory_space<vmem>> -> memref<1x64xf32, #tpu.memory_space<vmem>>
      %dma_start3A_409 = tpu.memref_squeeze %dma_start3A_408 : memref<1x64xf32, #tpu.memory_space<vmem>> -> memref<64xf32, #tpu.memory_space<vmem>>
      %dma_start3A_410 = arith.constant 0 : i32
      %dma_start3A_411 = tpu.memref_slice %arg3[%squeeze3A_388, %dma_start3A_410] : memref<100000x64xf32, #tpu.memory_space<hbm>> -> memref<1x64xf32, #tpu.memory_space<hbm>>
      %dma_start3A_412 = tpu.memref_squeeze %dma_start3A_411 : memref<1x64xf32, #tpu.memory_space<hbm>> -> memref<64xf32, #tpu.memory_space<hbm>>
      tpu.enqueue_dma source(%dma_start3A_412 : memref<64xf32, #tpu.memory_space<hbm>>) target(%dma_start3A_409 : memref<64xf32, #tpu.memory_space<vmem>>) target_semaphore(%arg9 : memref<!tpu.dma_semaphore, #tpu.memory_space<semaphore_mem>>)
      %slice3A_413 = vector.extract_strided_slice %get3A_284 {offsets = [5], sizes = [1], strides = [1]} : vector<16xi32> to vector<1xi32>
      %squeeze3A_414 = vector.extract %slice3A_413[0] : i32 from vector<1xi32>
      %mul3A_415 = arith.constant 16 : i32
      %mul3A_416 = arith.muli %scan3A_278, %mul3A_415 : i32
      %add3A_417 = arith.constant 5 : i32
      %add3A_418 = arith.addi %mul3A_416, %add3A_417 : i32
      %dma_start3A_419 = arith.constant 0 : i32
      %dma_start3A_420 = arith.constant 0 : i32
      %dma_start3A_421 = tpu.memref_slice %arg7[%scan3A_87, %dma_start3A_419, %dma_start3A_420] : memref<2x256x64xf32, #tpu.memory_space<vmem>> -> memref<1x256x64xf32, #tpu.memory_space<vmem>>
      %dma_start3A_422 = tpu.memref_squeeze %dma_start3A_421 : memref<1x256x64xf32, #tpu.memory_space<vmem>> -> memref<256x64xf32, #tpu.memory_space<vmem>>
      %dma_start3A_423 = arith.constant 0 : i32
      %dma_start3A_424 = tpu.memref_slice %dma_start3A_422[%add3A_418, %dma_start3A_423] : memref<256x64xf32, #tpu.memory_space<vmem>> -> memref<1x64xf32, #tpu.memory_space<vmem>>
      %dma_start3A_425 = tpu.memref_squeeze %dma_start3A_424 : memref<1x64xf32, #tpu.memory_space<vmem>> -> memref<64xf32, #tpu.memory_space<vmem>>
      %dma_start3A_426 = arith.constant 0 : i32
      %dma_start3A_427 = tpu.memref_slice %arg3[%squeeze3A_414, %dma_start3A_426] : memref<100000x64xf32, #tpu.memory_space<hbm>> -> memref<1x64xf32, #tpu.memory_space<hbm>>
      %dma_start3A_428 = tpu.memref_squeeze %dma_start3A_427 : memref<1x64xf32, #tpu.memory_space<hbm>> -> memref<64xf32, #tpu.memory_space<hbm>>
      %dma_start3A_429 = arith.constant 0 : i32
      %dma_start3A_430 = arith.constant 0 : i32
      %dma_start3A_431 = tpu.memref_slice %arg7[%scan3A_87, %dma_start3A_429, %dma_start3A_430] : memref<2x256x64xf32, #tpu.memory_space<vmem>> -> memref<1x256x64xf32, #tpu.memory_space<vmem>>
      %dma_start3A_432 = tpu.memref_squeeze %dma_start3A_431 : memref<1x256x64xf32, #tpu.memory_space<vmem>> -> memref<256x64xf32, #tpu.memory_space<vmem>>
      %dma_start3A_433 = arith.constant 0 : i32
      %dma_start3A_434 = tpu.memref_slice %dma_start3A_432[%add3A_418, %dma_start3A_433] : memref<256x64xf32, #tpu.memory_space<vmem>> -> memref<1x64xf32, #tpu.memory_space<vmem>>
      %dma_start3A_435 = tpu.memref_squeeze %dma_start3A_434 : memref<1x64xf32, #tpu.memory_space<vmem>> -> memref<64xf32, #tpu.memory_space<vmem>>
      %dma_start3A_436 = arith.constant 0 : i32
      %dma_start3A_437 = tpu.memref_slice %arg3[%squeeze3A_414, %dma_start3A_436] : memref<100000x64xf32, #tpu.memory_space<hbm>> -> memref<1x64xf32, #tpu.memory_space<hbm>>
      %dma_start3A_438 = tpu.memref_squeeze %dma_start3A_437 : memref<1x64xf32, #tpu.memory_space<hbm>> -> memref<64xf32, #tpu.memory_space<hbm>>
      tpu.enqueue_dma source(%dma_start3A_438 : memref<64xf32, #tpu.memory_space<hbm>>) target(%dma_start3A_435 : memref<64xf32, #tpu.memory_space<vmem>>) target_semaphore(%arg9 : memref<!tpu.dma_semaphore, #tpu.memory_space<semaphore_mem>>)
      %slice3A_439 = vector.extract_strided_slice %get3A_284 {offsets = [6], sizes = [1], strides = [1]} : vector<16xi32> to vector<1xi32>
      %squeeze3A_440 = vector.extract %slice3A_439[0] : i32 from vector<1xi32>
      %mul3A_441 = arith.constant 16 : i32
      %mul3A_442 = arith.muli %scan3A_278, %mul3A_441 : i32
      %add3A_443 = arith.constant 6 : i32
      %add3A_444 = arith.addi %mul3A_442, %add3A_443 : i32
      %dma_start3A_445 = arith.constant 0 : i32
      %dma_start3A_446 = arith.constant 0 : i32
      %dma_start3A_447 = tpu.memref_slice %arg7[%scan3A_87, %dma_start3A_445, %dma_start3A_446] : memref<2x256x64xf32, #tpu.memory_space<vmem>> -> memref<1x256x64xf32, #tpu.memory_space<vmem>>
      %dma_start3A_448 = tpu.memref_squeeze %dma_start3A_447 : memref<1x256x64xf32, #tpu.memory_space<vmem>> -> memref<256x64xf32, #tpu.memory_space<vmem>>
      %dma_start3A_449 = arith.constant 0 : i32
      %dma_start3A_450 = tpu.memref_slice %dma_start3A_448[%add3A_444, %dma_start3A_449] : memref<256x64xf32, #tpu.memory_space<vmem>> -> memref<1x64xf32, #tpu.memory_space<vmem>>
      %dma_start3A_451 = tpu.memref_squeeze %dma_start3A_450 : memref<1x64xf32, #tpu.memory_space<vmem>> -> memref<64xf32, #tpu.memory_space<vmem>>
      %dma_start3A_452 = arith.constant 0 : i32
      %dma_start3A_453 = tpu.memref_slice %arg3[%squeeze3A_440, %dma_start3A_452] : memref<100000x64xf32, #tpu.memory_space<hbm>> -> memref<1x64xf32, #tpu.memory_space<hbm>>
      %dma_start3A_454 = tpu.memref_squeeze %dma_start3A_453 : memref<1x64xf32, #tpu.memory_space<hbm>> -> memref<64xf32, #tpu.memory_space<hbm>>
      %dma_start3A_455 = arith.constant 0 : i32
      %dma_start3A_456 = arith.constant 0 : i32
      %dma_start3A_457 = tpu.memref_slice %arg7[%scan3A_87, %dma_start3A_455, %dma_start3A_456] : memref<2x256x64xf32, #tpu.memory_space<vmem>> -> memref<1x256x64xf32, #tpu.memory_space<vmem>>
      %dma_start3A_458 = tpu.memref_squeeze %dma_start3A_457 : memref<1x256x64xf32, #tpu.memory_space<vmem>> -> memref<256x64xf32, #tpu.memory_space<vmem>>
      %dma_start3A_459 = arith.constant 0 : i32
      %dma_start3A_460 = tpu.memref_slice %dma_start3A_458[%add3A_444, %dma_start3A_459] : memref<256x64xf32, #tpu.memory_space<vmem>> -> memref<1x64xf32, #tpu.memory_space<vmem>>
      %dma_start3A_461 = tpu.memref_squeeze %dma_start3A_460 : memref<1x64xf32, #tpu.memory_space<vmem>> -> memref<64xf32, #tpu.memory_space<vmem>>
      %dma_start3A_462 = arith.constant 0 : i32
      %dma_start3A_463 = tpu.memref_slice %arg3[%squeeze3A_440, %dma_start3A_462] : memref<100000x64xf32, #tpu.memory_space<hbm>> -> memref<1x64xf32, #tpu.memory_space<hbm>>
      %dma_start3A_464 = tpu.memref_squeeze %dma_start3A_463 : memref<1x64xf32, #tpu.memory_space<hbm>> -> memref<64xf32, #tpu.memory_space<hbm>>
      tpu.enqueue_dma source(%dma_start3A_464 : memref<64xf32, #tpu.memory_space<hbm>>) target(%dma_start3A_461 : memref<64xf32, #tpu.memory_space<vmem>>) target_semaphore(%arg9 : memref<!tpu.dma_semaphore, #tpu.memory_space<semaphore_mem>>)
      %slice3A_465 = vector.extract_strided_slice %get3A_284 {offsets = [7], sizes = [1], strides = [1]} : vector<16xi32> to vector<1xi32>
      %squeeze3A_466 = vector.extract %slice3A_465[0] : i32 from vector<1xi32>
      %mul3A_467 = arith.constant 16 : i32
      %mul3A_468 = arith.muli %scan3A_278, %mul3A_467 : i32
      %add3A_469 = arith.constant 7 : i32
      %add3A_470 = arith.addi %mul3A_468, %add3A_469 : i32
      %dma_start3A_471 = arith.constant 0 : i32
      %dma_start3A_472 = arith.constant 0 : i32
      %dma_start3A_473 = tpu.memref_slice %arg7[%scan3A_87, %dma_start3A_471, %dma_start3A_472] : memref<2x256x64xf32, #tpu.memory_space<vmem>> -> memref<1x256x64xf32, #tpu.memory_space<vmem>>
      %dma_start3A_474 = tpu.memref_squeeze %dma_start3A_473 : memref<1x256x64xf32, #tpu.memory_space<vmem>> -> memref<256x64xf32, #tpu.memory_space<vmem>>
      %dma_start3A_475 = arith.constant 0 : i32
      %dma_start3A_476 = tpu.memref_slice %dma_start3A_474[%add3A_470, %dma_start3A_475] : memref<256x64xf32, #tpu.memory_space<vmem>> -> memref<1x64xf32, #tpu.memory_space<vmem>>
      %dma_start3A_477 = tpu.memref_squeeze %dma_start3A_476 : memref<1x64xf32, #tpu.memory_space<vmem>> -> memref<64xf32, #tpu.memory_space<vmem>>
      %dma_start3A_478 = arith.constant 0 : i32
      %dma_start3A_479 = tpu.memref_slice %arg3[%squeeze3A_466, %dma_start3A_478] : memref<100000x64xf32, #tpu.memory_space<hbm>> -> memref<1x64xf32, #tpu.memory_space<hbm>>
      %dma_start3A_480 = tpu.memref_squeeze %dma_start3A_479 : memref<1x64xf32, #tpu.memory_space<hbm>> -> memref<64xf32, #tpu.memory_space<hbm>>
      %dma_start3A_481 = arith.constant 0 : i32
      %dma_start3A_482 = arith.constant 0 : i32
      %dma_start3A_483 = tpu.memref_slice %arg7[%scan3A_87, %dma_start3A_481, %dma_start3A_482] : memref<2x256x64xf32, #tpu.memory_space<vmem>> -> memref<1x256x64xf32, #tpu.memory_space<vmem>>
      %dma_start3A_484 = tpu.memref_squeeze %dma_start3A_483 : memref<1x256x64xf32, #tpu.memory_space<vmem>> -> memref<256x64xf32, #tpu.memory_space<vmem>>
      %dma_start3A_485 = arith.constant 0 : i32
      %dma_start3A_486 = tpu.memref_slice %dma_start3A_484[%add3A_470, %dma_start3A_485] : memref<256x64xf32, #tpu.memory_space<vmem>> -> memref<1x64xf32, #tpu.memory_space<vmem>>
      %dma_start3A_487 = tpu.memref_squeeze %dma_start3A_486 : memref<1x64xf32, #tpu.memory_space<vmem>> -> memref<64xf32, #tpu.memory_space<vmem>>
      %dma_start3A_488 = arith.constant 0 : i32
      %dma_start3A_489 = tpu.memref_slice %arg3[%squeeze3A_466, %dma_start3A_488] : memref<100000x64xf32, #tpu.memory_space<hbm>> -> memref<1x64xf32, #tpu.memory_space<hbm>>
      %dma_start3A_490 = tpu.memref_squeeze %dma_start3A_489 : memref<1x64xf32, #tpu.memory_space<hbm>> -> memref<64xf32, #tpu.memory_space<hbm>>
      tpu.enqueue_dma source(%dma_start3A_490 : memref<64xf32, #tpu.memory_space<hbm>>) target(%dma_start3A_487 : memref<64xf32, #tpu.memory_space<vmem>>) target_semaphore(%arg9 : memref<!tpu.dma_semaphore, #tpu.memory_space<semaphore_mem>>)
      %slice3A_491 = vector.extract_strided_slice %get3A_284 {offsets = [8], sizes = [1], strides = [1]} : vector<16xi32> to vector<1xi32>
      %squeeze3A_492 = vector.extract %slice3A_491[0] : i32 from vector<1xi32>
      %mul3A_493 = arith.constant 16 : i32
      %mul3A_494 = arith.muli %scan3A_278, %mul3A_493 : i32
      %add3A_495 = arith.constant 8 : i32
      %add3A_496 = arith.addi %mul3A_494, %add3A_495 : i32
      %dma_start3A_497 = arith.constant 0 : i32
      %dma_start3A_498 = arith.constant 0 : i32
      %dma_start3A_499 = tpu.memref_slice %arg7[%scan3A_87, %dma_start3A_497, %dma_start3A_498] : memref<2x256x64xf32, #tpu.memory_space<vmem>> -> memref<1x256x64xf32, #tpu.memory_space<vmem>>
      %dma_start3A_500 = tpu.memref_squeeze %dma_start3A_499 : memref<1x256x64xf32, #tpu.memory_space<vmem>> -> memref<256x64xf32, #tpu.memory_space<vmem>>
      %dma_start3A_501 = arith.constant 0 : i32
      %dma_start3A_502 = tpu.memref_slice %dma_start3A_500[%add3A_496, %dma_start3A_501] : memref<256x64xf32, #tpu.memory_space<vmem>> -> memref<1x64xf32, #tpu.memory_space<vmem>>
      %dma_start3A_503 = tpu.memref_squeeze %dma_start3A_502 : memref<1x64xf32, #tpu.memory_space<vmem>> -> memref<64xf32, #tpu.memory_space<vmem>>
      %dma_start3A_504 = arith.constant 0 : i32
      %dma_start3A_505 = tpu.memref_slice %arg3[%squeeze3A_492, %dma_start3A_504] : memref<100000x64xf32, #tpu.memory_space<hbm>> -> memref<1x64xf32, #tpu.memory_space<hbm>>
      %dma_start3A_506 = tpu.memref_squeeze %dma_start3A_505 : memref<1x64xf32, #tpu.memory_space<hbm>> -> memref<64xf32, #tpu.memory_space<hbm>>
      %dma_start3A_507 = arith.constant 0 : i32
      %dma_start3A_508 = arith.constant 0 : i32
      %dma_start3A_509 = tpu.memref_slice %arg7[%scan3A_87, %dma_start3A_507, %dma_start3A_508] : memref<2x256x64xf32, #tpu.memory_space<vmem>> -> memref<1x256x64xf32, #tpu.memory_space<vmem>>
      %dma_start3A_510 = tpu.memref_squeeze %dma_start3A_509 : memref<1x256x64xf32, #tpu.memory_space<vmem>> -> memref<256x64xf32, #tpu.memory_space<vmem>>
      %dma_start3A_511 = arith.constant 0 : i32
      %dma_start3A_512 = tpu.memref_slice %dma_start3A_510[%add3A_496, %dma_start3A_511] : memref<256x64xf32, #tpu.memory_space<vmem>> -> memref<1x64xf32, #tpu.memory_space<vmem>>
      %dma_start3A_513 = tpu.memref_squeeze %dma_start3A_512 : memref<1x64xf32, #tpu.memory_space<vmem>> -> memref<64xf32, #tpu.memory_space<vmem>>
      %dma_start3A_514 = arith.constant 0 : i32
      %dma_start3A_515 = tpu.memref_slice %arg3[%squeeze3A_492, %dma_start3A_514] : memref<100000x64xf32, #tpu.memory_space<hbm>> -> memref<1x64xf32, #tpu.memory_space<hbm>>
      %dma_start3A_516 = tpu.memref_squeeze %dma_start3A_515 : memref<1x64xf32, #tpu.memory_space<hbm>> -> memref<64xf32, #tpu.memory_space<hbm>>
      tpu.enqueue_dma source(%dma_start3A_516 : memref<64xf32, #tpu.memory_space<hbm>>) target(%dma_start3A_513 : memref<64xf32, #tpu.memory_space<vmem>>) target_semaphore(%arg9 : memref<!tpu.dma_semaphore, #tpu.memory_space<semaphore_mem>>)
      %slice3A_517 = vector.extract_strided_slice %get3A_284 {offsets = [9], sizes = [1], strides = [1]} : vector<16xi32> to vector<1xi32>
      %squeeze3A_518 = vector.extract %slice3A_517[0] : i32 from vector<1xi32>
      %mul3A_519 = arith.constant 16 : i32
      %mul3A_520 = arith.muli %scan3A_278, %mul3A_519 : i32
      %add3A_521 = arith.constant 9 : i32
      %add3A_522 = arith.addi %mul3A_520, %add3A_521 : i32
      %dma_start3A_523 = arith.constant 0 : i32
      %dma_start3A_524 = arith.constant 0 : i32
      %dma_start3A_525 = tpu.memref_slice %arg7[%scan3A_87, %dma_start3A_523, %dma_start3A_524] : memref<2x256x64xf32, #tpu.memory_space<vmem>> -> memref<1x256x64xf32, #tpu.memory_space<vmem>>
      %dma_start3A_526 = tpu.memref_squeeze %dma_start3A_525 : memref<1x256x64xf32, #tpu.memory_space<vmem>> -> memref<256x64xf32, #tpu.memory_space<vmem>>
      %dma_start3A_527 = arith.constant 0 : i32
      %dma_start3A_528 = tpu.memref_slice %dma_start3A_526[%add3A_522, %dma_start3A_527] : memref<256x64xf32, #tpu.memory_space<vmem>> -> memref<1x64xf32, #tpu.memory_space<vmem>>
      %dma_start3A_529 = tpu.memref_squeeze %dma_start3A_528 : memref<1x64xf32, #tpu.memory_space<vmem>> -> memref<64xf32, #tpu.memory_space<vmem>>
      %dma_start3A_530 = arith.constant 0 : i32
      %dma_start3A_531 = tpu.memref_slice %arg3[%squeeze3A_518, %dma_start3A_530] : memref<100000x64xf32, #tpu.memory_space<hbm>> -> memref<1x64xf32, #tpu.memory_space<hbm>>
      %dma_start3A_532 = tpu.memref_squeeze %dma_start3A_531 : memref<1x64xf32, #tpu.memory_space<hbm>> -> memref<64xf32, #tpu.memory_space<hbm>>
      %dma_start3A_533 = arith.constant 0 : i32
      %dma_start3A_534 = arith.constant 0 : i32
      %dma_start3A_535 = tpu.memref_slice %arg7[%scan3A_87, %dma_start3A_533, %dma_start3A_534] : memref<2x256x64xf32, #tpu.memory_space<vmem>> -> memref<1x256x64xf32, #tpu.memory_space<vmem>>
      %dma_start3A_536 = tpu.memref_squeeze %dma_start3A_535 : memref<1x256x64xf32, #tpu.memory_space<vmem>> -> memref<256x64xf32, #tpu.memory_space<vmem>>
      %dma_start3A_537 = arith.constant 0 : i32
      %dma_start3A_538 = tpu.memref_slice %dma_start3A_536[%add3A_522, %dma_start3A_537] : memref<256x64xf32, #tpu.memory_space<vmem>> -> memref<1x64xf32, #tpu.memory_space<vmem>>
      %dma_start3A_539 = tpu.memref_squeeze %dma_start3A_538 : memref<1x64xf32, #tpu.memory_space<vmem>> -> memref<64xf32, #tpu.memory_space<vmem>>
      %dma_start3A_540 = arith.constant 0 : i32
      %dma_start3A_541 = tpu.memref_slice %arg3[%squeeze3A_518, %dma_start3A_540] : memref<100000x64xf32, #tpu.memory_space<hbm>> -> memref<1x64xf32, #tpu.memory_space<hbm>>
      %dma_start3A_542 = tpu.memref_squeeze %dma_start3A_541 : memref<1x64xf32, #tpu.memory_space<hbm>> -> memref<64xf32, #tpu.memory_space<hbm>>
      tpu.enqueue_dma source(%dma_start3A_542 : memref<64xf32, #tpu.memory_space<hbm>>) target(%dma_start3A_539 : memref<64xf32, #tpu.memory_space<vmem>>) target_semaphore(%arg9 : memref<!tpu.dma_semaphore, #tpu.memory_space<semaphore_mem>>)
      %slice3A_543 = vector.extract_strided_slice %get3A_284 {offsets = [10], sizes = [1], strides = [1]} : vector<16xi32> to vector<1xi32>
      %squeeze3A_544 = vector.extract %slice3A_543[0] : i32 from vector<1xi32>
      %mul3A_545 = arith.constant 16 : i32
      %mul3A_546 = arith.muli %scan3A_278, %mul3A_545 : i32
      %add3A_547 = arith.constant 10 : i32
      %add3A_548 = arith.addi %mul3A_546, %add3A_547 : i32
      %dma_start3A_549 = arith.constant 0 : i32
      %dma_start3A_550 = arith.constant 0 : i32
      %dma_start3A_551 = tpu.memref_slice %arg7[%scan3A_87, %dma_start3A_549, %dma_start3A_550] : memref<2x256x64xf32, #tpu.memory_space<vmem>> -> memref<1x256x64xf32, #tpu.memory_space<vmem>>
      %dma_start3A_552 = tpu.memref_squeeze %dma_start3A_551 : memref<1x256x64xf32, #tpu.memory_space<vmem>> -> memref<256x64xf32, #tpu.memory_space<vmem>>
      %dma_start3A_553 = arith.constant 0 : i32
      %dma_start3A_554 = tpu.memref_slice %dma_start3A_552[%add3A_548, %dma_start3A_553] : memref<256x64xf32, #tpu.memory_space<vmem>> -> memref<1x64xf32, #tpu.memory_space<vmem>>
      %dma_start3A_555 = tpu.memref_squeeze %dma_start3A_554 : memref<1x64xf32, #tpu.memory_space<vmem>> -> memref<64xf32, #tpu.memory_space<vmem>>
      %dma_start3A_556 = arith.constant 0 : i32
      %dma_start3A_557 = tpu.memref_slice %arg3[%squeeze3A_544, %dma_start3A_556] : memref<100000x64xf32, #tpu.memory_space<hbm>> -> memref<1x64xf32, #tpu.memory_space<hbm>>
      %dma_start3A_558 = tpu.memref_squeeze %dma_start3A_557 : memref<1x64xf32, #tpu.memory_space<hbm>> -> memref<64xf32, #tpu.memory_space<hbm>>
      %dma_start3A_559 = arith.constant 0 : i32
      %dma_start3A_560 = arith.constant 0 : i32
      %dma_start3A_561 = tpu.memref_slice %arg7[%scan3A_87, %dma_start3A_559, %dma_start3A_560] : memref<2x256x64xf32, #tpu.memory_space<vmem>> -> memref<1x256x64xf32, #tpu.memory_space<vmem>>
      %dma_start3A_562 = tpu.memref_squeeze %dma_start3A_561 : memref<1x256x64xf32, #tpu.memory_space<vmem>> -> memref<256x64xf32, #tpu.memory_space<vmem>>
      %dma_start3A_563 = arith.constant 0 : i32
      %dma_start3A_564 = tpu.memref_slice %dma_start3A_562[%add3A_548, %dma_start3A_563] : memref<256x64xf32, #tpu.memory_space<vmem>> -> memref<1x64xf32, #tpu.memory_space<vmem>>
      %dma_start3A_565 = tpu.memref_squeeze %dma_start3A_564 : memref<1x64xf32, #tpu.memory_space<vmem>> -> memref<64xf32, #tpu.memory_space<vmem>>
      %dma_start3A_566 = arith.constant 0 : i32
      %dma_start3A_567 = tpu.memref_slice %arg3[%squeeze3A_544, %dma_start3A_566] : memref<100000x64xf32, #tpu.memory_space<hbm>> -> memref<1x64xf32, #tpu.memory_space<hbm>>
      %dma_start3A_568 = tpu.memref_squeeze %dma_start3A_567 : memref<1x64xf32, #tpu.memory_space<hbm>> -> memref<64xf32, #tpu.memory_space<hbm>>
      tpu.enqueue_dma source(%dma_start3A_568 : memref<64xf32, #tpu.memory_space<hbm>>) target(%dma_start3A_565 : memref<64xf32, #tpu.memory_space<vmem>>) target_semaphore(%arg9 : memref<!tpu.dma_semaphore, #tpu.memory_space<semaphore_mem>>)
      %slice3A_569 = vector.extract_strided_slice %get3A_284 {offsets = [11], sizes = [1], strides = [1]} : vector<16xi32> to vector<1xi32>
      %squeeze3A_570 = vector.extract %slice3A_569[0] : i32 from vector<1xi32>
      %mul3A_571 = arith.constant 16 : i32
      %mul3A_572 = arith.muli %scan3A_278, %mul3A_571 : i32
      %add3A_573 = arith.constant 11 : i32
      %add3A_574 = arith.addi %mul3A_572, %add3A_573 : i32
      %dma_start3A_575 = arith.constant 0 : i32
      %dma_start3A_576 = arith.constant 0 : i32
      %dma_start3A_577 = tpu.memref_slice %arg7[%scan3A_87, %dma_start3A_575, %dma_start3A_576] : memref<2x256x64xf32, #tpu.memory_space<vmem>> -> memref<1x256x64xf32, #tpu.memory_space<vmem>>
      %dma_start3A_578 = tpu.memref_squeeze %dma_start3A_577 : memref<1x256x64xf32, #tpu.memory_space<vmem>> -> memref<256x64xf32, #tpu.memory_space<vmem>>
      %dma_start3A_579 = arith.constant 0 : i32
      %dma_start3A_580 = tpu.memref_slice %dma_start3A_578[%add3A_574, %dma_start3A_579] : memref<256x64xf32, #tpu.memory_space<vmem>> -> memref<1x64xf32, #tpu.memory_space<vmem>>
      %dma_start3A_581 = tpu.memref_squeeze %dma_start3A_580 : memref<1x64xf32, #tpu.memory_space<vmem>> -> memref<64xf32, #tpu.memory_space<vmem>>
      %dma_start3A_582 = arith.constant 0 : i32
      %dma_start3A_583 = tpu.memref_slice %arg3[%squeeze3A_570, %dma_start3A_582] : memref<100000x64xf32, #tpu.memory_space<hbm>> -> memref<1x64xf32, #tpu.memory_space<hbm>>
      %dma_start3A_584 = tpu.memref_squeeze %dma_start3A_583 : memref<1x64xf32, #tpu.memory_space<hbm>> -> memref<64xf32, #tpu.memory_space<hbm>>
      %dma_start3A_585 = arith.constant 0 : i32
      %dma_start3A_586 = arith.constant 0 : i32
      %dma_start3A_587 = tpu.memref_slice %arg7[%scan3A_87, %dma_start3A_585, %dma_start3A_586] : memref<2x256x64xf32, #tpu.memory_space<vmem>> -> memref<1x256x64xf32, #tpu.memory_space<vmem>>
      %dma_start3A_588 = tpu.memref_squeeze %dma_start3A_587 : memref<1x256x64xf32, #tpu.memory_space<vmem>> -> memref<256x64xf32, #tpu.memory_space<vmem>>
      %dma_start3A_589 = arith.constant 0 : i32
      %dma_start3A_590 = tpu.memref_slice %dma_start3A_588[%add3A_574, %dma_start3A_589] : memref<256x64xf32, #tpu.memory_space<vmem>> -> memref<1x64xf32, #tpu.memory_space<vmem>>
      %dma_start3A_591 = tpu.memref_squeeze %dma_start3A_590 : memref<1x64xf32, #tpu.memory_space<vmem>> -> memref<64xf32, #tpu.memory_space<vmem>>
      %dma_start3A_592 = arith.constant 0 : i32
      %dma_start3A_593 = tpu.memref_slice %arg3[%squeeze3A_570, %dma_start3A_592] : memref<100000x64xf32, #tpu.memory_space<hbm>> -> memref<1x64xf32, #tpu.memory_space<hbm>>
      %dma_start3A_594 = tpu.memref_squeeze %dma_start3A_593 : memref<1x64xf32, #tpu.memory_space<hbm>> -> memref<64xf32, #tpu.memory_space<hbm>>
      tpu.enqueue_dma source(%dma_start3A_594 : memref<64xf32, #tpu.memory_space<hbm>>) target(%dma_start3A_591 : memref<64xf32, #tpu.memory_space<vmem>>) target_semaphore(%arg9 : memref<!tpu.dma_semaphore, #tpu.memory_space<semaphore_mem>>)
      %slice3A_595 = vector.extract_strided_slice %get3A_284 {offsets = [12], sizes = [1], strides = [1]} : vector<16xi32> to vector<1xi32>
      %squeeze3A_596 = vector.extract %slice3A_595[0] : i32 from vector<1xi32>
      %mul3A_597 = arith.constant 16 : i32
      %mul3A_598 = arith.muli %scan3A_278, %mul3A_597 : i32
      %add3A_599 = arith.constant 12 : i32
      %add3A_600 = arith.addi %mul3A_598, %add3A_599 : i32
      %dma_start3A_601 = arith.constant 0 : i32
      %dma_start3A_602 = arith.constant 0 : i32
      %dma_start3A_603 = tpu.memref_slice %arg7[%scan3A_87, %dma_start3A_601, %dma_start3A_602] : memref<2x256x64xf32, #tpu.memory_space<vmem>> -> memref<1x256x64xf32, #tpu.memory_space<vmem>>
      %dma_start3A_604 = tpu.memref_squeeze %dma_start3A_603 : memref<1x256x64xf32, #tpu.memory_space<vmem>> -> memref<256x64xf32, #tpu.memory_space<vmem>>
      %dma_start3A_605 = arith.constant 0 : i32
      %dma_start3A_606 = tpu.memref_slice %dma_start3A_604[%add3A_600, %dma_start3A_605] : memref<256x64xf32, #tpu.memory_space<vmem>> -> memref<1x64xf32, #tpu.memory_space<vmem>>
      %dma_start3A_607 = tpu.memref_squeeze %dma_start3A_606 : memref<1x64xf32, #tpu.memory_space<vmem>> -> memref<64xf32, #tpu.memory_space<vmem>>
      %dma_start3A_608 = arith.constant 0 : i32
      %dma_start3A_609 = tpu.memref_slice %arg3[%squeeze3A_596, %dma_start3A_608] : memref<100000x64xf32, #tpu.memory_space<hbm>> -> memref<1x64xf32, #tpu.memory_space<hbm>>
      %dma_start3A_610 = tpu.memref_squeeze %dma_start3A_609 : memref<1x64xf32, #tpu.memory_space<hbm>> -> memref<64xf32, #tpu.memory_space<hbm>>
      %dma_start3A_611 = arith.constant 0 : i32
      %dma_start3A_612 = arith.constant 0 : i32
      %dma_start3A_613 = tpu.memref_slice %arg7[%scan3A_87, %dma_start3A_611, %dma_start3A_612] : memref<2x256x64xf32, #tpu.memory_space<vmem>> -> memref<1x256x64xf32, #tpu.memory_space<vmem>>
      %dma_start3A_614 = tpu.memref_squeeze %dma_start3A_613 : memref<1x256x64xf32, #tpu.memory_space<vmem>> -> memref<256x64xf32, #tpu.memory_space<vmem>>
      %dma_start3A_615 = arith.constant 0 : i32
      %dma_start3A_616 = tpu.memref_slice %dma_start3A_614[%add3A_600, %dma_start3A_615] : memref<256x64xf32, #tpu.memory_space<vmem>> -> memref<1x64xf32, #tpu.memory_space<vmem>>
      %dma_start3A_617 = tpu.memref_squeeze %dma_start3A_616 : memref<1x64xf32, #tpu.memory_space<vmem>> -> memref<64xf32, #tpu.memory_space<vmem>>
      %dma_start3A_618 = arith.constant 0 : i32
      %dma_start3A_619 = tpu.memref_slice %arg3[%squeeze3A_596, %dma_start3A_618] : memref<100000x64xf32, #tpu.memory_space<hbm>> -> memref<1x64xf32, #tpu.memory_space<hbm>>
      %dma_start3A_620 = tpu.memref_squeeze %dma_start3A_619 : memref<1x64xf32, #tpu.memory_space<hbm>> -> memref<64xf32, #tpu.memory_space<hbm>>
      tpu.enqueue_dma source(%dma_start3A_620 : memref<64xf32, #tpu.memory_space<hbm>>) target(%dma_start3A_617 : memref<64xf32, #tpu.memory_space<vmem>>) target_semaphore(%arg9 : memref<!tpu.dma_semaphore, #tpu.memory_space<semaphore_mem>>)
      %slice3A_621 = vector.extract_strided_slice %get3A_284 {offsets = [13], sizes = [1], strides = [1]} : vector<16xi32> to vector<1xi32>
      %squeeze3A_622 = vector.extract %slice3A_621[0] : i32 from vector<1xi32>
      %mul3A_623 = arith.constant 16 : i32
      %mul3A_624 = arith.muli %scan3A_278, %mul3A_623 : i32
      %add3A_625 = arith.constant 13 : i32
      %add3A_626 = arith.addi %mul3A_624, %add3A_625 : i32
      %dma_start3A_627 = arith.constant 0 : i32
      %dma_start3A_628 = arith.constant 0 : i32
      %dma_start3A_629 = tpu.memref_slice %arg7[%scan3A_87, %dma_start3A_627, %dma_start3A_628] : memref<2x256x64xf32, #tpu.memory_space<vmem>> -> memref<1x256x64xf32, #tpu.memory_space<vmem>>
      %dma_start3A_630 = tpu.memref_squeeze %dma_start3A_629 : memref<1x256x64xf32, #tpu.memory_space<vmem>> -> memref<256x64xf32, #tpu.memory_space<vmem>>
      %dma_start3A_631 = arith.constant 0 : i32
      %dma_start3A_632 = tpu.memref_slice %dma_start3A_630[%add3A_626, %dma_start3A_631] : memref<256x64xf32, #tpu.memory_space<vmem>> -> memref<1x64xf32, #tpu.memory_space<vmem>>
      %dma_start3A_633 = tpu.memref_squeeze %dma_start3A_632 : memref<1x64xf32, #tpu.memory_space<vmem>> -> memref<64xf32, #tpu.memory_space<vmem>>
      %dma_start3A_634 = arith.constant 0 : i32
      %dma_start3A_635 = tpu.memref_slice %arg3[%squeeze3A_622, %dma_start3A_634] : memref<100000x64xf32, #tpu.memory_space<hbm>> -> memref<1x64xf32, #tpu.memory_space<hbm>>
      %dma_start3A_636 = tpu.memref_squeeze %dma_start3A_635 : memref<1x64xf32, #tpu.memory_space<hbm>> -> memref<64xf32, #tpu.memory_space<hbm>>
      %dma_start3A_637 = arith.constant 0 : i32
      %dma_start3A_638 = arith.constant 0 : i32
      %dma_start3A_639 = tpu.memref_slice %arg7[%scan3A_87, %dma_start3A_637, %dma_start3A_638] : memref<2x256x64xf32, #tpu.memory_space<vmem>> -> memref<1x256x64xf32, #tpu.memory_space<vmem>>
      %dma_start3A_640 = tpu.memref_squeeze %dma_start3A_639 : memref<1x256x64xf32, #tpu.memory_space<vmem>> -> memref<256x64xf32, #tpu.memory_space<vmem>>
      %dma_start3A_641 = arith.constant 0 : i32
      %dma_start3A_642 = tpu.memref_slice %dma_start3A_640[%add3A_626, %dma_start3A_641] : memref<256x64xf32, #tpu.memory_space<vmem>> -> memref<1x64xf32, #tpu.memory_space<vmem>>
      %dma_start3A_643 = tpu.memref_squeeze %dma_start3A_642 : memref<1x64xf32, #tpu.memory_space<vmem>> -> memref<64xf32, #tpu.memory_space<vmem>>
      %dma_start3A_644 = arith.constant 0 : i32
      %dma_start3A_645 = tpu.memref_slice %arg3[%squeeze3A_622, %dma_start3A_644] : memref<100000x64xf32, #tpu.memory_space<hbm>> -> memref<1x64xf32, #tpu.memory_space<hbm>>
      %dma_start3A_646 = tpu.memref_squeeze %dma_start3A_645 : memref<1x64xf32, #tpu.memory_space<hbm>> -> memref<64xf32, #tpu.memory_space<hbm>>
      tpu.enqueue_dma source(%dma_start3A_646 : memref<64xf32, #tpu.memory_space<hbm>>) target(%dma_start3A_643 : memref<64xf32, #tpu.memory_space<vmem>>) target_semaphore(%arg9 : memref<!tpu.dma_semaphore, #tpu.memory_space<semaphore_mem>>)
      %slice3A_647 = vector.extract_strided_slice %get3A_284 {offsets = [14], sizes = [1], strides = [1]} : vector<16xi32> to vector<1xi32>
      %squeeze3A_648 = vector.extract %slice3A_647[0] : i32 from vector<1xi32>
      %mul3A_649 = arith.constant 16 : i32
      %mul3A_650 = arith.muli %scan3A_278, %mul3A_649 : i32
      %add3A_651 = arith.constant 14 : i32
      %add3A_652 = arith.addi %mul3A_650, %add3A_651 : i32
      %dma_start3A_653 = arith.constant 0 : i32
      %dma_start3A_654 = arith.constant 0 : i32
      %dma_start3A_655 = tpu.memref_slice %arg7[%scan3A_87, %dma_start3A_653, %dma_start3A_654] : memref<2x256x64xf32, #tpu.memory_space<vmem>> -> memref<1x256x64xf32, #tpu.memory_space<vmem>>
      %dma_start3A_656 = tpu.memref_squeeze %dma_start3A_655 : memref<1x256x64xf32, #tpu.memory_space<vmem>> -> memref<256x64xf32, #tpu.memory_space<vmem>>
      %dma_start3A_657 = arith.constant 0 : i32
      %dma_start3A_658 = tpu.memref_slice %dma_start3A_656[%add3A_652, %dma_start3A_657] : memref<256x64xf32, #tpu.memory_space<vmem>> -> memref<1x64xf32, #tpu.memory_space<vmem>>
      %dma_start3A_659 = tpu.memref_squeeze %dma_start3A_658 : memref<1x64xf32, #tpu.memory_space<vmem>> -> memref<64xf32, #tpu.memory_space<vmem>>
      %dma_start3A_660 = arith.constant 0 : i32
      %dma_start3A_661 = tpu.memref_slice %arg3[%squeeze3A_648, %dma_start3A_660] : memref<100000x64xf32, #tpu.memory_space<hbm>> -> memref<1x64xf32, #tpu.memory_space<hbm>>
      %dma_start3A_662 = tpu.memref_squeeze %dma_start3A_661 : memref<1x64xf32, #tpu.memory_space<hbm>> -> memref<64xf32, #tpu.memory_space<hbm>>
      %dma_start3A_663 = arith.constant 0 : i32
      %dma_start3A_664 = arith.constant 0 : i32
      %dma_start3A_665 = tpu.memref_slice %arg7[%scan3A_87, %dma_start3A_663, %dma_start3A_664] : memref<2x256x64xf32, #tpu.memory_space<vmem>> -> memref<1x256x64xf32, #tpu.memory_space<vmem>>
      %dma_start3A_666 = tpu.memref_squeeze %dma_start3A_665 : memref<1x256x64xf32, #tpu.memory_space<vmem>> -> memref<256x64xf32, #tpu.memory_space<vmem>>
      %dma_start3A_667 = arith.constant 0 : i32
      %dma_start3A_668 = tpu.memref_slice %dma_start3A_666[%add3A_652, %dma_start3A_667] : memref<256x64xf32, #tpu.memory_space<vmem>> -> memref<1x64xf32, #tpu.memory_space<vmem>>
      %dma_start3A_669 = tpu.memref_squeeze %dma_start3A_668 : memref<1x64xf32, #tpu.memory_space<vmem>> -> memref<64xf32, #tpu.memory_space<vmem>>
      %dma_start3A_670 = arith.constant 0 : i32
      %dma_start3A_671 = tpu.memref_slice %arg3[%squeeze3A_648, %dma_start3A_670] : memref<100000x64xf32, #tpu.memory_space<hbm>> -> memref<1x64xf32, #tpu.memory_space<hbm>>
      %dma_start3A_672 = tpu.memref_squeeze %dma_start3A_671 : memref<1x64xf32, #tpu.memory_space<hbm>> -> memref<64xf32, #tpu.memory_space<hbm>>
      tpu.enqueue_dma source(%dma_start3A_672 : memref<64xf32, #tpu.memory_space<hbm>>) target(%dma_start3A_669 : memref<64xf32, #tpu.memory_space<vmem>>) target_semaphore(%arg9 : memref<!tpu.dma_semaphore, #tpu.memory_space<semaphore_mem>>)
      %slice3A_673 = vector.extract_strided_slice %get3A_284 {offsets = [15], sizes = [1], strides = [1]} : vector<16xi32> to vector<1xi32>
      %squeeze3A_674 = vector.extract %slice3A_673[0] : i32 from vector<1xi32>
      %mul3A_675 = arith.constant 16 : i32
      %mul3A_676 = arith.muli %scan3A_278, %mul3A_675 : i32
      %add3A_677 = arith.constant 15 : i32
      %add3A_678 = arith.addi %mul3A_676, %add3A_677 : i32
      %dma_start3A_679 = arith.constant 0 : i32
      %dma_start3A_680 = arith.constant 0 : i32
      %dma_start3A_681 = tpu.memref_slice %arg7[%scan3A_87, %dma_start3A_679, %dma_start3A_680] : memref<2x256x64xf32, #tpu.memory_space<vmem>> -> memref<1x256x64xf32, #tpu.memory_space<vmem>>
      %dma_start3A_682 = tpu.memref_squeeze %dma_start3A_681 : memref<1x256x64xf32, #tpu.memory_space<vmem>> -> memref<256x64xf32, #tpu.memory_space<vmem>>
      %dma_start3A_683 = arith.constant 0 : i32
      %dma_start3A_684 = tpu.memref_slice %dma_start3A_682[%add3A_678, %dma_start3A_683] : memref<256x64xf32, #tpu.memory_space<vmem>> -> memref<1x64xf32, #tpu.memory_space<vmem>>
      %dma_start3A_685 = tpu.memref_squeeze %dma_start3A_684 : memref<1x64xf32, #tpu.memory_space<vmem>> -> memref<64xf32, #tpu.memory_space<vmem>>
      %dma_start3A_686 = arith.constant 0 : i32
      %dma_start3A_687 = tpu.memref_slice %arg3[%squeeze3A_674, %dma_start3A_686] : memref<100000x64xf32, #tpu.memory_space<hbm>> -> memref<1x64xf32, #tpu.memory_space<hbm>>
      %dma_start3A_688 = tpu.memref_squeeze %dma_start3A_687 : memref<1x64xf32, #tpu.memory_space<hbm>> -> memref<64xf32, #tpu.memory_space<hbm>>
      %dma_start3A_689 = arith.constant 0 : i32
      %dma_start3A_690 = arith.constant 0 : i32
      %dma_start3A_691 = tpu.memref_slice %arg7[%scan3A_87, %dma_start3A_689, %dma_start3A_690] : memref<2x256x64xf32, #tpu.memory_space<vmem>> -> memref<1x256x64xf32, #tpu.memory_space<vmem>>
      %dma_start3A_692 = tpu.memref_squeeze %dma_start3A_691 : memref<1x256x64xf32, #tpu.memory_space<vmem>> -> memref<256x64xf32, #tpu.memory_space<vmem>>
      %dma_start3A_693 = arith.constant 0 : i32
      %dma_start3A_694 = tpu.memref_slice %dma_start3A_692[%add3A_678, %dma_start3A_693] : memref<256x64xf32, #tpu.memory_space<vmem>> -> memref<1x64xf32, #tpu.memory_space<vmem>>
      %dma_start3A_695 = tpu.memref_squeeze %dma_start3A_694 : memref<1x64xf32, #tpu.memory_space<vmem>> -> memref<64xf32, #tpu.memory_space<vmem>>
      %dma_start3A_696 = arith.constant 0 : i32
      %dma_start3A_697 = tpu.memref_slice %arg3[%squeeze3A_674, %dma_start3A_696] : memref<100000x64xf32, #tpu.memory_space<hbm>> -> memref<1x64xf32, #tpu.memory_space<hbm>>
      %dma_start3A_698 = tpu.memref_squeeze %dma_start3A_697 : memref<1x64xf32, #tpu.memory_space<hbm>> -> memref<64xf32, #tpu.memory_space<hbm>>
      tpu.enqueue_dma source(%dma_start3A_698 : memref<64xf32, #tpu.memory_space<hbm>>) target(%dma_start3A_695 : memref<64xf32, #tpu.memory_space<vmem>>) target_semaphore(%arg9 : memref<!tpu.dma_semaphore, #tpu.memory_space<semaphore_mem>>)
    }
    %scan3A_92 = arith.constant 16 : i32
    %scan3A_93 = arith.constant 1 : i32
    %scan3A_94 = arith.constant 0 : i32
    %scan3A_95 = arith.constant 256 : i32
    %scan3A_96 = arith.addi %scan3A_94, %scan3A_95 : i32
    %scan3A_97 = arith.constant 4 : i32
    scf.for %scan3A_278 = %scan3A_94 to %scan3A_96 step %scan3A_97  : i32 {
      %dma_wait3A_279 = arith.constant 0 : i32
      %dma_wait3A_280 = arith.constant 0 : i32
      %dma_wait3A_281 = arith.constant 0 : i32
      %dma_wait3A_282 = arith.constant 0 : i32
      %dma_wait3A_283 = tpu.memref_slice %arg7[%scan3A_93, %dma_wait3A_281, %dma_wait3A_282] : memref<2x256x64xf32, #tpu.memory_space<vmem>> -> memref<1x256x64xf32, #tpu.memory_space<vmem>>
      %dma_wait3A_284 = tpu.memref_squeeze %dma_wait3A_283 : memref<1x256x64xf32, #tpu.memory_space<vmem>> -> memref<256x64xf32, #tpu.memory_space<vmem>>
      %dma_wait3A_285 = arith.constant 0 : i32
      %dma_wait3A_286 = tpu.memref_slice %dma_wait3A_284[%dma_wait3A_280, %dma_wait3A_285] : memref<256x64xf32, #tpu.memory_space<vmem>> -> memref<1x64xf32, #tpu.memory_space<vmem>>
      %dma_wait3A_287 = tpu.memref_squeeze %dma_wait3A_286 : memref<1x64xf32, #tpu.memory_space<vmem>> -> memref<64xf32, #tpu.memory_space<vmem>>
      %dma_wait3A_288 = arith.constant 0 : i32
      %dma_wait3A_289 = tpu.memref_slice %arg3[%dma_wait3A_279, %dma_wait3A_288] : memref<100000x64xf32, #tpu.memory_space<hbm>> -> memref<1x64xf32, #tpu.memory_space<hbm>>
      %dma_wait3A_290 = tpu.memref_squeeze %dma_wait3A_289 : memref<1x64xf32, #tpu.memory_space<hbm>> -> memref<64xf32, #tpu.memory_space<hbm>>
      %dma_wait3A_291 = arith.constant 0 : i32
      %dma_wait3A_292 = arith.constant 0 : i32
      %dma_wait3A_293 = tpu.memref_slice %arg7[%scan3A_93, %dma_wait3A_291, %dma_wait3A_292] : memref<2x256x64xf32, #tpu.memory_space<vmem>> -> memref<1x256x64xf32, #tpu.memory_space<vmem>>
      %dma_wait3A_294 = tpu.memref_squeeze %dma_wait3A_293 : memref<1x256x64xf32, #tpu.memory_space<vmem>> -> memref<256x64xf32, #tpu.memory_space<vmem>>
      %dma_wait3A_295 = arith.constant 0 : i32
      %dma_wait3A_296 = tpu.memref_slice %dma_wait3A_294[%dma_wait3A_280, %dma_wait3A_295] : memref<256x64xf32, #tpu.memory_space<vmem>> -> memref<1x64xf32, #tpu.memory_space<vmem>>
      %dma_wait3A_297 = tpu.memref_squeeze %dma_wait3A_296 : memref<1x64xf32, #tpu.memory_space<vmem>> -> memref<64xf32, #tpu.memory_space<vmem>>
      %dma_wait3A_298 = arith.constant 0 : i32
      %dma_wait3A_299 = tpu.memref_slice %arg3[%dma_wait3A_279, %dma_wait3A_298] : memref<100000x64xf32, #tpu.memory_space<hbm>> -> memref<1x64xf32, #tpu.memory_space<hbm>>
      %dma_wait3A_300 = tpu.memref_squeeze %dma_wait3A_299 : memref<1x64xf32, #tpu.memory_space<hbm>> -> memref<64xf32, #tpu.memory_space<hbm>>
      tpu.wait_dma2 semaphore(%arg10 : memref<!tpu.dma_semaphore, #tpu.memory_space<semaphore_mem>>) src(%dma_wait3A_300 : memref<64xf32, #tpu.memory_space<hbm>>) dst(%dma_wait3A_297 : memref<64xf32, #tpu.memory_space<vmem>>)
      %scan3A_301 = arith.constant 1 : i32
      %scan3A_302 = arith.addi %scan3A_278, %scan3A_301 : i32
      %dma_wait3A_303 = arith.constant 0 : i32
      %dma_wait3A_304 = arith.constant 0 : i32
      %dma_wait3A_305 = arith.constant 0 : i32
      %dma_wait3A_306 = arith.constant 0 : i32
      %dma_wait3A_307 = tpu.memref_slice %arg7[%scan3A_93, %dma_wait3A_305, %dma_wait3A_306] : memref<2x256x64xf32, #tpu.memory_space<vmem>> -> memref<1x256x64xf32, #tpu.memory_space<vmem>>
      %dma_wait3A_308 = tpu.memref_squeeze %dma_wait3A_307 : memref<1x256x64xf32, #tpu.memory_space<vmem>> -> memref<256x64xf32, #tpu.memory_space<vmem>>
      %dma_wait3A_309 = arith.constant 0 : i32
      %dma_wait3A_310 = tpu.memref_slice %dma_wait3A_308[%dma_wait3A_304, %dma_wait3A_309] : memref<256x64xf32, #tpu.memory_space<vmem>> -> memref<1x64xf32, #tpu.memory_space<vmem>>
      %dma_wait3A_311 = tpu.memref_squeeze %dma_wait3A_310 : memref<1x64xf32, #tpu.memory_space<vmem>> -> memref<64xf32, #tpu.memory_space<vmem>>
      %dma_wait3A_312 = arith.constant 0 : i32
      %dma_wait3A_313 = tpu.memref_slice %arg3[%dma_wait3A_303, %dma_wait3A_312] : memref<100000x64xf32, #tpu.memory_space<hbm>> -> memref<1x64xf32, #tpu.memory_space<hbm>>
      %dma_wait3A_314 = tpu.memref_squeeze %dma_wait3A_313 : memref<1x64xf32, #tpu.memory_space<hbm>> -> memref<64xf32, #tpu.memory_space<hbm>>
      %dma_wait3A_315 = arith.constant 0 : i32
      %dma_wait3A_316 = arith.constant 0 : i32
      %dma_wait3A_317 = tpu.memref_slice %arg7[%scan3A_93, %dma_wait3A_315, %dma_wait3A_316] : memref<2x256x64xf32, #tpu.memory_space<vmem>> -> memref<1x256x64xf32, #tpu.memory_space<vmem>>
      %dma_wait3A_318 = tpu.memref_squeeze %dma_wait3A_317 : memref<1x256x64xf32, #tpu.memory_space<vmem>> -> memref<256x64xf32, #tpu.memory_space<vmem>>
      %dma_wait3A_319 = arith.constant 0 : i32
      %dma_wait3A_320 = tpu.memref_slice %dma_wait3A_318[%dma_wait3A_304, %dma_wait3A_319] : memref<256x64xf32, #tpu.memory_space<vmem>> -> memref<1x64xf32, #tpu.memory_space<vmem>>
      %dma_wait3A_321 = tpu.memref_squeeze %dma_wait3A_320 : memref<1x64xf32, #tpu.memory_space<vmem>> -> memref<64xf32, #tpu.memory_space<vmem>>
      %dma_wait3A_322 = arith.constant 0 : i32
      %dma_wait3A_323 = tpu.memref_slice %arg3[%dma_wait3A_303, %dma_wait3A_322] : memref<100000x64xf32, #tpu.memory_space<hbm>> -> memref<1x64xf32, #tpu.memory_space<hbm>>
      %dma_wait3A_324 = tpu.memref_squeeze %dma_wait3A_323 : memref<1x64xf32, #tpu.memory_space<hbm>> -> memref<64xf32, #tpu.memory_space<hbm>>
      tpu.wait_dma2 semaphore(%arg10 : memref<!tpu.dma_semaphore, #tpu.memory_space<semaphore_mem>>) src(%dma_wait3A_324 : memref<64xf32, #tpu.memory_space<hbm>>) dst(%dma_wait3A_321 : memref<64xf32, #tpu.memory_space<vmem>>)
      %scan3A_325 = arith.constant 2 : i32
      %scan3A_326 = arith.addi %scan3A_278, %scan3A_325 : i32
      %dma_wait3A_327 = arith.constant 0 : i32
      %dma_wait3A_328 = arith.constant 0 : i32
      %dma_wait3A_329 = arith.constant 0 : i32
      %dma_wait3A_330 = arith.constant 0 : i32
      %dma_wait3A_331 = tpu.memref_slice %arg7[%scan3A_93, %dma_wait3A_329, %dma_wait3A_330] : memref<2x256x64xf32, #tpu.memory_space<vmem>> -> memref<1x256x64xf32, #tpu.memory_space<vmem>>
      %dma_wait3A_332 = tpu.memref_squeeze %dma_wait3A_331 : memref<1x256x64xf32, #tpu.memory_space<vmem>> -> memref<256x64xf32, #tpu.memory_space<vmem>>
      %dma_wait3A_333 = arith.constant 0 : i32
      %dma_wait3A_334 = tpu.memref_slice %dma_wait3A_332[%dma_wait3A_328, %dma_wait3A_333] : memref<256x64xf32, #tpu.memory_space<vmem>> -> memref<1x64xf32, #tpu.memory_space<vmem>>
      %dma_wait3A_335 = tpu.memref_squeeze %dma_wait3A_334 : memref<1x64xf32, #tpu.memory_space<vmem>> -> memref<64xf32, #tpu.memory_space<vmem>>
      %dma_wait3A_336 = arith.constant 0 : i32
      %dma_wait3A_337 = tpu.memref_slice %arg3[%dma_wait3A_327, %dma_wait3A_336] : memref<100000x64xf32, #tpu.memory_space<hbm>> -> memref<1x64xf32, #tpu.memory_space<hbm>>
      %dma_wait3A_338 = tpu.memref_squeeze %dma_wait3A_337 : memref<1x64xf32, #tpu.memory_space<hbm>> -> memref<64xf32, #tpu.memory_space<hbm>>
      %dma_wait3A_339 = arith.constant 0 : i32
      %dma_wait3A_340 = arith.constant 0 : i32
      %dma_wait3A_341 = tpu.memref_slice %arg7[%scan3A_93, %dma_wait3A_339, %dma_wait3A_340] : memref<2x256x64xf32, #tpu.memory_space<vmem>> -> memref<1x256x64xf32, #tpu.memory_space<vmem>>
      %dma_wait3A_342 = tpu.memref_squeeze %dma_wait3A_341 : memref<1x256x64xf32, #tpu.memory_space<vmem>> -> memref<256x64xf32, #tpu.memory_space<vmem>>
      %dma_wait3A_343 = arith.constant 0 : i32
      %dma_wait3A_344 = tpu.memref_slice %dma_wait3A_342[%dma_wait3A_328, %dma_wait3A_343] : memref<256x64xf32, #tpu.memory_space<vmem>> -> memref<1x64xf32, #tpu.memory_space<vmem>>
      %dma_wait3A_345 = tpu.memref_squeeze %dma_wait3A_344 : memref<1x64xf32, #tpu.memory_space<vmem>> -> memref<64xf32, #tpu.memory_space<vmem>>
      %dma_wait3A_346 = arith.constant 0 : i32
      %dma_wait3A_347 = tpu.memref_slice %arg3[%dma_wait3A_327, %dma_wait3A_346] : memref<100000x64xf32, #tpu.memory_space<hbm>> -> memref<1x64xf32, #tpu.memory_space<hbm>>
      %dma_wait3A_348 = tpu.memref_squeeze %dma_wait3A_347 : memref<1x64xf32, #tpu.memory_space<hbm>> -> memref<64xf32, #tpu.memory_space<hbm>>
      tpu.wait_dma2 semaphore(%arg10 : memref<!tpu.dma_semaphore, #tpu.memory_space<semaphore_mem>>) src(%dma_wait3A_348 : memref<64xf32, #tpu.memory_space<hbm>>) dst(%dma_wait3A_345 : memref<64xf32, #tpu.memory_space<vmem>>)
      %scan3A_349 = arith.constant 3 : i32
      %scan3A_350 = arith.addi %scan3A_278, %scan3A_349 : i32
      %dma_wait3A_351 = arith.constant 0 : i32
      %dma_wait3A_352 = arith.constant 0 : i32
      %dma_wait3A_353 = arith.constant 0 : i32
      %dma_wait3A_354 = arith.constant 0 : i32
      %dma_wait3A_355 = tpu.memref_slice %arg7[%scan3A_93, %dma_wait3A_353, %dma_wait3A_354] : memref<2x256x64xf32, #tpu.memory_space<vmem>> -> memref<1x256x64xf32, #tpu.memory_space<vmem>>
      %dma_wait3A_356 = tpu.memref_squeeze %dma_wait3A_355 : memref<1x256x64xf32, #tpu.memory_space<vmem>> -> memref<256x64xf32, #tpu.memory_space<vmem>>
      %dma_wait3A_357 = arith.constant 0 : i32
      %dma_wait3A_358 = tpu.memref_slice %dma_wait3A_356[%dma_wait3A_352, %dma_wait3A_357] : memref<256x64xf32, #tpu.memory_space<vmem>> -> memref<1x64xf32, #tpu.memory_space<vmem>>
      %dma_wait3A_359 = tpu.memref_squeeze %dma_wait3A_358 : memref<1x64xf32, #tpu.memory_space<vmem>> -> memref<64xf32, #tpu.memory_space<vmem>>
      %dma_wait3A_360 = arith.constant 0 : i32
      %dma_wait3A_361 = tpu.memref_slice %arg3[%dma_wait3A_351, %dma_wait3A_360] : memref<100000x64xf32, #tpu.memory_space<hbm>> -> memref<1x64xf32, #tpu.memory_space<hbm>>
      %dma_wait3A_362 = tpu.memref_squeeze %dma_wait3A_361 : memref<1x64xf32, #tpu.memory_space<hbm>> -> memref<64xf32, #tpu.memory_space<hbm>>
      %dma_wait3A_363 = arith.constant 0 : i32
      %dma_wait3A_364 = arith.constant 0 : i32
      %dma_wait3A_365 = tpu.memref_slice %arg7[%scan3A_93, %dma_wait3A_363, %dma_wait3A_364] : memref<2x256x64xf32, #tpu.memory_space<vmem>> -> memref<1x256x64xf32, #tpu.memory_space<vmem>>
      %dma_wait3A_366 = tpu.memref_squeeze %dma_wait3A_365 : memref<1x256x64xf32, #tpu.memory_space<vmem>> -> memref<256x64xf32, #tpu.memory_space<vmem>>
      %dma_wait3A_367 = arith.constant 0 : i32
      %dma_wait3A_368 = tpu.memref_slice %dma_wait3A_366[%dma_wait3A_352, %dma_wait3A_367] : memref<256x64xf32, #tpu.memory_space<vmem>> -> memref<1x64xf32, #tpu.memory_space<vmem>>
      %dma_wait3A_369 = tpu.memref_squeeze %dma_wait3A_368 : memref<1x64xf32, #tpu.memory_space<vmem>> -> memref<64xf32, #tpu.memory_space<vmem>>
      %dma_wait3A_370 = arith.constant 0 : i32
      %dma_wait3A_371 = tpu.memref_slice %arg3[%dma_wait3A_351, %dma_wait3A_370] : memref<100000x64xf32, #tpu.memory_space<hbm>> -> memref<1x64xf32, #tpu.memory_space<hbm>>
      %dma_wait3A_372 = tpu.memref_squeeze %dma_wait3A_371 : memref<1x64xf32, #tpu.memory_space<hbm>> -> memref<64xf32, #tpu.memory_space<hbm>>
      tpu.wait_dma2 semaphore(%arg10 : memref<!tpu.dma_semaphore, #tpu.memory_space<semaphore_mem>>) src(%dma_wait3A_372 : memref<64xf32, #tpu.memory_space<hbm>>) dst(%dma_wait3A_369 : memref<64xf32, #tpu.memory_space<vmem>>)
    }
    %scan3A_98 = arith.constant 256 : i32
    %dma_wait3A_99 = arith.constant 0 : i32
    %dma_wait3A_100 = tpu.memref_slice %arg4[%mul3A_32, %dma_wait3A_99] : memref<8192x64xf32, #tpu.memory_space<hbm>> -> memref<256x64xf32, #tpu.memory_space<hbm>>
    %dma_wait3A_101 = arith.constant 0 : i32
    %dma_wait3A_102 = tpu.memref_slice %arg4[%mul3A_32, %dma_wait3A_101] : memref<8192x64xf32, #tpu.memory_space<hbm>> -> memref<256x64xf32, #tpu.memory_space<hbm>>
    tpu.wait_dma2 semaphore(%arg11 : memref<!tpu.dma_semaphore, #tpu.memory_space<semaphore_mem>>) src(%dma_wait3A_102 : memref<256x64xf32, #tpu.memory_space<hbm>>) dst(%arg8 : memref<256x64xf32, #tpu.memory_space<vmem>>)
    %scan3A_103 = arith.constant 1 : i32
    %scan3A_104 = arith.constant 0 : i32
    %scan3A_105 = arith.constant 256 : i32
    %scan3A_106 = arith.addi %scan3A_104, %scan3A_105 : i32
    %scan3A_107 = arith.constant 2 : i32
    scf.for %scan3A_278 = %scan3A_104 to %scan3A_106 step %scan3A_107  : i32 {
      %get3A = arith.constant 0 : i32
      %get3A_279 = arith.constant 0 : i32
      %get3A_280 = tpu.memref_slice %arg7[%scan3A_103, %get3A, %get3A_279] : memref<2x256x64xf32, #tpu.memory_space<vmem>> -> memref<1x256x64xf32, #tpu.memory_space<vmem>>
      %get3A_281 = tpu.memref_squeeze %get3A_280 : memref<1x256x64xf32, #tpu.memory_space<vmem>> -> memref<256x64xf32, #tpu.memory_space<vmem>>
      %get3A_282 = arith.index_cast %scan3A_278 : i32 to index
      %get3A_283 = arith.constant 0 : index
      %get3A_284 = tpu.vector_load %get3A_281[%get3A_282, %get3A_283] {strides = array<i32>} : memref<256x64xf32, #tpu.memory_space<vmem>>, vector<1x16xf32>,
      %get3A_285 = vector.shape_cast %get3A_284 : vector<1x16xf32> to vector<16xf32>
      %get3A_286 = arith.index_cast %scan3A_278 : i32 to index
      %get3A_287 = arith.constant 0 : index
      %get3A_288 = tpu.vector_load %arg8[%get3A_286, %get3A_287] {strides = array<i32>} : memref<256x64xf32, #tpu.memory_space<vmem>>, vector<1x16xf32>,
      %get3A_289 = vector.shape_cast %get3A_288 : vector<1x16xf32> to vector<16xf32>
      %add3A_290 = arith.addf %get3A_285, %get3A_289 : vector<16xf32>
      %swap3A = arith.constant 0 : i32
      %swap3A_291 = arith.constant 0 : i32
      %swap3A_292 = tpu.memref_slice %arg7[%scan3A_103, %swap3A, %swap3A_291] : memref<2x256x64xf32, #tpu.memory_space<vmem>> -> memref<1x256x64xf32, #tpu.memory_space<vmem>>
      %swap3A_293 = tpu.memref_squeeze %swap3A_292 : memref<1x256x64xf32, #tpu.memory_space<vmem>> -> memref<256x64xf32, #tpu.memory_space<vmem>>
      %swap3A_294 = arith.index_cast %scan3A_278 : i32 to index
      %swap3A_295 = arith.constant 0 : index
      %swap3A_296 = tpu.vector_load %swap3A_293[%swap3A_294, %swap3A_295] {strides = array<i32>} : memref<256x64xf32, #tpu.memory_space<vmem>>, vector<1x16xf32>,
      %swap3A_297 = vector.shape_cast %swap3A_296 : vector<1x16xf32> to vector<16xf32>
      %swap3A_298 = vector.shape_cast %add3A_290 : vector<16xf32> to vector<1x16xf32>
      tpu.vector_store %swap3A_293[%swap3A_294, %swap3A_295], %swap3A_298 {strides = array<i32>} : memref<256x64xf32, #tpu.memory_space<vmem>>, vector<1x16xf32>,
      %get3A_299 = arith.constant 0 : i32
      %get3A_300 = arith.constant 0 : i32
      %get3A_301 = tpu.memref_slice %arg7[%scan3A_103, %get3A_299, %get3A_300] : memref<2x256x64xf32, #tpu.memory_space<vmem>> -> memref<1x256x64xf32, #tpu.memory_space<vmem>>
      %get3A_302 = tpu.memref_squeeze %get3A_301 : memref<1x256x64xf32, #tpu.memory_space<vmem>> -> memref<256x64xf32, #tpu.memory_space<vmem>>
      %get3A_303 = arith.index_cast %scan3A_278 : i32 to index
      %get3A_304 = arith.constant 16 : index
      %get3A_305 = tpu.vector_load %get3A_302[%get3A_303, %get3A_304] {strides = array<i32>} : memref<256x64xf32, #tpu.memory_space<vmem>>, vector<1x16xf32>,
      %get3A_306 = vector.shape_cast %get3A_305 : vector<1x16xf32> to vector<16xf32>
      %get3A_307 = arith.index_cast %scan3A_278 : i32 to index
      %get3A_308 = arith.constant 16 : index
      %get3A_309 = tpu.vector_load %arg8[%get3A_307, %get3A_308] {strides = array<i32>} : memref<256x64xf32, #tpu.memory_space<vmem>>, vector<1x16xf32>,
      %get3A_310 = vector.shape_cast %get3A_309 : vector<1x16xf32> to vector<16xf32>
      %add3A_311 = arith.addf %get3A_306, %get3A_310 : vector<16xf32>
      %swap3A_312 = arith.constant 0 : i32
      %swap3A_313 = arith.constant 0 : i32
      %swap3A_314 = tpu.memref_slice %arg7[%scan3A_103, %swap3A_312, %swap3A_313] : memref<2x256x64xf32, #tpu.memory_space<vmem>> -> memref<1x256x64xf32, #tpu.memory_space<vmem>>
      %swap3A_315 = tpu.memref_squeeze %swap3A_314 : memref<1x256x64xf32, #tpu.memory_space<vmem>> -> memref<256x64xf32, #tpu.memory_space<vmem>>
      %swap3A_316 = arith.index_cast %scan3A_278 : i32 to index
      %swap3A_317 = arith.constant 16 : index
      %swap3A_318 = tpu.vector_load %swap3A_315[%swap3A_316, %swap3A_317] {strides = array<i32>} : memref<256x64xf32, #tpu.memory_space<vmem>>, vector<1x16xf32>,
      %swap3A_319 = vector.shape_cast %swap3A_318 : vector<1x16xf32> to vector<16xf32>
      %swap3A_320 = vector.shape_cast %add3A_311 : vector<16xf32> to vector<1x16xf32>
      tpu.vector_store %swap3A_315[%swap3A_316, %swap3A_317], %swap3A_320 {strides = array<i32>} : memref<256x64xf32, #tpu.memory_space<vmem>>, vector<1x16xf32>,
      %get3A_321 = arith.constant 0 : i32
      %get3A_322 = arith.constant 0 : i32
      %get3A_323 = tpu.memref_slice %arg7[%scan3A_103, %get3A_321, %get3A_322] : memref<2x256x64xf32, #tpu.memory_space<vmem>> -> memref<1x256x64xf32, #tpu.memory_space<vmem>>
      %get3A_324 = tpu.memref_squeeze %get3A_323 : memref<1x256x64xf32, #tpu.memory_space<vmem>> -> memref<256x64xf32, #tpu.memory_space<vmem>>
      %get3A_325 = arith.index_cast %scan3A_278 : i32 to index
      %get3A_326 = arith.constant 32 : index
      %get3A_327 = tpu.vector_load %get3A_324[%get3A_325, %get3A_326] {strides = array<i32>} : memref<256x64xf32, #tpu.memory_space<vmem>>, vector<1x16xf32>,
      %get3A_328 = vector.shape_cast %get3A_327 : vector<1x16xf32> to vector<16xf32>
      %get3A_329 = arith.index_cast %scan3A_278 : i32 to index
      %get3A_330 = arith.constant 32 : index
      %get3A_331 = tpu.vector_load %arg8[%get3A_329, %get3A_330] {strides = array<i32>} : memref<256x64xf32, #tpu.memory_space<vmem>>, vector<1x16xf32>,
      %get3A_332 = vector.shape_cast %get3A_331 : vector<1x16xf32> to vector<16xf32>
      %add3A_333 = arith.addf %get3A_328, %get3A_332 : vector<16xf32>
      %swap3A_334 = arith.constant 0 : i32
      %swap3A_335 = arith.constant 0 : i32
      %swap3A_336 = tpu.memref_slice %arg7[%scan3A_103, %swap3A_334, %swap3A_335] : memref<2x256x64xf32, #tpu.memory_space<vmem>> -> memref<1x256x64xf32, #tpu.memory_space<vmem>>
      %swap3A_337 = tpu.memref_squeeze %swap3A_336 : memref<1x256x64xf32, #tpu.memory_space<vmem>> -> memref<256x64xf32, #tpu.memory_space<vmem>>
      %swap3A_338 = arith.index_cast %scan3A_278 : i32 to index
      %swap3A_339 = arith.constant 32 : index
      %swap3A_340 = tpu.vector_load %swap3A_337[%swap3A_338, %swap3A_339] {strides = array<i32>} : memref<256x64xf32, #tpu.memory_space<vmem>>, vector<1x16xf32>,
      %swap3A_341 = vector.shape_cast %swap3A_340 : vector<1x16xf32> to vector<16xf32>
      %swap3A_342 = vector.shape_cast %add3A_333 : vector<16xf32> to vector<1x16xf32>
      tpu.vector_store %swap3A_337[%swap3A_338, %swap3A_339], %swap3A_342 {strides = array<i32>} : memref<256x64xf32, #tpu.memory_space<vmem>>, vector<1x16xf32>,
      %get3A_343 = arith.constant 0 : i32
      %get3A_344 = arith.constant 0 : i32
      %get3A_345 = tpu.memref_slice %arg7[%scan3A_103, %get3A_343, %get3A_344] : memref<2x256x64xf32, #tpu.memory_space<vmem>> -> memref<1x256x64xf32, #tpu.memory_space<vmem>>
      %get3A_346 = tpu.memref_squeeze %get3A_345 : memref<1x256x64xf32, #tpu.memory_space<vmem>> -> memref<256x64xf32, #tpu.memory_space<vmem>>
      %get3A_347 = arith.index_cast %scan3A_278 : i32 to index
      %get3A_348 = arith.constant 48 : index
      %get3A_349 = tpu.vector_load %get3A_346[%get3A_347, %get3A_348] {strides = array<i32>} : memref<256x64xf32, #tpu.memory_space<vmem>>, vector<1x16xf32>,
      %get3A_350 = vector.shape_cast %get3A_349 : vector<1x16xf32> to vector<16xf32>
      %get3A_351 = arith.index_cast %scan3A_278 : i32 to index
      %get3A_352 = arith.constant 48 : index
      %get3A_353 = tpu.vector_load %arg8[%get3A_351, %get3A_352] {strides = array<i32>} : memref<256x64xf32, #tpu.memory_space<vmem>>, vector<1x16xf32>,
      %get3A_354 = vector.shape_cast %get3A_353 : vector<1x16xf32> to vector<16xf32>
      %add3A_355 = arith.addf %get3A_350, %get3A_354 : vector<16xf32>
      %swap3A_356 = arith.constant 0 : i32
      %swap3A_357 = arith.constant 0 : i32
      %swap3A_358 = tpu.memref_slice %arg7[%scan3A_103, %swap3A_356, %swap3A_357] : memref<2x256x64xf32, #tpu.memory_space<vmem>> -> memref<1x256x64xf32, #tpu.memory_space<vmem>>
      %swap3A_359 = tpu.memref_squeeze %swap3A_358 : memref<1x256x64xf32, #tpu.memory_space<vmem>> -> memref<256x64xf32, #tpu.memory_space<vmem>>
      %swap3A_360 = arith.index_cast %scan3A_278 : i32 to index
      %swap3A_361 = arith.constant 48 : index
      %swap3A_362 = tpu.vector_load %swap3A_359[%swap3A_360, %swap3A_361] {strides = array<i32>} : memref<256x64xf32, #tpu.memory_space<vmem>>, vector<1x16xf32>,
      %swap3A_363 = vector.shape_cast %swap3A_362 : vector<1x16xf32> to vector<16xf32>
      %swap3A_364 = vector.shape_cast %add3A_355 : vector<16xf32> to vector<1x16xf32>
      tpu.vector_store %swap3A_359[%swap3A_360, %swap3A_361], %swap3A_364 {strides = array<i32>} : memref<256x64xf32, #tpu.memory_space<vmem>>, vector<1x16xf32>,
      %scan3A_365 = arith.constant 1 : i32
      %scan3A_366 = arith.addi %scan3A_278, %scan3A_365 : i32
      %get3A_367 = arith.constant 0 : i32
      %get3A_368 = arith.constant 0 : i32
      %get3A_369 = tpu.memref_slice %arg7[%scan3A_103, %get3A_367, %get3A_368] : memref<2x256x64xf32, #tpu.memory_space<vmem>> -> memref<1x256x64xf32, #tpu.memory_space<vmem>>
      %get3A_370 = tpu.memref_squeeze %get3A_369 : memref<1x256x64xf32, #tpu.memory_space<vmem>> -> memref<256x64xf32, #tpu.memory_space<vmem>>
      %get3A_371 = arith.index_cast %scan3A_366 : i32 to index
      %get3A_372 = arith.constant 0 : index
      %get3A_373 = tpu.vector_load %get3A_370[%get3A_371, %get3A_372] {strides = array<i32>} : memref<256x64xf32, #tpu.memory_space<vmem>>, vector<1x16xf32>,
      %get3A_374 = vector.shape_cast %get3A_373 : vector<1x16xf32> to vector<16xf32>
      %get3A_375 = arith.index_cast %scan3A_366 : i32 to index
      %get3A_376 = arith.constant 0 : index
      %get3A_377 = tpu.vector_load %arg8[%get3A_375, %get3A_376] {strides = array<i32>} : memref<256x64xf32, #tpu.memory_space<vmem>>, vector<1x16xf32>,
      %get3A_378 = vector.shape_cast %get3A_377 : vector<1x16xf32> to vector<16xf32>
      %add3A_379 = arith.addf %get3A_374, %get3A_378 : vector<16xf32>
      %swap3A_380 = arith.constant 0 : i32
      %swap3A_381 = arith.constant 0 : i32
      %swap3A_382 = tpu.memref_slice %arg7[%scan3A_103, %swap3A_380, %swap3A_381] : memref<2x256x64xf32, #tpu.memory_space<vmem>> -> memref<1x256x64xf32, #tpu.memory_space<vmem>>
      %swap3A_383 = tpu.memref_squeeze %swap3A_382 : memref<1x256x64xf32, #tpu.memory_space<vmem>> -> memref<256x64xf32, #tpu.memory_space<vmem>>
      %swap3A_384 = arith.index_cast %scan3A_366 : i32 to index
      %swap3A_385 = arith.constant 0 : index
      %swap3A_386 = tpu.vector_load %swap3A_383[%swap3A_384, %swap3A_385] {strides = array<i32>} : memref<256x64xf32, #tpu.memory_space<vmem>>, vector<1x16xf32>,
      %swap3A_387 = vector.shape_cast %swap3A_386 : vector<1x16xf32> to vector<16xf32>
      %swap3A_388 = vector.shape_cast %add3A_379 : vector<16xf32> to vector<1x16xf32>
      tpu.vector_store %swap3A_383[%swap3A_384, %swap3A_385], %swap3A_388 {strides = array<i32>} : memref<256x64xf32, #tpu.memory_space<vmem>>, vector<1x16xf32>,
      %get3A_389 = arith.constant 0 : i32
      %get3A_390 = arith.constant 0 : i32
      %get3A_391 = tpu.memref_slice %arg7[%scan3A_103, %get3A_389, %get3A_390] : memref<2x256x64xf32, #tpu.memory_space<vmem>> -> memref<1x256x64xf32, #tpu.memory_space<vmem>>
      %get3A_392 = tpu.memref_squeeze %get3A_391 : memref<1x256x64xf32, #tpu.memory_space<vmem>> -> memref<256x64xf32, #tpu.memory_space<vmem>>
      %get3A_393 = arith.index_cast %scan3A_366 : i32 to index
      %get3A_394 = arith.constant 16 : index
      %get3A_395 = tpu.vector_load %get3A_392[%get3A_393, %get3A_394] {strides = array<i32>} : memref<256x64xf32, #tpu.memory_space<vmem>>, vector<1x16xf32>,
      %get3A_396 = vector.shape_cast %get3A_395 : vector<1x16xf32> to vector<16xf32>
      %get3A_397 = arith.index_cast %scan3A_366 : i32 to index
      %get3A_398 = arith.constant 16 : index
      %get3A_399 = tpu.vector_load %arg8[%get3A_397, %get3A_398] {strides = array<i32>} : memref<256x64xf32, #tpu.memory_space<vmem>>, vector<1x16xf32>,
      %get3A_400 = vector.shape_cast %get3A_399 : vector<1x16xf32> to vector<16xf32>
      %add3A_401 = arith.addf %get3A_396, %get3A_400 : vector<16xf32>
      %swap3A_402 = arith.constant 0 : i32
      %swap3A_403 = arith.constant 0 : i32
      %swap3A_404 = tpu.memref_slice %arg7[%scan3A_103, %swap3A_402, %swap3A_403] : memref<2x256x64xf32, #tpu.memory_space<vmem>> -> memref<1x256x64xf32, #tpu.memory_space<vmem>>
      %swap3A_405 = tpu.memref_squeeze %swap3A_404 : memref<1x256x64xf32, #tpu.memory_space<vmem>> -> memref<256x64xf32, #tpu.memory_space<vmem>>
      %swap3A_406 = arith.index_cast %scan3A_366 : i32 to index
      %swap3A_407 = arith.constant 16 : index
      %swap3A_408 = tpu.vector_load %swap3A_405[%swap3A_406, %swap3A_407] {strides = array<i32>} : memref<256x64xf32, #tpu.memory_space<vmem>>, vector<1x16xf32>,
      %swap3A_409 = vector.shape_cast %swap3A_408 : vector<1x16xf32> to vector<16xf32>
      %swap3A_410 = vector.shape_cast %add3A_401 : vector<16xf32> to vector<1x16xf32>
      tpu.vector_store %swap3A_405[%swap3A_406, %swap3A_407], %swap3A_410 {strides = array<i32>} : memref<256x64xf32, #tpu.memory_space<vmem>>, vector<1x16xf32>,
      %get3A_411 = arith.constant 0 : i32
      %get3A_412 = arith.constant 0 : i32
      %get3A_413 = tpu.memref_slice %arg7[%scan3A_103, %get3A_411, %get3A_412] : memref<2x256x64xf32, #tpu.memory_space<vmem>> -> memref<1x256x64xf32, #tpu.memory_space<vmem>>
      %get3A_414 = tpu.memref_squeeze %get3A_413 : memref<1x256x64xf32, #tpu.memory_space<vmem>> -> memref<256x64xf32, #tpu.memory_space<vmem>>
      %get3A_415 = arith.index_cast %scan3A_366 : i32 to index
      %get3A_416 = arith.constant 32 : index
      %get3A_417 = tpu.vector_load %get3A_414[%get3A_415, %get3A_416] {strides = array<i32>} : memref<256x64xf32, #tpu.memory_space<vmem>>, vector<1x16xf32>,
      %get3A_418 = vector.shape_cast %get3A_417 : vector<1x16xf32> to vector<16xf32>
      %get3A_419 = arith.index_cast %scan3A_366 : i32 to index
      %get3A_420 = arith.constant 32 : index
      %get3A_421 = tpu.vector_load %arg8[%get3A_419, %get3A_420] {strides = array<i32>} : memref<256x64xf32, #tpu.memory_space<vmem>>, vector<1x16xf32>,
      %get3A_422 = vector.shape_cast %get3A_421 : vector<1x16xf32> to vector<16xf32>
      %add3A_423 = arith.addf %get3A_418, %get3A_422 : vector<16xf32>
      %swap3A_424 = arith.constant 0 : i32
      %swap3A_425 = arith.constant 0 : i32
      %swap3A_426 = tpu.memref_slice %arg7[%scan3A_103, %swap3A_424, %swap3A_425] : memref<2x256x64xf32, #tpu.memory_space<vmem>> -> memref<1x256x64xf32, #tpu.memory_space<vmem>>
      %swap3A_427 = tpu.memref_squeeze %swap3A_426 : memref<1x256x64xf32, #tpu.memory_space<vmem>> -> memref<256x64xf32, #tpu.memory_space<vmem>>
      %swap3A_428 = arith.index_cast %scan3A_366 : i32 to index
      %swap3A_429 = arith.constant 32 : index
      %swap3A_430 = tpu.vector_load %swap3A_427[%swap3A_428, %swap3A_429] {strides = array<i32>} : memref<256x64xf32, #tpu.memory_space<vmem>>, vector<1x16xf32>,
      %swap3A_431 = vector.shape_cast %swap3A_430 : vector<1x16xf32> to vector<16xf32>
      %swap3A_432 = vector.shape_cast %add3A_423 : vector<16xf32> to vector<1x16xf32>
      tpu.vector_store %swap3A_427[%swap3A_428, %swap3A_429], %swap3A_432 {strides = array<i32>} : memref<256x64xf32, #tpu.memory_space<vmem>>, vector<1x16xf32>,
      %get3A_433 = arith.constant 0 : i32
      %get3A_434 = arith.constant 0 : i32
      %get3A_435 = tpu.memref_slice %arg7[%scan3A_103, %get3A_433, %get3A_434] : memref<2x256x64xf32, #tpu.memory_space<vmem>> -> memref<1x256x64xf32, #tpu.memory_space<vmem>>
      %get3A_436 = tpu.memref_squeeze %get3A_435 : memref<1x256x64xf32, #tpu.memory_space<vmem>> -> memref<256x64xf32, #tpu.memory_space<vmem>>
      %get3A_437 = arith.index_cast %scan3A_366 : i32 to index
      %get3A_438 = arith.constant 48 : index
      %get3A_439 = tpu.vector_load %get3A_436[%get3A_437, %get3A_438] {strides = array<i32>} : memref<256x64xf32, #tpu.memory_space<vmem>>, vector<1x16xf32>,
      %get3A_440 = vector.shape_cast %get3A_439 : vector<1x16xf32> to vector<16xf32>
      %get3A_441 = arith.index_cast %scan3A_366 : i32 to index
      %get3A_442 = arith.constant 48 : index
      %get3A_443 = tpu.vector_load %arg8[%get3A_441, %get3A_442] {strides = array<i32>} : memref<256x64xf32, #tpu.memory_space<vmem>>, vector<1x16xf32>,
      %get3A_444 = vector.shape_cast %get3A_443 : vector<1x16xf32> to vector<16xf32>
      %add3A_445 = arith.addf %get3A_440, %get3A_444 : vector<16xf32>
      %swap3A_446 = arith.constant 0 : i32
      %swap3A_447 = arith.constant 0 : i32
      %swap3A_448 = tpu.memref_slice %arg7[%scan3A_103, %swap3A_446, %swap3A_447] : memref<2x256x64xf32, #tpu.memory_space<vmem>> -> memref<1x256x64xf32, #tpu.memory_space<vmem>>
      %swap3A_449 = tpu.memref_squeeze %swap3A_448 : memref<1x256x64xf32, #tpu.memory_space<vmem>> -> memref<256x64xf32, #tpu.memory_space<vmem>>
      %swap3A_450 = arith.index_cast %scan3A_366 : i32 to index
      %swap3A_451 = arith.constant 48 : index
      %swap3A_452 = tpu.vector_load %swap3A_449[%swap3A_450, %swap3A_451] {strides = array<i32>} : memref<256x64xf32, #tpu.memory_space<vmem>>, vector<1x16xf32>,
      %swap3A_453 = vector.shape_cast %swap3A_452 : vector<1x16xf32> to vector<16xf32>
      %swap3A_454 = vector.shape_cast %add3A_445 : vector<16xf32> to vector<1x16xf32>
      tpu.vector_store %swap3A_449[%swap3A_450, %swap3A_451], %swap3A_454 {strides = array<i32>} : memref<256x64xf32, #tpu.memory_space<vmem>>, vector<1x16xf32>,
    }
    %scan3A_108 = arith.constant 256 : i32
    %add3A_109 = arith.constant 512 : i32
    %add3A_110 = arith.addi %mul3A_32, %add3A_109 : i32
    %dma_start3A_111 = arith.constant 0 : i32
    %dma_start3A_112 = tpu.memref_slice %arg4[%add3A_110, %dma_start3A_111] : memref<8192x64xf32, #tpu.memory_space<hbm>> -> memref<256x64xf32, #tpu.memory_space<hbm>>
    %dma_start3A_113 = arith.constant 0 : i32
    %dma_start3A_114 = tpu.memref_slice %arg4[%add3A_110, %dma_start3A_113] : memref<8192x64xf32, #tpu.memory_space<hbm>> -> memref<256x64xf32, #tpu.memory_space<hbm>>
    tpu.enqueue_dma source(%dma_start3A_114 : memref<256x64xf32, #tpu.memory_space<hbm>>) target(%arg8 : memref<256x64xf32, #tpu.memory_space<vmem>>) target_semaphore(%arg11 : memref<!tpu.dma_semaphore, #tpu.memory_space<semaphore_mem>>)
    %add3A_115 = arith.constant 256 : i32
    %add3A_116 = arith.addi %mul3A_32, %add3A_115 : i32
    %dma_start3A_117 = arith.constant 1 : i32
    %dma_start3A_118 = arith.constant 0 : i32
    %dma_start3A_119 = arith.constant 0 : i32
    %dma_start3A_120 = tpu.memref_slice %arg7[%dma_start3A_117, %dma_start3A_118, %dma_start3A_119] : memref<2x256x64xf32, #tpu.memory_space<vmem>> -> memref<1x256x64xf32, #tpu.memory_space<vmem>>
    %dma_start3A_121 = tpu.memref_squeeze %dma_start3A_120 : memref<1x256x64xf32, #tpu.memory_space<vmem>> -> memref<256x64xf32, #tpu.memory_space<vmem>>
    %dma_start3A_122 = arith.constant 0 : i32
    %dma_start3A_123 = tpu.memref_slice %arg5[%select_n3A, %add3A_116, %dma_start3A_122] : memref<4x8192x64xf32, #tpu.memory_space<hbm>> -> memref<1x256x64xf32, #tpu.memory_space<hbm>>
    %dma_start3A_124 = tpu.memref_squeeze %dma_start3A_123 : memref<1x256x64xf32, #tpu.memory_space<hbm>> -> memref<256x64xf32, #tpu.memory_space<hbm>>
    %dma_start3A_125 = arith.constant 0 : i32
    %dma_start3A_126 = tpu.memref_slice %arg5[%select_n3A, %add3A_116, %dma_start3A_125] : memref<4x8192x64xf32, #tpu.memory_space<hbm>> -> memref<1x256x64xf32, #tpu.memory_space<hbm>>
    %dma_start3A_127 = tpu.memref_squeeze %dma_start3A_126 : memref<1x256x64xf32, #tpu.memory_space<hbm>> -> memref<256x64xf32, #tpu.memory_space<hbm>>
    %dma_start3A_128 = arith.constant 0 : i32
    %dma_start3A_129 = arith.constant 0 : i32
    %dma_start3A_130 = tpu.memref_slice %arg7[%dma_start3A_117, %dma_start3A_128, %dma_start3A_129] : memref<2x256x64xf32, #tpu.memory_space<vmem>> -> memref<1x256x64xf32, #tpu.memory_space<vmem>>
    %dma_start3A_131 = tpu.memref_squeeze %dma_start3A_130 : memref<1x256x64xf32, #tpu.memory_space<vmem>> -> memref<256x64xf32, #tpu.memory_space<vmem>>
    tpu.enqueue_dma source(%dma_start3A_131 : memref<256x64xf32, #tpu.memory_space<vmem>>) target(%dma_start3A_127 : memref<256x64xf32, #tpu.memory_space<hbm>>) target_semaphore(%arg12 : memref<!tpu.dma_semaphore, #tpu.memory_space<semaphore_mem>>)
    %add3A_132 = arith.constant 0 : i32
    %add3A_133 = arith.addi %mul3A_32, %add3A_132 : i32
    %dma_wait3A_134 = arith.constant 0 : i32
    %dma_wait3A_135 = arith.constant 0 : i32
    %dma_wait3A_136 = arith.constant 0 : i32
    %dma_wait3A_137 = tpu.memref_slice %arg7[%dma_wait3A_134, %dma_wait3A_135, %dma_wait3A_136] : memref<2x256x64xf32, #tpu.memory_space<vmem>> -> memref<1x256x64xf32, #tpu.memory_space<vmem>>
    %dma_wait3A_138 = tpu.memref_squeeze %dma_wait3A_137 : memref<1x256x64xf32, #tpu.memory_space<vmem>> -> memref<256x64xf32, #tpu.memory_space<vmem>>
    %dma_wait3A_139 = arith.constant 0 : i32
    %dma_wait3A_140 = tpu.memref_slice %arg5[%select_n3A, %add3A_133, %dma_wait3A_139] : memref<4x8192x64xf32, #tpu.memory_space<hbm>> -> memref<1x256x64xf32, #tpu.memory_space<hbm>>
    %dma_wait3A_141 = tpu.memref_squeeze %dma_wait3A_140 : memref<1x256x64xf32, #tpu.memory_space<hbm>> -> memref<256x64xf32, #tpu.memory_space<hbm>>
    %dma_wait3A_142 = arith.constant 0 : i32
    %dma_wait3A_143 = tpu.memref_slice %arg5[%select_n3A, %add3A_133, %dma_wait3A_142] : memref<4x8192x64xf32, #tpu.memory_space<hbm>> -> memref<1x256x64xf32, #tpu.memory_space<hbm>>
    %dma_wait3A_144 = tpu.memref_squeeze %dma_wait3A_143 : memref<1x256x64xf32, #tpu.memory_space<hbm>> -> memref<256x64xf32, #tpu.memory_space<hbm>>
    %dma_wait3A_145 = arith.constant 0 : i32
    %dma_wait3A_146 = arith.constant 0 : i32
    %dma_wait3A_147 = tpu.memref_slice %arg7[%dma_wait3A_134, %dma_wait3A_145, %dma_wait3A_146] : memref<2x256x64xf32, #tpu.memory_space<vmem>> -> memref<1x256x64xf32, #tpu.memory_space<vmem>>
    %dma_wait3A_148 = tpu.memref_squeeze %dma_wait3A_147 : memref<1x256x64xf32, #tpu.memory_space<vmem>> -> memref<256x64xf32, #tpu.memory_space<vmem>>
    tpu.wait_dma2 semaphore(%arg12 : memref<!tpu.dma_semaphore, #tpu.memory_space<semaphore_mem>>) src(%dma_wait3A_148 : memref<256x64xf32, #tpu.memory_space<vmem>>) dst(%dma_wait3A_144 : memref<256x64xf32, #tpu.memory_space<hbm>>)
    %scan3A_149 = arith.constant 1 : i32
    %scan3A_150 = arith.constant 0 : i32
    %scan3A_151 = arith.constant 16 : i32
    %scan3A_152 = arith.addi %scan3A_150, %scan3A_151 : i32
    %scan3A_153 = arith.constant 1 : i32
    scf.for %scan3A_278 = %scan3A_150 to %scan3A_152 step %scan3A_153  : i32 {
      %mul3A_279 = arith.constant 16 : i32
      %mul3A_280 = arith.muli %scan3A_278, %mul3A_279 : i32
      %add3A_281 = arith.constant 768 : i32
      %add3A_282 = arith.addi %add3A_281, %mul3A_280 : i32
      %get3A = arith.index_cast %add3A_282 : i32 to index
      %get3A_283 = tpu.vector_load %arg6[%get3A] {strides = array<i32>} : memref<1024xi32, #tpu.memory_space<vmem>>, vector<16xi32>,
      %get3A_284 = vector.shape_cast %get3A_283 : vector<16xi32> to vector<16xi32>
      %slice3A = vector.extract_strided_slice %get3A_284 {offsets = [0], sizes = [1], strides = [1]} : vector<16xi32> to vector<1xi32>
      %squeeze3A = vector.extract %slice3A[0] : i32 from vector<1xi32>
      %mul3A_285 = arith.constant 16 : i32
      %mul3A_286 = arith.muli %scan3A_278, %mul3A_285 : i32
      %add3A_287 = arith.constant 0 : i32
      %add3A_288 = arith.addi %mul3A_286, %add3A_287 : i32
      %dma_start3A_289 = arith.constant 0 : i32
      %dma_start3A_290 = arith.constant 0 : i32
      %dma_start3A_291 = tpu.memref_slice %arg7[%scan3A_149, %dma_start3A_289, %dma_start3A_290] : memref<2x256x64xf32, #tpu.memory_space<vmem>> -> memref<1x256x64xf32, #tpu.memory_space<vmem>>
      %dma_start3A_292 = tpu.memref_squeeze %dma_start3A_291 : memref<1x256x64xf32, #tpu.memory_space<vmem>> -> memref<256x64xf32, #tpu.memory_space<vmem>>
      %dma_start3A_293 = arith.constant 0 : i32
      %dma_start3A_294 = tpu.memref_slice %dma_start3A_292[%add3A_288, %dma_start3A_293] : memref<256x64xf32, #tpu.memory_space<vmem>> -> memref<1x64xf32, #tpu.memory_space<vmem>>
      %dma_start3A_295 = tpu.memref_squeeze %dma_start3A_294 : memref<1x64xf32, #tpu.memory_space<vmem>> -> memref<64xf32, #tpu.memory_space<vmem>>
      %dma_start3A_296 = arith.constant 0 : i32
      %dma_start3A_297 = tpu.memref_slice %arg3[%squeeze3A, %dma_start3A_296] : memref<100000x64xf32, #tpu.memory_space<hbm>> -> memref<1x64xf32, #tpu.memory_space<hbm>>
      %dma_start3A_298 = tpu.memref_squeeze %dma_start3A_297 : memref<1x64xf32, #tpu.memory_space<hbm>> -> memref<64xf32, #tpu.memory_space<hbm>>
      %dma_start3A_299 = arith.constant 0 : i32
      %dma_start3A_300 = arith.constant 0 : i32
      %dma_start3A_301 = tpu.memref_slice %arg7[%scan3A_149, %dma_start3A_299, %dma_start3A_300] : memref<2x256x64xf32, #tpu.memory_space<vmem>> -> memref<1x256x64xf32, #tpu.memory_space<vmem>>
      %dma_start3A_302 = tpu.memref_squeeze %dma_start3A_301 : memref<1x256x64xf32, #tpu.memory_space<vmem>> -> memref<256x64xf32, #tpu.memory_space<vmem>>
      %dma_start3A_303 = arith.constant 0 : i32
      %dma_start3A_304 = tpu.memref_slice %dma_start3A_302[%add3A_288, %dma_start3A_303] : memref<256x64xf32, #tpu.memory_space<vmem>> -> memref<1x64xf32, #tpu.memory_space<vmem>>
      %dma_start3A_305 = tpu.memref_squeeze %dma_start3A_304 : memref<1x64xf32, #tpu.memory_space<vmem>> -> memref<64xf32, #tpu.memory_space<vmem>>
      %dma_start3A_306 = arith.constant 0 : i32
      %dma_start3A_307 = tpu.memref_slice %arg3[%squeeze3A, %dma_start3A_306] : memref<100000x64xf32, #tpu.memory_space<hbm>> -> memref<1x64xf32, #tpu.memory_space<hbm>>
      %dma_start3A_308 = tpu.memref_squeeze %dma_start3A_307 : memref<1x64xf32, #tpu.memory_space<hbm>> -> memref<64xf32, #tpu.memory_space<hbm>>
      tpu.enqueue_dma source(%dma_start3A_308 : memref<64xf32, #tpu.memory_space<hbm>>) target(%dma_start3A_305 : memref<64xf32, #tpu.memory_space<vmem>>) target_semaphore(%arg10 : memref<!tpu.dma_semaphore, #tpu.memory_space<semaphore_mem>>)
      %slice3A_309 = vector.extract_strided_slice %get3A_284 {offsets = [1], sizes = [1], strides = [1]} : vector<16xi32> to vector<1xi32>
      %squeeze3A_310 = vector.extract %slice3A_309[0] : i32 from vector<1xi32>
      %mul3A_311 = arith.constant 16 : i32
      %mul3A_312 = arith.muli %scan3A_278, %mul3A_311 : i32
      %add3A_313 = arith.constant 1 : i32
      %add3A_314 = arith.addi %mul3A_312, %add3A_313 : i32
      %dma_start3A_315 = arith.constant 0 : i32
      %dma_start3A_316 = arith.constant 0 : i32
      %dma_start3A_317 = tpu.memref_slice %arg7[%scan3A_149, %dma_start3A_315, %dma_start3A_316] : memref<2x256x64xf32, #tpu.memory_space<vmem>> -> memref<1x256x64xf32, #tpu.memory_space<vmem>>
      %dma_start3A_318 = tpu.memref_squeeze %dma_start3A_317 : memref<1x256x64xf32, #tpu.memory_space<vmem>> -> memref<256x64xf32, #tpu.memory_space<vmem>>
      %dma_start3A_319 = arith.constant 0 : i32
      %dma_start3A_320 = tpu.memref_slice %dma_start3A_318[%add3A_314, %dma_start3A_319] : memref<256x64xf32, #tpu.memory_space<vmem>> -> memref<1x64xf32, #tpu.memory_space<vmem>>
      %dma_start3A_321 = tpu.memref_squeeze %dma_start3A_320 : memref<1x64xf32, #tpu.memory_space<vmem>> -> memref<64xf32, #tpu.memory_space<vmem>>
      %dma_start3A_322 = arith.constant 0 : i32
      %dma_start3A_323 = tpu.memref_slice %arg3[%squeeze3A_310, %dma_start3A_322] : memref<100000x64xf32, #tpu.memory_space<hbm>> -> memref<1x64xf32, #tpu.memory_space<hbm>>
      %dma_start3A_324 = tpu.memref_squeeze %dma_start3A_323 : memref<1x64xf32, #tpu.memory_space<hbm>> -> memref<64xf32, #tpu.memory_space<hbm>>
      %dma_start3A_325 = arith.constant 0 : i32
      %dma_start3A_326 = arith.constant 0 : i32
      %dma_start3A_327 = tpu.memref_slice %arg7[%scan3A_149, %dma_start3A_325, %dma_start3A_326] : memref<2x256x64xf32, #tpu.memory_space<vmem>> -> memref<1x256x64xf32, #tpu.memory_space<vmem>>
      %dma_start3A_328 = tpu.memref_squeeze %dma_start3A_327 : memref<1x256x64xf32, #tpu.memory_space<vmem>> -> memref<256x64xf32, #tpu.memory_space<vmem>>
      %dma_start3A_329 = arith.constant 0 : i32
      %dma_start3A_330 = tpu.memref_slice %dma_start3A_328[%add3A_314, %dma_start3A_329] : memref<256x64xf32, #tpu.memory_space<vmem>> -> memref<1x64xf32, #tpu.memory_space<vmem>>
      %dma_start3A_331 = tpu.memref_squeeze %dma_start3A_330 : memref<1x64xf32, #tpu.memory_space<vmem>> -> memref<64xf32, #tpu.memory_space<vmem>>
      %dma_start3A_332 = arith.constant 0 : i32
      %dma_start3A_333 = tpu.memref_slice %arg3[%squeeze3A_310, %dma_start3A_332] : memref<100000x64xf32, #tpu.memory_space<hbm>> -> memref<1x64xf32, #tpu.memory_space<hbm>>
      %dma_start3A_334 = tpu.memref_squeeze %dma_start3A_333 : memref<1x64xf32, #tpu.memory_space<hbm>> -> memref<64xf32, #tpu.memory_space<hbm>>
      tpu.enqueue_dma source(%dma_start3A_334 : memref<64xf32, #tpu.memory_space<hbm>>) target(%dma_start3A_331 : memref<64xf32, #tpu.memory_space<vmem>>) target_semaphore(%arg10 : memref<!tpu.dma_semaphore, #tpu.memory_space<semaphore_mem>>)
      %slice3A_335 = vector.extract_strided_slice %get3A_284 {offsets = [2], sizes = [1], strides = [1]} : vector<16xi32> to vector<1xi32>
      %squeeze3A_336 = vector.extract %slice3A_335[0] : i32 from vector<1xi32>
      %mul3A_337 = arith.constant 16 : i32
      %mul3A_338 = arith.muli %scan3A_278, %mul3A_337 : i32
      %add3A_339 = arith.constant 2 : i32
      %add3A_340 = arith.addi %mul3A_338, %add3A_339 : i32
      %dma_start3A_341 = arith.constant 0 : i32
      %dma_start3A_342 = arith.constant 0 : i32
      %dma_start3A_343 = tpu.memref_slice %arg7[%scan3A_149, %dma_start3A_341, %dma_start3A_342] : memref<2x256x64xf32, #tpu.memory_space<vmem>> -> memref<1x256x64xf32, #tpu.memory_space<vmem>>
      %dma_start3A_344 = tpu.memref_squeeze %dma_start3A_343 : memref<1x256x64xf32, #tpu.memory_space<vmem>> -> memref<256x64xf32, #tpu.memory_space<vmem>>
      %dma_start3A_345 = arith.constant 0 : i32
      %dma_start3A_346 = tpu.memref_slice %dma_start3A_344[%add3A_340, %dma_start3A_345] : memref<256x64xf32, #tpu.memory_space<vmem>> -> memref<1x64xf32, #tpu.memory_space<vmem>>
      %dma_start3A_347 = tpu.memref_squeeze %dma_start3A_346 : memref<1x64xf32, #tpu.memory_space<vmem>> -> memref<64xf32, #tpu.memory_space<vmem>>
      %dma_start3A_348 = arith.constant 0 : i32
      %dma_start3A_349 = tpu.memref_slice %arg3[%squeeze3A_336, %dma_start3A_348] : memref<100000x64xf32, #tpu.memory_space<hbm>> -> memref<1x64xf32, #tpu.memory_space<hbm>>
      %dma_start3A_350 = tpu.memref_squeeze %dma_start3A_349 : memref<1x64xf32, #tpu.memory_space<hbm>> -> memref<64xf32, #tpu.memory_space<hbm>>
      %dma_start3A_351 = arith.constant 0 : i32
      %dma_start3A_352 = arith.constant 0 : i32
      %dma_start3A_353 = tpu.memref_slice %arg7[%scan3A_149, %dma_start3A_351, %dma_start3A_352] : memref<2x256x64xf32, #tpu.memory_space<vmem>> -> memref<1x256x64xf32, #tpu.memory_space<vmem>>
      %dma_start3A_354 = tpu.memref_squeeze %dma_start3A_353 : memref<1x256x64xf32, #tpu.memory_space<vmem>> -> memref<256x64xf32, #tpu.memory_space<vmem>>
      %dma_start3A_355 = arith.constant 0 : i32
      %dma_start3A_356 = tpu.memref_slice %dma_start3A_354[%add3A_340, %dma_start3A_355] : memref<256x64xf32, #tpu.memory_space<vmem>> -> memref<1x64xf32, #tpu.memory_space<vmem>>
      %dma_start3A_357 = tpu.memref_squeeze %dma_start3A_356 : memref<1x64xf32, #tpu.memory_space<vmem>> -> memref<64xf32, #tpu.memory_space<vmem>>
      %dma_start3A_358 = arith.constant 0 : i32
      %dma_start3A_359 = tpu.memref_slice %arg3[%squeeze3A_336, %dma_start3A_358] : memref<100000x64xf32, #tpu.memory_space<hbm>> -> memref<1x64xf32, #tpu.memory_space<hbm>>
      %dma_start3A_360 = tpu.memref_squeeze %dma_start3A_359 : memref<1x64xf32, #tpu.memory_space<hbm>> -> memref<64xf32, #tpu.memory_space<hbm>>
      tpu.enqueue_dma source(%dma_start3A_360 : memref<64xf32, #tpu.memory_space<hbm>>) target(%dma_start3A_357 : memref<64xf32, #tpu.memory_space<vmem>>) target_semaphore(%arg10 : memref<!tpu.dma_semaphore, #tpu.memory_space<semaphore_mem>>)
      %slice3A_361 = vector.extract_strided_slice %get3A_284 {offsets = [3], sizes = [1], strides = [1]} : vector<16xi32> to vector<1xi32>
      %squeeze3A_362 = vector.extract %slice3A_361[0] : i32 from vector<1xi32>
      %mul3A_363 = arith.constant 16 : i32
      %mul3A_364 = arith.muli %scan3A_278, %mul3A_363 : i32
      %add3A_365 = arith.constant 3 : i32
      %add3A_366 = arith.addi %mul3A_364, %add3A_365 : i32
      %dma_start3A_367 = arith.constant 0 : i32
      %dma_start3A_368 = arith.constant 0 : i32
      %dma_start3A_369 = tpu.memref_slice %arg7[%scan3A_149, %dma_start3A_367, %dma_start3A_368] : memref<2x256x64xf32, #tpu.memory_space<vmem>> -> memref<1x256x64xf32, #tpu.memory_space<vmem>>
      %dma_start3A_370 = tpu.memref_squeeze %dma_start3A_369 : memref<1x256x64xf32, #tpu.memory_space<vmem>> -> memref<256x64xf32, #tpu.memory_space<vmem>>
      %dma_start3A_371 = arith.constant 0 : i32
      %dma_start3A_372 = tpu.memref_slice %dma_start3A_370[%add3A_366, %dma_start3A_371] : memref<256x64xf32, #tpu.memory_space<vmem>> -> memref<1x64xf32, #tpu.memory_space<vmem>>
      %dma_start3A_373 = tpu.memref_squeeze %dma_start3A_372 : memref<1x64xf32, #tpu.memory_space<vmem>> -> memref<64xf32, #tpu.memory_space<vmem>>
      %dma_start3A_374 = arith.constant 0 : i32
      %dma_start3A_375 = tpu.memref_slice %arg3[%squeeze3A_362, %dma_start3A_374] : memref<100000x64xf32, #tpu.memory_space<hbm>> -> memref<1x64xf32, #tpu.memory_space<hbm>>
      %dma_start3A_376 = tpu.memref_squeeze %dma_start3A_375 : memref<1x64xf32, #tpu.memory_space<hbm>> -> memref<64xf32, #tpu.memory_space<hbm>>
      %dma_start3A_377 = arith.constant 0 : i32
      %dma_start3A_378 = arith.constant 0 : i32
      %dma_start3A_379 = tpu.memref_slice %arg7[%scan3A_149, %dma_start3A_377, %dma_start3A_378] : memref<2x256x64xf32, #tpu.memory_space<vmem>> -> memref<1x256x64xf32, #tpu.memory_space<vmem>>
      %dma_start3A_380 = tpu.memref_squeeze %dma_start3A_379 : memref<1x256x64xf32, #tpu.memory_space<vmem>> -> memref<256x64xf32, #tpu.memory_space<vmem>>
      %dma_start3A_381 = arith.constant 0 : i32
      %dma_start3A_382 = tpu.memref_slice %dma_start3A_380[%add3A_366, %dma_start3A_381] : memref<256x64xf32, #tpu.memory_space<vmem>> -> memref<1x64xf32, #tpu.memory_space<vmem>>
      %dma_start3A_383 = tpu.memref_squeeze %dma_start3A_382 : memref<1x64xf32, #tpu.memory_space<vmem>> -> memref<64xf32, #tpu.memory_space<vmem>>
      %dma_start3A_384 = arith.constant 0 : i32
      %dma_start3A_385 = tpu.memref_slice %arg3[%squeeze3A_362, %dma_start3A_384] : memref<100000x64xf32, #tpu.memory_space<hbm>> -> memref<1x64xf32, #tpu.memory_space<hbm>>
      %dma_start3A_386 = tpu.memref_squeeze %dma_start3A_385 : memref<1x64xf32, #tpu.memory_space<hbm>> -> memref<64xf32, #tpu.memory_space<hbm>>
      tpu.enqueue_dma source(%dma_start3A_386 : memref<64xf32, #tpu.memory_space<hbm>>) target(%dma_start3A_383 : memref<64xf32, #tpu.memory_space<vmem>>) target_semaphore(%arg10 : memref<!tpu.dma_semaphore, #tpu.memory_space<semaphore_mem>>)
      %slice3A_387 = vector.extract_strided_slice %get3A_284 {offsets = [4], sizes = [1], strides = [1]} : vector<16xi32> to vector<1xi32>
      %squeeze3A_388 = vector.extract %slice3A_387[0] : i32 from vector<1xi32>
      %mul3A_389 = arith.constant 16 : i32
      %mul3A_390 = arith.muli %scan3A_278, %mul3A_389 : i32
      %add3A_391 = arith.constant 4 : i32
      %add3A_392 = arith.addi %mul3A_390, %add3A_391 : i32
      %dma_start3A_393 = arith.constant 0 : i32
      %dma_start3A_394 = arith.constant 0 : i32
      %dma_start3A_395 = tpu.memref_slice %arg7[%scan3A_149, %dma_start3A_393, %dma_start3A_394] : memref<2x256x64xf32, #tpu.memory_space<vmem>> -> memref<1x256x64xf32, #tpu.memory_space<vmem>>
      %dma_start3A_396 = tpu.memref_squeeze %dma_start3A_395 : memref<1x256x64xf32, #tpu.memory_space<vmem>> -> memref<256x64xf32, #tpu.memory_space<vmem>>
      %dma_start3A_397 = arith.constant 0 : i32
      %dma_start3A_398 = tpu.memref_slice %dma_start3A_396[%add3A_392, %dma_start3A_397] : memref<256x64xf32, #tpu.memory_space<vmem>> -> memref<1x64xf32, #tpu.memory_space<vmem>>
      %dma_start3A_399 = tpu.memref_squeeze %dma_start3A_398 : memref<1x64xf32, #tpu.memory_space<vmem>> -> memref<64xf32, #tpu.memory_space<vmem>>
      %dma_start3A_400 = arith.constant 0 : i32
      %dma_start3A_401 = tpu.memref_slice %arg3[%squeeze3A_388, %dma_start3A_400] : memref<100000x64xf32, #tpu.memory_space<hbm>> -> memref<1x64xf32, #tpu.memory_space<hbm>>
      %dma_start3A_402 = tpu.memref_squeeze %dma_start3A_401 : memref<1x64xf32, #tpu.memory_space<hbm>> -> memref<64xf32, #tpu.memory_space<hbm>>
      %dma_start3A_403 = arith.constant 0 : i32
      %dma_start3A_404 = arith.constant 0 : i32
      %dma_start3A_405 = tpu.memref_slice %arg7[%scan3A_149, %dma_start3A_403, %dma_start3A_404] : memref<2x256x64xf32, #tpu.memory_space<vmem>> -> memref<1x256x64xf32, #tpu.memory_space<vmem>>
      %dma_start3A_406 = tpu.memref_squeeze %dma_start3A_405 : memref<1x256x64xf32, #tpu.memory_space<vmem>> -> memref<256x64xf32, #tpu.memory_space<vmem>>
      %dma_start3A_407 = arith.constant 0 : i32
      %dma_start3A_408 = tpu.memref_slice %dma_start3A_406[%add3A_392, %dma_start3A_407] : memref<256x64xf32, #tpu.memory_space<vmem>> -> memref<1x64xf32, #tpu.memory_space<vmem>>
      %dma_start3A_409 = tpu.memref_squeeze %dma_start3A_408 : memref<1x64xf32, #tpu.memory_space<vmem>> -> memref<64xf32, #tpu.memory_space<vmem>>
      %dma_start3A_410 = arith.constant 0 : i32
      %dma_start3A_411 = tpu.memref_slice %arg3[%squeeze3A_388, %dma_start3A_410] : memref<100000x64xf32, #tpu.memory_space<hbm>> -> memref<1x64xf32, #tpu.memory_space<hbm>>
      %dma_start3A_412 = tpu.memref_squeeze %dma_start3A_411 : memref<1x64xf32, #tpu.memory_space<hbm>> -> memref<64xf32, #tpu.memory_space<hbm>>
      tpu.enqueue_dma source(%dma_start3A_412 : memref<64xf32, #tpu.memory_space<hbm>>) target(%dma_start3A_409 : memref<64xf32, #tpu.memory_space<vmem>>) target_semaphore(%arg10 : memref<!tpu.dma_semaphore, #tpu.memory_space<semaphore_mem>>)
      %slice3A_413 = vector.extract_strided_slice %get3A_284 {offsets = [5], sizes = [1], strides = [1]} : vector<16xi32> to vector<1xi32>
      %squeeze3A_414 = vector.extract %slice3A_413[0] : i32 from vector<1xi32>
      %mul3A_415 = arith.constant 16 : i32
      %mul3A_416 = arith.muli %scan3A_278, %mul3A_415 : i32
      %add3A_417 = arith.constant 5 : i32
      %add3A_418 = arith.addi %mul3A_416, %add3A_417 : i32
      %dma_start3A_419 = arith.constant 0 : i32
      %dma_start3A_420 = arith.constant 0 : i32
      %dma_start3A_421 = tpu.memref_slice %arg7[%scan3A_149, %dma_start3A_419, %dma_start3A_420] : memref<2x256x64xf32, #tpu.memory_space<vmem>> -> memref<1x256x64xf32, #tpu.memory_space<vmem>>
      %dma_start3A_422 = tpu.memref_squeeze %dma_start3A_421 : memref<1x256x64xf32, #tpu.memory_space<vmem>> -> memref<256x64xf32, #tpu.memory_space<vmem>>
      %dma_start3A_423 = arith.constant 0 : i32
      %dma_start3A_424 = tpu.memref_slice %dma_start3A_422[%add3A_418, %dma_start3A_423] : memref<256x64xf32, #tpu.memory_space<vmem>> -> memref<1x64xf32, #tpu.memory_space<vmem>>
      %dma_start3A_425 = tpu.memref_squeeze %dma_start3A_424 : memref<1x64xf32, #tpu.memory_space<vmem>> -> memref<64xf32, #tpu.memory_space<vmem>>
      %dma_start3A_426 = arith.constant 0 : i32
      %dma_start3A_427 = tpu.memref_slice %arg3[%squeeze3A_414, %dma_start3A_426] : memref<100000x64xf32, #tpu.memory_space<hbm>> -> memref<1x64xf32, #tpu.memory_space<hbm>>
      %dma_start3A_428 = tpu.memref_squeeze %dma_start3A_427 : memref<1x64xf32, #tpu.memory_space<hbm>> -> memref<64xf32, #tpu.memory_space<hbm>>
      %dma_start3A_429 = arith.constant 0 : i32
      %dma_start3A_430 = arith.constant 0 : i32
      %dma_start3A_431 = tpu.memref_slice %arg7[%scan3A_149, %dma_start3A_429, %dma_start3A_430] : memref<2x256x64xf32, #tpu.memory_space<vmem>> -> memref<1x256x64xf32, #tpu.memory_space<vmem>>
      %dma_start3A_432 = tpu.memref_squeeze %dma_start3A_431 : memref<1x256x64xf32, #tpu.memory_space<vmem>> -> memref<256x64xf32, #tpu.memory_space<vmem>>
      %dma_start3A_433 = arith.constant 0 : i32
      %dma_start3A_434 = tpu.memref_slice %dma_start3A_432[%add3A_418, %dma_start3A_433] : memref<256x64xf32, #tpu.memory_space<vmem>> -> memref<1x64xf32, #tpu.memory_space<vmem>>
      %dma_start3A_435 = tpu.memref_squeeze %dma_start3A_434 : memref<1x64xf32, #tpu.memory_space<vmem>> -> memref<64xf32, #tpu.memory_space<vmem>>
      %dma_start3A_436 = arith.constant 0 : i32
      %dma_start3A_437 = tpu.memref_slice %arg3[%squeeze3A_414, %dma_start3A_436] : memref<100000x64xf32, #tpu.memory_space<hbm>> -> memref<1x64xf32, #tpu.memory_space<hbm>>
      %dma_start3A_438 = tpu.memref_squeeze %dma_start3A_437 : memref<1x64xf32, #tpu.memory_space<hbm>> -> memref<64xf32, #tpu.memory_space<hbm>>
      tpu.enqueue_dma source(%dma_start3A_438 : memref<64xf32, #tpu.memory_space<hbm>>) target(%dma_start3A_435 : memref<64xf32, #tpu.memory_space<vmem>>) target_semaphore(%arg10 : memref<!tpu.dma_semaphore, #tpu.memory_space<semaphore_mem>>)
      %slice3A_439 = vector.extract_strided_slice %get3A_284 {offsets = [6], sizes = [1], strides = [1]} : vector<16xi32> to vector<1xi32>
      %squeeze3A_440 = vector.extract %slice3A_439[0] : i32 from vector<1xi32>
      %mul3A_441 = arith.constant 16 : i32
      %mul3A_442 = arith.muli %scan3A_278, %mul3A_441 : i32
      %add3A_443 = arith.constant 6 : i32
      %add3A_444 = arith.addi %mul3A_442, %add3A_443 : i32
      %dma_start3A_445 = arith.constant 0 : i32
      %dma_start3A_446 = arith.constant 0 : i32
      %dma_start3A_447 = tpu.memref_slice %arg7[%scan3A_149, %dma_start3A_445, %dma_start3A_446] : memref<2x256x64xf32, #tpu.memory_space<vmem>> -> memref<1x256x64xf32, #tpu.memory_space<vmem>>
      %dma_start3A_448 = tpu.memref_squeeze %dma_start3A_447 : memref<1x256x64xf32, #tpu.memory_space<vmem>> -> memref<256x64xf32, #tpu.memory_space<vmem>>
      %dma_start3A_449 = arith.constant 0 : i32
      %dma_start3A_450 = tpu.memref_slice %dma_start3A_448[%add3A_444, %dma_start3A_449] : memref<256x64xf32, #tpu.memory_space<vmem>> -> memref<1x64xf32, #tpu.memory_space<vmem>>
      %dma_start3A_451 = tpu.memref_squeeze %dma_start3A_450 : memref<1x64xf32, #tpu.memory_space<vmem>> -> memref<64xf32, #tpu.memory_space<vmem>>
      %dma_start3A_452 = arith.constant 0 : i32
      %dma_start3A_453 = tpu.memref_slice %arg3[%squeeze3A_440, %dma_start3A_452] : memref<100000x64xf32, #tpu.memory_space<hbm>> -> memref<1x64xf32, #tpu.memory_space<hbm>>
      %dma_start3A_454 = tpu.memref_squeeze %dma_start3A_453 : memref<1x64xf32, #tpu.memory_space<hbm>> -> memref<64xf32, #tpu.memory_space<hbm>>
      %dma_start3A_455 = arith.constant 0 : i32
      %dma_start3A_456 = arith.constant 0 : i32
      %dma_start3A_457 = tpu.memref_slice %arg7[%scan3A_149, %dma_start3A_455, %dma_start3A_456] : memref<2x256x64xf32, #tpu.memory_space<vmem>> -> memref<1x256x64xf32, #tpu.memory_space<vmem>>
      %dma_start3A_458 = tpu.memref_squeeze %dma_start3A_457 : memref<1x256x64xf32, #tpu.memory_space<vmem>> -> memref<256x64xf32, #tpu.memory_space<vmem>>
      %dma_start3A_459 = arith.constant 0 : i32
      %dma_start3A_460 = tpu.memref_slice %dma_start3A_458[%add3A_444, %dma_start3A_459] : memref<256x64xf32, #tpu.memory_space<vmem>> -> memref<1x64xf32, #tpu.memory_space<vmem>>
      %dma_start3A_461 = tpu.memref_squeeze %dma_start3A_460 : memref<1x64xf32, #tpu.memory_space<vmem>> -> memref<64xf32, #tpu.memory_space<vmem>>
      %dma_start3A_462 = arith.constant 0 : i32
      %dma_start3A_463 = tpu.memref_slice %arg3[%squeeze3A_440, %dma_start3A_462] : memref<100000x64xf32, #tpu.memory_space<hbm>> -> memref<1x64xf32, #tpu.memory_space<hbm>>
      %dma_start3A_464 = tpu.memref_squeeze %dma_start3A_463 : memref<1x64xf32, #tpu.memory_space<hbm>> -> memref<64xf32, #tpu.memory_space<hbm>>
      tpu.enqueue_dma source(%dma_start3A_464 : memref<64xf32, #tpu.memory_space<hbm>>) target(%dma_start3A_461 : memref<64xf32, #tpu.memory_space<vmem>>) target_semaphore(%arg10 : memref<!tpu.dma_semaphore, #tpu.memory_space<semaphore_mem>>)
      %slice3A_465 = vector.extract_strided_slice %get3A_284 {offsets = [7], sizes = [1], strides = [1]} : vector<16xi32> to vector<1xi32>
      %squeeze3A_466 = vector.extract %slice3A_465[0] : i32 from vector<1xi32>
      %mul3A_467 = arith.constant 16 : i32
      %mul3A_468 = arith.muli %scan3A_278, %mul3A_467 : i32
      %add3A_469 = arith.constant 7 : i32
      %add3A_470 = arith.addi %mul3A_468, %add3A_469 : i32
      %dma_start3A_471 = arith.constant 0 : i32
      %dma_start3A_472 = arith.constant 0 : i32
      %dma_start3A_473 = tpu.memref_slice %arg7[%scan3A_149, %dma_start3A_471, %dma_start3A_472] : memref<2x256x64xf32, #tpu.memory_space<vmem>> -> memref<1x256x64xf32, #tpu.memory_space<vmem>>
      %dma_start3A_474 = tpu.memref_squeeze %dma_start3A_473 : memref<1x256x64xf32, #tpu.memory_space<vmem>> -> memref<256x64xf32, #tpu.memory_space<vmem>>
      %dma_start3A_475 = arith.constant 0 : i32
      %dma_start3A_476 = tpu.memref_slice %dma_start3A_474[%add3A_470, %dma_start3A_475] : memref<256x64xf32, #tpu.memory_space<vmem>> -> memref<1x64xf32, #tpu.memory_space<vmem>>
      %dma_start3A_477 = tpu.memref_squeeze %dma_start3A_476 : memref<1x64xf32, #tpu.memory_space<vmem>> -> memref<64xf32, #tpu.memory_space<vmem>>
      %dma_start3A_478 = arith.constant 0 : i32
      %dma_start3A_479 = tpu.memref_slice %arg3[%squeeze3A_466, %dma_start3A_478] : memref<100000x64xf32, #tpu.memory_space<hbm>> -> memref<1x64xf32, #tpu.memory_space<hbm>>
      %dma_start3A_480 = tpu.memref_squeeze %dma_start3A_479 : memref<1x64xf32, #tpu.memory_space<hbm>> -> memref<64xf32, #tpu.memory_space<hbm>>
      %dma_start3A_481 = arith.constant 0 : i32
      %dma_start3A_482 = arith.constant 0 : i32
      %dma_start3A_483 = tpu.memref_slice %arg7[%scan3A_149, %dma_start3A_481, %dma_start3A_482] : memref<2x256x64xf32, #tpu.memory_space<vmem>> -> memref<1x256x64xf32, #tpu.memory_space<vmem>>
      %dma_start3A_484 = tpu.memref_squeeze %dma_start3A_483 : memref<1x256x64xf32, #tpu.memory_space<vmem>> -> memref<256x64xf32, #tpu.memory_space<vmem>>
      %dma_start3A_485 = arith.constant 0 : i32
      %dma_start3A_486 = tpu.memref_slice %dma_start3A_484[%add3A_470, %dma_start3A_485] : memref<256x64xf32, #tpu.memory_space<vmem>> -> memref<1x64xf32, #tpu.memory_space<vmem>>
      %dma_start3A_487 = tpu.memref_squeeze %dma_start3A_486 : memref<1x64xf32, #tpu.memory_space<vmem>> -> memref<64xf32, #tpu.memory_space<vmem>>
      %dma_start3A_488 = arith.constant 0 : i32
      %dma_start3A_489 = tpu.memref_slice %arg3[%squeeze3A_466, %dma_start3A_488] : memref<100000x64xf32, #tpu.memory_space<hbm>> -> memref<1x64xf32, #tpu.memory_space<hbm>>
      %dma_start3A_490 = tpu.memref_squeeze %dma_start3A_489 : memref<1x64xf32, #tpu.memory_space<hbm>> -> memref<64xf32, #tpu.memory_space<hbm>>
      tpu.enqueue_dma source(%dma_start3A_490 : memref<64xf32, #tpu.memory_space<hbm>>) target(%dma_start3A_487 : memref<64xf32, #tpu.memory_space<vmem>>) target_semaphore(%arg10 : memref<!tpu.dma_semaphore, #tpu.memory_space<semaphore_mem>>)
      %slice3A_491 = vector.extract_strided_slice %get3A_284 {offsets = [8], sizes = [1], strides = [1]} : vector<16xi32> to vector<1xi32>
      %squeeze3A_492 = vector.extract %slice3A_491[0] : i32 from vector<1xi32>
      %mul3A_493 = arith.constant 16 : i32
      %mul3A_494 = arith.muli %scan3A_278, %mul3A_493 : i32
      %add3A_495 = arith.constant 8 : i32
      %add3A_496 = arith.addi %mul3A_494, %add3A_495 : i32
      %dma_start3A_497 = arith.constant 0 : i32
      %dma_start3A_498 = arith.constant 0 : i32
      %dma_start3A_499 = tpu.memref_slice %arg7[%scan3A_149, %dma_start3A_497, %dma_start3A_498] : memref<2x256x64xf32, #tpu.memory_space<vmem>> -> memref<1x256x64xf32, #tpu.memory_space<vmem>>
      %dma_start3A_500 = tpu.memref_squeeze %dma_start3A_499 : memref<1x256x64xf32, #tpu.memory_space<vmem>> -> memref<256x64xf32, #tpu.memory_space<vmem>>
      %dma_start3A_501 = arith.constant 0 : i32
      %dma_start3A_502 = tpu.memref_slice %dma_start3A_500[%add3A_496, %dma_start3A_501] : memref<256x64xf32, #tpu.memory_space<vmem>> -> memref<1x64xf32, #tpu.memory_space<vmem>>
      %dma_start3A_503 = tpu.memref_squeeze %dma_start3A_502 : memref<1x64xf32, #tpu.memory_space<vmem>> -> memref<64xf32, #tpu.memory_space<vmem>>
      %dma_start3A_504 = arith.constant 0 : i32
      %dma_start3A_505 = tpu.memref_slice %arg3[%squeeze3A_492, %dma_start3A_504] : memref<100000x64xf32, #tpu.memory_space<hbm>> -> memref<1x64xf32, #tpu.memory_space<hbm>>
      %dma_start3A_506 = tpu.memref_squeeze %dma_start3A_505 : memref<1x64xf32, #tpu.memory_space<hbm>> -> memref<64xf32, #tpu.memory_space<hbm>>
      %dma_start3A_507 = arith.constant 0 : i32
      %dma_start3A_508 = arith.constant 0 : i32
      %dma_start3A_509 = tpu.memref_slice %arg7[%scan3A_149, %dma_start3A_507, %dma_start3A_508] : memref<2x256x64xf32, #tpu.memory_space<vmem>> -> memref<1x256x64xf32, #tpu.memory_space<vmem>>
      %dma_start3A_510 = tpu.memref_squeeze %dma_start3A_509 : memref<1x256x64xf32, #tpu.memory_space<vmem>> -> memref<256x64xf32, #tpu.memory_space<vmem>>
      %dma_start3A_511 = arith.constant 0 : i32
      %dma_start3A_512 = tpu.memref_slice %dma_start3A_510[%add3A_496, %dma_start3A_511] : memref<256x64xf32, #tpu.memory_space<vmem>> -> memref<1x64xf32, #tpu.memory_space<vmem>>
      %dma_start3A_513 = tpu.memref_squeeze %dma_start3A_512 : memref<1x64xf32, #tpu.memory_space<vmem>> -> memref<64xf32, #tpu.memory_space<vmem>>
      %dma_start3A_514 = arith.constant 0 : i32
      %dma_start3A_515 = tpu.memref_slice %arg3[%squeeze3A_492, %dma_start3A_514] : memref<100000x64xf32, #tpu.memory_space<hbm>> -> memref<1x64xf32, #tpu.memory_space<hbm>>
      %dma_start3A_516 = tpu.memref_squeeze %dma_start3A_515 : memref<1x64xf32, #tpu.memory_space<hbm>> -> memref<64xf32, #tpu.memory_space<hbm>>
      tpu.enqueue_dma source(%dma_start3A_516 : memref<64xf32, #tpu.memory_space<hbm>>) target(%dma_start3A_513 : memref<64xf32, #tpu.memory_space<vmem>>) target_semaphore(%arg10 : memref<!tpu.dma_semaphore, #tpu.memory_space<semaphore_mem>>)
      %slice3A_517 = vector.extract_strided_slice %get3A_284 {offsets = [9], sizes = [1], strides = [1]} : vector<16xi32> to vector<1xi32>
      %squeeze3A_518 = vector.extract %slice3A_517[0] : i32 from vector<1xi32>
      %mul3A_519 = arith.constant 16 : i32
      %mul3A_520 = arith.muli %scan3A_278, %mul3A_519 : i32
      %add3A_521 = arith.constant 9 : i32
      %add3A_522 = arith.addi %mul3A_520, %add3A_521 : i32
      %dma_start3A_523 = arith.constant 0 : i32
      %dma_start3A_524 = arith.constant 0 : i32
      %dma_start3A_525 = tpu.memref_slice %arg7[%scan3A_149, %dma_start3A_523, %dma_start3A_524] : memref<2x256x64xf32, #tpu.memory_space<vmem>> -> memref<1x256x64xf32, #tpu.memory_space<vmem>>
      %dma_start3A_526 = tpu.memref_squeeze %dma_start3A_525 : memref<1x256x64xf32, #tpu.memory_space<vmem>> -> memref<256x64xf32, #tpu.memory_space<vmem>>
      %dma_start3A_527 = arith.constant 0 : i32
      %dma_start3A_528 = tpu.memref_slice %dma_start3A_526[%add3A_522, %dma_start3A_527] : memref<256x64xf32, #tpu.memory_space<vmem>> -> memref<1x64xf32, #tpu.memory_space<vmem>>
      %dma_start3A_529 = tpu.memref_squeeze %dma_start3A_528 : memref<1x64xf32, #tpu.memory_space<vmem>> -> memref<64xf32, #tpu.memory_space<vmem>>
      %dma_start3A_530 = arith.constant 0 : i32
      %dma_start3A_531 = tpu.memref_slice %arg3[%squeeze3A_518, %dma_start3A_530] : memref<100000x64xf32, #tpu.memory_space<hbm>> -> memref<1x64xf32, #tpu.memory_space<hbm>>
      %dma_start3A_532 = tpu.memref_squeeze %dma_start3A_531 : memref<1x64xf32, #tpu.memory_space<hbm>> -> memref<64xf32, #tpu.memory_space<hbm>>
      %dma_start3A_533 = arith.constant 0 : i32
      %dma_start3A_534 = arith.constant 0 : i32
      %dma_start3A_535 = tpu.memref_slice %arg7[%scan3A_149, %dma_start3A_533, %dma_start3A_534] : memref<2x256x64xf32, #tpu.memory_space<vmem>> -> memref<1x256x64xf32, #tpu.memory_space<vmem>>
      %dma_start3A_536 = tpu.memref_squeeze %dma_start3A_535 : memref<1x256x64xf32, #tpu.memory_space<vmem>> -> memref<256x64xf32, #tpu.memory_space<vmem>>
      %dma_start3A_537 = arith.constant 0 : i32
      %dma_start3A_538 = tpu.memref_slice %dma_start3A_536[%add3A_522, %dma_start3A_537] : memref<256x64xf32, #tpu.memory_space<vmem>> -> memref<1x64xf32, #tpu.memory_space<vmem>>
      %dma_start3A_539 = tpu.memref_squeeze %dma_start3A_538 : memref<1x64xf32, #tpu.memory_space<vmem>> -> memref<64xf32, #tpu.memory_space<vmem>>
      %dma_start3A_540 = arith.constant 0 : i32
      %dma_start3A_541 = tpu.memref_slice %arg3[%squeeze3A_518, %dma_start3A_540] : memref<100000x64xf32, #tpu.memory_space<hbm>> -> memref<1x64xf32, #tpu.memory_space<hbm>>
      %dma_start3A_542 = tpu.memref_squeeze %dma_start3A_541 : memref<1x64xf32, #tpu.memory_space<hbm>> -> memref<64xf32, #tpu.memory_space<hbm>>
      tpu.enqueue_dma source(%dma_start3A_542 : memref<64xf32, #tpu.memory_space<hbm>>) target(%dma_start3A_539 : memref<64xf32, #tpu.memory_space<vmem>>) target_semaphore(%arg10 : memref<!tpu.dma_semaphore, #tpu.memory_space<semaphore_mem>>)
      %slice3A_543 = vector.extract_strided_slice %get3A_284 {offsets = [10], sizes = [1], strides = [1]} : vector<16xi32> to vector<1xi32>
      %squeeze3A_544 = vector.extract %slice3A_543[0] : i32 from vector<1xi32>
      %mul3A_545 = arith.constant 16 : i32
      %mul3A_546 = arith.muli %scan3A_278, %mul3A_545 : i32
      %add3A_547 = arith.constant 10 : i32
      %add3A_548 = arith.addi %mul3A_546, %add3A_547 : i32
      %dma_start3A_549 = arith.constant 0 : i32
      %dma_start3A_550 = arith.constant 0 : i32
      %dma_start3A_551 = tpu.memref_slice %arg7[%scan3A_149, %dma_start3A_549, %dma_start3A_550] : memref<2x256x64xf32, #tpu.memory_space<vmem>> -> memref<1x256x64xf32, #tpu.memory_space<vmem>>
      %dma_start3A_552 = tpu.memref_squeeze %dma_start3A_551 : memref<1x256x64xf32, #tpu.memory_space<vmem>> -> memref<256x64xf32, #tpu.memory_space<vmem>>
      %dma_start3A_553 = arith.constant 0 : i32
      %dma_start3A_554 = tpu.memref_slice %dma_start3A_552[%add3A_548, %dma_start3A_553] : memref<256x64xf32, #tpu.memory_space<vmem>> -> memref<1x64xf32, #tpu.memory_space<vmem>>
      %dma_start3A_555 = tpu.memref_squeeze %dma_start3A_554 : memref<1x64xf32, #tpu.memory_space<vmem>> -> memref<64xf32, #tpu.memory_space<vmem>>
      %dma_start3A_556 = arith.constant 0 : i32
      %dma_start3A_557 = tpu.memref_slice %arg3[%squeeze3A_544, %dma_start3A_556] : memref<100000x64xf32, #tpu.memory_space<hbm>> -> memref<1x64xf32, #tpu.memory_space<hbm>>
      %dma_start3A_558 = tpu.memref_squeeze %dma_start3A_557 : memref<1x64xf32, #tpu.memory_space<hbm>> -> memref<64xf32, #tpu.memory_space<hbm>>
      %dma_start3A_559 = arith.constant 0 : i32
      %dma_start3A_560 = arith.constant 0 : i32
      %dma_start3A_561 = tpu.memref_slice %arg7[%scan3A_149, %dma_start3A_559, %dma_start3A_560] : memref<2x256x64xf32, #tpu.memory_space<vmem>> -> memref<1x256x64xf32, #tpu.memory_space<vmem>>
      %dma_start3A_562 = tpu.memref_squeeze %dma_start3A_561 : memref<1x256x64xf32, #tpu.memory_space<vmem>> -> memref<256x64xf32, #tpu.memory_space<vmem>>
      %dma_start3A_563 = arith.constant 0 : i32
      %dma_start3A_564 = tpu.memref_slice %dma_start3A_562[%add3A_548, %dma_start3A_563] : memref<256x64xf32, #tpu.memory_space<vmem>> -> memref<1x64xf32, #tpu.memory_space<vmem>>
      %dma_start3A_565 = tpu.memref_squeeze %dma_start3A_564 : memref<1x64xf32, #tpu.memory_space<vmem>> -> memref<64xf32, #tpu.memory_space<vmem>>
      %dma_start3A_566 = arith.constant 0 : i32
      %dma_start3A_567 = tpu.memref_slice %arg3[%squeeze3A_544, %dma_start3A_566] : memref<100000x64xf32, #tpu.memory_space<hbm>> -> memref<1x64xf32, #tpu.memory_space<hbm>>
      %dma_start3A_568 = tpu.memref_squeeze %dma_start3A_567 : memref<1x64xf32, #tpu.memory_space<hbm>> -> memref<64xf32, #tpu.memory_space<hbm>>
      tpu.enqueue_dma source(%dma_start3A_568 : memref<64xf32, #tpu.memory_space<hbm>>) target(%dma_start3A_565 : memref<64xf32, #tpu.memory_space<vmem>>) target_semaphore(%arg10 : memref<!tpu.dma_semaphore, #tpu.memory_space<semaphore_mem>>)
      %slice3A_569 = vector.extract_strided_slice %get3A_284 {offsets = [11], sizes = [1], strides = [1]} : vector<16xi32> to vector<1xi32>
      %squeeze3A_570 = vector.extract %slice3A_569[0] : i32 from vector<1xi32>
      %mul3A_571 = arith.constant 16 : i32
      %mul3A_572 = arith.muli %scan3A_278, %mul3A_571 : i32
      %add3A_573 = arith.constant 11 : i32
      %add3A_574 = arith.addi %mul3A_572, %add3A_573 : i32
      %dma_start3A_575 = arith.constant 0 : i32
      %dma_start3A_576 = arith.constant 0 : i32
      %dma_start3A_577 = tpu.memref_slice %arg7[%scan3A_149, %dma_start3A_575, %dma_start3A_576] : memref<2x256x64xf32, #tpu.memory_space<vmem>> -> memref<1x256x64xf32, #tpu.memory_space<vmem>>
      %dma_start3A_578 = tpu.memref_squeeze %dma_start3A_577 : memref<1x256x64xf32, #tpu.memory_space<vmem>> -> memref<256x64xf32, #tpu.memory_space<vmem>>
      %dma_start3A_579 = arith.constant 0 : i32
      %dma_start3A_580 = tpu.memref_slice %dma_start3A_578[%add3A_574, %dma_start3A_579] : memref<256x64xf32, #tpu.memory_space<vmem>> -> memref<1x64xf32, #tpu.memory_space<vmem>>
      %dma_start3A_581 = tpu.memref_squeeze %dma_start3A_580 : memref<1x64xf32, #tpu.memory_space<vmem>> -> memref<64xf32, #tpu.memory_space<vmem>>
      %dma_start3A_582 = arith.constant 0 : i32
      %dma_start3A_583 = tpu.memref_slice %arg3[%squeeze3A_570, %dma_start3A_582] : memref<100000x64xf32, #tpu.memory_space<hbm>> -> memref<1x64xf32, #tpu.memory_space<hbm>>
      %dma_start3A_584 = tpu.memref_squeeze %dma_start3A_583 : memref<1x64xf32, #tpu.memory_space<hbm>> -> memref<64xf32, #tpu.memory_space<hbm>>
      %dma_start3A_585 = arith.constant 0 : i32
      %dma_start3A_586 = arith.constant 0 : i32
      %dma_start3A_587 = tpu.memref_slice %arg7[%scan3A_149, %dma_start3A_585, %dma_start3A_586] : memref<2x256x64xf32, #tpu.memory_space<vmem>> -> memref<1x256x64xf32, #tpu.memory_space<vmem>>
      %dma_start3A_588 = tpu.memref_squeeze %dma_start3A_587 : memref<1x256x64xf32, #tpu.memory_space<vmem>> -> memref<256x64xf32, #tpu.memory_space<vmem>>
      %dma_start3A_589 = arith.constant 0 : i32
      %dma_start3A_590 = tpu.memref_slice %dma_start3A_588[%add3A_574, %dma_start3A_589] : memref<256x64xf32, #tpu.memory_space<vmem>> -> memref<1x64xf32, #tpu.memory_space<vmem>>
      %dma_start3A_591 = tpu.memref_squeeze %dma_start3A_590 : memref<1x64xf32, #tpu.memory_space<vmem>> -> memref<64xf32, #tpu.memory_space<vmem>>
      %dma_start3A_592 = arith.constant 0 : i32
      %dma_start3A_593 = tpu.memref_slice %arg3[%squeeze3A_570, %dma_start3A_592] : memref<100000x64xf32, #tpu.memory_space<hbm>> -> memref<1x64xf32, #tpu.memory_space<hbm>>
      %dma_start3A_594 = tpu.memref_squeeze %dma_start3A_593 : memref<1x64xf32, #tpu.memory_space<hbm>> -> memref<64xf32, #tpu.memory_space<hbm>>
      tpu.enqueue_dma source(%dma_start3A_594 : memref<64xf32, #tpu.memory_space<hbm>>) target(%dma_start3A_591 : memref<64xf32, #tpu.memory_space<vmem>>) target_semaphore(%arg10 : memref<!tpu.dma_semaphore, #tpu.memory_space<semaphore_mem>>)
      %slice3A_595 = vector.extract_strided_slice %get3A_284 {offsets = [12], sizes = [1], strides = [1]} : vector<16xi32> to vector<1xi32>
      %squeeze3A_596 = vector.extract %slice3A_595[0] : i32 from vector<1xi32>
      %mul3A_597 = arith.constant 16 : i32
      %mul3A_598 = arith.muli %scan3A_278, %mul3A_597 : i32
      %add3A_599 = arith.constant 12 : i32
      %add3A_600 = arith.addi %mul3A_598, %add3A_599 : i32
      %dma_start3A_601 = arith.constant 0 : i32
      %dma_start3A_602 = arith.constant 0 : i32
      %dma_start3A_603 = tpu.memref_slice %arg7[%scan3A_149, %dma_start3A_601, %dma_start3A_602] : memref<2x256x64xf32, #tpu.memory_space<vmem>> -> memref<1x256x64xf32, #tpu.memory_space<vmem>>
      %dma_start3A_604 = tpu.memref_squeeze %dma_start3A_603 : memref<1x256x64xf32, #tpu.memory_space<vmem>> -> memref<256x64xf32, #tpu.memory_space<vmem>>
      %dma_start3A_605 = arith.constant 0 : i32
      %dma_start3A_606 = tpu.memref_slice %dma_start3A_604[%add3A_600, %dma_start3A_605] : memref<256x64xf32, #tpu.memory_space<vmem>> -> memref<1x64xf32, #tpu.memory_space<vmem>>
      %dma_start3A_607 = tpu.memref_squeeze %dma_start3A_606 : memref<1x64xf32, #tpu.memory_space<vmem>> -> memref<64xf32, #tpu.memory_space<vmem>>
      %dma_start3A_608 = arith.constant 0 : i32
      %dma_start3A_609 = tpu.memref_slice %arg3[%squeeze3A_596, %dma_start3A_608] : memref<100000x64xf32, #tpu.memory_space<hbm>> -> memref<1x64xf32, #tpu.memory_space<hbm>>
      %dma_start3A_610 = tpu.memref_squeeze %dma_start3A_609 : memref<1x64xf32, #tpu.memory_space<hbm>> -> memref<64xf32, #tpu.memory_space<hbm>>
      %dma_start3A_611 = arith.constant 0 : i32
      %dma_start3A_612 = arith.constant 0 : i32
      %dma_start3A_613 = tpu.memref_slice %arg7[%scan3A_149, %dma_start3A_611, %dma_start3A_612] : memref<2x256x64xf32, #tpu.memory_space<vmem>> -> memref<1x256x64xf32, #tpu.memory_space<vmem>>
      %dma_start3A_614 = tpu.memref_squeeze %dma_start3A_613 : memref<1x256x64xf32, #tpu.memory_space<vmem>> -> memref<256x64xf32, #tpu.memory_space<vmem>>
      %dma_start3A_615 = arith.constant 0 : i32
      %dma_start3A_616 = tpu.memref_slice %dma_start3A_614[%add3A_600, %dma_start3A_615] : memref<256x64xf32, #tpu.memory_space<vmem>> -> memref<1x64xf32, #tpu.memory_space<vmem>>
      %dma_start3A_617 = tpu.memref_squeeze %dma_start3A_616 : memref<1x64xf32, #tpu.memory_space<vmem>> -> memref<64xf32, #tpu.memory_space<vmem>>
      %dma_start3A_618 = arith.constant 0 : i32
      %dma_start3A_619 = tpu.memref_slice %arg3[%squeeze3A_596, %dma_start3A_618] : memref<100000x64xf32, #tpu.memory_space<hbm>> -> memref<1x64xf32, #tpu.memory_space<hbm>>
      %dma_start3A_620 = tpu.memref_squeeze %dma_start3A_619 : memref<1x64xf32, #tpu.memory_space<hbm>> -> memref<64xf32, #tpu.memory_space<hbm>>
      tpu.enqueue_dma source(%dma_start3A_620 : memref<64xf32, #tpu.memory_space<hbm>>) target(%dma_start3A_617 : memref<64xf32, #tpu.memory_space<vmem>>) target_semaphore(%arg10 : memref<!tpu.dma_semaphore, #tpu.memory_space<semaphore_mem>>)
      %slice3A_621 = vector.extract_strided_slice %get3A_284 {offsets = [13], sizes = [1], strides = [1]} : vector<16xi32> to vector<1xi32>
      %squeeze3A_622 = vector.extract %slice3A_621[0] : i32 from vector<1xi32>
      %mul3A_623 = arith.constant 16 : i32
      %mul3A_624 = arith.muli %scan3A_278, %mul3A_623 : i32
      %add3A_625 = arith.constant 13 : i32
      %add3A_626 = arith.addi %mul3A_624, %add3A_625 : i32
      %dma_start3A_627 = arith.constant 0 : i32
      %dma_start3A_628 = arith.constant 0 : i32
      %dma_start3A_629 = tpu.memref_slice %arg7[%scan3A_149, %dma_start3A_627, %dma_start3A_628] : memref<2x256x64xf32, #tpu.memory_space<vmem>> -> memref<1x256x64xf32, #tpu.memory_space<vmem>>
      %dma_start3A_630 = tpu.memref_squeeze %dma_start3A_629 : memref<1x256x64xf32, #tpu.memory_space<vmem>> -> memref<256x64xf32, #tpu.memory_space<vmem>>
      %dma_start3A_631 = arith.constant 0 : i32
      %dma_start3A_632 = tpu.memref_slice %dma_start3A_630[%add3A_626, %dma_start3A_631] : memref<256x64xf32, #tpu.memory_space<vmem>> -> memref<1x64xf32, #tpu.memory_space<vmem>>
      %dma_start3A_633 = tpu.memref_squeeze %dma_start3A_632 : memref<1x64xf32, #tpu.memory_space<vmem>> -> memref<64xf32, #tpu.memory_space<vmem>>
      %dma_start3A_634 = arith.constant 0 : i32
      %dma_start3A_635 = tpu.memref_slice %arg3[%squeeze3A_622, %dma_start3A_634] : memref<100000x64xf32, #tpu.memory_space<hbm>> -> memref<1x64xf32, #tpu.memory_space<hbm>>
      %dma_start3A_636 = tpu.memref_squeeze %dma_start3A_635 : memref<1x64xf32, #tpu.memory_space<hbm>> -> memref<64xf32, #tpu.memory_space<hbm>>
      %dma_start3A_637 = arith.constant 0 : i32
      %dma_start3A_638 = arith.constant 0 : i32
      %dma_start3A_639 = tpu.memref_slice %arg7[%scan3A_149, %dma_start3A_637, %dma_start3A_638] : memref<2x256x64xf32, #tpu.memory_space<vmem>> -> memref<1x256x64xf32, #tpu.memory_space<vmem>>
      %dma_start3A_640 = tpu.memref_squeeze %dma_start3A_639 : memref<1x256x64xf32, #tpu.memory_space<vmem>> -> memref<256x64xf32, #tpu.memory_space<vmem>>
      %dma_start3A_641 = arith.constant 0 : i32
      %dma_start3A_642 = tpu.memref_slice %dma_start3A_640[%add3A_626, %dma_start3A_641] : memref<256x64xf32, #tpu.memory_space<vmem>> -> memref<1x64xf32, #tpu.memory_space<vmem>>
      %dma_start3A_643 = tpu.memref_squeeze %dma_start3A_642 : memref<1x64xf32, #tpu.memory_space<vmem>> -> memref<64xf32, #tpu.memory_space<vmem>>
      %dma_start3A_644 = arith.constant 0 : i32
      %dma_start3A_645 = tpu.memref_slice %arg3[%squeeze3A_622, %dma_start3A_644] : memref<100000x64xf32, #tpu.memory_space<hbm>> -> memref<1x64xf32, #tpu.memory_space<hbm>>
      %dma_start3A_646 = tpu.memref_squeeze %dma_start3A_645 : memref<1x64xf32, #tpu.memory_space<hbm>> -> memref<64xf32, #tpu.memory_space<hbm>>
      tpu.enqueue_dma source(%dma_start3A_646 : memref<64xf32, #tpu.memory_space<hbm>>) target(%dma_start3A_643 : memref<64xf32, #tpu.memory_space<vmem>>) target_semaphore(%arg10 : memref<!tpu.dma_semaphore, #tpu.memory_space<semaphore_mem>>)
      %slice3A_647 = vector.extract_strided_slice %get3A_284 {offsets = [14], sizes = [1], strides = [1]} : vector<16xi32> to vector<1xi32>
      %squeeze3A_648 = vector.extract %slice3A_647[0] : i32 from vector<1xi32>
      %mul3A_649 = arith.constant 16 : i32
      %mul3A_650 = arith.muli %scan3A_278, %mul3A_649 : i32
      %add3A_651 = arith.constant 14 : i32
      %add3A_652 = arith.addi %mul3A_650, %add3A_651 : i32
      %dma_start3A_653 = arith.constant 0 : i32
      %dma_start3A_654 = arith.constant 0 : i32
      %dma_start3A_655 = tpu.memref_slice %arg7[%scan3A_149, %dma_start3A_653, %dma_start3A_654] : memref<2x256x64xf32, #tpu.memory_space<vmem>> -> memref<1x256x64xf32, #tpu.memory_space<vmem>>
      %dma_start3A_656 = tpu.memref_squeeze %dma_start3A_655 : memref<1x256x64xf32, #tpu.memory_space<vmem>> -> memref<256x64xf32, #tpu.memory_space<vmem>>
      %dma_start3A_657 = arith.constant 0 : i32
      %dma_start3A_658 = tpu.memref_slice %dma_start3A_656[%add3A_652, %dma_start3A_657] : memref<256x64xf32, #tpu.memory_space<vmem>> -> memref<1x64xf32, #tpu.memory_space<vmem>>
      %dma_start3A_659 = tpu.memref_squeeze %dma_start3A_658 : memref<1x64xf32, #tpu.memory_space<vmem>> -> memref<64xf32, #tpu.memory_space<vmem>>
      %dma_start3A_660 = arith.constant 0 : i32
      %dma_start3A_661 = tpu.memref_slice %arg3[%squeeze3A_648, %dma_start3A_660] : memref<100000x64xf32, #tpu.memory_space<hbm>> -> memref<1x64xf32, #tpu.memory_space<hbm>>
      %dma_start3A_662 = tpu.memref_squeeze %dma_start3A_661 : memref<1x64xf32, #tpu.memory_space<hbm>> -> memref<64xf32, #tpu.memory_space<hbm>>
      %dma_start3A_663 = arith.constant 0 : i32
      %dma_start3A_664 = arith.constant 0 : i32
      %dma_start3A_665 = tpu.memref_slice %arg7[%scan3A_149, %dma_start3A_663, %dma_start3A_664] : memref<2x256x64xf32, #tpu.memory_space<vmem>> -> memref<1x256x64xf32, #tpu.memory_space<vmem>>
      %dma_start3A_666 = tpu.memref_squeeze %dma_start3A_665 : memref<1x256x64xf32, #tpu.memory_space<vmem>> -> memref<256x64xf32, #tpu.memory_space<vmem>>
      %dma_start3A_667 = arith.constant 0 : i32
      %dma_start3A_668 = tpu.memref_slice %dma_start3A_666[%add3A_652, %dma_start3A_667] : memref<256x64xf32, #tpu.memory_space<vmem>> -> memref<1x64xf32, #tpu.memory_space<vmem>>
      %dma_start3A_669 = tpu.memref_squeeze %dma_start3A_668 : memref<1x64xf32, #tpu.memory_space<vmem>> -> memref<64xf32, #tpu.memory_space<vmem>>
      %dma_start3A_670 = arith.constant 0 : i32
      %dma_start3A_671 = tpu.memref_slice %arg3[%squeeze3A_648, %dma_start3A_670] : memref<100000x64xf32, #tpu.memory_space<hbm>> -> memref<1x64xf32, #tpu.memory_space<hbm>>
      %dma_start3A_672 = tpu.memref_squeeze %dma_start3A_671 : memref<1x64xf32, #tpu.memory_space<hbm>> -> memref<64xf32, #tpu.memory_space<hbm>>
      tpu.enqueue_dma source(%dma_start3A_672 : memref<64xf32, #tpu.memory_space<hbm>>) target(%dma_start3A_669 : memref<64xf32, #tpu.memory_space<vmem>>) target_semaphore(%arg10 : memref<!tpu.dma_semaphore, #tpu.memory_space<semaphore_mem>>)
      %slice3A_673 = vector.extract_strided_slice %get3A_284 {offsets = [15], sizes = [1], strides = [1]} : vector<16xi32> to vector<1xi32>
      %squeeze3A_674 = vector.extract %slice3A_673[0] : i32 from vector<1xi32>
      %mul3A_675 = arith.constant 16 : i32
      %mul3A_676 = arith.muli %scan3A_278, %mul3A_675 : i32
      %add3A_677 = arith.constant 15 : i32
      %add3A_678 = arith.addi %mul3A_676, %add3A_677 : i32
      %dma_start3A_679 = arith.constant 0 : i32
      %dma_start3A_680 = arith.constant 0 : i32
      %dma_start3A_681 = tpu.memref_slice %arg7[%scan3A_149, %dma_start3A_679, %dma_start3A_680] : memref<2x256x64xf32, #tpu.memory_space<vmem>> -> memref<1x256x64xf32, #tpu.memory_space<vmem>>
      %dma_start3A_682 = tpu.memref_squeeze %dma_start3A_681 : memref<1x256x64xf32, #tpu.memory_space<vmem>> -> memref<256x64xf32, #tpu.memory_space<vmem>>
      %dma_start3A_683 = arith.constant 0 : i32
      %dma_start3A_684 = tpu.memref_slice %dma_start3A_682[%add3A_678, %dma_start3A_683] : memref<256x64xf32, #tpu.memory_space<vmem>> -> memref<1x64xf32, #tpu.memory_space<vmem>>
      %dma_start3A_685 = tpu.memref_squeeze %dma_start3A_684 : memref<1x64xf32, #tpu.memory_space<vmem>> -> memref<64xf32, #tpu.memory_space<vmem>>
      %dma_start3A_686 = arith.constant 0 : i32
      %dma_start3A_687 = tpu.memref_slice %arg3[%squeeze3A_674, %dma_start3A_686] : memref<100000x64xf32, #tpu.memory_space<hbm>> -> memref<1x64xf32, #tpu.memory_space<hbm>>
      %dma_start3A_688 = tpu.memref_squeeze %dma_start3A_687 : memref<1x64xf32, #tpu.memory_space<hbm>> -> memref<64xf32, #tpu.memory_space<hbm>>
      %dma_start3A_689 = arith.constant 0 : i32
      %dma_start3A_690 = arith.constant 0 : i32
      %dma_start3A_691 = tpu.memref_slice %arg7[%scan3A_149, %dma_start3A_689, %dma_start3A_690] : memref<2x256x64xf32, #tpu.memory_space<vmem>> -> memref<1x256x64xf32, #tpu.memory_space<vmem>>
      %dma_start3A_692 = tpu.memref_squeeze %dma_start3A_691 : memref<1x256x64xf32, #tpu.memory_space<vmem>> -> memref<256x64xf32, #tpu.memory_space<vmem>>
      %dma_start3A_693 = arith.constant 0 : i32
      %dma_start3A_694 = tpu.memref_slice %dma_start3A_692[%add3A_678, %dma_start3A_693] : memref<256x64xf32, #tpu.memory_space<vmem>> -> memref<1x64xf32, #tpu.memory_space<vmem>>
      %dma_start3A_695 = tpu.memref_squeeze %dma_start3A_694 : memref<1x64xf32, #tpu.memory_space<vmem>> -> memref<64xf32, #tpu.memory_space<vmem>>
      %dma_start3A_696 = arith.constant 0 : i32
      %dma_start3A_697 = tpu.memref_slice %arg3[%squeeze3A_674, %dma_start3A_696] : memref<100000x64xf32, #tpu.memory_space<hbm>> -> memref<1x64xf32, #tpu.memory_space<hbm>>
      %dma_start3A_698 = tpu.memref_squeeze %dma_start3A_697 : memref<1x64xf32, #tpu.memory_space<hbm>> -> memref<64xf32, #tpu.memory_space<hbm>>
      tpu.enqueue_dma source(%dma_start3A_698 : memref<64xf32, #tpu.memory_space<hbm>>) target(%dma_start3A_695 : memref<64xf32, #tpu.memory_space<vmem>>) target_semaphore(%arg10 : memref<!tpu.dma_semaphore, #tpu.memory_space<semaphore_mem>>)
    }
    %scan3A_154 = arith.constant 16 : i32
    %scan3A_155 = arith.constant 0 : i32
    %scan3A_156 = arith.constant 0 : i32
    %scan3A_157 = arith.constant 256 : i32
    %scan3A_158 = arith.addi %scan3A_156, %scan3A_157 : i32
    %scan3A_159 = arith.constant 4 : i32
    scf.for %scan3A_278 = %scan3A_156 to %scan3A_158 step %scan3A_159  : i32 {
      %dma_wait3A_279 = arith.constant 0 : i32
      %dma_wait3A_280 = arith.constant 0 : i32
      %dma_wait3A_281 = arith.constant 0 : i32
      %dma_wait3A_282 = arith.constant 0 : i32
      %dma_wait3A_283 = tpu.memref_slice %arg7[%scan3A_155, %dma_wait3A_281, %dma_wait3A_282] : memref<2x256x64xf32, #tpu.memory_space<vmem>> -> memref<1x256x64xf32, #tpu.memory_space<vmem>>
      %dma_wait3A_284 = tpu.memref_squeeze %dma_wait3A_283 : memref<1x256x64xf32, #tpu.memory_space<vmem>> -> memref<256x64xf32, #tpu.memory_space<vmem>>
      %dma_wait3A_285 = arith.constant 0 : i32
      %dma_wait3A_286 = tpu.memref_slice %dma_wait3A_284[%dma_wait3A_280, %dma_wait3A_285] : memref<256x64xf32, #tpu.memory_space<vmem>> -> memref<1x64xf32, #tpu.memory_space<vmem>>
      %dma_wait3A_287 = tpu.memref_squeeze %dma_wait3A_286 : memref<1x64xf32, #tpu.memory_space<vmem>> -> memref<64xf32, #tpu.memory_space<vmem>>
      %dma_wait3A_288 = arith.constant 0 : i32
      %dma_wait3A_289 = tpu.memref_slice %arg3[%dma_wait3A_279, %dma_wait3A_288] : memref<100000x64xf32, #tpu.memory_space<hbm>> -> memref<1x64xf32, #tpu.memory_space<hbm>>
      %dma_wait3A_290 = tpu.memref_squeeze %dma_wait3A_289 : memref<1x64xf32, #tpu.memory_space<hbm>> -> memref<64xf32, #tpu.memory_space<hbm>>
      %dma_wait3A_291 = arith.constant 0 : i32
      %dma_wait3A_292 = arith.constant 0 : i32
      %dma_wait3A_293 = tpu.memref_slice %arg7[%scan3A_155, %dma_wait3A_291, %dma_wait3A_292] : memref<2x256x64xf32, #tpu.memory_space<vmem>> -> memref<1x256x64xf32, #tpu.memory_space<vmem>>
      %dma_wait3A_294 = tpu.memref_squeeze %dma_wait3A_293 : memref<1x256x64xf32, #tpu.memory_space<vmem>> -> memref<256x64xf32, #tpu.memory_space<vmem>>
      %dma_wait3A_295 = arith.constant 0 : i32
      %dma_wait3A_296 = tpu.memref_slice %dma_wait3A_294[%dma_wait3A_280, %dma_wait3A_295] : memref<256x64xf32, #tpu.memory_space<vmem>> -> memref<1x64xf32, #tpu.memory_space<vmem>>
      %dma_wait3A_297 = tpu.memref_squeeze %dma_wait3A_296 : memref<1x64xf32, #tpu.memory_space<vmem>> -> memref<64xf32, #tpu.memory_space<vmem>>
      %dma_wait3A_298 = arith.constant 0 : i32
      %dma_wait3A_299 = tpu.memref_slice %arg3[%dma_wait3A_279, %dma_wait3A_298] : memref<100000x64xf32, #tpu.memory_space<hbm>> -> memref<1x64xf32, #tpu.memory_space<hbm>>
      %dma_wait3A_300 = tpu.memref_squeeze %dma_wait3A_299 : memref<1x64xf32, #tpu.memory_space<hbm>> -> memref<64xf32, #tpu.memory_space<hbm>>
      tpu.wait_dma2 semaphore(%arg9 : memref<!tpu.dma_semaphore, #tpu.memory_space<semaphore_mem>>) src(%dma_wait3A_300 : memref<64xf32, #tpu.memory_space<hbm>>) dst(%dma_wait3A_297 : memref<64xf32, #tpu.memory_space<vmem>>)
      %scan3A_301 = arith.constant 1 : i32
      %scan3A_302 = arith.addi %scan3A_278, %scan3A_301 : i32
      %dma_wait3A_303 = arith.constant 0 : i32
      %dma_wait3A_304 = arith.constant 0 : i32
      %dma_wait3A_305 = arith.constant 0 : i32
      %dma_wait3A_306 = arith.constant 0 : i32
      %dma_wait3A_307 = tpu.memref_slice %arg7[%scan3A_155, %dma_wait3A_305, %dma_wait3A_306] : memref<2x256x64xf32, #tpu.memory_space<vmem>> -> memref<1x256x64xf32, #tpu.memory_space<vmem>>
      %dma_wait3A_308 = tpu.memref_squeeze %dma_wait3A_307 : memref<1x256x64xf32, #tpu.memory_space<vmem>> -> memref<256x64xf32, #tpu.memory_space<vmem>>
      %dma_wait3A_309 = arith.constant 0 : i32
      %dma_wait3A_310 = tpu.memref_slice %dma_wait3A_308[%dma_wait3A_304, %dma_wait3A_309] : memref<256x64xf32, #tpu.memory_space<vmem>> -> memref<1x64xf32, #tpu.memory_space<vmem>>
      %dma_wait3A_311 = tpu.memref_squeeze %dma_wait3A_310 : memref<1x64xf32, #tpu.memory_space<vmem>> -> memref<64xf32, #tpu.memory_space<vmem>>
      %dma_wait3A_312 = arith.constant 0 : i32
      %dma_wait3A_313 = tpu.memref_slice %arg3[%dma_wait3A_303, %dma_wait3A_312] : memref<100000x64xf32, #tpu.memory_space<hbm>> -> memref<1x64xf32, #tpu.memory_space<hbm>>
      %dma_wait3A_314 = tpu.memref_squeeze %dma_wait3A_313 : memref<1x64xf32, #tpu.memory_space<hbm>> -> memref<64xf32, #tpu.memory_space<hbm>>
      %dma_wait3A_315 = arith.constant 0 : i32
      %dma_wait3A_316 = arith.constant 0 : i32
      %dma_wait3A_317 = tpu.memref_slice %arg7[%scan3A_155, %dma_wait3A_315, %dma_wait3A_316] : memref<2x256x64xf32, #tpu.memory_space<vmem>> -> memref<1x256x64xf32, #tpu.memory_space<vmem>>
      %dma_wait3A_318 = tpu.memref_squeeze %dma_wait3A_317 : memref<1x256x64xf32, #tpu.memory_space<vmem>> -> memref<256x64xf32, #tpu.memory_space<vmem>>
      %dma_wait3A_319 = arith.constant 0 : i32
      %dma_wait3A_320 = tpu.memref_slice %dma_wait3A_318[%dma_wait3A_304, %dma_wait3A_319] : memref<256x64xf32, #tpu.memory_space<vmem>> -> memref<1x64xf32, #tpu.memory_space<vmem>>
      %dma_wait3A_321 = tpu.memref_squeeze %dma_wait3A_320 : memref<1x64xf32, #tpu.memory_space<vmem>> -> memref<64xf32, #tpu.memory_space<vmem>>
      %dma_wait3A_322 = arith.constant 0 : i32
      %dma_wait3A_323 = tpu.memref_slice %arg3[%dma_wait3A_303, %dma_wait3A_322] : memref<100000x64xf32, #tpu.memory_space<hbm>> -> memref<1x64xf32, #tpu.memory_space<hbm>>
      %dma_wait3A_324 = tpu.memref_squeeze %dma_wait3A_323 : memref<1x64xf32, #tpu.memory_space<hbm>> -> memref<64xf32, #tpu.memory_space<hbm>>
      tpu.wait_dma2 semaphore(%arg9 : memref<!tpu.dma_semaphore, #tpu.memory_space<semaphore_mem>>) src(%dma_wait3A_324 : memref<64xf32, #tpu.memory_space<hbm>>) dst(%dma_wait3A_321 : memref<64xf32, #tpu.memory_space<vmem>>)
      %scan3A_325 = arith.constant 2 : i32
      %scan3A_326 = arith.addi %scan3A_278, %scan3A_325 : i32
      %dma_wait3A_327 = arith.constant 0 : i32
      %dma_wait3A_328 = arith.constant 0 : i32
      %dma_wait3A_329 = arith.constant 0 : i32
      %dma_wait3A_330 = arith.constant 0 : i32
      %dma_wait3A_331 = tpu.memref_slice %arg7[%scan3A_155, %dma_wait3A_329, %dma_wait3A_330] : memref<2x256x64xf32, #tpu.memory_space<vmem>> -> memref<1x256x64xf32, #tpu.memory_space<vmem>>
      %dma_wait3A_332 = tpu.memref_squeeze %dma_wait3A_331 : memref<1x256x64xf32, #tpu.memory_space<vmem>> -> memref<256x64xf32, #tpu.memory_space<vmem>>
      %dma_wait3A_333 = arith.constant 0 : i32
      %dma_wait3A_334 = tpu.memref_slice %dma_wait3A_332[%dma_wait3A_328, %dma_wait3A_333] : memref<256x64xf32, #tpu.memory_space<vmem>> -> memref<1x64xf32, #tpu.memory_space<vmem>>
      %dma_wait3A_335 = tpu.memref_squeeze %dma_wait3A_334 : memref<1x64xf32, #tpu.memory_space<vmem>> -> memref<64xf32, #tpu.memory_space<vmem>>
      %dma_wait3A_336 = arith.constant 0 : i32
      %dma_wait3A_337 = tpu.memref_slice %arg3[%dma_wait3A_327, %dma_wait3A_336] : memref<100000x64xf32, #tpu.memory_space<hbm>> -> memref<1x64xf32, #tpu.memory_space<hbm>>
      %dma_wait3A_338 = tpu.memref_squeeze %dma_wait3A_337 : memref<1x64xf32, #tpu.memory_space<hbm>> -> memref<64xf32, #tpu.memory_space<hbm>>
      %dma_wait3A_339 = arith.constant 0 : i32
      %dma_wait3A_340 = arith.constant 0 : i32
      %dma_wait3A_341 = tpu.memref_slice %arg7[%scan3A_155, %dma_wait3A_339, %dma_wait3A_340] : memref<2x256x64xf32, #tpu.memory_space<vmem>> -> memref<1x256x64xf32, #tpu.memory_space<vmem>>
      %dma_wait3A_342 = tpu.memref_squeeze %dma_wait3A_341 : memref<1x256x64xf32, #tpu.memory_space<vmem>> -> memref<256x64xf32, #tpu.memory_space<vmem>>
      %dma_wait3A_343 = arith.constant 0 : i32
      %dma_wait3A_344 = tpu.memref_slice %dma_wait3A_342[%dma_wait3A_328, %dma_wait3A_343] : memref<256x64xf32, #tpu.memory_space<vmem>> -> memref<1x64xf32, #tpu.memory_space<vmem>>
      %dma_wait3A_345 = tpu.memref_squeeze %dma_wait3A_344 : memref<1x64xf32, #tpu.memory_space<vmem>> -> memref<64xf32, #tpu.memory_space<vmem>>
      %dma_wait3A_346 = arith.constant 0 : i32
      %dma_wait3A_347 = tpu.memref_slice %arg3[%dma_wait3A_327, %dma_wait3A_346] : memref<100000x64xf32, #tpu.memory_space<hbm>> -> memref<1x64xf32, #tpu.memory_space<hbm>>
      %dma_wait3A_348 = tpu.memref_squeeze %dma_wait3A_347 : memref<1x64xf32, #tpu.memory_space<hbm>> -> memref<64xf32, #tpu.memory_space<hbm>>
      tpu.wait_dma2 semaphore(%arg9 : memref<!tpu.dma_semaphore, #tpu.memory_space<semaphore_mem>>) src(%dma_wait3A_348 : memref<64xf32, #tpu.memory_space<hbm>>) dst(%dma_wait3A_345 : memref<64xf32, #tpu.memory_space<vmem>>)
      %scan3A_349 = arith.constant 3 : i32
      %scan3A_350 = arith.addi %scan3A_278, %scan3A_349 : i32
      %dma_wait3A_351 = arith.constant 0 : i32
      %dma_wait3A_352 = arith.constant 0 : i32
      %dma_wait3A_353 = arith.constant 0 : i32
      %dma_wait3A_354 = arith.constant 0 : i32
      %dma_wait3A_355 = tpu.memref_slice %arg7[%scan3A_155, %dma_wait3A_353, %dma_wait3A_354] : memref<2x256x64xf32, #tpu.memory_space<vmem>> -> memref<1x256x64xf32, #tpu.memory_space<vmem>>
      %dma_wait3A_356 = tpu.memref_squeeze %dma_wait3A_355 : memref<1x256x64xf32, #tpu.memory_space<vmem>> -> memref<256x64xf32, #tpu.memory_space<vmem>>
      %dma_wait3A_357 = arith.constant 0 : i32
      %dma_wait3A_358 = tpu.memref_slice %dma_wait3A_356[%dma_wait3A_352, %dma_wait3A_357] : memref<256x64xf32, #tpu.memory_space<vmem>> -> memref<1x64xf32, #tpu.memory_space<vmem>>
      %dma_wait3A_359 = tpu.memref_squeeze %dma_wait3A_358 : memref<1x64xf32, #tpu.memory_space<vmem>> -> memref<64xf32, #tpu.memory_space<vmem>>
      %dma_wait3A_360 = arith.constant 0 : i32
      %dma_wait3A_361 = tpu.memref_slice %arg3[%dma_wait3A_351, %dma_wait3A_360] : memref<100000x64xf32, #tpu.memory_space<hbm>> -> memref<1x64xf32, #tpu.memory_space<hbm>>
      %dma_wait3A_362 = tpu.memref_squeeze %dma_wait3A_361 : memref<1x64xf32, #tpu.memory_space<hbm>> -> memref<64xf32, #tpu.memory_space<hbm>>
      %dma_wait3A_363 = arith.constant 0 : i32
      %dma_wait3A_364 = arith.constant 0 : i32
      %dma_wait3A_365 = tpu.memref_slice %arg7[%scan3A_155, %dma_wait3A_363, %dma_wait3A_364] : memref<2x256x64xf32, #tpu.memory_space<vmem>> -> memref<1x256x64xf32, #tpu.memory_space<vmem>>
      %dma_wait3A_366 = tpu.memref_squeeze %dma_wait3A_365 : memref<1x256x64xf32, #tpu.memory_space<vmem>> -> memref<256x64xf32, #tpu.memory_space<vmem>>
      %dma_wait3A_367 = arith.constant 0 : i32
      %dma_wait3A_368 = tpu.memref_slice %dma_wait3A_366[%dma_wait3A_352, %dma_wait3A_367] : memref<256x64xf32, #tpu.memory_space<vmem>> -> memref<1x64xf32, #tpu.memory_space<vmem>>
      %dma_wait3A_369 = tpu.memref_squeeze %dma_wait3A_368 : memref<1x64xf32, #tpu.memory_space<vmem>> -> memref<64xf32, #tpu.memory_space<vmem>>
      %dma_wait3A_370 = arith.constant 0 : i32
      %dma_wait3A_371 = tpu.memref_slice %arg3[%dma_wait3A_351, %dma_wait3A_370] : memref<100000x64xf32, #tpu.memory_space<hbm>> -> memref<1x64xf32, #tpu.memory_space<hbm>>
      %dma_wait3A_372 = tpu.memref_squeeze %dma_wait3A_371 : memref<1x64xf32, #tpu.memory_space<hbm>> -> memref<64xf32, #tpu.memory_space<hbm>>
      tpu.wait_dma2 semaphore(%arg9 : memref<!tpu.dma_semaphore, #tpu.memory_space<semaphore_mem>>) src(%dma_wait3A_372 : memref<64xf32, #tpu.memory_space<hbm>>) dst(%dma_wait3A_369 : memref<64xf32, #tpu.memory_space<vmem>>)
    }
    %scan3A_160 = arith.constant 256 : i32
    %dma_wait3A_161 = arith.constant 0 : i32
    %dma_wait3A_162 = tpu.memref_slice %arg4[%mul3A_32, %dma_wait3A_161] : memref<8192x64xf32, #tpu.memory_space<hbm>> -> memref<256x64xf32, #tpu.memory_space<hbm>>
    %dma_wait3A_163 = arith.constant 0 : i32
    %dma_wait3A_164 = tpu.memref_slice %arg4[%mul3A_32, %dma_wait3A_163] : memref<8192x64xf32, #tpu.memory_space<hbm>> -> memref<256x64xf32, #tpu.memory_space<hbm>>
    tpu.wait_dma2 semaphore(%arg11 : memref<!tpu.dma_semaphore, #tpu.memory_space<semaphore_mem>>) src(%dma_wait3A_164 : memref<256x64xf32, #tpu.memory_space<hbm>>) dst(%arg8 : memref<256x64xf32, #tpu.memory_space<vmem>>)
    %scan3A_165 = arith.constant 0 : i32
    %scan3A_166 = arith.constant 0 : i32
    %scan3A_167 = arith.constant 256 : i32
    %scan3A_168 = arith.addi %scan3A_166, %scan3A_167 : i32
    %scan3A_169 = arith.constant 2 : i32
    scf.for %scan3A_278 = %scan3A_166 to %scan3A_168 step %scan3A_169  : i32 {
      %get3A = arith.constant 0 : i32
      %get3A_279 = arith.constant 0 : i32
      %get3A_280 = tpu.memref_slice %arg7[%scan3A_165, %get3A, %get3A_279] : memref<2x256x64xf32, #tpu.memory_space<vmem>> -> memref<1x256x64xf32, #tpu.memory_space<vmem>>
      %get3A_281 = tpu.memref_squeeze %get3A_280 : memref<1x256x64xf32, #tpu.memory_space<vmem>> -> memref<256x64xf32, #tpu.memory_space<vmem>>
      %get3A_282 = arith.index_cast %scan3A_278 : i32 to index
      %get3A_283 = arith.constant 0 : index
      %get3A_284 = tpu.vector_load %get3A_281[%get3A_282, %get3A_283] {strides = array<i32>} : memref<256x64xf32, #tpu.memory_space<vmem>>, vector<1x16xf32>,
      %get3A_285 = vector.shape_cast %get3A_284 : vector<1x16xf32> to vector<16xf32>
      %get3A_286 = arith.index_cast %scan3A_278 : i32 to index
      %get3A_287 = arith.constant 0 : index
      %get3A_288 = tpu.vector_load %arg8[%get3A_286, %get3A_287] {strides = array<i32>} : memref<256x64xf32, #tpu.memory_space<vmem>>, vector<1x16xf32>,
      %get3A_289 = vector.shape_cast %get3A_288 : vector<1x16xf32> to vector<16xf32>
      %add3A_290 = arith.addf %get3A_285, %get3A_289 : vector<16xf32>
      %swap3A = arith.constant 0 : i32
      %swap3A_291 = arith.constant 0 : i32
      %swap3A_292 = tpu.memref_slice %arg7[%scan3A_165, %swap3A, %swap3A_291] : memref<2x256x64xf32, #tpu.memory_space<vmem>> -> memref<1x256x64xf32, #tpu.memory_space<vmem>>
      %swap3A_293 = tpu.memref_squeeze %swap3A_292 : memref<1x256x64xf32, #tpu.memory_space<vmem>> -> memref<256x64xf32, #tpu.memory_space<vmem>>
      %swap3A_294 = arith.index_cast %scan3A_278 : i32 to index
      %swap3A_295 = arith.constant 0 : index
      %swap3A_296 = tpu.vector_load %swap3A_293[%swap3A_294, %swap3A_295] {strides = array<i32>} : memref<256x64xf32, #tpu.memory_space<vmem>>, vector<1x16xf32>,
      %swap3A_297 = vector.shape_cast %swap3A_296 : vector<1x16xf32> to vector<16xf32>
      %swap3A_298 = vector.shape_cast %add3A_290 : vector<16xf32> to vector<1x16xf32>
      tpu.vector_store %swap3A_293[%swap3A_294, %swap3A_295], %swap3A_298 {strides = array<i32>} : memref<256x64xf32, #tpu.memory_space<vmem>>, vector<1x16xf32>,
      %get3A_299 = arith.constant 0 : i32
      %get3A_300 = arith.constant 0 : i32
      %get3A_301 = tpu.memref_slice %arg7[%scan3A_165, %get3A_299, %get3A_300] : memref<2x256x64xf32, #tpu.memory_space<vmem>> -> memref<1x256x64xf32, #tpu.memory_space<vmem>>
      %get3A_302 = tpu.memref_squeeze %get3A_301 : memref<1x256x64xf32, #tpu.memory_space<vmem>> -> memref<256x64xf32, #tpu.memory_space<vmem>>
      %get3A_303 = arith.index_cast %scan3A_278 : i32 to index
      %get3A_304 = arith.constant 16 : index
      %get3A_305 = tpu.vector_load %get3A_302[%get3A_303, %get3A_304] {strides = array<i32>} : memref<256x64xf32, #tpu.memory_space<vmem>>, vector<1x16xf32>,
      %get3A_306 = vector.shape_cast %get3A_305 : vector<1x16xf32> to vector<16xf32>
      %get3A_307 = arith.index_cast %scan3A_278 : i32 to index
      %get3A_308 = arith.constant 16 : index
      %get3A_309 = tpu.vector_load %arg8[%get3A_307, %get3A_308] {strides = array<i32>} : memref<256x64xf32, #tpu.memory_space<vmem>>, vector<1x16xf32>,
      %get3A_310 = vector.shape_cast %get3A_309 : vector<1x16xf32> to vector<16xf32>
      %add3A_311 = arith.addf %get3A_306, %get3A_310 : vector<16xf32>
      %swap3A_312 = arith.constant 0 : i32
      %swap3A_313 = arith.constant 0 : i32
      %swap3A_314 = tpu.memref_slice %arg7[%scan3A_165, %swap3A_312, %swap3A_313] : memref<2x256x64xf32, #tpu.memory_space<vmem>> -> memref<1x256x64xf32, #tpu.memory_space<vmem>>
      %swap3A_315 = tpu.memref_squeeze %swap3A_314 : memref<1x256x64xf32, #tpu.memory_space<vmem>> -> memref<256x64xf32, #tpu.memory_space<vmem>>
      %swap3A_316 = arith.index_cast %scan3A_278 : i32 to index
      %swap3A_317 = arith.constant 16 : index
      %swap3A_318 = tpu.vector_load %swap3A_315[%swap3A_316, %swap3A_317] {strides = array<i32>} : memref<256x64xf32, #tpu.memory_space<vmem>>, vector<1x16xf32>,
      %swap3A_319 = vector.shape_cast %swap3A_318 : vector<1x16xf32> to vector<16xf32>
      %swap3A_320 = vector.shape_cast %add3A_311 : vector<16xf32> to vector<1x16xf32>
      tpu.vector_store %swap3A_315[%swap3A_316, %swap3A_317], %swap3A_320 {strides = array<i32>} : memref<256x64xf32, #tpu.memory_space<vmem>>, vector<1x16xf32>,
      %get3A_321 = arith.constant 0 : i32
      %get3A_322 = arith.constant 0 : i32
      %get3A_323 = tpu.memref_slice %arg7[%scan3A_165, %get3A_321, %get3A_322] : memref<2x256x64xf32, #tpu.memory_space<vmem>> -> memref<1x256x64xf32, #tpu.memory_space<vmem>>
      %get3A_324 = tpu.memref_squeeze %get3A_323 : memref<1x256x64xf32, #tpu.memory_space<vmem>> -> memref<256x64xf32, #tpu.memory_space<vmem>>
      %get3A_325 = arith.index_cast %scan3A_278 : i32 to index
      %get3A_326 = arith.constant 32 : index
      %get3A_327 = tpu.vector_load %get3A_324[%get3A_325, %get3A_326] {strides = array<i32>} : memref<256x64xf32, #tpu.memory_space<vmem>>, vector<1x16xf32>,
      %get3A_328 = vector.shape_cast %get3A_327 : vector<1x16xf32> to vector<16xf32>
      %get3A_329 = arith.index_cast %scan3A_278 : i32 to index
      %get3A_330 = arith.constant 32 : index
      %get3A_331 = tpu.vector_load %arg8[%get3A_329, %get3A_330] {strides = array<i32>} : memref<256x64xf32, #tpu.memory_space<vmem>>, vector<1x16xf32>,
      %get3A_332 = vector.shape_cast %get3A_331 : vector<1x16xf32> to vector<16xf32>
      %add3A_333 = arith.addf %get3A_328, %get3A_332 : vector<16xf32>
      %swap3A_334 = arith.constant 0 : i32
      %swap3A_335 = arith.constant 0 : i32
      %swap3A_336 = tpu.memref_slice %arg7[%scan3A_165, %swap3A_334, %swap3A_335] : memref<2x256x64xf32, #tpu.memory_space<vmem>> -> memref<1x256x64xf32, #tpu.memory_space<vmem>>
      %swap3A_337 = tpu.memref_squeeze %swap3A_336 : memref<1x256x64xf32, #tpu.memory_space<vmem>> -> memref<256x64xf32, #tpu.memory_space<vmem>>
      %swap3A_338 = arith.index_cast %scan3A_278 : i32 to index
      %swap3A_339 = arith.constant 32 : index
      %swap3A_340 = tpu.vector_load %swap3A_337[%swap3A_338, %swap3A_339] {strides = array<i32>} : memref<256x64xf32, #tpu.memory_space<vmem>>, vector<1x16xf32>,
      %swap3A_341 = vector.shape_cast %swap3A_340 : vector<1x16xf32> to vector<16xf32>
      %swap3A_342 = vector.shape_cast %add3A_333 : vector<16xf32> to vector<1x16xf32>
      tpu.vector_store %swap3A_337[%swap3A_338, %swap3A_339], %swap3A_342 {strides = array<i32>} : memref<256x64xf32, #tpu.memory_space<vmem>>, vector<1x16xf32>,
      %get3A_343 = arith.constant 0 : i32
      %get3A_344 = arith.constant 0 : i32
      %get3A_345 = tpu.memref_slice %arg7[%scan3A_165, %get3A_343, %get3A_344] : memref<2x256x64xf32, #tpu.memory_space<vmem>> -> memref<1x256x64xf32, #tpu.memory_space<vmem>>
      %get3A_346 = tpu.memref_squeeze %get3A_345 : memref<1x256x64xf32, #tpu.memory_space<vmem>> -> memref<256x64xf32, #tpu.memory_space<vmem>>
      %get3A_347 = arith.index_cast %scan3A_278 : i32 to index
      %get3A_348 = arith.constant 48 : index
      %get3A_349 = tpu.vector_load %get3A_346[%get3A_347, %get3A_348] {strides = array<i32>} : memref<256x64xf32, #tpu.memory_space<vmem>>, vector<1x16xf32>,
      %get3A_350 = vector.shape_cast %get3A_349 : vector<1x16xf32> to vector<16xf32>
      %get3A_351 = arith.index_cast %scan3A_278 : i32 to index
      %get3A_352 = arith.constant 48 : index
      %get3A_353 = tpu.vector_load %arg8[%get3A_351, %get3A_352] {strides = array<i32>} : memref<256x64xf32, #tpu.memory_space<vmem>>, vector<1x16xf32>,
      %get3A_354 = vector.shape_cast %get3A_353 : vector<1x16xf32> to vector<16xf32>
      %add3A_355 = arith.addf %get3A_350, %get3A_354 : vector<16xf32>
      %swap3A_356 = arith.constant 0 : i32
      %swap3A_357 = arith.constant 0 : i32
      %swap3A_358 = tpu.memref_slice %arg7[%scan3A_165, %swap3A_356, %swap3A_357] : memref<2x256x64xf32, #tpu.memory_space<vmem>> -> memref<1x256x64xf32, #tpu.memory_space<vmem>>
      %swap3A_359 = tpu.memref_squeeze %swap3A_358 : memref<1x256x64xf32, #tpu.memory_space<vmem>> -> memref<256x64xf32, #tpu.memory_space<vmem>>
      %swap3A_360 = arith.index_cast %scan3A_278 : i32 to index
      %swap3A_361 = arith.constant 48 : index
      %swap3A_362 = tpu.vector_load %swap3A_359[%swap3A_360, %swap3A_361] {strides = array<i32>} : memref<256x64xf32, #tpu.memory_space<vmem>>, vector<1x16xf32>,
      %swap3A_363 = vector.shape_cast %swap3A_362 : vector<1x16xf32> to vector<16xf32>
      %swap3A_364 = vector.shape_cast %add3A_355 : vector<16xf32> to vector<1x16xf32>
      tpu.vector_store %swap3A_359[%swap3A_360, %swap3A_361], %swap3A_364 {strides = array<i32>} : memref<256x64xf32, #tpu.memory_space<vmem>>, vector<1x16xf32>,
      %scan3A_365 = arith.constant 1 : i32
      %scan3A_366 = arith.addi %scan3A_278, %scan3A_365 : i32
      %get3A_367 = arith.constant 0 : i32
      %get3A_368 = arith.constant 0 : i32
      %get3A_369 = tpu.memref_slice %arg7[%scan3A_165, %get3A_367, %get3A_368] : memref<2x256x64xf32, #tpu.memory_space<vmem>> -> memref<1x256x64xf32, #tpu.memory_space<vmem>>
      %get3A_370 = tpu.memref_squeeze %get3A_369 : memref<1x256x64xf32, #tpu.memory_space<vmem>> -> memref<256x64xf32, #tpu.memory_space<vmem>>
      %get3A_371 = arith.index_cast %scan3A_366 : i32 to index
      %get3A_372 = arith.constant 0 : index
      %get3A_373 = tpu.vector_load %get3A_370[%get3A_371, %get3A_372] {strides = array<i32>} : memref<256x64xf32, #tpu.memory_space<vmem>>, vector<1x16xf32>,
      %get3A_374 = vector.shape_cast %get3A_373 : vector<1x16xf32> to vector<16xf32>
      %get3A_375 = arith.index_cast %scan3A_366 : i32 to index
      %get3A_376 = arith.constant 0 : index
      %get3A_377 = tpu.vector_load %arg8[%get3A_375, %get3A_376] {strides = array<i32>} : memref<256x64xf32, #tpu.memory_space<vmem>>, vector<1x16xf32>,
      %get3A_378 = vector.shape_cast %get3A_377 : vector<1x16xf32> to vector<16xf32>
      %add3A_379 = arith.addf %get3A_374, %get3A_378 : vector<16xf32>
      %swap3A_380 = arith.constant 0 : i32
      %swap3A_381 = arith.constant 0 : i32
      %swap3A_382 = tpu.memref_slice %arg7[%scan3A_165, %swap3A_380, %swap3A_381] : memref<2x256x64xf32, #tpu.memory_space<vmem>> -> memref<1x256x64xf32, #tpu.memory_space<vmem>>
      %swap3A_383 = tpu.memref_squeeze %swap3A_382 : memref<1x256x64xf32, #tpu.memory_space<vmem>> -> memref<256x64xf32, #tpu.memory_space<vmem>>
      %swap3A_384 = arith.index_cast %scan3A_366 : i32 to index
      %swap3A_385 = arith.constant 0 : index
      %swap3A_386 = tpu.vector_load %swap3A_383[%swap3A_384, %swap3A_385] {strides = array<i32>} : memref<256x64xf32, #tpu.memory_space<vmem>>, vector<1x16xf32>,
      %swap3A_387 = vector.shape_cast %swap3A_386 : vector<1x16xf32> to vector<16xf32>
      %swap3A_388 = vector.shape_cast %add3A_379 : vector<16xf32> to vector<1x16xf32>
      tpu.vector_store %swap3A_383[%swap3A_384, %swap3A_385], %swap3A_388 {strides = array<i32>} : memref<256x64xf32, #tpu.memory_space<vmem>>, vector<1x16xf32>,
      %get3A_389 = arith.constant 0 : i32
      %get3A_390 = arith.constant 0 : i32
      %get3A_391 = tpu.memref_slice %arg7[%scan3A_165, %get3A_389, %get3A_390] : memref<2x256x64xf32, #tpu.memory_space<vmem>> -> memref<1x256x64xf32, #tpu.memory_space<vmem>>
      %get3A_392 = tpu.memref_squeeze %get3A_391 : memref<1x256x64xf32, #tpu.memory_space<vmem>> -> memref<256x64xf32, #tpu.memory_space<vmem>>
      %get3A_393 = arith.index_cast %scan3A_366 : i32 to index
      %get3A_394 = arith.constant 16 : index
      %get3A_395 = tpu.vector_load %get3A_392[%get3A_393, %get3A_394] {strides = array<i32>} : memref<256x64xf32, #tpu.memory_space<vmem>>, vector<1x16xf32>,
      %get3A_396 = vector.shape_cast %get3A_395 : vector<1x16xf32> to vector<16xf32>
      %get3A_397 = arith.index_cast %scan3A_366 : i32 to index
      %get3A_398 = arith.constant 16 : index
      %get3A_399 = tpu.vector_load %arg8[%get3A_397, %get3A_398] {strides = array<i32>} : memref<256x64xf32, #tpu.memory_space<vmem>>, vector<1x16xf32>,
      %get3A_400 = vector.shape_cast %get3A_399 : vector<1x16xf32> to vector<16xf32>
      %add3A_401 = arith.addf %get3A_396, %get3A_400 : vector<16xf32>
      %swap3A_402 = arith.constant 0 : i32
      %swap3A_403 = arith.constant 0 : i32
      %swap3A_404 = tpu.memref_slice %arg7[%scan3A_165, %swap3A_402, %swap3A_403] : memref<2x256x64xf32, #tpu.memory_space<vmem>> -> memref<1x256x64xf32, #tpu.memory_space<vmem>>
      %swap3A_405 = tpu.memref_squeeze %swap3A_404 : memref<1x256x64xf32, #tpu.memory_space<vmem>> -> memref<256x64xf32, #tpu.memory_space<vmem>>
      %swap3A_406 = arith.index_cast %scan3A_366 : i32 to index
      %swap3A_407 = arith.constant 16 : index
      %swap3A_408 = tpu.vector_load %swap3A_405[%swap3A_406, %swap3A_407] {strides = array<i32>} : memref<256x64xf32, #tpu.memory_space<vmem>>, vector<1x16xf32>,
      %swap3A_409 = vector.shape_cast %swap3A_408 : vector<1x16xf32> to vector<16xf32>
      %swap3A_410 = vector.shape_cast %add3A_401 : vector<16xf32> to vector<1x16xf32>
      tpu.vector_store %swap3A_405[%swap3A_406, %swap3A_407], %swap3A_410 {strides = array<i32>} : memref<256x64xf32, #tpu.memory_space<vmem>>, vector<1x16xf32>,
      %get3A_411 = arith.constant 0 : i32
      %get3A_412 = arith.constant 0 : i32
      %get3A_413 = tpu.memref_slice %arg7[%scan3A_165, %get3A_411, %get3A_412] : memref<2x256x64xf32, #tpu.memory_space<vmem>> -> memref<1x256x64xf32, #tpu.memory_space<vmem>>
      %get3A_414 = tpu.memref_squeeze %get3A_413 : memref<1x256x64xf32, #tpu.memory_space<vmem>> -> memref<256x64xf32, #tpu.memory_space<vmem>>
      %get3A_415 = arith.index_cast %scan3A_366 : i32 to index
      %get3A_416 = arith.constant 32 : index
      %get3A_417 = tpu.vector_load %get3A_414[%get3A_415, %get3A_416] {strides = array<i32>} : memref<256x64xf32, #tpu.memory_space<vmem>>, vector<1x16xf32>,
      %get3A_418 = vector.shape_cast %get3A_417 : vector<1x16xf32> to vector<16xf32>
      %get3A_419 = arith.index_cast %scan3A_366 : i32 to index
      %get3A_420 = arith.constant 32 : index
      %get3A_421 = tpu.vector_load %arg8[%get3A_419, %get3A_420] {strides = array<i32>} : memref<256x64xf32, #tpu.memory_space<vmem>>, vector<1x16xf32>,
      %get3A_422 = vector.shape_cast %get3A_421 : vector<1x16xf32> to vector<16xf32>
      %add3A_423 = arith.addf %get3A_418, %get3A_422 : vector<16xf32>
      %swap3A_424 = arith.constant 0 : i32
      %swap3A_425 = arith.constant 0 : i32
      %swap3A_426 = tpu.memref_slice %arg7[%scan3A_165, %swap3A_424, %swap3A_425] : memref<2x256x64xf32, #tpu.memory_space<vmem>> -> memref<1x256x64xf32, #tpu.memory_space<vmem>>
      %swap3A_427 = tpu.memref_squeeze %swap3A_426 : memref<1x256x64xf32, #tpu.memory_space<vmem>> -> memref<256x64xf32, #tpu.memory_space<vmem>>
      %swap3A_428 = arith.index_cast %scan3A_366 : i32 to index
      %swap3A_429 = arith.constant 32 : index
      %swap3A_430 = tpu.vector_load %swap3A_427[%swap3A_428, %swap3A_429] {strides = array<i32>} : memref<256x64xf32, #tpu.memory_space<vmem>>, vector<1x16xf32>,
      %swap3A_431 = vector.shape_cast %swap3A_430 : vector<1x16xf32> to vector<16xf32>
      %swap3A_432 = vector.shape_cast %add3A_423 : vector<16xf32> to vector<1x16xf32>
      tpu.vector_store %swap3A_427[%swap3A_428, %swap3A_429], %swap3A_432 {strides = array<i32>} : memref<256x64xf32, #tpu.memory_space<vmem>>, vector<1x16xf32>,
      %get3A_433 = arith.constant 0 : i32
      %get3A_434 = arith.constant 0 : i32
      %get3A_435 = tpu.memref_slice %arg7[%scan3A_165, %get3A_433, %get3A_434] : memref<2x256x64xf32, #tpu.memory_space<vmem>> -> memref<1x256x64xf32, #tpu.memory_space<vmem>>
      %get3A_436 = tpu.memref_squeeze %get3A_435 : memref<1x256x64xf32, #tpu.memory_space<vmem>> -> memref<256x64xf32, #tpu.memory_space<vmem>>
      %get3A_437 = arith.index_cast %scan3A_366 : i32 to index
      %get3A_438 = arith.constant 48 : index
      %get3A_439 = tpu.vector_load %get3A_436[%get3A_437, %get3A_438] {strides = array<i32>} : memref<256x64xf32, #tpu.memory_space<vmem>>, vector<1x16xf32>,
      %get3A_440 = vector.shape_cast %get3A_439 : vector<1x16xf32> to vector<16xf32>
      %get3A_441 = arith.index_cast %scan3A_366 : i32 to index
      %get3A_442 = arith.constant 48 : index
      %get3A_443 = tpu.vector_load %arg8[%get3A_441, %get3A_442] {strides = array<i32>} : memref<256x64xf32, #tpu.memory_space<vmem>>, vector<1x16xf32>,
      %get3A_444 = vector.shape_cast %get3A_443 : vector<1x16xf32> to vector<16xf32>
      %add3A_445 = arith.addf %get3A_440, %get3A_444 : vector<16xf32>
      %swap3A_446 = arith.constant 0 : i32
      %swap3A_447 = arith.constant 0 : i32
      %swap3A_448 = tpu.memref_slice %arg7[%scan3A_165, %swap3A_446, %swap3A_447] : memref<2x256x64xf32, #tpu.memory_space<vmem>> -> memref<1x256x64xf32, #tpu.memory_space<vmem>>
      %swap3A_449 = tpu.memref_squeeze %swap3A_448 : memref<1x256x64xf32, #tpu.memory_space<vmem>> -> memref<256x64xf32, #tpu.memory_space<vmem>>
      %swap3A_450 = arith.index_cast %scan3A_366 : i32 to index
      %swap3A_451 = arith.constant 48 : index
      %swap3A_452 = tpu.vector_load %swap3A_449[%swap3A_450, %swap3A_451] {strides = array<i32>} : memref<256x64xf32, #tpu.memory_space<vmem>>, vector<1x16xf32>,
      %swap3A_453 = vector.shape_cast %swap3A_452 : vector<1x16xf32> to vector<16xf32>
      %swap3A_454 = vector.shape_cast %add3A_445 : vector<16xf32> to vector<1x16xf32>
      tpu.vector_store %swap3A_449[%swap3A_450, %swap3A_451], %swap3A_454 {strides = array<i32>} : memref<256x64xf32, #tpu.memory_space<vmem>>, vector<1x16xf32>,
    }
    %scan3A_170 = arith.constant 256 : i32
    %add3A_171 = arith.constant 768 : i32
    %add3A_172 = arith.addi %mul3A_32, %add3A_171 : i32
    %dma_start3A_173 = arith.constant 0 : i32
    %dma_start3A_174 = tpu.memref_slice %arg4[%add3A_172, %dma_start3A_173] : memref<8192x64xf32, #tpu.memory_space<hbm>> -> memref<256x64xf32, #tpu.memory_space<hbm>>
    %dma_start3A_175 = arith.constant 0 : i32
    %dma_start3A_176 = tpu.memref_slice %arg4[%add3A_172, %dma_start3A_175] : memref<8192x64xf32, #tpu.memory_space<hbm>> -> memref<256x64xf32, #tpu.memory_space<hbm>>
    tpu.enqueue_dma source(%dma_start3A_176 : memref<256x64xf32, #tpu.memory_space<hbm>>) target(%arg8 : memref<256x64xf32, #tpu.memory_space<vmem>>) target_semaphore(%arg11 : memref<!tpu.dma_semaphore, #tpu.memory_space<semaphore_mem>>)
    %add3A_177 = arith.constant 512 : i32
    %add3A_178 = arith.addi %mul3A_32, %add3A_177 : i32
    %dma_start3A_179 = arith.constant 0 : i32
    %dma_start3A_180 = arith.constant 0 : i32
    %dma_start3A_181 = arith.constant 0 : i32
    %dma_start3A_182 = tpu.memref_slice %arg7[%dma_start3A_179, %dma_start3A_180, %dma_start3A_181] : memref<2x256x64xf32, #tpu.memory_space<vmem>> -> memref<1x256x64xf32, #tpu.memory_space<vmem>>
    %dma_start3A_183 = tpu.memref_squeeze %dma_start3A_182 : memref<1x256x64xf32, #tpu.memory_space<vmem>> -> memref<256x64xf32, #tpu.memory_space<vmem>>
    %dma_start3A_184 = arith.constant 0 : i32
    %dma_start3A_185 = tpu.memref_slice %arg5[%select_n3A, %add3A_178, %dma_start3A_184] : memref<4x8192x64xf32, #tpu.memory_space<hbm>> -> memref<1x256x64xf32, #tpu.memory_space<hbm>>
    %dma_start3A_186 = tpu.memref_squeeze %dma_start3A_185 : memref<1x256x64xf32, #tpu.memory_space<hbm>> -> memref<256x64xf32, #tpu.memory_space<hbm>>
    %dma_start3A_187 = arith.constant 0 : i32
    %dma_start3A_188 = tpu.memref_slice %arg5[%select_n3A, %add3A_178, %dma_start3A_187] : memref<4x8192x64xf32, #tpu.memory_space<hbm>> -> memref<1x256x64xf32, #tpu.memory_space<hbm>>
    %dma_start3A_189 = tpu.memref_squeeze %dma_start3A_188 : memref<1x256x64xf32, #tpu.memory_space<hbm>> -> memref<256x64xf32, #tpu.memory_space<hbm>>
    %dma_start3A_190 = arith.constant 0 : i32
    %dma_start3A_191 = arith.constant 0 : i32
    %dma_start3A_192 = tpu.memref_slice %arg7[%dma_start3A_179, %dma_start3A_190, %dma_start3A_191] : memref<2x256x64xf32, #tpu.memory_space<vmem>> -> memref<1x256x64xf32, #tpu.memory_space<vmem>>
    %dma_start3A_193 = tpu.memref_squeeze %dma_start3A_192 : memref<1x256x64xf32, #tpu.memory_space<vmem>> -> memref<256x64xf32, #tpu.memory_space<vmem>>
    tpu.enqueue_dma source(%dma_start3A_193 : memref<256x64xf32, #tpu.memory_space<vmem>>) target(%dma_start3A_189 : memref<256x64xf32, #tpu.memory_space<hbm>>) target_semaphore(%arg12 : memref<!tpu.dma_semaphore, #tpu.memory_space<semaphore_mem>>)
    %add3A_194 = arith.constant 256 : i32
    %add3A_195 = arith.addi %mul3A_32, %add3A_194 : i32
    %dma_wait3A_196 = arith.constant 1 : i32
    %dma_wait3A_197 = arith.constant 0 : i32
    %dma_wait3A_198 = arith.constant 0 : i32
    %dma_wait3A_199 = tpu.memref_slice %arg7[%dma_wait3A_196, %dma_wait3A_197, %dma_wait3A_198] : memref<2x256x64xf32, #tpu.memory_space<vmem>> -> memref<1x256x64xf32, #tpu.memory_space<vmem>>
    %dma_wait3A_200 = tpu.memref_squeeze %dma_wait3A_199 : memref<1x256x64xf32, #tpu.memory_space<vmem>> -> memref<256x64xf32, #tpu.memory_space<vmem>>
    %dma_wait3A_201 = arith.constant 0 : i32
    %dma_wait3A_202 = tpu.memref_slice %arg5[%select_n3A, %add3A_195, %dma_wait3A_201] : memref<4x8192x64xf32, #tpu.memory_space<hbm>> -> memref<1x256x64xf32, #tpu.memory_space<hbm>>
    %dma_wait3A_203 = tpu.memref_squeeze %dma_wait3A_202 : memref<1x256x64xf32, #tpu.memory_space<hbm>> -> memref<256x64xf32, #tpu.memory_space<hbm>>
    %dma_wait3A_204 = arith.constant 0 : i32
    %dma_wait3A_205 = tpu.memref_slice %arg5[%select_n3A, %add3A_195, %dma_wait3A_204] : memref<4x8192x64xf32, #tpu.memory_space<hbm>> -> memref<1x256x64xf32, #tpu.memory_space<hbm>>
    %dma_wait3A_206 = tpu.memref_squeeze %dma_wait3A_205 : memref<1x256x64xf32, #tpu.memory_space<hbm>> -> memref<256x64xf32, #tpu.memory_space<hbm>>
    %dma_wait3A_207 = arith.constant 0 : i32
    %dma_wait3A_208 = arith.constant 0 : i32
    %dma_wait3A_209 = tpu.memref_slice %arg7[%dma_wait3A_196, %dma_wait3A_207, %dma_wait3A_208] : memref<2x256x64xf32, #tpu.memory_space<vmem>> -> memref<1x256x64xf32, #tpu.memory_space<vmem>>
    %dma_wait3A_210 = tpu.memref_squeeze %dma_wait3A_209 : memref<1x256x64xf32, #tpu.memory_space<vmem>> -> memref<256x64xf32, #tpu.memory_space<vmem>>
    tpu.wait_dma2 semaphore(%arg12 : memref<!tpu.dma_semaphore, #tpu.memory_space<semaphore_mem>>) src(%dma_wait3A_210 : memref<256x64xf32, #tpu.memory_space<vmem>>) dst(%dma_wait3A_206 : memref<256x64xf32, #tpu.memory_space<hbm>>)
    %scan3A_211 = arith.constant 1 : i32
    %scan3A_212 = arith.constant 0 : i32
    %scan3A_213 = arith.constant 256 : i32
    %scan3A_214 = arith.addi %scan3A_212, %scan3A_213 : i32
    %scan3A_215 = arith.constant 4 : i32
    scf.for %scan3A_278 = %scan3A_212 to %scan3A_214 step %scan3A_215  : i32 {
      %dma_wait3A_279 = arith.constant 0 : i32
      %dma_wait3A_280 = arith.constant 0 : i32
      %dma_wait3A_281 = arith.constant 0 : i32
      %dma_wait3A_282 = arith.constant 0 : i32
      %dma_wait3A_283 = tpu.memref_slice %arg7[%scan3A_211, %dma_wait3A_281, %dma_wait3A_282] : memref<2x256x64xf32, #tpu.memory_space<vmem>> -> memref<1x256x64xf32, #tpu.memory_space<vmem>>
      %dma_wait3A_284 = tpu.memref_squeeze %dma_wait3A_283 : memref<1x256x64xf32, #tpu.memory_space<vmem>> -> memref<256x64xf32, #tpu.memory_space<vmem>>
      %dma_wait3A_285 = arith.constant 0 : i32
      %dma_wait3A_286 = tpu.memref_slice %dma_wait3A_284[%dma_wait3A_280, %dma_wait3A_285] : memref<256x64xf32, #tpu.memory_space<vmem>> -> memref<1x64xf32, #tpu.memory_space<vmem>>
      %dma_wait3A_287 = tpu.memref_squeeze %dma_wait3A_286 : memref<1x64xf32, #tpu.memory_space<vmem>> -> memref<64xf32, #tpu.memory_space<vmem>>
      %dma_wait3A_288 = arith.constant 0 : i32
      %dma_wait3A_289 = tpu.memref_slice %arg3[%dma_wait3A_279, %dma_wait3A_288] : memref<100000x64xf32, #tpu.memory_space<hbm>> -> memref<1x64xf32, #tpu.memory_space<hbm>>
      %dma_wait3A_290 = tpu.memref_squeeze %dma_wait3A_289 : memref<1x64xf32, #tpu.memory_space<hbm>> -> memref<64xf32, #tpu.memory_space<hbm>>
      %dma_wait3A_291 = arith.constant 0 : i32
      %dma_wait3A_292 = arith.constant 0 : i32
      %dma_wait3A_293 = tpu.memref_slice %arg7[%scan3A_211, %dma_wait3A_291, %dma_wait3A_292] : memref<2x256x64xf32, #tpu.memory_space<vmem>> -> memref<1x256x64xf32, #tpu.memory_space<vmem>>
      %dma_wait3A_294 = tpu.memref_squeeze %dma_wait3A_293 : memref<1x256x64xf32, #tpu.memory_space<vmem>> -> memref<256x64xf32, #tpu.memory_space<vmem>>
      %dma_wait3A_295 = arith.constant 0 : i32
      %dma_wait3A_296 = tpu.memref_slice %dma_wait3A_294[%dma_wait3A_280, %dma_wait3A_295] : memref<256x64xf32, #tpu.memory_space<vmem>> -> memref<1x64xf32, #tpu.memory_space<vmem>>
      %dma_wait3A_297 = tpu.memref_squeeze %dma_wait3A_296 : memref<1x64xf32, #tpu.memory_space<vmem>> -> memref<64xf32, #tpu.memory_space<vmem>>
      %dma_wait3A_298 = arith.constant 0 : i32
      %dma_wait3A_299 = tpu.memref_slice %arg3[%dma_wait3A_279, %dma_wait3A_298] : memref<100000x64xf32, #tpu.memory_space<hbm>> -> memref<1x64xf32, #tpu.memory_space<hbm>>
      %dma_wait3A_300 = tpu.memref_squeeze %dma_wait3A_299 : memref<1x64xf32, #tpu.memory_space<hbm>> -> memref<64xf32, #tpu.memory_space<hbm>>
      tpu.wait_dma2 semaphore(%arg10 : memref<!tpu.dma_semaphore, #tpu.memory_space<semaphore_mem>>) src(%dma_wait3A_300 : memref<64xf32, #tpu.memory_space<hbm>>) dst(%dma_wait3A_297 : memref<64xf32, #tpu.memory_space<vmem>>)
      %scan3A_301 = arith.constant 1 : i32
      %scan3A_302 = arith.addi %scan3A_278, %scan3A_301 : i32
      %dma_wait3A_303 = arith.constant 0 : i32
      %dma_wait3A_304 = arith.constant 0 : i32
      %dma_wait3A_305 = arith.constant 0 : i32
      %dma_wait3A_306 = arith.constant 0 : i32
      %dma_wait3A_307 = tpu.memref_slice %arg7[%scan3A_211, %dma_wait3A_305, %dma_wait3A_306] : memref<2x256x64xf32, #tpu.memory_space<vmem>> -> memref<1x256x64xf32, #tpu.memory_space<vmem>>
      %dma_wait3A_308 = tpu.memref_squeeze %dma_wait3A_307 : memref<1x256x64xf32, #tpu.memory_space<vmem>> -> memref<256x64xf32, #tpu.memory_space<vmem>>
      %dma_wait3A_309 = arith.constant 0 : i32
      %dma_wait3A_310 = tpu.memref_slice %dma_wait3A_308[%dma_wait3A_304, %dma_wait3A_309] : memref<256x64xf32, #tpu.memory_space<vmem>> -> memref<1x64xf32, #tpu.memory_space<vmem>>
      %dma_wait3A_311 = tpu.memref_squeeze %dma_wait3A_310 : memref<1x64xf32, #tpu.memory_space<vmem>> -> memref<64xf32, #tpu.memory_space<vmem>>
      %dma_wait3A_312 = arith.constant 0 : i32
      %dma_wait3A_313 = tpu.memref_slice %arg3[%dma_wait3A_303, %dma_wait3A_312] : memref<100000x64xf32, #tpu.memory_space<hbm>> -> memref<1x64xf32, #tpu.memory_space<hbm>>
      %dma_wait3A_314 = tpu.memref_squeeze %dma_wait3A_313 : memref<1x64xf32, #tpu.memory_space<hbm>> -> memref<64xf32, #tpu.memory_space<hbm>>
      %dma_wait3A_315 = arith.constant 0 : i32
      %dma_wait3A_316 = arith.constant 0 : i32
      %dma_wait3A_317 = tpu.memref_slice %arg7[%scan3A_211, %dma_wait3A_315, %dma_wait3A_316] : memref<2x256x64xf32, #tpu.memory_space<vmem>> -> memref<1x256x64xf32, #tpu.memory_space<vmem>>
      %dma_wait3A_318 = tpu.memref_squeeze %dma_wait3A_317 : memref<1x256x64xf32, #tpu.memory_space<vmem>> -> memref<256x64xf32, #tpu.memory_space<vmem>>
      %dma_wait3A_319 = arith.constant 0 : i32
      %dma_wait3A_320 = tpu.memref_slice %dma_wait3A_318[%dma_wait3A_304, %dma_wait3A_319] : memref<256x64xf32, #tpu.memory_space<vmem>> -> memref<1x64xf32, #tpu.memory_space<vmem>>
      %dma_wait3A_321 = tpu.memref_squeeze %dma_wait3A_320 : memref<1x64xf32, #tpu.memory_space<vmem>> -> memref<64xf32, #tpu.memory_space<vmem>>
      %dma_wait3A_322 = arith.constant 0 : i32
      %dma_wait3A_323 = tpu.memref_slice %arg3[%dma_wait3A_303, %dma_wait3A_322] : memref<100000x64xf32, #tpu.memory_space<hbm>> -> memref<1x64xf32, #tpu.memory_space<hbm>>
      %dma_wait3A_324 = tpu.memref_squeeze %dma_wait3A_323 : memref<1x64xf32, #tpu.memory_space<hbm>> -> memref<64xf32, #tpu.memory_space<hbm>>
      tpu.wait_dma2 semaphore(%arg10 : memref<!tpu.dma_semaphore, #tpu.memory_space<semaphore_mem>>) src(%dma_wait3A_324 : memref<64xf32, #tpu.memory_space<hbm>>) dst(%dma_wait3A_321 : memref<64xf32, #tpu.memory_space<vmem>>)
      %scan3A_325 = arith.constant 2 : i32
      %scan3A_326 = arith.addi %scan3A_278, %scan3A_325 : i32
      %dma_wait3A_327 = arith.constant 0 : i32
      %dma_wait3A_328 = arith.constant 0 : i32
      %dma_wait3A_329 = arith.constant 0 : i32
      %dma_wait3A_330 = arith.constant 0 : i32
      %dma_wait3A_331 = tpu.memref_slice %arg7[%scan3A_211, %dma_wait3A_329, %dma_wait3A_330] : memref<2x256x64xf32, #tpu.memory_space<vmem>> -> memref<1x256x64xf32, #tpu.memory_space<vmem>>
      %dma_wait3A_332 = tpu.memref_squeeze %dma_wait3A_331 : memref<1x256x64xf32, #tpu.memory_space<vmem>> -> memref<256x64xf32, #tpu.memory_space<vmem>>
      %dma_wait3A_333 = arith.constant 0 : i32
      %dma_wait3A_334 = tpu.memref_slice %dma_wait3A_332[%dma_wait3A_328, %dma_wait3A_333] : memref<256x64xf32, #tpu.memory_space<vmem>> -> memref<1x64xf32, #tpu.memory_space<vmem>>
      %dma_wait3A_335 = tpu.memref_squeeze %dma_wait3A_334 : memref<1x64xf32, #tpu.memory_space<vmem>> -> memref<64xf32, #tpu.memory_space<vmem>>
      %dma_wait3A_336 = arith.constant 0 : i32
      %dma_wait3A_337 = tpu.memref_slice %arg3[%dma_wait3A_327, %dma_wait3A_336] : memref<100000x64xf32, #tpu.memory_space<hbm>> -> memref<1x64xf32, #tpu.memory_space<hbm>>
      %dma_wait3A_338 = tpu.memref_squeeze %dma_wait3A_337 : memref<1x64xf32, #tpu.memory_space<hbm>> -> memref<64xf32, #tpu.memory_space<hbm>>
      %dma_wait3A_339 = arith.constant 0 : i32
      %dma_wait3A_340 = arith.constant 0 : i32
      %dma_wait3A_341 = tpu.memref_slice %arg7[%scan3A_211, %dma_wait3A_339, %dma_wait3A_340] : memref<2x256x64xf32, #tpu.memory_space<vmem>> -> memref<1x256x64xf32, #tpu.memory_space<vmem>>
      %dma_wait3A_342 = tpu.memref_squeeze %dma_wait3A_341 : memref<1x256x64xf32, #tpu.memory_space<vmem>> -> memref<256x64xf32, #tpu.memory_space<vmem>>
      %dma_wait3A_343 = arith.constant 0 : i32
      %dma_wait3A_344 = tpu.memref_slice %dma_wait3A_342[%dma_wait3A_328, %dma_wait3A_343] : memref<256x64xf32, #tpu.memory_space<vmem>> -> memref<1x64xf32, #tpu.memory_space<vmem>>
      %dma_wait3A_345 = tpu.memref_squeeze %dma_wait3A_344 : memref<1x64xf32, #tpu.memory_space<vmem>> -> memref<64xf32, #tpu.memory_space<vmem>>
      %dma_wait3A_346 = arith.constant 0 : i32
      %dma_wait3A_347 = tpu.memref_slice %arg3[%dma_wait3A_327, %dma_wait3A_346] : memref<100000x64xf32, #tpu.memory_space<hbm>> -> memref<1x64xf32, #tpu.memory_space<hbm>>
      %dma_wait3A_348 = tpu.memref_squeeze %dma_wait3A_347 : memref<1x64xf32, #tpu.memory_space<hbm>> -> memref<64xf32, #tpu.memory_space<hbm>>
      tpu.wait_dma2 semaphore(%arg10 : memref<!tpu.dma_semaphore, #tpu.memory_space<semaphore_mem>>) src(%dma_wait3A_348 : memref<64xf32, #tpu.memory_space<hbm>>) dst(%dma_wait3A_345 : memref<64xf32, #tpu.memory_space<vmem>>)
      %scan3A_349 = arith.constant 3 : i32
      %scan3A_350 = arith.addi %scan3A_278, %scan3A_349 : i32
      %dma_wait3A_351 = arith.constant 0 : i32
      %dma_wait3A_352 = arith.constant 0 : i32
      %dma_wait3A_353 = arith.constant 0 : i32
      %dma_wait3A_354 = arith.constant 0 : i32
      %dma_wait3A_355 = tpu.memref_slice %arg7[%scan3A_211, %dma_wait3A_353, %dma_wait3A_354] : memref<2x256x64xf32, #tpu.memory_space<vmem>> -> memref<1x256x64xf32, #tpu.memory_space<vmem>>
      %dma_wait3A_356 = tpu.memref_squeeze %dma_wait3A_355 : memref<1x256x64xf32, #tpu.memory_space<vmem>> -> memref<256x64xf32, #tpu.memory_space<vmem>>
      %dma_wait3A_357 = arith.constant 0 : i32
      %dma_wait3A_358 = tpu.memref_slice %dma_wait3A_356[%dma_wait3A_352, %dma_wait3A_357] : memref<256x64xf32, #tpu.memory_space<vmem>> -> memref<1x64xf32, #tpu.memory_space<vmem>>
      %dma_wait3A_359 = tpu.memref_squeeze %dma_wait3A_358 : memref<1x64xf32, #tpu.memory_space<vmem>> -> memref<64xf32, #tpu.memory_space<vmem>>
      %dma_wait3A_360 = arith.constant 0 : i32
      %dma_wait3A_361 = tpu.memref_slice %arg3[%dma_wait3A_351, %dma_wait3A_360] : memref<100000x64xf32, #tpu.memory_space<hbm>> -> memref<1x64xf32, #tpu.memory_space<hbm>>
      %dma_wait3A_362 = tpu.memref_squeeze %dma_wait3A_361 : memref<1x64xf32, #tpu.memory_space<hbm>> -> memref<64xf32, #tpu.memory_space<hbm>>
      %dma_wait3A_363 = arith.constant 0 : i32
      %dma_wait3A_364 = arith.constant 0 : i32
      %dma_wait3A_365 = tpu.memref_slice %arg7[%scan3A_211, %dma_wait3A_363, %dma_wait3A_364] : memref<2x256x64xf32, #tpu.memory_space<vmem>> -> memref<1x256x64xf32, #tpu.memory_space<vmem>>
      %dma_wait3A_366 = tpu.memref_squeeze %dma_wait3A_365 : memref<1x256x64xf32, #tpu.memory_space<vmem>> -> memref<256x64xf32, #tpu.memory_space<vmem>>
      %dma_wait3A_367 = arith.constant 0 : i32
      %dma_wait3A_368 = tpu.memref_slice %dma_wait3A_366[%dma_wait3A_352, %dma_wait3A_367] : memref<256x64xf32, #tpu.memory_space<vmem>> -> memref<1x64xf32, #tpu.memory_space<vmem>>
      %dma_wait3A_369 = tpu.memref_squeeze %dma_wait3A_368 : memref<1x64xf32, #tpu.memory_space<vmem>> -> memref<64xf32, #tpu.memory_space<vmem>>
      %dma_wait3A_370 = arith.constant 0 : i32
      %dma_wait3A_371 = tpu.memref_slice %arg3[%dma_wait3A_351, %dma_wait3A_370] : memref<100000x64xf32, #tpu.memory_space<hbm>> -> memref<1x64xf32, #tpu.memory_space<hbm>>
      %dma_wait3A_372 = tpu.memref_squeeze %dma_wait3A_371 : memref<1x64xf32, #tpu.memory_space<hbm>> -> memref<64xf32, #tpu.memory_space<hbm>>
      tpu.wait_dma2 semaphore(%arg10 : memref<!tpu.dma_semaphore, #tpu.memory_space<semaphore_mem>>) src(%dma_wait3A_372 : memref<64xf32, #tpu.memory_space<hbm>>) dst(%dma_wait3A_369 : memref<64xf32, #tpu.memory_space<vmem>>)
    }
    %scan3A_216 = arith.constant 256 : i32
    %dma_wait3A_217 = arith.constant 0 : i32
    %dma_wait3A_218 = tpu.memref_slice %arg4[%mul3A_32, %dma_wait3A_217] : memref<8192x64xf32, #tpu.memory_space<hbm>> -> memref<256x64xf32, #tpu.memory_space<hbm>>
    %dma_wait3A_219 = arith.constant 0 : i32
    %dma_wait3A_220 = tpu.memref_slice %arg4[%mul3A_32, %dma_wait3A_219] : memref<8192x64xf32, #tpu.memory_space<hbm>> -> memref<256x64xf32, #tpu.memory_space<hbm>>
    tpu.wait_dma2 semaphore(%arg11 : memref<!tpu.dma_semaphore, #tpu.memory_space<semaphore_mem>>) src(%dma_wait3A_220 : memref<256x64xf32, #tpu.memory_space<hbm>>) dst(%arg8 : memref<256x64xf32, #tpu.memory_space<vmem>>)
    %scan3A_221 = arith.constant 1 : i32
    %scan3A_222 = arith.constant 0 : i32
    %scan3A_223 = arith.constant 256 : i32
    %scan3A_224 = arith.addi %scan3A_222, %scan3A_223 : i32
    %scan3A_225 = arith.constant 2 : i32
    scf.for %scan3A_278 = %scan3A_222 to %scan3A_224 step %scan3A_225  : i32 {
      %get3A = arith.constant 0 : i32
      %get3A_279 = arith.constant 0 : i32
      %get3A_280 = tpu.memref_slice %arg7[%scan3A_221, %get3A, %get3A_279] : memref<2x256x64xf32, #tpu.memory_space<vmem>> -> memref<1x256x64xf32, #tpu.memory_space<vmem>>
      %get3A_281 = tpu.memref_squeeze %get3A_280 : memref<1x256x64xf32, #tpu.memory_space<vmem>> -> memref<256x64xf32, #tpu.memory_space<vmem>>
      %get3A_282 = arith.index_cast %scan3A_278 : i32 to index
      %get3A_283 = arith.constant 0 : index
      %get3A_284 = tpu.vector_load %get3A_281[%get3A_282, %get3A_283] {strides = array<i32>} : memref<256x64xf32, #tpu.memory_space<vmem>>, vector<1x16xf32>,
      %get3A_285 = vector.shape_cast %get3A_284 : vector<1x16xf32> to vector<16xf32>
      %get3A_286 = arith.index_cast %scan3A_278 : i32 to index
      %get3A_287 = arith.constant 0 : index
      %get3A_288 = tpu.vector_load %arg8[%get3A_286, %get3A_287] {strides = array<i32>} : memref<256x64xf32, #tpu.memory_space<vmem>>, vector<1x16xf32>,
      %get3A_289 = vector.shape_cast %get3A_288 : vector<1x16xf32> to vector<16xf32>
      %add3A_290 = arith.addf %get3A_285, %get3A_289 : vector<16xf32>
      %swap3A = arith.constant 0 : i32
      %swap3A_291 = arith.constant 0 : i32
      %swap3A_292 = tpu.memref_slice %arg7[%scan3A_221, %swap3A, %swap3A_291] : memref<2x256x64xf32, #tpu.memory_space<vmem>> -> memref<1x256x64xf32, #tpu.memory_space<vmem>>
      %swap3A_293 = tpu.memref_squeeze %swap3A_292 : memref<1x256x64xf32, #tpu.memory_space<vmem>> -> memref<256x64xf32, #tpu.memory_space<vmem>>
      %swap3A_294 = arith.index_cast %scan3A_278 : i32 to index
      %swap3A_295 = arith.constant 0 : index
      %swap3A_296 = tpu.vector_load %swap3A_293[%swap3A_294, %swap3A_295] {strides = array<i32>} : memref<256x64xf32, #tpu.memory_space<vmem>>, vector<1x16xf32>,
      %swap3A_297 = vector.shape_cast %swap3A_296 : vector<1x16xf32> to vector<16xf32>
      %swap3A_298 = vector.shape_cast %add3A_290 : vector<16xf32> to vector<1x16xf32>
      tpu.vector_store %swap3A_293[%swap3A_294, %swap3A_295], %swap3A_298 {strides = array<i32>} : memref<256x64xf32, #tpu.memory_space<vmem>>, vector<1x16xf32>,
      %get3A_299 = arith.constant 0 : i32
      %get3A_300 = arith.constant 0 : i32
      %get3A_301 = tpu.memref_slice %arg7[%scan3A_221, %get3A_299, %get3A_300] : memref<2x256x64xf32, #tpu.memory_space<vmem>> -> memref<1x256x64xf32, #tpu.memory_space<vmem>>
      %get3A_302 = tpu.memref_squeeze %get3A_301 : memref<1x256x64xf32, #tpu.memory_space<vmem>> -> memref<256x64xf32, #tpu.memory_space<vmem>>
      %get3A_303 = arith.index_cast %scan3A_278 : i32 to index
      %get3A_304 = arith.constant 16 : index
      %get3A_305 = tpu.vector_load %get3A_302[%get3A_303, %get3A_304] {strides = array<i32>} : memref<256x64xf32, #tpu.memory_space<vmem>>, vector<1x16xf32>,
      %get3A_306 = vector.shape_cast %get3A_305 : vector<1x16xf32> to vector<16xf32>
      %get3A_307 = arith.index_cast %scan3A_278 : i32 to index
      %get3A_308 = arith.constant 16 : index
      %get3A_309 = tpu.vector_load %arg8[%get3A_307, %get3A_308] {strides = array<i32>} : memref<256x64xf32, #tpu.memory_space<vmem>>, vector<1x16xf32>,
      %get3A_310 = vector.shape_cast %get3A_309 : vector<1x16xf32> to vector<16xf32>
      %add3A_311 = arith.addf %get3A_306, %get3A_310 : vector<16xf32>
      %swap3A_312 = arith.constant 0 : i32
      %swap3A_313 = arith.constant 0 : i32
      %swap3A_314 = tpu.memref_slice %arg7[%scan3A_221, %swap3A_312, %swap3A_313] : memref<2x256x64xf32, #tpu.memory_space<vmem>> -> memref<1x256x64xf32, #tpu.memory_space<vmem>>
      %swap3A_315 = tpu.memref_squeeze %swap3A_314 : memref<1x256x64xf32, #tpu.memory_space<vmem>> -> memref<256x64xf32, #tpu.memory_space<vmem>>
      %swap3A_316 = arith.index_cast %scan3A_278 : i32 to index
      %swap3A_317 = arith.constant 16 : index
      %swap3A_318 = tpu.vector_load %swap3A_315[%swap3A_316, %swap3A_317] {strides = array<i32>} : memref<256x64xf32, #tpu.memory_space<vmem>>, vector<1x16xf32>,
      %swap3A_319 = vector.shape_cast %swap3A_318 : vector<1x16xf32> to vector<16xf32>
      %swap3A_320 = vector.shape_cast %add3A_311 : vector<16xf32> to vector<1x16xf32>
      tpu.vector_store %swap3A_315[%swap3A_316, %swap3A_317], %swap3A_320 {strides = array<i32>} : memref<256x64xf32, #tpu.memory_space<vmem>>, vector<1x16xf32>,
      %get3A_321 = arith.constant 0 : i32
      %get3A_322 = arith.constant 0 : i32
      %get3A_323 = tpu.memref_slice %arg7[%scan3A_221, %get3A_321, %get3A_322] : memref<2x256x64xf32, #tpu.memory_space<vmem>> -> memref<1x256x64xf32, #tpu.memory_space<vmem>>
      %get3A_324 = tpu.memref_squeeze %get3A_323 : memref<1x256x64xf32, #tpu.memory_space<vmem>> -> memref<256x64xf32, #tpu.memory_space<vmem>>
      %get3A_325 = arith.index_cast %scan3A_278 : i32 to index
      %get3A_326 = arith.constant 32 : index
      %get3A_327 = tpu.vector_load %get3A_324[%get3A_325, %get3A_326] {strides = array<i32>} : memref<256x64xf32, #tpu.memory_space<vmem>>, vector<1x16xf32>,
      %get3A_328 = vector.shape_cast %get3A_327 : vector<1x16xf32> to vector<16xf32>
      %get3A_329 = arith.index_cast %scan3A_278 : i32 to index
      %get3A_330 = arith.constant 32 : index
      %get3A_331 = tpu.vector_load %arg8[%get3A_329, %get3A_330] {strides = array<i32>} : memref<256x64xf32, #tpu.memory_space<vmem>>, vector<1x16xf32>,
      %get3A_332 = vector.shape_cast %get3A_331 : vector<1x16xf32> to vector<16xf32>
      %add3A_333 = arith.addf %get3A_328, %get3A_332 : vector<16xf32>
      %swap3A_334 = arith.constant 0 : i32
      %swap3A_335 = arith.constant 0 : i32
      %swap3A_336 = tpu.memref_slice %arg7[%scan3A_221, %swap3A_334, %swap3A_335] : memref<2x256x64xf32, #tpu.memory_space<vmem>> -> memref<1x256x64xf32, #tpu.memory_space<vmem>>
      %swap3A_337 = tpu.memref_squeeze %swap3A_336 : memref<1x256x64xf32, #tpu.memory_space<vmem>> -> memref<256x64xf32, #tpu.memory_space<vmem>>
      %swap3A_338 = arith.index_cast %scan3A_278 : i32 to index
      %swap3A_339 = arith.constant 32 : index
      %swap3A_340 = tpu.vector_load %swap3A_337[%swap3A_338, %swap3A_339] {strides = array<i32>} : memref<256x64xf32, #tpu.memory_space<vmem>>, vector<1x16xf32>,
      %swap3A_341 = vector.shape_cast %swap3A_340 : vector<1x16xf32> to vector<16xf32>
      %swap3A_342 = vector.shape_cast %add3A_333 : vector<16xf32> to vector<1x16xf32>
      tpu.vector_store %swap3A_337[%swap3A_338, %swap3A_339], %swap3A_342 {strides = array<i32>} : memref<256x64xf32, #tpu.memory_space<vmem>>, vector<1x16xf32>,
      %get3A_343 = arith.constant 0 : i32
      %get3A_344 = arith.constant 0 : i32
      %get3A_345 = tpu.memref_slice %arg7[%scan3A_221, %get3A_343, %get3A_344] : memref<2x256x64xf32, #tpu.memory_space<vmem>> -> memref<1x256x64xf32, #tpu.memory_space<vmem>>
      %get3A_346 = tpu.memref_squeeze %get3A_345 : memref<1x256x64xf32, #tpu.memory_space<vmem>> -> memref<256x64xf32, #tpu.memory_space<vmem>>
      %get3A_347 = arith.index_cast %scan3A_278 : i32 to index
      %get3A_348 = arith.constant 48 : index
      %get3A_349 = tpu.vector_load %get3A_346[%get3A_347, %get3A_348] {strides = array<i32>} : memref<256x64xf32, #tpu.memory_space<vmem>>, vector<1x16xf32>,
      %get3A_350 = vector.shape_cast %get3A_349 : vector<1x16xf32> to vector<16xf32>
      %get3A_351 = arith.index_cast %scan3A_278 : i32 to index
      %get3A_352 = arith.constant 48 : index
      %get3A_353 = tpu.vector_load %arg8[%get3A_351, %get3A_352] {strides = array<i32>} : memref<256x64xf32, #tpu.memory_space<vmem>>, vector<1x16xf32>,
      %get3A_354 = vector.shape_cast %get3A_353 : vector<1x16xf32> to vector<16xf32>
      %add3A_355 = arith.addf %get3A_350, %get3A_354 : vector<16xf32>
      %swap3A_356 = arith.constant 0 : i32
      %swap3A_357 = arith.constant 0 : i32
      %swap3A_358 = tpu.memref_slice %arg7[%scan3A_221, %swap3A_356, %swap3A_357] : memref<2x256x64xf32, #tpu.memory_space<vmem>> -> memref<1x256x64xf32, #tpu.memory_space<vmem>>
      %swap3A_359 = tpu.memref_squeeze %swap3A_358 : memref<1x256x64xf32, #tpu.memory_space<vmem>> -> memref<256x64xf32, #tpu.memory_space<vmem>>
      %swap3A_360 = arith.index_cast %scan3A_278 : i32 to index
      %swap3A_361 = arith.constant 48 : index
      %swap3A_362 = tpu.vector_load %swap3A_359[%swap3A_360, %swap3A_361] {strides = array<i32>} : memref<256x64xf32, #tpu.memory_space<vmem>>, vector<1x16xf32>,
      %swap3A_363 = vector.shape_cast %swap3A_362 : vector<1x16xf32> to vector<16xf32>
      %swap3A_364 = vector.shape_cast %add3A_355 : vector<16xf32> to vector<1x16xf32>
      tpu.vector_store %swap3A_359[%swap3A_360, %swap3A_361], %swap3A_364 {strides = array<i32>} : memref<256x64xf32, #tpu.memory_space<vmem>>, vector<1x16xf32>,
      %scan3A_365 = arith.constant 1 : i32
      %scan3A_366 = arith.addi %scan3A_278, %scan3A_365 : i32
      %get3A_367 = arith.constant 0 : i32
      %get3A_368 = arith.constant 0 : i32
      %get3A_369 = tpu.memref_slice %arg7[%scan3A_221, %get3A_367, %get3A_368] : memref<2x256x64xf32, #tpu.memory_space<vmem>> -> memref<1x256x64xf32, #tpu.memory_space<vmem>>
      %get3A_370 = tpu.memref_squeeze %get3A_369 : memref<1x256x64xf32, #tpu.memory_space<vmem>> -> memref<256x64xf32, #tpu.memory_space<vmem>>
      %get3A_371 = arith.index_cast %scan3A_366 : i32 to index
      %get3A_372 = arith.constant 0 : index
      %get3A_373 = tpu.vector_load %get3A_370[%get3A_371, %get3A_372] {strides = array<i32>} : memref<256x64xf32, #tpu.memory_space<vmem>>, vector<1x16xf32>,
      %get3A_374 = vector.shape_cast %get3A_373 : vector<1x16xf32> to vector<16xf32>
      %get3A_375 = arith.index_cast %scan3A_366 : i32 to index
      %get3A_376 = arith.constant 0 : index
      %get3A_377 = tpu.vector_load %arg8[%get3A_375, %get3A_376] {strides = array<i32>} : memref<256x64xf32, #tpu.memory_space<vmem>>, vector<1x16xf32>,
      %get3A_378 = vector.shape_cast %get3A_377 : vector<1x16xf32> to vector<16xf32>
      %add3A_379 = arith.addf %get3A_374, %get3A_378 : vector<16xf32>
      %swap3A_380 = arith.constant 0 : i32
      %swap3A_381 = arith.constant 0 : i32
      %swap3A_382 = tpu.memref_slice %arg7[%scan3A_221, %swap3A_380, %swap3A_381] : memref<2x256x64xf32, #tpu.memory_space<vmem>> -> memref<1x256x64xf32, #tpu.memory_space<vmem>>
      %swap3A_383 = tpu.memref_squeeze %swap3A_382 : memref<1x256x64xf32, #tpu.memory_space<vmem>> -> memref<256x64xf32, #tpu.memory_space<vmem>>
      %swap3A_384 = arith.index_cast %scan3A_366 : i32 to index
      %swap3A_385 = arith.constant 0 : index
      %swap3A_386 = tpu.vector_load %swap3A_383[%swap3A_384, %swap3A_385] {strides = array<i32>} : memref<256x64xf32, #tpu.memory_space<vmem>>, vector<1x16xf32>,
      %swap3A_387 = vector.shape_cast %swap3A_386 : vector<1x16xf32> to vector<16xf32>
      %swap3A_388 = vector.shape_cast %add3A_379 : vector<16xf32> to vector<1x16xf32>
      tpu.vector_store %swap3A_383[%swap3A_384, %swap3A_385], %swap3A_388 {strides = array<i32>} : memref<256x64xf32, #tpu.memory_space<vmem>>, vector<1x16xf32>,
      %get3A_389 = arith.constant 0 : i32
      %get3A_390 = arith.constant 0 : i32
      %get3A_391 = tpu.memref_slice %arg7[%scan3A_221, %get3A_389, %get3A_390] : memref<2x256x64xf32, #tpu.memory_space<vmem>> -> memref<1x256x64xf32, #tpu.memory_space<vmem>>
      %get3A_392 = tpu.memref_squeeze %get3A_391 : memref<1x256x64xf32, #tpu.memory_space<vmem>> -> memref<256x64xf32, #tpu.memory_space<vmem>>
      %get3A_393 = arith.index_cast %scan3A_366 : i32 to index
      %get3A_394 = arith.constant 16 : index
      %get3A_395 = tpu.vector_load %get3A_392[%get3A_393, %get3A_394] {strides = array<i32>} : memref<256x64xf32, #tpu.memory_space<vmem>>, vector<1x16xf32>,
      %get3A_396 = vector.shape_cast %get3A_395 : vector<1x16xf32> to vector<16xf32>
      %get3A_397 = arith.index_cast %scan3A_366 : i32 to index
      %get3A_398 = arith.constant 16 : index
      %get3A_399 = tpu.vector_load %arg8[%get3A_397, %get3A_398] {strides = array<i32>} : memref<256x64xf32, #tpu.memory_space<vmem>>, vector<1x16xf32>,
      %get3A_400 = vector.shape_cast %get3A_399 : vector<1x16xf32> to vector<16xf32>
      %add3A_401 = arith.addf %get3A_396, %get3A_400 : vector<16xf32>
      %swap3A_402 = arith.constant 0 : i32
      %swap3A_403 = arith.constant 0 : i32
      %swap3A_404 = tpu.memref_slice %arg7[%scan3A_221, %swap3A_402, %swap3A_403] : memref<2x256x64xf32, #tpu.memory_space<vmem>> -> memref<1x256x64xf32, #tpu.memory_space<vmem>>
      %swap3A_405 = tpu.memref_squeeze %swap3A_404 : memref<1x256x64xf32, #tpu.memory_space<vmem>> -> memref<256x64xf32, #tpu.memory_space<vmem>>
      %swap3A_406 = arith.index_cast %scan3A_366 : i32 to index
      %swap3A_407 = arith.constant 16 : index
      %swap3A_408 = tpu.vector_load %swap3A_405[%swap3A_406, %swap3A_407] {strides = array<i32>} : memref<256x64xf32, #tpu.memory_space<vmem>>, vector<1x16xf32>,
      %swap3A_409 = vector.shape_cast %swap3A_408 : vector<1x16xf32> to vector<16xf32>
      %swap3A_410 = vector.shape_cast %add3A_401 : vector<16xf32> to vector<1x16xf32>
      tpu.vector_store %swap3A_405[%swap3A_406, %swap3A_407], %swap3A_410 {strides = array<i32>} : memref<256x64xf32, #tpu.memory_space<vmem>>, vector<1x16xf32>,
      %get3A_411 = arith.constant 0 : i32
      %get3A_412 = arith.constant 0 : i32
      %get3A_413 = tpu.memref_slice %arg7[%scan3A_221, %get3A_411, %get3A_412] : memref<2x256x64xf32, #tpu.memory_space<vmem>> -> memref<1x256x64xf32, #tpu.memory_space<vmem>>
      %get3A_414 = tpu.memref_squeeze %get3A_413 : memref<1x256x64xf32, #tpu.memory_space<vmem>> -> memref<256x64xf32, #tpu.memory_space<vmem>>
      %get3A_415 = arith.index_cast %scan3A_366 : i32 to index
      %get3A_416 = arith.constant 32 : index
      %get3A_417 = tpu.vector_load %get3A_414[%get3A_415, %get3A_416] {strides = array<i32>} : memref<256x64xf32, #tpu.memory_space<vmem>>, vector<1x16xf32>,
      %get3A_418 = vector.shape_cast %get3A_417 : vector<1x16xf32> to vector<16xf32>
      %get3A_419 = arith.index_cast %scan3A_366 : i32 to index
      %get3A_420 = arith.constant 32 : index
      %get3A_421 = tpu.vector_load %arg8[%get3A_419, %get3A_420] {strides = array<i32>} : memref<256x64xf32, #tpu.memory_space<vmem>>, vector<1x16xf32>,
      %get3A_422 = vector.shape_cast %get3A_421 : vector<1x16xf32> to vector<16xf32>
      %add3A_423 = arith.addf %get3A_418, %get3A_422 : vector<16xf32>
      %swap3A_424 = arith.constant 0 : i32
      %swap3A_425 = arith.constant 0 : i32
      %swap3A_426 = tpu.memref_slice %arg7[%scan3A_221, %swap3A_424, %swap3A_425] : memref<2x256x64xf32, #tpu.memory_space<vmem>> -> memref<1x256x64xf32, #tpu.memory_space<vmem>>
      %swap3A_427 = tpu.memref_squeeze %swap3A_426 : memref<1x256x64xf32, #tpu.memory_space<vmem>> -> memref<256x64xf32, #tpu.memory_space<vmem>>
      %swap3A_428 = arith.index_cast %scan3A_366 : i32 to index
      %swap3A_429 = arith.constant 32 : index
      %swap3A_430 = tpu.vector_load %swap3A_427[%swap3A_428, %swap3A_429] {strides = array<i32>} : memref<256x64xf32, #tpu.memory_space<vmem>>, vector<1x16xf32>,
      %swap3A_431 = vector.shape_cast %swap3A_430 : vector<1x16xf32> to vector<16xf32>
      %swap3A_432 = vector.shape_cast %add3A_423 : vector<16xf32> to vector<1x16xf32>
      tpu.vector_store %swap3A_427[%swap3A_428, %swap3A_429], %swap3A_432 {strides = array<i32>} : memref<256x64xf32, #tpu.memory_space<vmem>>, vector<1x16xf32>,
      %get3A_433 = arith.constant 0 : i32
      %get3A_434 = arith.constant 0 : i32
      %get3A_435 = tpu.memref_slice %arg7[%scan3A_221, %get3A_433, %get3A_434] : memref<2x256x64xf32, #tpu.memory_space<vmem>> -> memref<1x256x64xf32, #tpu.memory_space<vmem>>
      %get3A_436 = tpu.memref_squeeze %get3A_435 : memref<1x256x64xf32, #tpu.memory_space<vmem>> -> memref<256x64xf32, #tpu.memory_space<vmem>>
      %get3A_437 = arith.index_cast %scan3A_366 : i32 to index
      %get3A_438 = arith.constant 48 : index
      %get3A_439 = tpu.vector_load %get3A_436[%get3A_437, %get3A_438] {strides = array<i32>} : memref<256x64xf32, #tpu.memory_space<vmem>>, vector<1x16xf32>,
      %get3A_440 = vector.shape_cast %get3A_439 : vector<1x16xf32> to vector<16xf32>
      %get3A_441 = arith.index_cast %scan3A_366 : i32 to index
      %get3A_442 = arith.constant 48 : index
      %get3A_443 = tpu.vector_load %arg8[%get3A_441, %get3A_442] {strides = array<i32>} : memref<256x64xf32, #tpu.memory_space<vmem>>, vector<1x16xf32>,
      %get3A_444 = vector.shape_cast %get3A_443 : vector<1x16xf32> to vector<16xf32>
      %add3A_445 = arith.addf %get3A_440, %get3A_444 : vector<16xf32>
      %swap3A_446 = arith.constant 0 : i32
      %swap3A_447 = arith.constant 0 : i32
      %swap3A_448 = tpu.memref_slice %arg7[%scan3A_221, %swap3A_446, %swap3A_447] : memref<2x256x64xf32, #tpu.memory_space<vmem>> -> memref<1x256x64xf32, #tpu.memory_space<vmem>>
      %swap3A_449 = tpu.memref_squeeze %swap3A_448 : memref<1x256x64xf32, #tpu.memory_space<vmem>> -> memref<256x64xf32, #tpu.memory_space<vmem>>
      %swap3A_450 = arith.index_cast %scan3A_366 : i32 to index
      %swap3A_451 = arith.constant 48 : index
      %swap3A_452 = tpu.vector_load %swap3A_449[%swap3A_450, %swap3A_451] {strides = array<i32>} : memref<256x64xf32, #tpu.memory_space<vmem>>, vector<1x16xf32>,
      %swap3A_453 = vector.shape_cast %swap3A_452 : vector<1x16xf32> to vector<16xf32>
      %swap3A_454 = vector.shape_cast %add3A_445 : vector<16xf32> to vector<1x16xf32>
      tpu.vector_store %swap3A_449[%swap3A_450, %swap3A_451], %swap3A_454 {strides = array<i32>} : memref<256x64xf32, #tpu.memory_space<vmem>>, vector<1x16xf32>,
    }
    %scan3A_226 = arith.constant 256 : i32
    %add3A_227 = arith.constant 768 : i32
    %add3A_228 = arith.addi %mul3A_32, %add3A_227 : i32
    %dma_start3A_229 = arith.constant 1 : i32
    %dma_start3A_230 = arith.constant 0 : i32
    %dma_start3A_231 = arith.constant 0 : i32
    %dma_start3A_232 = tpu.memref_slice %arg7[%dma_start3A_229, %dma_start3A_230, %dma_start3A_231] : memref<2x256x64xf32, #tpu.memory_space<vmem>> -> memref<1x256x64xf32, #tpu.memory_space<vmem>>
    %dma_start3A_233 = tpu.memref_squeeze %dma_start3A_232 : memref<1x256x64xf32, #tpu.memory_space<vmem>> -> memref<256x64xf32, #tpu.memory_space<vmem>>
    %dma_start3A_234 = arith.constant 0 : i32
    %dma_start3A_235 = tpu.memref_slice %arg5[%select_n3A, %add3A_228, %dma_start3A_234] : memref<4x8192x64xf32, #tpu.memory_space<hbm>> -> memref<1x256x64xf32, #tpu.memory_space<hbm>>
    %dma_start3A_236 = tpu.memref_squeeze %dma_start3A_235 : memref<1x256x64xf32, #tpu.memory_space<hbm>> -> memref<256x64xf32, #tpu.memory_space<hbm>>
    %dma_start3A_237 = arith.constant 0 : i32
    %dma_start3A_238 = tpu.memref_slice %arg5[%select_n3A, %add3A_228, %dma_start3A_237] : memref<4x8192x64xf32, #tpu.memory_space<hbm>> -> memref<1x256x64xf32, #tpu.memory_space<hbm>>
    %dma_start3A_239 = tpu.memref_squeeze %dma_start3A_238 : memref<1x256x64xf32, #tpu.memory_space<hbm>> -> memref<256x64xf32, #tpu.memory_space<hbm>>
    %dma_start3A_240 = arith.constant 0 : i32
    %dma_start3A_241 = arith.constant 0 : i32
    %dma_start3A_242 = tpu.memref_slice %arg7[%dma_start3A_229, %dma_start3A_240, %dma_start3A_241] : memref<2x256x64xf32, #tpu.memory_space<vmem>> -> memref<1x256x64xf32, #tpu.memory_space<vmem>>
    %dma_start3A_243 = tpu.memref_squeeze %dma_start3A_242 : memref<1x256x64xf32, #tpu.memory_space<vmem>> -> memref<256x64xf32, #tpu.memory_space<vmem>>
    tpu.enqueue_dma source(%dma_start3A_243 : memref<256x64xf32, #tpu.memory_space<vmem>>) target(%dma_start3A_239 : memref<256x64xf32, #tpu.memory_space<hbm>>) target_semaphore(%arg12 : memref<!tpu.dma_semaphore, #tpu.memory_space<semaphore_mem>>)
    %add3A_244 = arith.constant 512 : i32
    %add3A_245 = arith.addi %mul3A_32, %add3A_244 : i32
    %dma_wait3A_246 = arith.constant 0 : i32
    %dma_wait3A_247 = arith.constant 0 : i32
    %dma_wait3A_248 = arith.constant 0 : i32
    %dma_wait3A_249 = tpu.memref_slice %arg7[%dma_wait3A_246, %dma_wait3A_247, %dma_wait3A_248] : memref<2x256x64xf32, #tpu.memory_space<vmem>> -> memref<1x256x64xf32, #tpu.memory_space<vmem>>
    %dma_wait3A_250 = tpu.memref_squeeze %dma_wait3A_249 : memref<1x256x64xf32, #tpu.memory_space<vmem>> -> memref<256x64xf32, #tpu.memory_space<vmem>>
    %dma_wait3A_251 = arith.constant 0 : i32
    %dma_wait3A_252 = tpu.memref_slice %arg5[%select_n3A, %add3A_245, %dma_wait3A_251] : memref<4x8192x64xf32, #tpu.memory_space<hbm>> -> memref<1x256x64xf32, #tpu.memory_space<hbm>>
    %dma_wait3A_253 = tpu.memref_squeeze %dma_wait3A_252 : memref<1x256x64xf32, #tpu.memory_space<hbm>> -> memref<256x64xf32, #tpu.memory_space<hbm>>
    %dma_wait3A_254 = arith.constant 0 : i32
    %dma_wait3A_255 = tpu.memref_slice %arg5[%select_n3A, %add3A_245, %dma_wait3A_254] : memref<4x8192x64xf32, #tpu.memory_space<hbm>> -> memref<1x256x64xf32, #tpu.memory_space<hbm>>
    %dma_wait3A_256 = tpu.memref_squeeze %dma_wait3A_255 : memref<1x256x64xf32, #tpu.memory_space<hbm>> -> memref<256x64xf32, #tpu.memory_space<hbm>>
    %dma_wait3A_257 = arith.constant 0 : i32
    %dma_wait3A_258 = arith.constant 0 : i32
    %dma_wait3A_259 = tpu.memref_slice %arg7[%dma_wait3A_246, %dma_wait3A_257, %dma_wait3A_258] : memref<2x256x64xf32, #tpu.memory_space<vmem>> -> memref<1x256x64xf32, #tpu.memory_space<vmem>>
    %dma_wait3A_260 = tpu.memref_squeeze %dma_wait3A_259 : memref<1x256x64xf32, #tpu.memory_space<vmem>> -> memref<256x64xf32, #tpu.memory_space<vmem>>
    tpu.wait_dma2 semaphore(%arg12 : memref<!tpu.dma_semaphore, #tpu.memory_space<semaphore_mem>>) src(%dma_wait3A_260 : memref<256x64xf32, #tpu.memory_space<vmem>>) dst(%dma_wait3A_256 : memref<256x64xf32, #tpu.memory_space<hbm>>)
    %add3A_261 = arith.constant 768 : i32
    %add3A_262 = arith.addi %mul3A_32, %add3A_261 : i32
    %dma_wait3A_263 = arith.constant 1 : i32
    %dma_wait3A_264 = arith.constant 0 : i32
    %dma_wait3A_265 = arith.constant 0 : i32
    %dma_wait3A_266 = tpu.memref_slice %arg7[%dma_wait3A_263, %dma_wait3A_264, %dma_wait3A_265] : memref<2x256x64xf32, #tpu.memory_space<vmem>> -> memref<1x256x64xf32, #tpu.memory_space<vmem>>
    %dma_wait3A_267 = tpu.memref_squeeze %dma_wait3A_266 : memref<1x256x64xf32, #tpu.memory_space<vmem>> -> memref<256x64xf32, #tpu.memory_space<vmem>>
    %dma_wait3A_268 = arith.constant 0 : i32
    %dma_wait3A_269 = tpu.memref_slice %arg5[%select_n3A, %add3A_262, %dma_wait3A_268] : memref<4x8192x64xf32, #tpu.memory_space<hbm>> -> memref<1x256x64xf32, #tpu.memory_space<hbm>>
    %dma_wait3A_270 = tpu.memref_squeeze %dma_wait3A_269 : memref<1x256x64xf32, #tpu.memory_space<hbm>> -> memref<256x64xf32, #tpu.memory_space<hbm>>
    %dma_wait3A_271 = arith.constant 0 : i32
    %dma_wait3A_272 = tpu.memref_slice %arg5[%select_n3A, %add3A_262, %dma_wait3A_271] : memref<4x8192x64xf32, #tpu.memory_space<hbm>> -> memref<1x256x64xf32, #tpu.memory_space<hbm>>
    %dma_wait3A_273 = tpu.memref_squeeze %dma_wait3A_272 : memref<1x256x64xf32, #tpu.memory_space<hbm>> -> memref<256x64xf32, #tpu.memory_space<hbm>>
    %dma_wait3A_274 = arith.constant 0 : i32
    %dma_wait3A_275 = arith.constant 0 : i32
    %dma_wait3A_276 = tpu.memref_slice %arg7[%dma_wait3A_263, %dma_wait3A_274, %dma_wait3A_275] : memref<2x256x64xf32, #tpu.memory_space<vmem>> -> memref<1x256x64xf32, #tpu.memory_space<vmem>>
    %dma_wait3A_277 = tpu.memref_squeeze %dma_wait3A_276 : memref<1x256x64xf32, #tpu.memory_space<vmem>> -> memref<256x64xf32, #tpu.memory_space<vmem>>
    tpu.wait_dma2 semaphore(%arg12 : memref<!tpu.dma_semaphore, #tpu.memory_space<semaphore_mem>>) src(%dma_wait3A_277 : memref<256x64xf32, #tpu.memory_space<vmem>>) dst(%dma_wait3A_273 : memref<256x64xf32, #tpu.memory_space<hbm>>)
    return
  }
}

</mosaic_0001>

<sc_bundles>
// kernel: kernel.3.cloned.1.call-start
scs
__scs_entry_jumppad:
0x0: {  	(pc) =	sbr.rel $0x88, $3  }
0x1: {  	(tag) =	ssettag $0x0;
	lr =	simm.s32 $0x1  }
0x2: {  	[smem:$0x3F9E] =	sst lr;
	_ =	strace $0xD0000000  }
0x3: {  	_ = 	snop  }
0x4: {  	_ = 	snop  }
0x5: {  	_ = 	snop  }
0x6: {  	_ = 	snop  }
0x7: {  	_ = 	snop  }
__scs_overlays_trampoline_lowered:
0x8: {  	[smem:$0x3FAD] =	sst s0  }
0x9: {  	[smem:$0x3FAE] =	sst s1  }
0xa: {  	[smem:$0x3FAF] =	sst s2  }
0xb: {  	[smem:$0x3FB0] =	sst s3  }
0xc: {  	[smem:$0x3FB1] =	sst s4  }
0xd: {  	[smem:$0x3FB2] =	sst s5  }
0xe: {  	[smem:$0x3FB3] =	sst s6  }
0xf: {  	[smem:$0x3FB4] =	sst s7  }
0x10: {  	[smem:$0x3FB5] =	sst s8  }
0x11: {  	[smem:$0x3FB6] =	sst s9;
	s0 =	simm.s32 @!p0 $0x0  }
0x12: {  	s1 =	sld [smem:$0x3F9C];
	s0 =	simm.s32 @p0 $0x1  }
0x13: {  	[smem:$0x3FB7] =	sst s0;
	s0 =	simm.s32 @!p1 $0x0  }
0x14: {  	s2 =	sld [smem:$0x3F9B];
	s0 =	simm.s32 @p1 $0x1  }
0x15: {  	[smem:$0x3FB8] =	sst s0;
	s0 =	simm.s32 @!p2 $0x0  }
0x16: {  	s3 =	sld [smem:$0x3FDB];
	s0 =	simm.s32 @p2 $0x1  }
0x17: {  	s4 =	simm.s32 $0x1BF5;
	[smem:$0x3FBA] =	sst s0  }
0x18: {  	s0 =	sld [smem:$0x3F9D];
	_ =	swait.ge [sflag:s4], $0x0  }
0x19: {  	s7 =	sld [smem:$0x3F9E]  }
0x1a: {  	s8 =	sadd.s32 $0xFFFFE003, lr  }
0x1b: {  	s9 =	sadd.s32 $0xFFFFFEF7, lr;
	s5 =	simm.s32 $0xFFFFFFFF;
	p2 =	slt.u32 s8, $0xFFFFF086  }
0x1c: {  	p1 =	slt.u32 s9, $0xF7A;
	s5 =	simm.s32 @!p2 $0x0  }
0x1d: {  	s5 =	simm.s32 @p1 $0x1;
	p0 =	seq.s32 s7, s2  }
0x1e: {  	s7 =	smul.u32 @!p0 $0xF7A, s2;
	p2 =	seq.s32 @!p0 s5, $0x0  }
0x1f: {  	s9 =	smul.u32 $0xF7A, s1;
	s8 =	simm.s32 @!p0 $0x1BF5;
	p2 =	por !p2, p0  }
0x20: {  	[sflag:s8] =	ssyncset.s32 @!p0 $0xFFFFF086;
	s6 =	sadd.s32 @!p0 s3, s7;
	s7 =	simm.s32 @!p0 $0x108  }
0x21: {  	s3 =	sadd.s32 s3, s9;
	s6 =	sadd.s32 @!p0 $0x88, s6;
	s7 =	simm.s32 @p2 $0x1082  }
0x22: {  	[simem:s7], [sflag:s8] =	dma.local @!p0 [hbm:s6], $0xF7A  }
0x23: {  	s9 =	sor.u32 $0xD0000000, s2;
	s6 =	simm.s32 $0x108;
	_ =	swait.ge @!p0 [sflag:s8], $0x0  }
0x24: {  	s3 =	sadd.s32 $0x88, s3;
	s6 =	simm.s32 @!p1 $0x1082;
	[sflag:s4] =	ssyncset.s32 $0xFFFFF086  }
0x25: {  	[simem:s6], [sflag:s4] =	dma.local [hbm:s3], $0xF7A  }
0x26: {  	[smem:$0x3F9E] =	sst s1;
	(tag) =	ssettag s2;
	_ =	strace s9  }
0x27: {  	s1 =	sld [smem:$0x3FAE]  }
0x28: {  	s2 =	sld [smem:$0x3FAF]  }
0x29: {  	s4 =	sld [smem:$0x3FB1]  }
0x2a: {  	p0 =	seq.s32 s5, $0x0;
	s5 =	sld [smem:$0x3FB2]  }
0x2b: {  	s6 =	sld [smem:$0x3FB3]  }
0x2c: {  	s7 =	sld [smem:$0x3FB4]  }
0x2d: {  	s3 =	simm.s32 $0x108;
	s8 =	sld [smem:$0x3FB5]  }
0x2e: {  	s3 =	simm.s32 @!p0 $0x1082;
	s9 =	sld [smem:$0x3FB6]  }
0x2f: {  	lr =	sadd.s32 s0, s3;
	s0 =	sld [smem:$0x3FAD]  }
0x30: {  	s3 =	sld [smem:$0x3FB0]  }
0x31: {  	[smem:$0x3FB9] =	sst s10  }
0x32: {  	s10 =	sld [smem:$0x3FB7];
	_ =	sdelay $0x3  }
0x33: {  	p0 =	seq.s32 s10, $0x1;
	s10 =	sld [smem:$0x3FB9];
	_ =	sdelay $0x3  }
0x34: {  	[smem:$0x3FB9] =	sst s10  }
0x35: {  	s10 =	sld [smem:$0x3FB8];
	_ =	sdelay $0x3  }
0x36: {  	p1 =	seq.s32 s10, $0x1;
	s10 =	sld [smem:$0x3FB9];
	_ =	sdelay $0x3  }
0x37: {  	[smem:$0x3FB9] =	sst s10  }
0x38: {  	s10 =	sld [smem:$0x3FBA]  }
0x39: {  	_ = 	snop;
	(pc) =	sbr.ind lr, $3  }
0x3a: {  	_ = 	snop  }
0x3b: {  	_ = 	snop  }
0x3c: {  	p2 =	seq.s32 s10, $0x1;
	s10 =	sld [smem:$0x3FB9]  }
0x3d: {  	_ =	shalt  }
0x3e: {  	_ =	shalt  }
0x3f: {  	_ =	shalt  }
0x40: {  	_ =	shalt  }
0x41: {  	_ =	shalt  }
0x42: {  	_ =	shalt  }
0x43: {  	_ =	shalt  }
0x44: {  	_ =	shalt  }
0x45: {  	_ =	shalt  }
0x46: {  	_ =	shalt  }
0x47: {  	_ =	shalt  }
0x48: {  	_ =	shalt  }
0x49: {  	_ =	shalt  }
0x4a: {  	_ =	shalt  }
0x4b: {  	_ =	shalt  }
0x4c: {  	_ =	shalt  }
0x4d: {  	_ =	shalt  }
0x4e: {  	_ =	shalt  }
0x4f: {  	_ =	shalt  }
0x50: {  	_ =	shalt  }
0x51: {  	_ =	shalt  }
0x52: {  	_ =	shalt  }
0x53: {  	_ =	shalt  }
0x54: {  	_ =	shalt  }
0x55: {  	_ =	shalt  }
0x56: {  	_ =	shalt  }
0x57: {  	_ =	shalt  }
0x58: {  	_ =	shalt  }
0x59: {  	_ =	shalt  }
0x5a: {  	_ =	shalt  }
0x5b: {  	_ =	shalt  }
0x5c: {  	_ =	shalt  }
0x5d: {  	_ =	shalt  }
0x5e: {  	_ =	shalt  }
0x5f: {  	_ =	shalt  }
0x60: {  	_ =	shalt  }
0x61: {  	_ =	shalt  }
0x62: {  	_ =	shalt  }
0x63: {  	_ =	shalt  }
0x64: {  	_ =	shalt  }
0x65: {  	_ =	shalt  }
0x66: {  	_ =	shalt  }
0x67: {  	_ =	shalt  }
0x68: {  	_ =	shalt  }
0x69: {  	_ =	shalt  }
0x6a: {  	_ =	shalt  }
0x6b: {  	_ =	shalt  }
0x6c: {  	_ =	shalt  }
0x6d: {  	_ =	shalt  }
0x6e: {  	_ =	shalt  }
0x6f: {  	_ =	shalt  }
0x70: {  	_ =	shalt  }
0x71: {  	_ =	shalt  }
0x72: {  	_ =	shalt  }
0x73: {  	_ =	shalt  }
0x74: {  	_ =	shalt  }
0x75: {  	_ =	shalt  }
0x76: {  	_ =	shalt  }
0x77: {  	_ =	shalt  }
0x78: {  	_ =	shalt  }
0x79: {  	_ =	shalt  }
0x7a: {  	_ =	shalt  }
0x7b: {  	_ =	shalt  }
0x7c: {  	_ =	shalt  }
0x7d: {  	_ =	shalt  }
0x7e: {  	_ =	shalt  }
0x7f: {  	_ =	shalt  }
0x80: {  	_ =	shalt  }
0x81: {  	_ =	shalt  }
0x82: {  	_ =	shalt  }
0x83: {  	_ =	shalt  }
0x84: {  	_ =	shalt  }
0x85: {  	_ =	shalt  }
0x86: {  	_ =	shalt  }
0x87: {  	_ =	shalt  }
.Lfunc_end0:
.L_simem_size_0:
called_computation_lowered:
.L_overlay_start_0:
0x88: {  	s2 =	sld [smem:$0x3FD9]  }
0x89: {  	s3 =	sld [smem:$0x3FFE];
	_ =	sdelay $0x1  }
0x8a: {  	s1 =	srdreg.scid  }
0x8b: {  	s0 =	sand.u32 $0x1, s1  }
0x8c: {  	s17 =	sshll.u32 s0, $0xA;
	s2 =	sadd.s32 s3, s2  }
0x8d: {  	s2 =	sadd.s32 s2, s17  }
0x8e: {  	[smem:$0x3FC5] =	sst s2  }
0x8f: {  	_ = 	snop  }
0x90: {  	s2 =	sld [smem:$0x3FC9]  }
0x91: {  	s18 =	sld [smem:$0x3FD0];
	(tm) =	ssettm $0x1  }
0x92: {  	s4 =	sld [smem:$0x3FFB];
	_ =	sdelay $0x3  }
0x93: {  	_ =	strace s4  }
0x94: {  	s4 =	sld [smem:$0x3FFC];
	_ =	sdelay $0x3  }
0x95: {  	_ =	strace s4  }
0x96: {  	s4 =	sld [smem:$0x3FFD];
	_ =	sdelay $0x3  }
0x97: {  	_ =	strace s4  }
0x98: {  	_ =	strace $0x8FFFFFFF  }
0x99: {  	s19 =	sld [smem:$0x3FDB];
	_ =	sdelay $0x1  }
0x9a: {  	s5 =	simm.s32 $_scs_section_size  }
0x9b: {  	s6 =	simm.s32 $_size__tile_overlayer_lowered;
	s7 =	simm.s32 $_tile_overlayer_lowered  }
0x9c: {  	s22 =	simm.s32 $0x1BFF;
	s21 =	sshll.u32 s7, $0x1;
	s4 =	sadd.s32 s5, s19  }
0x9d: {  	s8 =	simm.s32 $0x0;
	s20 =	sshll.u32 s6, $0x1;
	s6 =	sadd.s32 s21, s4  }
0x9e: {  	[timem:s8], [sflag:s22] =	dma.local [hbm:s6], s20  }
0x9f: {  	_ =	swait.ge [sflag:s22], s20  }
0xa0: {  	s5 =	ssub.s32 $0x0, s20;
	[sflag:s22] =	ssyncset.done $0x0  }
0xa1: {  	[sflag:s22] =	ssyncadd.s32 s5;
	_ =	sdelay $0x1  }
0xa2: {  	s23 =	simm.s32 $0x1B8B  }
0xa3: {  	_ =	swait.ge [sflag:s23], $0x1  }
0xa4: {  	[sflag:s23] =	ssyncset.done $0x0  }
0xa5: {  	s25 =	simm.s32 $0x1B8E;
	s24 =	sld [smem:$0x3FFE];
	[sflag:s23] =	ssyncadd.s32 $0xFFFFFFFF  }
0xa6: {  	s26 =	simm.s32 $execute0_lowered;
	[smem:$0x3FD2] =	sst s25  }
0xa7: {  	s6 =	sshll.u32 s26, $0x1;
	_ =	strace $0x80000046;
	[dreg:$0x1] =	wrdreg $0xFFFFFFFF  }
0xa8: {  	s28 =	simm.s32 $_size_execute0_lowered;
	s4 =	sadd.s32 s4, s6;
	[dreg:$0x0] =	wrdreg $0x0  }
0xa9: {  	s6 =	sshll.u32 s28, $0x1;
	[dreg:$0x2] =	wrdreg s4  }
0xaa: {  	[dreg:$0x3] =	wrdreg s6  }
0xab: {  	[dreg:$0x4] =	wrdreg $0xC0  }
0xac: {  	_ =	task [dreg:s8], $0x5FFFF  }
0xad: {  	[dreg:$0x1] =	wrdreg $0xFFFFFFFF  }
0xae: {  	[dreg:$0x0] =	wrdreg $0x60  }
0xaf: {  	[dreg:$0x2] =	wrdreg s2  }
0xb0: {  	[dreg:$0x3] =	wrdreg s24  }
0xb1: {  	[dreg:$0x4] =	wrdreg s18  }
0xb2: {  	[dreg:$0x5] =	wrdreg $0x9  }
0xb3: {  	_ =	task.clear_ibuf [dreg:s8], $0x6FFFF;
	_ =	strace $0x90000046  }
0xb4: {  	s29 =	simm.s32 $0x9;
	_ =	strace $0x80000048  }
0xb5: {  	_ =	swait.ge [sflag:s29], $0x1  }
0xb6: {  	[sflag:s29] =	ssyncadd.s32 $0xFFFFFFFF  }
0xb7: {  	_ =	strace $0x90000048  }
0xb8: {  	_ =	sfence  }
0xb9: {  	s30 =	sld [smem:$0x0];
	_ =	sdelay $0x2  }
0xba: {  	s31 =	sshll.u32 s1, $0xD;
	s1 =	sshrl.u32 s1, $0x2  }
0xbb: {  	s3 =	sand.u32 $0x4000, s31;
	s1 =	sadd.s32 s1, s30  }
0xbc: {  	s0 =	sor.u32 s3, s0;
	s1 =	sshll.u32 s1, $0x11  }
0xbd: {  	s0 =	sor.u32 s1, s0  }
0xbe: {  	s0 =	sadd.s32 $0x8F2B, s0  }
0xbf: {  	[sflag:s0] =	ssyncadd.remote.s32 $0x1  }
0xc0: {  	_ =	sfence.sel $0xFFFF  }
0xc1: {  	[dreg:$0x0] =	wrdreg $0xFFFFFFFF;
	(pc) =	sbr.abs _section_cstart, $3  }
0xc2: {  	[dreg:$0x1] =	wrdreg $0xFFFFFFFF  }
0xc3: {  	_ =	task.clear_ibuf [dreg:s8], $0x2FFFF;
	_ =	strace $0x9FFFFFFF  }
0xc4: {  	(tm) =	ssettm $0x7FFFFFFF  }
0xc5: {  	_ =	shalt  }
tec
execute0_lowered:
.L_overlay_start_1:
0x0: {  	(tag) =	ssettag $0x1  }
0x1: {  	s0 =	rddreg [dreg:$0x0]  }
0x2: {  	s1 =	rddreg [dreg:$0x1]  }
0x3: {  	s4 =	rddreg [dreg:$0x2]  }
0x4: {  	s2 =	simm.s32 $0x0;
	s7 =	stileid.u32;
	s5 =	srdreg.scid  }
0x5: {  	s16 =	simm.s32 $0x5;
	s17 =	simm.s32 $0x10400;
	s18 =	simm.s32 $0x1  }
0x6: {  	s19 =	simm.s32 $0x3;
	[smem:$0x7FF] =	sst s2;
	s3 =	sadd.s32 $0x400, s1  }
0x7: {  	s1 =	sadd.s32 $0x186E00, s1;
	s6 =	sshll.u32 s7, $0x1;
	s5 =	sand.u32 $0x1, s5  }
0x8: {  	s7 =	sshrl.u32 s7, $0x2;
	_ =	strace $0x80000047;
	s6 =	sand.u32 $0x6, s6  }
0x9: {  	s8 =	ssub.s32 $0x2, s5;
	s20 =	sshll.u32 s7, $0x4;
	s24 =	sshll.u32 s7, $0x14  }
0xa: {  	s5 =	sor.u32 s5, s6;
	s9 =	sshrl.u32 s8, $0x1;
	s0 =	sadd.s32 s0, s20  }
0xb: {  	s10 =	sshll.u32 s5, $0x9;
	s13 =	ssub.s32 s8, s9;
	s21 =	sshll.u32 s5, $0x11  }
0xc: {  	s22 =	sshll.u32 s5, $0xE;
	s0 =	sadd.s32 s10, s0;
	s23 =	sor.u32 $0x8000, s21  }
0xd: {  	s7 =	sor.u32 s24, s21;
	s11 =	sor.u32 $0x10000, s21;
	s30 =	sor.u32 $0x18000, s21  }
0xe: {  	s13 =	smax.u32 s13, $0x1;
	s21 =	simm.s32 $0x2;
	[dreg:$0x4] =	wrdreg s0  }
0xf: {  	s0 =	sadd.s32 s4, s22;
	s25 =	sshrl.u32 s23, $0x3;
	s26 =	sshrl.u32 s7, $0x3  }
0x10: {  	s28 =	sshrl.u32 s11, $0x3;
	s5 =	sor.u32 s24, s23;
	s31 =	sor.u32 s24, s11  }
0x11: {  	s10 =	sor.u32 s24, s30;
	[dreg:$0x5] =	wrdreg s0;
	s0 =	sadd.s32 s4, s25  }
0x12: {  	s23 =	simm.s32 $0x4;
	[dreg:$0x6] =	wrdreg s0;
	s0 =	sadd.s32 s1, s26  }
0x13: {  	s29 =	sshrl.u32 s5, $0x3;
	[dreg:$0x7] =	wrdreg s0;
	s0 =	sadd.s32 s4, s28  }
0x14: {  	s5 =	sshrl.u32 s30, $0x3;
	[dreg:$0x8] =	wrdreg s0;
	s0 =	sadd.s32 s1, s29  }
0x15: {  	s4 =	sadd.s32 s4, s5;
	[dreg:$0x9] =	wrdreg s0;
	s0 =	sshrl.u32 s31, $0x3  }
0x16: {  	s12 =	sshrl.u32 s10, $0x3;
	[dreg:$0xa] =	wrdreg s4;
	s0 =	sadd.s32 s1, s0  }
0x17: {  	s24 =	simm.s32 $0x0;
	s12 =	sadd.s32 s1, s12;
	[dreg:$0xb] =	wrdreg s0  }
.LBB2_1:
0x18: {  	s0 =	rddreg [dreg:$0x4];
	s1 =	simm.s32 $0x80;
	s4 =	simm.s32 $0x200  }
0x19: {  	[tilespmem:s2], [sflag:$0x5] =	stream.strided.gather [hbm4b:s0+s1], $0x400, s4, s1, $0x38;
	[tilespmem:$0x18400] =	vst v63  }
0x1a: {  	_ =	swait.ge [sflag:s16], $0x400  }
0x1b: {  	[sflag:s16] =	ssyncset.done $0x0  }
0x1c: {  	[sflag:s16] =	ssyncadd.s32 $0xFFFFFC00  }
0x1d: {  	v0 =	vld [tilespmem:s2+$0x0];
	_ =	sdelay $0x4  }
0x1e: {  	v0 =	vshll.u32 v0, $0x4  }
0x1f: {  	(v2sf) =	vpush v0, $0x0  }
0x20: {  	(v2sf) =	vpush v0, $0x1  }
0x21: {  	(v2sf) =	vpush v0, $0x2;
	_ =	sdelay $0x1  }
0x22: {  	(v2sf) =	vpush v0, $0x4;
	_ =	sdelay $0x1  }
0x23: {  	(v2sf) =	vpush v0, $0x3  }
0x24: {  	(v2sf) =	vpush v0, $0x5  }
0x25: {  	s26 =	simm.s32 $0x2000;
	s25 =	simm.s32 $0x0;
	s28 =	simm.s32 $0x0;
	(v2sf) =	vpush v0, $0x6  }
.LBB2_2:
0x26: {  	p0 =	sne.s32 s26, $0x1E000  }
0x27: {  	s20 =	sadd.s32 $0x480, s25;
	s0 =	sadd.s32 $0x980, s25;
	s29 =	smov.u32 s26  }
0x28: {  	s26 =	sadd.s32 $0x2000, s26;
	s15 =	sadd.s32 $0x780, s25;
	s30 =	sadd.s32 $0xA00, s25;
	(v2sf) =	vpush v0, $0x7  }
0x29: {  	s5 =	sadd.s32 $0x680, s25;
	s14 =	sadd.s32 $0x800, s25;
	s31 =	sadd.s32 $0xA80, s25  }
0x2a: {  	s22 =	sadd.s32 $0x400, s25;
	s6 =	sadd.s32 $0x600, s25;
	(v2sf) =	vpush v0, $0x8  }
0x2b: {  	s7 =	sadd.s32 $0x700, s25;
	s28 =	sadd.s32 $0x10, s28  }
0x2c: {  	s8 =	sadd.s32 $0x500, s25;
	s1 =	sadd.s32 $0x900, s25;
	s4 =	spop (v2sf);
	(v2sf) =	vpush v0, $0x9  }
0x2d: {  	s9 =	sand.u32 $0x1FFFFFF0, s4;
	s4 =	sadd.s32 $0x880, s25;
	s10 =	spop (v2sf)  }
0x2e: {  	s9 =	sadd.s32 s3, s9;
	s10 =	sand.u32 $0x1FFFFFF0, s10;
	s11 =	spop (v2sf);
	(v2sf) =	vpush v0, $0xA  }
0x2f: {  	[tilespmem:s22], [sflag:$0x1] =	stream.linear.gather [hbm4b:s9+s2], $0x80, $0x38;
	[tilespmem:$0x18400] =	vst v63  }
0x30: {  	s9 =	sadd.s32 s3, s10;
	s10 =	sadd.s32 $0x580, s25;
	s22 =	spop (v2sf);
	(v2sf) =	vpush v0, $0xB  }
0x31: {  	[tilespmem:s20], [sflag:$0x1] =	stream.linear.gather [hbm4b:s9+s2], $0x80, $0x38;
	[tilespmem:$0x18400] =	vst v63  }
0x32: {  	s9 =	sand.u32 $0x1FFFFFF0, s11;
	s11 =	sand.u32 $0x1FFFFFF0, s22;
	s20 =	spop (v2sf);
	(v2sf) =	vpush v0, $0xC  }
0x33: {  	s9 =	sadd.s32 s3, s9;
	s20 =	sand.u32 $0x1FFFFFF0, s20;
	s22 =	spop (v2sf)  }
0x34: {  	[tilespmem:s8], [sflag:$0x1] =	stream.linear.gather [hbm4b:s9+s2], $0x80, $0x38;
	(v2sf) =	vpush v0, $0xD;
	[tilespmem:$0x18400] =	vst v63  }
0x35: {  	s8 =	sadd.s32 s3, s20;
	s9 =	sand.u32 $0x1FFFFFF0, s22;
	s20 =	spop (v2sf)  }
0x36: {  	[tilespmem:s10], [sflag:$0x1] =	stream.linear.gather [hbm4b:s8+s2], $0x80, $0x38;
	(v2sf) =	vpush v0, $0xE;
	[tilespmem:$0x18400] =	vst v63  }
0x37: {  	s8 =	sadd.s32 s3, s11;
	s10 =	sand.u32 $0x1FFFFFF0, s20;
	s11 =	spop (v2sf)  }
0x38: {  	[tilespmem:s6], [sflag:$0x1] =	stream.linear.gather [hbm4b:s8+s2], $0x80, $0x38;
	(v2sf) =	vpush v0, $0xF;
	[tilespmem:$0x18400] =	vst v63  }
0x39: {  	s6 =	sadd.s32 s3, s9;
	s8 =	sand.u32 $0x1FFFFFF0, s11;
	s9 =	spop (v2sf)  }
0x3a: {  	[tilespmem:s5], [sflag:$0x1] =	stream.linear.gather [hbm4b:s6+s2], $0x80, $0x38;
	[tilespmem:$0x18400] =	vst v63  }
0x3b: {  	s5 =	sadd.s32 s3, s10;
	s6 =	sand.u32 $0x1FFFFFF0, s9;
	s9 =	spop (v2sf)  }
0x3c: {  	[tilespmem:s7], [sflag:$0x1] =	stream.linear.gather [hbm4b:s5+s2], $0x80, $0x38;
	[tilespmem:$0x18400] =	vst v63  }
0x3d: {  	s5 =	sadd.s32 s3, s8;
	s7 =	sand.u32 $0x1FFFFFF0, s9;
	s8 =	spop (v2sf)  }
0x3e: {  	[tilespmem:s15], [sflag:$0x1] =	stream.linear.gather [hbm4b:s5+s2], $0x80, $0x38;
	[tilespmem:$0x18400] =	vst v63  }
0x3f: {  	s5 =	sadd.s32 s3, s6;
	s6 =	sand.u32 $0x1FFFFFF0, s8;
	s8 =	spop (v2sf)  }
0x40: {  	[tilespmem:s14], [sflag:$0x1] =	stream.linear.gather [hbm4b:s5+s2], $0x80, $0x38;
	[tilespmem:$0x18400] =	vst v63  }
0x41: {  	s5 =	sadd.s32 s3, s7;
	s7 =	sand.u32 $0x1FFFFFF0, s8;
	s8 =	spop (v2sf)  }
0x42: {  	[tilespmem:s4], [sflag:$0x1] =	stream.linear.gather [hbm4b:s5+s2], $0x80, $0x38;
	[tilespmem:$0x18400] =	vst v63  }
0x43: {  	s4 =	sadd.s32 s3, s6;
	s5 =	sand.u32 $0x1FFFFFF0, s8;
	s6 =	spop (v2sf)  }
0x44: {  	[tilespmem:s1], [sflag:$0x1] =	stream.linear.gather [hbm4b:s4+s2], $0x80, $0x38;
	[tilespmem:$0x18400] =	vst v63  }
0x45: {  	s1 =	sadd.s32 s3, s7;
	s4 =	sand.u32 $0x1FFFFFF0, s6;
	s6 =	spop (v2sf)  }
0x46: {  	[tilespmem:s0], [sflag:$0x1] =	stream.linear.gather [hbm4b:s1+s2], $0x80, $0x38;
	[tilespmem:$0x18400] =	vst v63  }
0x47: {  	s0 =	sadd.s32 s3, s5;
	s1 =	sand.u32 $0x1FFFFFF0, s6;
	s5 =	spop (v2sf)  }
0x48: {  	[tilespmem:s30], [sflag:$0x1] =	stream.linear.gather [hbm4b:s0+s2], $0x80, $0x38;
	[tilespmem:$0x18400] =	vst v63  }
0x49: {  	s0 =	sadd.s32 s3, s4;
	s4 =	sand.u32 $0x1FFFFFF0, s5  }
0x4a: {  	[tilespmem:s31], [sflag:$0x1] =	stream.linear.gather [hbm4b:s0+s2], $0x80, $0x38;
	[tilespmem:$0x18400] =	vst v63  }
0x4b: {  	s1 =	sadd.s32 s3, s1;
	s0 =	sadd.s32 $0xB00, s25  }
0x4c: {  	[tilespmem:s0], [sflag:$0x1] =	stream.linear.gather [hbm4b:s1+s2], $0x80, $0x38;
	[tilespmem:$0x18400] =	vst v63  }
0x4d: {  	s0 =	sadd.s32 $0xB80, s25;
	s1 =	sadd.s32 s3, s4  }
0x4e: {  	[tilespmem:s0], [sflag:$0x1] =	stream.linear.gather [hbm4b:s1+s2], $0x80, $0x38;
	[tilespmem:$0x18400] =	vst v63  }
0x4f: {  	v0 =	vld [tilespmem:s28+$0x0];
	_ =	sdelay $0x4  }
0x50: {  	v0 =	vshll.u32 v0, $0x4  }
0x51: {  	(v2sf) =	vpush v0, $0x0  }
0x52: {  	(v2sf) =	vpush v0, $0x1  }
0x53: {  	(v2sf) =	vpush v0, $0x2;
	_ =	sdelay $0x1  }
0x54: {  	(v2sf) =	vpush v0, $0x4  }
.Ltmp0:
0x55: {  	(pc) =	sbr.rel @p0 .LBB2_2-.Ltmp0, $3  }
0x56: {  	(v2sf) =	vpush v0, $0x3  }
0x57: {  	(v2sf) =	vpush v0, $0x5;
	_ =	sdelay $0x1  }
0x58: {  	s25 =	sshra.s32 s29, $0x2;
	(v2sf) =	vpush v0, $0x6  }
0x59: {  	_ =	sdelay $0x1  }
0x5a: {  	s4 =	sadd.s32 $0x480, s25;
	s14 =	sadd.s32 $0x980, s25  }
0x5b: {  	s5 =	sadd.s32 $0x780, s25;
	s0 =	sadd.s32 $0xA00, s25;
	(v2sf) =	vpush v0, $0x7;
	s6 =	sadd.s32 $0x680, s25  }
0x5c: {  	s7 =	sadd.s32 $0x800, s25;
	s1 =	sadd.s32 $0xA80, s25;
	s8 =	sadd.s32 $0x400, s25  }
0x5d: {  	s9 =	sadd.s32 $0x600, s25;
	s10 =	sadd.s32 $0x700, s25;
	(v2sf) =	vpush v0, $0x8;
	s11 =	spop (v2sf)  }
0x5e: {  	s15 =	sadd.s32 $0x500, s25;
	s11 =	sand.u32 $0x1FFFFFF0, s11;
	s20 =	spop (v2sf)  }
0x5f: {  	(v2sf) =	vpush v0, $0x9;
	s11 =	sadd.s32 s3, s11;
	s20 =	sand.u32 $0x1FFFFFF0, s20;
	s22 =	spop (v2sf)  }
0x60: {  	[tilespmem:s8], [sflag:$0x1] =	stream.linear.gather [hbm4b:s11+s2], $0x80, $0x38;
	[tilespmem:$0x18400] =	vst v63  }
0x61: {  	s26 =	sadd.s32 $0x580, s25;
	(v2sf) =	vpush v0, $0xA;
	s30 =	sadd.s32 s3, s20;
	s31 =	spop (v2sf)  }
0x62: {  	[tilespmem:s4], [sflag:$0x1] =	stream.linear.gather [hbm4b:s30+s2], $0x80, $0x38;
	[tilespmem:$0x18400] =	vst v63  }
0x63: {  	s8 =	sadd.s32 $0x900, s25;
	s22 =	sand.u32 $0x1FFFFFF0, s22;
	(v2sf) =	vpush v0, $0xB;
	s29 =	spop (v2sf)  }
0x64: {  	s11 =	sadd.s32 s3, s22;
	s4 =	sadd.s32 $0x880, s25;
	s22 =	sand.u32 $0x1FFFFFF0, s29  }
0x65: {  	(v2sf) =	vpush v0, $0xC;
	[tilespmem:s15], [sflag:$0x1] =	stream.linear.gather [hbm4b:s11+s2], $0x80, $0x38;
	[tilespmem:$0x18400] =	vst v63  }
0x66: {  	s30 =	sand.u32 $0x1FFFFFF0, s31;
	s31 =	spop (v2sf);
	s22 =	sadd.s32 s3, s22  }
0x67: {  	(v2sf) =	vpush v0, $0xD;
	[tilespmem:s26], [sflag:$0x1] =	stream.linear.gather [hbm4b:s22+s2], $0x80, $0x38;
	[tilespmem:$0x18400] =	vst v63  }
0x68: {  	s11 =	sadd.s32 s3, s30;
	s15 =	sand.u32 $0x1FFFFFF0, s31;
	s29 =	spop (v2sf)  }
0x69: {  	(v2sf) =	vpush v0, $0xE;
	[tilespmem:s9], [sflag:$0x1] =	stream.linear.gather [hbm4b:s11+s2], $0x80, $0x38;
	[tilespmem:$0x18400] =	vst v63  }
0x6a: {  	s15 =	sadd.s32 s3, s15;
	s30 =	sand.u32 $0x1FFFFFF0, s29;
	s31 =	spop (v2sf)  }
0x6b: {  	(v2sf) =	vpush v0, $0xF;
	[tilespmem:s6], [sflag:$0x1] =	stream.linear.gather [hbm4b:s15+s2], $0x80, $0x38;
	[tilespmem:$0x18400] =	vst v63  }
0x6c: {  	s20 =	spop (v2sf);
	s9 =	sadd.s32 s3, s30;
	s15 =	sand.u32 $0x1FFFFFF0, s31  }
0x6d: {  	[tilespmem:s10], [sflag:$0x1] =	stream.linear.gather [hbm4b:s9+s2], $0x80, $0x38;
	[tilespmem:$0x18400] =	vst v63  }
0x6e: {  	s22 =	sand.u32 $0x1FFFFFF0, s20;
	s6 =	sadd.s32 s3, s15;
	s26 =	spop (v2sf)  }
0x6f: {  	[tilespmem:s5], [sflag:$0x1] =	stream.linear.gather [hbm4b:s6+s2], $0x80, $0x38;
	[tilespmem:$0x18400] =	vst v63  }
0x70: {  	s9 =	sadd.s32 s3, s22;
	s29 =	sand.u32 $0x1FFFFFF0, s26;
	s30 =	spop (v2sf)  }
0x71: {  	[tilespmem:s7], [sflag:$0x1] =	stream.linear.gather [hbm4b:s9+s2], $0x80, $0x38;
	[tilespmem:$0x18400] =	vst v63  }
0x72: {  	s6 =	sand.u32 $0x1FFFFFF0, s30;
	s5 =	sadd.s32 s3, s29;
	s31 =	spop (v2sf)  }
0x73: {  	[tilespmem:s4], [sflag:$0x1] =	stream.linear.gather [hbm4b:s5+s2], $0x80, $0x38;
	[tilespmem:$0x18400] =	vst v63  }
0x74: {  	s6 =	sadd.s32 s3, s6;
	s7 =	sand.u32 $0x1FFFFFF0, s31;
	s9 =	spop (v2sf)  }
0x75: {  	[tilespmem:s8], [sflag:$0x1] =	stream.linear.gather [hbm4b:s6+s2], $0x80, $0x38;
	[tilespmem:$0x18400] =	vst v63  }
0x76: {  	s4 =	sadd.s32 s3, s7;
	s5 =	sand.u32 $0x1FFFFFF0, s9;
	s10 =	spop (v2sf)  }
0x77: {  	[tilespmem:s14], [sflag:$0x1] =	stream.linear.gather [hbm4b:s4+s2], $0x80, $0x38;
	[tilespmem:$0x18400] =	vst v63  }
0x78: {  	s11 =	sand.u32 $0x1FFFFFF0, s10;
	s5 =	sadd.s32 s3, s5;
	s14 =	spop (v2sf)  }
0x79: {  	[tilespmem:s0], [sflag:$0x1] =	stream.linear.gather [hbm4b:s5+s2], $0x80, $0x38;
	[tilespmem:$0x18400] =	vst v63  }
0x7a: {  	s4 =	sadd.s32 s3, s11;
	s15 =	sand.u32 $0x1FFFFFF0, s14;
	s20 =	spop (v2sf)  }
0x7b: {  	[tilespmem:s1], [sflag:$0x1] =	stream.linear.gather [hbm4b:s4+s2], $0x80, $0x38;
	[tilespmem:$0x18400] =	vst v63  }
0x7c: {  	s26 =	sadd.s32 $0xB00, s25;
	s22 =	sand.u32 $0x1FFFFFF0, s20;
	s0 =	sadd.s32 s3, s15  }
0x7d: {  	[tilespmem:s26], [sflag:$0x1] =	stream.linear.gather [hbm4b:s0+s2], $0x80, $0x38;
	[tilespmem:$0x18400] =	vst v63  }
0x7e: {  	s29 =	sadd.s32 $0xB80, s25;
	s25 =	simm.s32 $0x0;
	s1 =	sadd.s32 s3, s22  }
0x7f: {  	[tilespmem:s29], [sflag:$0x1] =	stream.linear.gather [hbm4b:s1+s2], $0x80, $0x38;
	[tilespmem:$0x18400] =	vst v63  }
0x80: {  	s30 =	rddreg [dreg:$0x5];
	s31 =	sand.u32 $0xF0, s25  }
0x81: {  	[tilespmem:s17], [sflag:$0x3] =	stream.linear.gather [hbm4b:s30+s25], $0x8000, $0x38;
	[tilespmem:$0x18400] =	vst v63  }
0x82: {  	v0 =	vld [tilespmem:s31+$0x100];
	_ =	sdelay $0x4  }
0x83: {  	v0 =	vshll.u32 v0, $0x4  }
0x84: {  	(v2sf) =	vpush v0, $0x0  }
0x85: {  	(v2sf) =	vpush v0, $0x2  }
0x86: {  	(v2sf) =	vpush v0, $0x1;
	_ =	sdelay $0x1  }
0x87: {  	(v2sf) =	vpush v0, $0x3  }
0x88: {  	(v2sf) =	vpush v0, $0x4;
	_ =	sdelay $0x2  }
0x89: {  	s28 =	simm.s32 $0x10;
	s26 =	simm.s32 $0x2000  }
.LBB2_4:
0x8a: {  	p0 =	sne.s32 s26, $0x1E000;
	(v2sf) =	vpush v0, $0x5;
	s0 =	smov.u32 s26;
	s26 =	sadd.s32 $0x2000, s26  }
0x8b: {  	s29 =	sshra.s32 s25, $0x2;
	s25 =	smov.u32 s0  }
0x8c: {  	s5 =	sadd.s32 $0x8480, s29;
	(v2sf) =	vpush v0, $0x6  }
0x8d: {  	s6 =	sadd.s32 $0x8400, s29  }
0x8e: {  	s31 =	sadd.s32 $0x8980, s29;
	s0 =	sadd.s32 $0x8A00, s29;
	s30 =	sadd.s32 $0x8A80, s29;
	(v2sf) =	vpush v0, $0x7  }
0x8f: {  	s15 =	sadd.s32 $0x8800, s29;
	s14 =	sadd.s32 $0x8880, s29;
	s1 =	sadd.s32 $0x8900, s29  }
0x90: {  	s7 =	sadd.s32 $0x8700, s29;
	s4 =	sadd.s32 $0x8780, s29;
	s8 =	spop (v2sf);
	(v2sf) =	vpush v0, $0x8  }
0x91: {  	s9 =	sadd.s32 $0x8500, s29;
	s8 =	sand.u32 $0x1FFFFFF0, s8;
	s10 =	spop (v2sf)  }
0x92: {  	s11 =	sadd.s32 $0x8680, s29;
	s8 =	sadd.s32 s3, s8;
	s20 =	spop (v2sf);
	(v2sf) =	vpush v0, $0x9  }
0x93: {  	[tilespmem:s6], [sflag:$0x2] =	stream.linear.gather [hbm4b:s8+s2], $0x80, $0x38;
	[tilespmem:$0x18400] =	vst v63  }
0x94: {  	s6 =	sand.u32 $0x1FFFFFF0, s20;
	s8 =	sand.u32 $0x1FFFFFF0, s10;
	s10 =	spop (v2sf);
	(v2sf) =	vpush v0, $0xA  }
0x95: {  	s20 =	sadd.s32 $0x8600, s29;
	s6 =	sadd.s32 s3, s6;
	s22 =	spop (v2sf)  }
0x96: {  	[tilespmem:s5], [sflag:$0x2] =	stream.linear.gather [hbm4b:s6+s2], $0x80, $0x38;
	(v2sf) =	vpush v0, $0xB;
	[tilespmem:$0x18400] =	vst v63  }
0x97: {  	s5 =	sadd.s32 s3, s8;
	s6 =	sand.u32 $0x1FFFFFF0, s10;
	s8 =	sand.u32 $0x1FFFFFF0, s22  }
0x98: {  	[tilespmem:s9], [sflag:$0x2] =	stream.linear.gather [hbm4b:s5+s2], $0x80, $0x38;
	(v2sf) =	vpush v0, $0xC;
	[tilespmem:$0x18400] =	vst v63  }
0x99: {  	s6 =	sadd.s32 s3, s6;
	s5 =	sadd.s32 $0x8580, s29;
	s9 =	spop (v2sf)  }
0x9a: {  	[tilespmem:s5], [sflag:$0x2] =	stream.linear.gather [hbm4b:s6+s2], $0x80, $0x38;
	(v2sf) =	vpush v0, $0xD;
	[tilespmem:$0x18400] =	vst v63  }
0x9b: {  	s5 =	sadd.s32 s3, s8;
	s6 =	sand.u32 $0x1FFFFFF0, s9;
	s8 =	spop (v2sf)  }
0x9c: {  	[tilespmem:s20], [sflag:$0x2] =	stream.linear.gather [hbm4b:s5+s2], $0x80, $0x38;
	(v2sf) =	vpush v0, $0xE;
	[tilespmem:$0x18400] =	vst v63  }
0x9d: {  	s5 =	sadd.s32 s3, s6;
	s6 =	sand.u32 $0x1FFFFFF0, s8;
	s8 =	spop (v2sf)  }
0x9e: {  	[tilespmem:s11], [sflag:$0x2] =	stream.linear.gather [hbm4b:s5+s2], $0x80, $0x38;
	(v2sf) =	vpush v0, $0xF;
	[tilespmem:$0x18400] =	vst v63  }
0x9f: {  	s5 =	sadd.s32 s3, s6;
	s6 =	sand.u32 $0x1FFFFFF0, s8;
	s8 =	spop (v2sf)  }
0xa0: {  	[tilespmem:s7], [sflag:$0x2] =	stream.linear.gather [hbm4b:s5+s2], $0x80, $0x38;
	[tilespmem:$0x18400] =	vst v63  }
0xa1: {  	s5 =	sadd.s32 s3, s6;
	s6 =	sand.u32 $0x1FFFFFF0, s8;
	s7 =	spop (v2sf)  }
0xa2: {  	[tilespmem:s4], [sflag:$0x2] =	stream.linear.gather [hbm4b:s5+s2], $0x80, $0x38;
	[tilespmem:$0x18400] =	vst v63  }
0xa3: {  	s4 =	sadd.s32 s3, s6;
	s5 =	sand.u32 $0x1FFFFFF0, s7;
	s6 =	spop (v2sf)  }
0xa4: {  	[tilespmem:s15], [sflag:$0x2] =	stream.linear.gather [hbm4b:s4+s2], $0x80, $0x38;
	[tilespmem:$0x18400] =	vst v63  }
0xa5: {  	s4 =	sadd.s32 s3, s5;
	s5 =	sand.u32 $0x1FFFFFF0, s6;
	s6 =	spop (v2sf)  }
0xa6: {  	[tilespmem:s14], [sflag:$0x2] =	stream.linear.gather [hbm4b:s4+s2], $0x80, $0x38;
	[tilespmem:$0x18400] =	vst v63  }
0xa7: {  	s4 =	sadd.s32 s3, s5;
	s5 =	sand.u32 $0x1FFFFFF0, s6;
	s6 =	spop (v2sf)  }
0xa8: {  	[tilespmem:s1], [sflag:$0x2] =	stream.linear.gather [hbm4b:s4+s2], $0x80, $0x38;
	[tilespmem:$0x18400] =	vst v63  }
0xa9: {  	s1 =	sadd.s32 s3, s5;
	s4 =	sand.u32 $0x1FFFFFF0, s6;
	s5 =	spop (v2sf)  }
0xaa: {  	[tilespmem:s31], [sflag:$0x2] =	stream.linear.gather [hbm4b:s1+s2], $0x80, $0x38;
	[tilespmem:$0x18400] =	vst v63  }
0xab: {  	s1 =	sadd.s32 s3, s4;
	s4 =	sand.u32 $0x1FFFFFF0, s5;
	s5 =	spop (v2sf)  }
0xac: {  	[tilespmem:s0], [sflag:$0x2] =	stream.linear.gather [hbm4b:s1+s2], $0x80, $0x38;
	[tilespmem:$0x18400] =	vst v63  }
0xad: {  	s0 =	sadd.s32 s3, s4;
	s1 =	sand.u32 $0x1FFFFFF0, s5;
	s4 =	spop (v2sf)  }
0xae: {  	[tilespmem:s30], [sflag:$0x2] =	stream.linear.gather [hbm4b:s0+s2], $0x80, $0x38;
	[tilespmem:$0x18400] =	vst v63  }
0xaf: {  	s1 =	sadd.s32 s3, s1;
	s0 =	sadd.s32 $0x8B00, s29;
	s4 =	sand.u32 $0x1FFFFFF0, s4  }
0xb0: {  	[tilespmem:s0], [sflag:$0x2] =	stream.linear.gather [hbm4b:s1+s2], $0x80, $0x38;
	[tilespmem:$0x18400] =	vst v63  }
0xb1: {  	s4 =	sadd.s32 s3, s4;
	s0 =	sand.u32 $0xF0, s28;
	s1 =	sadd.s32 $0x8B80, s29  }
0xb2: {  	[tilespmem:s1], [sflag:$0x2] =	stream.linear.gather [hbm4b:s4+s2], $0x80, $0x38;
	[tilespmem:$0x18400] =	vst v63  }
0xb3: {  	v0 =	vld [tilespmem:s0+$0x100];
	_ =	sdelay $0x4  }
0xb4: {  	v0 =	vshll.u32 v0, $0x4  }
0xb5: {  	(v2sf) =	vpush v0, $0x0  }
0xb6: {  	(v2sf) =	vpush v0, $0x2  }
0xb7: {  	(v2sf) =	vpush v0, $0x1;
	_ =	sdelay $0x1  }
.Ltmp1:
0xb8: {  	(v2sf) =	vpush v0, $0x3;
	(pc) =	sbr.rel @p0 .LBB2_4-.Ltmp1, $2  }
0xb9: {  	(v2sf) =	vpush v0, $0x4;
	_ =	sdelay $0x2  }
0xba: {  	s28 =	sadd.s32 $0x10, s28  }
0xbb: {  	(v2sf) =	vpush v0, $0x5;
	_ =	sdelay $0x1  }
0xbc: {  	s0 =	sshra.s32 s25, $0x2;
	(v2sf) =	vpush v0, $0x6  }
0xbd: {  	s5 =	sadd.s32 $0x8480, s0;
	s6 =	sadd.s32 $0x8400, s0  }
0xbe: {  	s4 =	sadd.s32 $0x8980, s0;
	s14 =	sadd.s32 $0x8A00, s0;
	s1 =	sadd.s32 $0x8A80, s0;
	(v2sf) =	vpush v0, $0x7  }
0xbf: {  	s7 =	sadd.s32 $0x8800, s0;
	s8 =	sadd.s32 $0x8880, s0;
	s9 =	sadd.s32 $0x8900, s0  }
0xc0: {  	s10 =	sadd.s32 $0x8700, s0;
	s11 =	sadd.s32 $0x8780, s0;
	s15 =	spop (v2sf);
	(v2sf) =	vpush v0, $0x8  }
0xc1: {  	s20 =	sadd.s32 $0x8500, s0;
	s15 =	sand.u32 $0x1FFFFFF0, s15;
	s22 =	spop (v2sf)  }
0xc2: {  	s25 =	sadd.s32 $0x8680, s0;
	s15 =	sadd.s32 s3, s15;
	s26 =	spop (v2sf);
	(v2sf) =	vpush v0, $0x9  }
0xc3: {  	[tilespmem:s6], [sflag:$0x2] =	stream.linear.gather [hbm4b:s15+s2], $0x80, $0x38;
	[tilespmem:$0x18400] =	vst v63  }
0xc4: {  	s30 =	sand.u32 $0x1FFFFFF0, s22;
	s29 =	sand.u32 $0x1FFFFFF0, s26;
	s31 =	spop (v2sf);
	(v2sf) =	vpush v0, $0xA  }
0xc5: {  	s22 =	sadd.s32 $0x8580, s0;
	s6 =	sadd.s32 s3, s29;
	s28 =	spop (v2sf)  }
0xc6: {  	[tilespmem:s5], [sflag:$0x2] =	stream.linear.gather [hbm4b:s6+s2], $0x80, $0x38;
	(v2sf) =	vpush v0, $0xB;
	[tilespmem:$0x18400] =	vst v63  }
0xc7: {  	s26 =	sadd.s32 $0x8600, s0;
	s29 =	sadd.s32 s3, s30;
	s30 =	sand.u32 $0x1FFFFFF0, s31  }
0xc8: {  	(v2sf) =	vpush v0, $0xC;
	[tilespmem:s20], [sflag:$0x2] =	stream.linear.gather [hbm4b:s29+s2], $0x80, $0x38;
	[tilespmem:$0x18400] =	vst v63  }
0xc9: {  	s31 =	sand.u32 $0x1FFFFFF0, s28;
	s6 =	sadd.s32 s3, s30;
	s28 =	spop (v2sf)  }
0xca: {  	[tilespmem:s22], [sflag:$0x2] =	stream.linear.gather [hbm4b:s6+s2], $0x80, $0x38;
	(v2sf) =	vpush v0, $0xD;
	[tilespmem:$0x18400] =	vst v63  }
0xcb: {  	s29 =	sadd.s32 s3, s31;
	s30 =	sand.u32 $0x1FFFFFF0, s28;
	s31 =	spop (v2sf)  }
0xcc: {  	(v2sf) =	vpush v0, $0xE;
	[tilespmem:s26], [sflag:$0x2] =	stream.linear.gather [hbm4b:s29+s2], $0x80, $0x38;
	[tilespmem:$0x18400] =	vst v63  }
0xcd: {  	s6 =	sadd.s32 s3, s30;
	s20 =	sand.u32 $0x1FFFFFF0, s31;
	s22 =	spop (v2sf)  }
0xce: {  	(v2sf) =	vpush v0, $0xF;
	[tilespmem:s25], [sflag:$0x2] =	stream.linear.gather [hbm4b:s6+s2], $0x80, $0x38;
	[tilespmem:$0x18400] =	vst v63  }
0xcf: {  	s26 =	sand.u32 $0x1FFFFFF0, s22;
	s25 =	sadd.s32 s3, s20;
	s28 =	spop (v2sf)  }
0xd0: {  	[tilespmem:s10], [sflag:$0x2] =	stream.linear.gather [hbm4b:s25+s2], $0x80, $0x38;
	[tilespmem:$0x18400] =	vst v63  }
0xd1: {  	s29 =	sadd.s32 s3, s26;
	s30 =	sand.u32 $0x1FFFFFF0, s28;
	s31 =	spop (v2sf)  }
0xd2: {  	[tilespmem:s11], [sflag:$0x2] =	stream.linear.gather [hbm4b:s29+s2], $0x80, $0x38;
	[tilespmem:$0x18400] =	vst v63  }
0xd3: {  	s15 =	sadd.s32 s3, s30;
	s20 =	sand.u32 $0x1FFFFFF0, s31;
	s22 =	spop (v2sf)  }
0xd4: {  	[tilespmem:s7], [sflag:$0x2] =	stream.linear.gather [hbm4b:s15+s2], $0x80, $0x38;
	[tilespmem:$0x18400] =	vst v63  }
0xd5: {  	s25 =	sadd.s32 s3, s20;
	s26 =	sand.u32 $0x1FFFFFF0, s22;
	s28 =	spop (v2sf)  }
0xd6: {  	[tilespmem:s8], [sflag:$0x2] =	stream.linear.gather [hbm4b:s25+s2], $0x80, $0x38;
	[tilespmem:$0x18400] =	vst v63  }
0xd7: {  	s29 =	sadd.s32 s3, s26;
	s30 =	sand.u32 $0x1FFFFFF0, s28;
	s31 =	spop (v2sf)  }
0xd8: {  	[tilespmem:s9], [sflag:$0x2] =	stream.linear.gather [hbm4b:s29+s2], $0x80, $0x38;
	[tilespmem:$0x18400] =	vst v63  }
0xd9: {  	s8 =	sadd.s32 s3, s30;
	s9 =	sand.u32 $0x1FFFFFF0, s31;
	s10 =	spop (v2sf)  }
0xda: {  	[tilespmem:s4], [sflag:$0x2] =	stream.linear.gather [hbm4b:s8+s2], $0x80, $0x38;
	[tilespmem:$0x18400] =	vst v63  }
0xdb: {  	s11 =	sadd.s32 s3, s9;
	s15 =	sand.u32 $0x1FFFFFF0, s10;
	s20 =	spop (v2sf)  }
0xdc: {  	[tilespmem:s14], [sflag:$0x2] =	stream.linear.gather [hbm4b:s11+s2], $0x80, $0x38;
	[tilespmem:$0x18400] =	vst v63  }
0xdd: {  	s22 =	sadd.s32 s3, s15;
	s25 =	sand.u32 $0x1FFFFFF0, s20;
	s26 =	spop (v2sf)  }
0xde: {  	[tilespmem:s1], [sflag:$0x2] =	stream.linear.gather [hbm4b:s22+s2], $0x80, $0x38;
	[tilespmem:$0x18400] =	vst v63  }
0xdf: {  	s28 =	sadd.s32 $0x8B00, s0;
	s29 =	sadd.s32 s3, s25;
	s30 =	sand.u32 $0x1FFFFFF0, s26  }
0xe0: {  	[tilespmem:s28], [sflag:$0x2] =	stream.linear.gather [hbm4b:s29+s2], $0x80, $0x38;
	[tilespmem:$0x18400] =	vst v63  }
0xe1: {  	s0 =	sadd.s32 $0x8B80, s0;
	s31 =	sadd.s32 s3, s30  }
0xe2: {  	[tilespmem:s0], [sflag:$0x2] =	stream.linear.gather [hbm4b:s31+s2], $0x80, $0x38;
	[tilespmem:$0x18400] =	vst v63  }
0xe3: {  	_ =	swait.ge [sflag:s18], $0x80  }
0xe4: {  	[sflag:s18] =	ssyncset.done $0x0  }
0xe5: {  	[sflag:s18] =	ssyncadd.s32 $0xFFFFFF80  }
0xe6: {  	_ =	swait.ge [sflag:s18], $0x80  }
0xe7: {  	[sflag:s18] =	ssyncset.done $0x0  }
0xe8: {  	[sflag:s18] =	ssyncadd.s32 $0xFFFFFF80  }
0xe9: {  	_ =	swait.ge [sflag:s18], $0x80  }
0xea: {  	[sflag:s18] =	ssyncset.done $0x0  }
0xeb: {  	[sflag:s18] =	ssyncadd.s32 $0xFFFFFF80  }
0xec: {  	_ =	swait.ge [sflag:s18], $0x80  }
0xed: {  	s0 =	simm.s32 $0x0;
	[sflag:s18] =	ssyncset.done $0x0  }
.LBB2_6:
0xee: {  	s0 =	sadd.s32 $0x4, s0;
	[sflag:s18] =	ssyncadd.s32 $0xFFFFFF80  }
0xef: {  	_ =	swait.ge [sflag:s18], $0x80;
	p0 =	slt.u32 s0, $0xFC  }
0xf0: {  	[sflag:s18] =	ssyncset.done $0x0  }
0xf1: {  	[sflag:s18] =	ssyncadd.s32 $0xFFFFFF80  }
0xf2: {  	_ =	swait.ge [sflag:s18], $0x80  }
0xf3: {  	[sflag:s18] =	ssyncset.done $0x0  }
0xf4: {  	[sflag:s18] =	ssyncadd.s32 $0xFFFFFF80  }
.Ltmp2:
0xf5: {  	_ =	swait.ge [sflag:s18], $0x80;
	(pc) =	sbr.rel @p0 .LBB2_6-.Ltmp2, $4  }
0xf6: {  	[sflag:s18] =	ssyncset.done $0x0  }
0xf7: {  	[sflag:s18] =	ssyncadd.s32 $0xFFFFFF80  }
0xf8: {  	_ =	swait.ge [sflag:s18], $0x80  }
0xf9: {  	[sflag:s18] =	ssyncset.done $0x0  }
0xfa: {  	[sflag:s18] =	ssyncadd.s32 $0xFFFFFF80  }
0xfb: {  	_ =	swait.ge [sflag:s19], $0x8000  }
0xfc: {  	[sflag:s19] =	ssyncset.done $0x0  }
0xfd: {  	s25 =	simm.s32 $0x480;
	[sflag:s19] =	ssyncadd.s32 $0xFFFF8000  }
0xfe: {  	s26 =	simm.s32 $0x10480;
	v0 =	vld [tilespmem:s25+$0xFFFFFF80]  }
0xff: {  	v1 =	vld [tilespmem:s26+$0xFFFFFF80];
	_ =	sdelay $0x4  }
0x100: {  	v0 =	vadd.f32 v1, v0;
	_ =	sdelay $0x1  }
0x101: {  	[tilespmem:s25+$0xFFFFFF80] =	vst v0;
	v0 =	vld [tilespmem:s25+$0xFFFFFF90]  }
0x102: {  	v1 =	vld [tilespmem:s26+$0xFFFFFF90];
	_ =	sdelay $0x4  }
0x103: {  	v0 =	vadd.f32 v1, v0;
	_ =	sdelay $0x1  }
0x104: {  	[tilespmem:s25+$0xFFFFFF90] =	vst v0;
	v0 =	vld [tilespmem:s25+$0xFFFFFFA0]  }
0x105: {  	v1 =	vld [tilespmem:s26+$0xFFFFFFA0];
	_ =	sdelay $0x4  }
0x106: {  	v0 =	vadd.f32 v1, v0;
	_ =	sdelay $0x1  }
0x107: {  	[tilespmem:s25+$0xFFFFFFA0] =	vst v0;
	v0 =	vld [tilespmem:s25+$0xFFFFFFB0]  }
0x108: {  	v1 =	vld [tilespmem:s26+$0xFFFFFFB0];
	_ =	sdelay $0x4  }
0x109: {  	v0 =	vadd.f32 v1, v0;
	_ =	sdelay $0x1  }
0x10a: {  	[tilespmem:s25+$0xFFFFFFB0] =	vst v0;
	v0 =	vld [tilespmem:s25+$0x0]  }
0x10b: {  	v1 =	vld [tilespmem:s26+$0x0];
	_ =	sdelay $0x4  }
0x10c: {  	v0 =	vadd.f32 v1, v0;
	_ =	sdelay $0x1  }
0x10d: {  	[tilespmem:s25+$0x0] =	vst v0;
	v0 =	vld [tilespmem:s25+$0x10]  }
0x10e: {  	v1 =	vld [tilespmem:s26+$0x10];
	_ =	sdelay $0x4  }
0x10f: {  	v0 =	vadd.f32 v1, v0;
	_ =	sdelay $0x1  }
0x110: {  	[tilespmem:s25+$0x10] =	vst v0;
	v0 =	vld [tilespmem:s25+$0x20]  }
0x111: {  	v1 =	vld [tilespmem:s26+$0x20];
	_ =	sdelay $0x4  }
0x112: {  	v0 =	vadd.f32 v1, v0;
	_ =	sdelay $0x1  }
0x113: {  	[tilespmem:s25+$0x20] =	vst v0;
	v0 =	vld [tilespmem:s25+$0x30]  }
0x114: {  	v1 =	vld [tilespmem:s26+$0x30];
	_ =	sdelay $0x4  }
0x115: {  	v0 =	vadd.f32 v1, v0  }
0x116: {  	s0 =	simm.s32 $0x0;
	s28 =	simm.s32 $0x580  }
.LBB2_8:
0x117: {  	v1 =	vld [tilespmem:s28+$0xFFFFFF80];
	[tilespmem:s25+$0x30] =	vst v0;
	s26 =	sadd.s32 $0x100, s26;
	s25 =	smov.u32 s28  }
0x118: {  	s0 =	sadd.s32 $0x2, s0;
	v0 =	vld [tilespmem:s26+$0xFFFFFF80]  }
0x119: {  	p0 =	slt.u32 s0, $0xFE;
	_ =	sdelay $0x3  }
0x11a: {  	v0 =	vadd.f32 v0, v1;
	_ =	sdelay $0x1  }
0x11b: {  	[tilespmem:s28+$0xFFFFFF80] =	vst v0;
	v0 =	vld [tilespmem:s28+$0xFFFFFF90]  }
0x11c: {  	v1 =	vld [tilespmem:s26+$0xFFFFFF90];
	_ =	sdelay $0x4  }
0x11d: {  	v0 =	vadd.f32 v1, v0;
	_ =	sdelay $0x1  }
0x11e: {  	[tilespmem:s28+$0xFFFFFF90] =	vst v0;
	v0 =	vld [tilespmem:s28+$0xFFFFFFA0]  }
0x11f: {  	v1 =	vld [tilespmem:s26+$0xFFFFFFA0];
	_ =	sdelay $0x4  }
0x120: {  	v0 =	vadd.f32 v1, v0;
	_ =	sdelay $0x1  }
0x121: {  	[tilespmem:s28+$0xFFFFFFA0] =	vst v0;
	v0 =	vld [tilespmem:s28+$0xFFFFFFB0]  }
0x122: {  	v1 =	vld [tilespmem:s26+$0xFFFFFFB0];
	_ =	sdelay $0x4  }
0x123: {  	v0 =	vadd.f32 v1, v0;
	_ =	sdelay $0x1  }
0x124: {  	[tilespmem:s28+$0xFFFFFFB0] =	vst v0;
	v0 =	vld [tilespmem:s28+$0x0]  }
0x125: {  	v1 =	vld [tilespmem:s26+$0x0];
	_ =	sdelay $0x4  }
0x126: {  	v0 =	vadd.f32 v1, v0;
	_ =	sdelay $0x1  }
0x127: {  	[tilespmem:s28+$0x0] =	vst v0;
	v0 =	vld [tilespmem:s28+$0x10]  }
0x128: {  	v1 =	vld [tilespmem:s26+$0x10];
	_ =	sdelay $0x4  }
0x129: {  	v0 =	vadd.f32 v1, v0;
	_ =	sdelay $0x1  }
0x12a: {  	[tilespmem:s28+$0x10] =	vst v0;
	v0 =	vld [tilespmem:s28+$0x20]  }
0x12b: {  	v1 =	vld [tilespmem:s26+$0x20];
	_ =	sdelay $0x4  }
0x12c: {  	v0 =	vadd.f32 v1, v0;
	_ =	sdelay $0x1  }
0x12d: {  	[tilespmem:s28+$0x20] =	vst v0;
	v0 =	vld [tilespmem:s28+$0x30]  }
0x12e: {  	v1 =	vld [tilespmem:s26+$0x30];
	_ =	sdelay $0x1  }
.Ltmp3:
0x12f: {  	(pc) =	sbr.rel @p0 .LBB2_8-.Ltmp3, $3  }
0x130: {  	_ =	sdelay $0x1  }
0x131: {  	v0 =	vadd.f32 v1, v0  }
0x132: {  	s28 =	sadd.s32 $0x100, s28  }
0x133: {  	[tilespmem:s25+$0x30] =	vst v0;
	s25 =	simm.s32 $0x0;
	s0 =	rddreg [dreg:$0x6]  }
0x134: {  	[tilespmem:s17], [sflag:$0x3] =	stream.linear.gather [hbm4b:s0+s25], $0x8000, $0x38;
	[tilespmem:$0x18400] =	vst v63  }
0x135: {  	s30 =	rddreg [dreg:$0x7];
	s1 =	simm.s32 $0x400;
	s31 =	sand.u32 $0xF0, s25  }
0x136: {  	[hbm4b:s30+s25] =	stream.linear.scatter [tilespmem:s1], [sflag:$0x4], $0x8000, $0x38;
	[tilespmem:$0x18400] =	vst v63  }
0x137: {  	v0 =	vld [tilespmem:s31+$0x200];
	_ =	sdelay $0x4  }
0x138: {  	v0 =	vshll.u32 v0, $0x4  }
0x139: {  	(v2sf) =	vpush v0, $0x0  }
0x13a: {  	(v2sf) =	vpush v0, $0x2  }
0x13b: {  	(v2sf) =	vpush v0, $0x1;
	_ =	sdelay $0x1  }
0x13c: {  	(v2sf) =	vpush v0, $0x3  }
0x13d: {  	(v2sf) =	vpush v0, $0x4;
	_ =	sdelay $0x2  }
0x13e: {  	s26 =	simm.s32 $0x2000;
	s28 =	simm.s32 $0x10  }
.LBB2_10:
0x13f: {  	p0 =	sne.s32 s26, $0x1E000;
	(v2sf) =	vpush v0, $0x5;
	s0 =	smov.u32 s26;
	s26 =	sadd.s32 $0x2000, s26  }
0x140: {  	s29 =	sshra.s32 s25, $0x2;
	s25 =	smov.u32 s0  }
0x141: {  	s5 =	sadd.s32 $0x480, s29;
	(v2sf) =	vpush v0, $0x6  }
0x142: {  	s6 =	sadd.s32 $0x400, s29  }
0x143: {  	s31 =	sadd.s32 $0x980, s29;
	s0 =	sadd.s32 $0xA00, s29;
	s30 =	sadd.s32 $0xA80, s29;
	(v2sf) =	vpush v0, $0x7  }
0x144: {  	s15 =	sadd.s32 $0x800, s29;
	s14 =	sadd.s32 $0x880, s29;
	s1 =	sadd.s32 $0x900, s29  }
0x145: {  	s7 =	sadd.s32 $0x700, s29;
	s4 =	sadd.s32 $0x780, s29;
	s8 =	spop (v2sf);
	(v2sf) =	vpush v0, $0x8  }
0x146: {  	s9 =	sadd.s32 $0x500, s29;
	s8 =	sand.u32 $0x1FFFFFF0, s8;
	s10 =	spop (v2sf)  }
0x147: {  	s11 =	sadd.s32 $0x680, s29;
	s8 =	sadd.s32 s3, s8;
	s20 =	spop (v2sf);
	(v2sf) =	vpush v0, $0x9  }
0x148: {  	[tilespmem:s6], [sflag:$0x1] =	stream.linear.gather [hbm4b:s8+s2], $0x80, $0x38;
	[tilespmem:$0x18400] =	vst v63  }
0x149: {  	s6 =	sand.u32 $0x1FFFFFF0, s20;
	s8 =	sand.u32 $0x1FFFFFF0, s10;
	s10 =	spop (v2sf);
	(v2sf) =	vpush v0, $0xA  }
0x14a: {  	s20 =	sadd.s32 $0x600, s29;
	s6 =	sadd.s32 s3, s6;
	s22 =	spop (v2sf)  }
0x14b: {  	[tilespmem:s5], [sflag:$0x1] =	stream.linear.gather [hbm4b:s6+s2], $0x80, $0x38;
	(v2sf) =	vpush v0, $0xB;
	[tilespmem:$0x18400] =	vst v63  }
0x14c: {  	s5 =	sadd.s32 s3, s8;
	s6 =	sand.u32 $0x1FFFFFF0, s10;
	s8 =	sand.u32 $0x1FFFFFF0, s22  }
0x14d: {  	[tilespmem:s9], [sflag:$0x1] =	stream.linear.gather [hbm4b:s5+s2], $0x80, $0x38;
	(v2sf) =	vpush v0, $0xC;
	[tilespmem:$0x18400] =	vst v63  }
0x14e: {  	s6 =	sadd.s32 s3, s6;
	s5 =	sadd.s32 $0x580, s29;
	s9 =	spop (v2sf)  }
0x14f: {  	[tilespmem:s5], [sflag:$0x1] =	stream.linear.gather [hbm4b:s6+s2], $0x80, $0x38;
	(v2sf) =	vpush v0, $0xD;
	[tilespmem:$0x18400] =	vst v63  }
0x150: {  	s5 =	sadd.s32 s3, s8;
	s6 =	sand.u32 $0x1FFFFFF0, s9;
	s8 =	spop (v2sf)  }
0x151: {  	[tilespmem:s20], [sflag:$0x1] =	stream.linear.gather [hbm4b:s5+s2], $0x80, $0x38;
	(v2sf) =	vpush v0, $0xE;
	[tilespmem:$0x18400] =	vst v63  }
0x152: {  	s5 =	sadd.s32 s3, s6;
	s6 =	sand.u32 $0x1FFFFFF0, s8;
	s8 =	spop (v2sf)  }
0x153: {  	[tilespmem:s11], [sflag:$0x1] =	stream.linear.gather [hbm4b:s5+s2], $0x80, $0x38;
	(v2sf) =	vpush v0, $0xF;
	[tilespmem:$0x18400] =	vst v63  }
0x154: {  	s5 =	sadd.s32 s3, s6;
	s6 =	sand.u32 $0x1FFFFFF0, s8;
	s8 =	spop (v2sf)  }
0x155: {  	[tilespmem:s7], [sflag:$0x1] =	stream.linear.gather [hbm4b:s5+s2], $0x80, $0x38;
	[tilespmem:$0x18400] =	vst v63  }
0x156: {  	s5 =	sadd.s32 s3, s6;
	s6 =	sand.u32 $0x1FFFFFF0, s8;
	s7 =	spop (v2sf)  }
0x157: {  	[tilespmem:s4], [sflag:$0x1] =	stream.linear.gather [hbm4b:s5+s2], $0x80, $0x38;
	[tilespmem:$0x18400] =	vst v63  }
0x158: {  	s4 =	sadd.s32 s3, s6;
	s5 =	sand.u32 $0x1FFFFFF0, s7;
	s6 =	spop (v2sf)  }
0x159: {  	[tilespmem:s15], [sflag:$0x1] =	stream.linear.gather [hbm4b:s4+s2], $0x80, $0x38;
	[tilespmem:$0x18400] =	vst v63  }
0x15a: {  	s4 =	sadd.s32 s3, s5;
	s5 =	sand.u32 $0x1FFFFFF0, s6;
	s6 =	spop (v2sf)  }
0x15b: {  	[tilespmem:s14], [sflag:$0x1] =	stream.linear.gather [hbm4b:s4+s2], $0x80, $0x38;
	[tilespmem:$0x18400] =	vst v63  }
0x15c: {  	s4 =	sadd.s32 s3, s5;
	s5 =	sand.u32 $0x1FFFFFF0, s6;
	s6 =	spop (v2sf)  }
0x15d: {  	[tilespmem:s1], [sflag:$0x1] =	stream.linear.gather [hbm4b:s4+s2], $0x80, $0x38;
	[tilespmem:$0x18400] =	vst v63  }
0x15e: {  	s1 =	sadd.s32 s3, s5;
	s4 =	sand.u32 $0x1FFFFFF0, s6;
	s5 =	spop (v2sf)  }
0x15f: {  	[tilespmem:s31], [sflag:$0x1] =	stream.linear.gather [hbm4b:s1+s2], $0x80, $0x38;
	[tilespmem:$0x18400] =	vst v63  }
0x160: {  	s1 =	sadd.s32 s3, s4;
	s4 =	sand.u32 $0x1FFFFFF0, s5;
	s5 =	spop (v2sf)  }
0x161: {  	[tilespmem:s0], [sflag:$0x1] =	stream.linear.gather [hbm4b:s1+s2], $0x80, $0x38;
	[tilespmem:$0x18400] =	vst v63  }
0x162: {  	s0 =	sadd.s32 s3, s4;
	s1 =	sand.u32 $0x1FFFFFF0, s5;
	s4 =	spop (v2sf)  }
0x163: {  	[tilespmem:s30], [sflag:$0x1] =	stream.linear.gather [hbm4b:s0+s2], $0x80, $0x38;
	[tilespmem:$0x18400] =	vst v63  }
0x164: {  	s1 =	sadd.s32 s3, s1;
	s0 =	sadd.s32 $0xB00, s29;
	s4 =	sand.u32 $0x1FFFFFF0, s4  }
0x165: {  	[tilespmem:s0], [sflag:$0x1] =	stream.linear.gather [hbm4b:s1+s2], $0x80, $0x38;
	[tilespmem:$0x18400] =	vst v63  }
0x166: {  	s4 =	sadd.s32 s3, s4;
	s0 =	sand.u32 $0xF0, s28;
	s1 =	sadd.s32 $0xB80, s29  }
0x167: {  	[tilespmem:s1], [sflag:$0x1] =	stream.linear.gather [hbm4b:s4+s2], $0x80, $0x38;
	[tilespmem:$0x18400] =	vst v63  }
0x168: {  	v0 =	vld [tilespmem:s0+$0x200];
	_ =	sdelay $0x4  }
0x169: {  	v0 =	vshll.u32 v0, $0x4  }
0x16a: {  	(v2sf) =	vpush v0, $0x0  }
0x16b: {  	(v2sf) =	vpush v0, $0x2  }
0x16c: {  	(v2sf) =	vpush v0, $0x1;
	_ =	sdelay $0x1  }
.Ltmp4:
0x16d: {  	(v2sf) =	vpush v0, $0x3;
	(pc) =	sbr.rel @p0 .LBB2_10-.Ltmp4, $2  }
0x16e: {  	(v2sf) =	vpush v0, $0x4;
	_ =	sdelay $0x2  }
0x16f: {  	s28 =	sadd.s32 $0x10, s28  }
0x170: {  	(v2sf) =	vpush v0, $0x5;
	_ =	sdelay $0x1  }
0x171: {  	s0 =	sshra.s32 s25, $0x2;
	(v2sf) =	vpush v0, $0x6  }
0x172: {  	s5 =	sadd.s32 $0x480, s0;
	s6 =	sadd.s32 $0x400, s0  }
0x173: {  	s4 =	sadd.s32 $0x980, s0;
	s14 =	sadd.s32 $0xA00, s0;
	s1 =	sadd.s32 $0xA80, s0;
	(v2sf) =	vpush v0, $0x7  }
0x174: {  	s7 =	sadd.s32 $0x800, s0;
	s8 =	sadd.s32 $0x880, s0;
	s9 =	sadd.s32 $0x900, s0  }
0x175: {  	s10 =	sadd.s32 $0x700, s0;
	s11 =	sadd.s32 $0x780, s0;
	s15 =	spop (v2sf);
	(v2sf) =	vpush v0, $0x8  }
0x176: {  	s20 =	sadd.s32 $0x500, s0;
	s15 =	sand.u32 $0x1FFFFFF0, s15;
	s22 =	spop (v2sf)  }
0x177: {  	s25 =	sadd.s32 $0x680, s0;
	s15 =	sadd.s32 s3, s15;
	s26 =	spop (v2sf);
	(v2sf) =	vpush v0, $0x9  }
0x178: {  	[tilespmem:s6], [sflag:$0x1] =	stream.linear.gather [hbm4b:s15+s2], $0x80, $0x38;
	[tilespmem:$0x18400] =	vst v63  }
0x179: {  	s30 =	sand.u32 $0x1FFFFFF0, s22;
	s29 =	sand.u32 $0x1FFFFFF0, s26;
	s31 =	spop (v2sf);
	(v2sf) =	vpush v0, $0xA  }
0x17a: {  	s22 =	sadd.s32 $0x580, s0;
	s6 =	sadd.s32 s3, s29;
	s28 =	spop (v2sf)  }
0x17b: {  	[tilespmem:s5], [sflag:$0x1] =	stream.linear.gather [hbm4b:s6+s2], $0x80, $0x38;
	(v2sf) =	vpush v0, $0xB;
	[tilespmem:$0x18400] =	vst v63  }
0x17c: {  	s26 =	sadd.s32 $0x600, s0;
	s29 =	sadd.s32 s3, s30;
	s30 =	sand.u32 $0x1FFFFFF0, s31  }
0x17d: {  	(v2sf) =	vpush v0, $0xC;
	[tilespmem:s20], [sflag:$0x1] =	stream.linear.gather [hbm4b:s29+s2], $0x80, $0x38;
	[tilespmem:$0x18400] =	vst v63  }
0x17e: {  	s31 =	sand.u32 $0x1FFFFFF0, s28;
	s6 =	sadd.s32 s3, s30;
	s28 =	spop (v2sf)  }
0x17f: {  	[tilespmem:s22], [sflag:$0x1] =	stream.linear.gather [hbm4b:s6+s2], $0x80, $0x38;
	(v2sf) =	vpush v0, $0xD;
	[tilespmem:$0x18400] =	vst v63  }
0x180: {  	s29 =	sadd.s32 s3, s31;
	s30 =	sand.u32 $0x1FFFFFF0, s28;
	s31 =	spop (v2sf)  }
0x181: {  	(v2sf) =	vpush v0, $0xE;
	[tilespmem:s26], [sflag:$0x1] =	stream.linear.gather [hbm4b:s29+s2], $0x80, $0x38;
	[tilespmem:$0x18400] =	vst v63  }
0x182: {  	s6 =	sadd.s32 s3, s30;
	s20 =	sand.u32 $0x1FFFFFF0, s31;
	s22 =	spop (v2sf)  }
0x183: {  	(v2sf) =	vpush v0, $0xF;
	[tilespmem:s25], [sflag:$0x1] =	stream.linear.gather [hbm4b:s6+s2], $0x80, $0x38;
	[tilespmem:$0x18400] =	vst v63  }
0x184: {  	s26 =	sand.u32 $0x1FFFFFF0, s22;
	s25 =	sadd.s32 s3, s20;
	s28 =	spop (v2sf)  }
0x185: {  	[tilespmem:s10], [sflag:$0x1] =	stream.linear.gather [hbm4b:s25+s2], $0x80, $0x38;
	[tilespmem:$0x18400] =	vst v63  }
0x186: {  	s29 =	sadd.s32 s3, s26;
	s30 =	sand.u32 $0x1FFFFFF0, s28;
	s31 =	spop (v2sf)  }
0x187: {  	[tilespmem:s11], [sflag:$0x1] =	stream.linear.gather [hbm4b:s29+s2], $0x80, $0x38;
	[tilespmem:$0x18400] =	vst v63  }
0x188: {  	s15 =	sadd.s32 s3, s30;
	s20 =	sand.u32 $0x1FFFFFF0, s31;
	s22 =	spop (v2sf)  }
0x189: {  	[tilespmem:s7], [sflag:$0x1] =	stream.linear.gather [hbm4b:s15+s2], $0x80, $0x38;
	[tilespmem:$0x18400] =	vst v63  }
0x18a: {  	s25 =	sadd.s32 s3, s20;
	s26 =	sand.u32 $0x1FFFFFF0, s22;
	s28 =	spop (v2sf)  }
0x18b: {  	[tilespmem:s8], [sflag:$0x1] =	stream.linear.gather [hbm4b:s25+s2], $0x80, $0x38;
	[tilespmem:$0x18400] =	vst v63  }
0x18c: {  	s29 =	sadd.s32 s3, s26;
	s30 =	sand.u32 $0x1FFFFFF0, s28;
	s31 =	spop (v2sf)  }
0x18d: {  	[tilespmem:s9], [sflag:$0x1] =	stream.linear.gather [hbm4b:s29+s2], $0x80, $0x38;
	[tilespmem:$0x18400] =	vst v63  }
0x18e: {  	s8 =	sadd.s32 s3, s30;
	s9 =	sand.u32 $0x1FFFFFF0, s31;
	s10 =	spop (v2sf)  }
0x18f: {  	[tilespmem:s4], [sflag:$0x1] =	stream.linear.gather [hbm4b:s8+s2], $0x80, $0x38;
	[tilespmem:$0x18400] =	vst v63  }
0x190: {  	s11 =	sadd.s32 s3, s9;
	s15 =	sand.u32 $0x1FFFFFF0, s10;
	s20 =	spop (v2sf)  }
0x191: {  	[tilespmem:s14], [sflag:$0x1] =	stream.linear.gather [hbm4b:s11+s2], $0x80, $0x38;
	[tilespmem:$0x18400] =	vst v63  }
0x192: {  	s22 =	sadd.s32 s3, s15;
	s25 =	sand.u32 $0x1FFFFFF0, s20;
	s26 =	spop (v2sf)  }
0x193: {  	[tilespmem:s1], [sflag:$0x1] =	stream.linear.gather [hbm4b:s22+s2], $0x80, $0x38;
	[tilespmem:$0x18400] =	vst v63  }
0x194: {  	s28 =	sadd.s32 $0xB00, s0;
	s29 =	sadd.s32 s3, s25;
	s30 =	sand.u32 $0x1FFFFFF0, s26  }
0x195: {  	[tilespmem:s28], [sflag:$0x1] =	stream.linear.gather [hbm4b:s29+s2], $0x80, $0x38;
	[tilespmem:$0x18400] =	vst v63  }
0x196: {  	s0 =	sadd.s32 $0xB80, s0;
	s31 =	sadd.s32 s3, s30  }
0x197: {  	[tilespmem:s0], [sflag:$0x1] =	stream.linear.gather [hbm4b:s31+s2], $0x80, $0x38;
	[tilespmem:$0x18400] =	vst v63  }
0x198: {  	_ =	swait.ge [sflag:s21], $0x80  }
0x199: {  	[sflag:s21] =	ssyncset.done $0x0  }
0x19a: {  	[sflag:s21] =	ssyncadd.s32 $0xFFFFFF80  }
0x19b: {  	_ =	swait.ge [sflag:s21], $0x80  }
0x19c: {  	[sflag:s21] =	ssyncset.done $0x0  }
0x19d: {  	[sflag:s21] =	ssyncadd.s32 $0xFFFFFF80  }
0x19e: {  	_ =	swait.ge [sflag:s21], $0x80  }
0x19f: {  	[sflag:s21] =	ssyncset.done $0x0  }
0x1a0: {  	[sflag:s21] =	ssyncadd.s32 $0xFFFFFF80  }
0x1a1: {  	_ =	swait.ge [sflag:s21], $0x80  }
0x1a2: {  	s0 =	simm.s32 $0x0;
	[sflag:s21] =	ssyncset.done $0x0  }
.LBB2_12:
0x1a3: {  	s0 =	sadd.s32 $0x4, s0;
	[sflag:s21] =	ssyncadd.s32 $0xFFFFFF80  }
0x1a4: {  	_ =	swait.ge [sflag:s21], $0x80;
	p0 =	slt.u32 s0, $0xFC  }
0x1a5: {  	[sflag:s21] =	ssyncset.done $0x0  }
0x1a6: {  	[sflag:s21] =	ssyncadd.s32 $0xFFFFFF80  }
0x1a7: {  	_ =	swait.ge [sflag:s21], $0x80  }
0x1a8: {  	[sflag:s21] =	ssyncset.done $0x0  }
0x1a9: {  	[sflag:s21] =	ssyncadd.s32 $0xFFFFFF80  }
.Ltmp5:
0x1aa: {  	_ =	swait.ge [sflag:s21], $0x80;
	(pc) =	sbr.rel @p0 .LBB2_12-.Ltmp5, $4  }
0x1ab: {  	[sflag:s21] =	ssyncset.done $0x0  }
0x1ac: {  	[sflag:s21] =	ssyncadd.s32 $0xFFFFFF80  }
0x1ad: {  	_ =	swait.ge [sflag:s21], $0x80  }
0x1ae: {  	[sflag:s21] =	ssyncset.done $0x0  }
0x1af: {  	[sflag:s21] =	ssyncadd.s32 $0xFFFFFF80  }
0x1b0: {  	_ =	swait.ge [sflag:s19], $0x8000  }
0x1b1: {  	[sflag:s19] =	ssyncset.done $0x0  }
0x1b2: {  	s0 =	simm.s32 $0x0;
	[sflag:s19] =	ssyncadd.s32 $0xFFFF8000  }
0x1b3: {  	v3 =	vld [tilespmem:s0+$0x8490]  }
0x1b4: {  	v1 =	vld [tilespmem:s0+$0x104B0]  }
0x1b5: {  	v2 =	vld [tilespmem:s0+$0x84B0]  }
0x1b6: {  	v4 =	vld [tilespmem:s0+$0x104A0]  }
0x1b7: {  	v5 =	vld [tilespmem:s0+$0x84A0]  }
0x1b8: {  	v6 =	vld [tilespmem:s0+$0x10490]  }
0x1b9: {  	v0 =	vld [tilespmem:s0+$0x8480]  }
0x1ba: {  	v7 =	vld [tilespmem:s0+$0x10430]  }
0x1bb: {  	v8 =	vld [tilespmem:s0+$0x8430]  }
0x1bc: {  	v2 =	vadd.f32 v1, v2;
	v1 =	vld [tilespmem:s0+$0x10420]  }
0x1bd: {  	v5 =	vadd.f32 v4, v5;
	v4 =	vld [tilespmem:s0+$0x10410]  }
0x1be: {  	v6 =	vadd.f32 v6, v3;
	v3 =	vld [tilespmem:s0+$0x10400]  }
0x1bf: {  	[tilespmem:s0+$0x84B0] =	vst v2;
	v2 =	vld [tilespmem:s0+$0x8420]  }
0x1c0: {  	[tilespmem:s0+$0x8490] =	vst v6;
	v6 =	vld [tilespmem:s0+$0x8410]  }
0x1c1: {  	s1 =	simm.s32 $0x0;
	s4 =	simm.s32 $0x400;
	v7 =	vadd.f32 v7, v8;
	[tilespmem:s0+$0x84A0] =	vst v5;
	v5 =	vld [tilespmem:s0+$0x10480]  }
.LBB2_14:
0x1c2: {  	s5 =	sshra.s32 s4, $0x2;
	s1 =	sadd.s32 $0x2, s1;
	v8 =	vld [tilespmem:s0+$0x8400]  }
0x1c3: {  	v9 =	vld [tilespmem:s5+$0x8490];
	p0 =	slt.u32 s1, $0xFE  }
0x1c4: {  	v10 =	vld [tilespmem:s5+$0x104B0]  }
0x1c5: {  	v11 =	vld [tilespmem:s5+$0x84B0];
	v4 =	vadd.f32 v4, v6;
	[tilespmem:s0+$0x8430] =	vst v7  }
0x1c6: {  	v1 =	vadd.f32 v1, v2;
	v6 =	vld [tilespmem:s5+$0x104A0];
	v0 =	vadd.f32 v5, v0  }
0x1c7: {  	v2 =	vld [tilespmem:s5+$0x84A0];
	v3 =	vadd.f32 v3, v8;
	[tilespmem:s0+$0x8410] =	vst v4  }
0x1c8: {  	v4 =	vld [tilespmem:s5+$0x10490];
	[tilespmem:s0+$0x8480] =	vst v0  }
0x1c9: {  	v0 =	vld [tilespmem:s5+$0x8480];
	[tilespmem:s0+$0x8420] =	vst v1  }
0x1ca: {  	v5 =	vld [tilespmem:s5+$0x10430];
	v7 =	vadd.f32 v10, v11;
	[tilespmem:s0+$0x8400] =	vst v3;
	s0 =	smov.u32 s5  }
0x1cb: {  	v8 =	vld [tilespmem:s0+$0x8430]  }
0x1cc: {  	v1 =	vld [tilespmem:s0+$0x10420];
	v3 =	vadd.f32 v6, v2;
	[tilespmem:s0+$0x84B0] =	vst v7  }
.Ltmp6:
0x1cd: {  	v2 =	vld [tilespmem:s0+$0x8420];
	v6 =	vadd.f32 v4, v9;
	(pc) =	sbr.rel @p0 .LBB2_14-.Ltmp6, $4  }
0x1ce: {  	v4 =	vld [tilespmem:s0+$0x10410];
	[tilespmem:s0+$0x84A0] =	vst v3  }
0x1cf: {  	v3 =	vld [tilespmem:s0+$0x10400];
	[tilespmem:s0+$0x8490] =	vst v6  }
0x1d0: {  	v6 =	vld [tilespmem:s0+$0x8410];
	v7 =	vadd.f32 v5, v8  }
0x1d1: {  	s4 =	sadd.s32 $0x400, s4;
	v5 =	vld [tilespmem:s0+$0x10480]  }
0x1d2: {  	v8 =	vld [tilespmem:s0+$0x8400];
	_ =	sdelay $0x1  }
0x1d3: {  	v1 =	vadd.f32 v1, v2  }
0x1d4: {  	[tilespmem:s0+$0x8430] =	vst v7;
	v4 =	vadd.f32 v4, v6  }
0x1d5: {  	[tilespmem:s0+$0x8420] =	vst v1;
	v0 =	vadd.f32 v5, v0  }
0x1d6: {  	[tilespmem:s0+$0x8410] =	vst v4;
	v2 =	vadd.f32 v3, v8  }
0x1d7: {  	[tilespmem:s0+$0x8480] =	vst v0  }
0x1d8: {  	s25 =	simm.s32 $0x0;
	s29 =	rddreg [dreg:$0x8];
	[tilespmem:s0+$0x8400] =	vst v2  }
0x1d9: {  	[tilespmem:s17], [sflag:$0x3] =	stream.linear.gather [hbm4b:s29+s25], $0x8000, $0x38;
	[tilespmem:$0x18400] =	vst v63  }
0x1da: {  	s30 =	rddreg [dreg:$0x9];
	s1 =	simm.s32 $0x8400  }
0x1db: {  	[hbm4b:s30+s25] =	stream.linear.scatter [tilespmem:s1], [sflag:$0x4], $0x8000, $0x38;
	[tilespmem:$0x18400] =	vst v63  }
0x1dc: {  	_ =	swait.ge [sflag:s23], $0x8000  }
0x1dd: {  	[sflag:s23] =	ssyncset.done $0x0  }
0x1de: {  	s31 =	sand.u32 $0xF0, s25;
	[sflag:s23] =	ssyncadd.s32 $0xFFFF8000  }
0x1df: {  	v0 =	vld [tilespmem:s31+$0x300];
	_ =	sdelay $0x4  }
0x1e0: {  	v0 =	vshll.u32 v0, $0x4  }
0x1e1: {  	(v2sf) =	vpush v0, $0x0  }
0x1e2: {  	(v2sf) =	vpush v0, $0x2  }
0x1e3: {  	(v2sf) =	vpush v0, $0x1;
	_ =	sdelay $0x1  }
0x1e4: {  	(v2sf) =	vpush v0, $0x3  }
0x1e5: {  	(v2sf) =	vpush v0, $0x4;
	_ =	sdelay $0x2  }
0x1e6: {  	s26 =	simm.s32 $0x2000;
	s28 =	simm.s32 $0x10  }
.LBB2_16:
0x1e7: {  	p0 =	sne.s32 s26, $0x1E000;
	(v2sf) =	vpush v0, $0x5;
	s0 =	smov.u32 s26;
	s26 =	sadd.s32 $0x2000, s26  }
0x1e8: {  	s29 =	sshra.s32 s25, $0x2;
	s25 =	smov.u32 s0  }
0x1e9: {  	s5 =	sadd.s32 $0x8480, s29;
	(v2sf) =	vpush v0, $0x6  }
0x1ea: {  	s6 =	sadd.s32 $0x8400, s29  }
0x1eb: {  	s31 =	sadd.s32 $0x8980, s29;
	s0 =	sadd.s32 $0x8A00, s29;
	s30 =	sadd.s32 $0x8A80, s29;
	(v2sf) =	vpush v0, $0x7  }
0x1ec: {  	s15 =	sadd.s32 $0x8800, s29;
	s14 =	sadd.s32 $0x8880, s29;
	s1 =	sadd.s32 $0x8900, s29  }
0x1ed: {  	s7 =	sadd.s32 $0x8700, s29;
	s4 =	sadd.s32 $0x8780, s29;
	s8 =	spop (v2sf);
	(v2sf) =	vpush v0, $0x8  }
0x1ee: {  	s9 =	sadd.s32 $0x8500, s29;
	s8 =	sand.u32 $0x1FFFFFF0, s8;
	s10 =	spop (v2sf)  }
0x1ef: {  	s11 =	sadd.s32 $0x8680, s29;
	s8 =	sadd.s32 s3, s8;
	s20 =	spop (v2sf);
	(v2sf) =	vpush v0, $0x9  }
0x1f0: {  	[tilespmem:s6], [sflag:$0x2] =	stream.linear.gather [hbm4b:s8+s2], $0x80, $0x38;
	[tilespmem:$0x18400] =	vst v63  }
0x1f1: {  	s6 =	sand.u32 $0x1FFFFFF0, s20;
	s8 =	sand.u32 $0x1FFFFFF0, s10;
	s10 =	spop (v2sf);
	(v2sf) =	vpush v0, $0xA  }
0x1f2: {  	s20 =	sadd.s32 $0x8600, s29;
	s6 =	sadd.s32 s3, s6;
	s22 =	spop (v2sf)  }
0x1f3: {  	[tilespmem:s5], [sflag:$0x2] =	stream.linear.gather [hbm4b:s6+s2], $0x80, $0x38;
	(v2sf) =	vpush v0, $0xB;
	[tilespmem:$0x18400] =	vst v63  }
0x1f4: {  	s5 =	sadd.s32 s3, s8;
	s6 =	sand.u32 $0x1FFFFFF0, s10;
	s8 =	sand.u32 $0x1FFFFFF0, s22  }
0x1f5: {  	[tilespmem:s9], [sflag:$0x2] =	stream.linear.gather [hbm4b:s5+s2], $0x80, $0x38;
	(v2sf) =	vpush v0, $0xC;
	[tilespmem:$0x18400] =	vst v63  }
0x1f6: {  	s6 =	sadd.s32 s3, s6;
	s5 =	sadd.s32 $0x8580, s29;
	s9 =	spop (v2sf)  }
0x1f7: {  	[tilespmem:s5], [sflag:$0x2] =	stream.linear.gather [hbm4b:s6+s2], $0x80, $0x38;
	(v2sf) =	vpush v0, $0xD;
	[tilespmem:$0x18400] =	vst v63  }
0x1f8: {  	s5 =	sadd.s32 s3, s8;
	s6 =	sand.u32 $0x1FFFFFF0, s9;
	s8 =	spop (v2sf)  }
0x1f9: {  	[tilespmem:s20], [sflag:$0x2] =	stream.linear.gather [hbm4b:s5+s2], $0x80, $0x38;
	(v2sf) =	vpush v0, $0xE;
	[tilespmem:$0x18400] =	vst v63  }
0x1fa: {  	s5 =	sadd.s32 s3, s6;
	s6 =	sand.u32 $0x1FFFFFF0, s8;
	s8 =	spop (v2sf)  }
0x1fb: {  	[tilespmem:s11], [sflag:$0x2] =	stream.linear.gather [hbm4b:s5+s2], $0x80, $0x38;
	(v2sf) =	vpush v0, $0xF;
	[tilespmem:$0x18400] =	vst v63  }
0x1fc: {  	s5 =	sadd.s32 s3, s6;
	s6 =	sand.u32 $0x1FFFFFF0, s8;
	s8 =	spop (v2sf)  }
0x1fd: {  	[tilespmem:s7], [sflag:$0x2] =	stream.linear.gather [hbm4b:s5+s2], $0x80, $0x38;
	[tilespmem:$0x18400] =	vst v63  }
0x1fe: {  	s5 =	sadd.s32 s3, s6;
	s6 =	sand.u32 $0x1FFFFFF0, s8;
	s7 =	spop (v2sf)  }
0x1ff: {  	[tilespmem:s4], [sflag:$0x2] =	stream.linear.gather [hbm4b:s5+s2], $0x80, $0x38;
	[tilespmem:$0x18400] =	vst v63  }
0x200: {  	s4 =	sadd.s32 s3, s6;
	s5 =	sand.u32 $0x1FFFFFF0, s7;
	s6 =	spop (v2sf)  }
0x201: {  	[tilespmem:s15], [sflag:$0x2] =	stream.linear.gather [hbm4b:s4+s2], $0x80, $0x38;
	[tilespmem:$0x18400] =	vst v63  }
0x202: {  	s4 =	sadd.s32 s3, s5;
	s5 =	sand.u32 $0x1FFFFFF0, s6;
	s6 =	spop (v2sf)  }
0x203: {  	[tilespmem:s14], [sflag:$0x2] =	stream.linear.gather [hbm4b:s4+s2], $0x80, $0x38;
	[tilespmem:$0x18400] =	vst v63  }
0x204: {  	s4 =	sadd.s32 s3, s5;
	s5 =	sand.u32 $0x1FFFFFF0, s6;
	s6 =	spop (v2sf)  }
0x205: {  	[tilespmem:s1], [sflag:$0x2] =	stream.linear.gather [hbm4b:s4+s2], $0x80, $0x38;
	[tilespmem:$0x18400] =	vst v63  }
0x206: {  	s1 =	sadd.s32 s3, s5;
	s4 =	sand.u32 $0x1FFFFFF0, s6;
	s5 =	spop (v2sf)  }
0x207: {  	[tilespmem:s31], [sflag:$0x2] =	stream.linear.gather [hbm4b:s1+s2], $0x80, $0x38;
	[tilespmem:$0x18400] =	vst v63  }
0x208: {  	s1 =	sadd.s32 s3, s4;
	s4 =	sand.u32 $0x1FFFFFF0, s5;
	s5 =	spop (v2sf)  }
0x209: {  	[tilespmem:s0], [sflag:$0x2] =	stream.linear.gather [hbm4b:s1+s2], $0x80, $0x38;
	[tilespmem:$0x18400] =	vst v63  }
0x20a: {  	s0 =	sadd.s32 s3, s4;
	s1 =	sand.u32 $0x1FFFFFF0, s5;
	s4 =	spop (v2sf)  }
0x20b: {  	[tilespmem:s30], [sflag:$0x2] =	stream.linear.gather [hbm4b:s0+s2], $0x80, $0x38;
	[tilespmem:$0x18400] =	vst v63  }
0x20c: {  	s1 =	sadd.s32 s3, s1;
	s0 =	sadd.s32 $0x8B00, s29;
	s4 =	sand.u32 $0x1FFFFFF0, s4  }
0x20d: {  	[tilespmem:s0], [sflag:$0x2] =	stream.linear.gather [hbm4b:s1+s2], $0x80, $0x38;
	[tilespmem:$0x18400] =	vst v63  }
0x20e: {  	s4 =	sadd.s32 s3, s4;
	s0 =	sand.u32 $0xF0, s28;
	s1 =	sadd.s32 $0x8B80, s29  }
0x20f: {  	[tilespmem:s1], [sflag:$0x2] =	stream.linear.gather [hbm4b:s4+s2], $0x80, $0x38;
	[tilespmem:$0x18400] =	vst v63  }
0x210: {  	v0 =	vld [tilespmem:s0+$0x300];
	_ =	sdelay $0x4  }
0x211: {  	v0 =	vshll.u32 v0, $0x4  }
0x212: {  	(v2sf) =	vpush v0, $0x0  }
0x213: {  	(v2sf) =	vpush v0, $0x2  }
0x214: {  	(v2sf) =	vpush v0, $0x1;
	_ =	sdelay $0x1  }
.Ltmp7:
0x215: {  	(v2sf) =	vpush v0, $0x3;
	(pc) =	sbr.rel @p0 .LBB2_16-.Ltmp7, $2  }
0x216: {  	(v2sf) =	vpush v0, $0x4;
	_ =	sdelay $0x2  }
0x217: {  	s28 =	sadd.s32 $0x10, s28  }
0x218: {  	(v2sf) =	vpush v0, $0x5;
	_ =	sdelay $0x1  }
0x219: {  	s0 =	sshra.s32 s25, $0x2;
	(v2sf) =	vpush v0, $0x6  }
0x21a: {  	s5 =	sadd.s32 $0x8480, s0;
	s6 =	sadd.s32 $0x8400, s0  }
0x21b: {  	s4 =	sadd.s32 $0x8980, s0;
	s14 =	sadd.s32 $0x8A00, s0;
	s1 =	sadd.s32 $0x8A80, s0;
	(v2sf) =	vpush v0, $0x7  }
0x21c: {  	s7 =	sadd.s32 $0x8800, s0;
	s8 =	sadd.s32 $0x8880, s0;
	s9 =	sadd.s32 $0x8900, s0  }
0x21d: {  	s10 =	sadd.s32 $0x8700, s0;
	s11 =	sadd.s32 $0x8780, s0;
	s15 =	spop (v2sf);
	(v2sf) =	vpush v0, $0x8  }
0x21e: {  	s20 =	sadd.s32 $0x8500, s0;
	s15 =	sand.u32 $0x1FFFFFF0, s15;
	s22 =	spop (v2sf)  }
0x21f: {  	s25 =	sadd.s32 $0x8680, s0;
	s15 =	sadd.s32 s3, s15;
	s26 =	spop (v2sf);
	(v2sf) =	vpush v0, $0x9  }
0x220: {  	[tilespmem:s6], [sflag:$0x2] =	stream.linear.gather [hbm4b:s15+s2], $0x80, $0x38;
	[tilespmem:$0x18400] =	vst v63  }
0x221: {  	s30 =	sand.u32 $0x1FFFFFF0, s22;
	s29 =	sand.u32 $0x1FFFFFF0, s26;
	s31 =	spop (v2sf);
	(v2sf) =	vpush v0, $0xA  }
0x222: {  	s22 =	sadd.s32 $0x8580, s0;
	s6 =	sadd.s32 s3, s29;
	s28 =	spop (v2sf)  }
0x223: {  	[tilespmem:s5], [sflag:$0x2] =	stream.linear.gather [hbm4b:s6+s2], $0x80, $0x38;
	(v2sf) =	vpush v0, $0xB;
	[tilespmem:$0x18400] =	vst v63  }
0x224: {  	s26 =	sadd.s32 $0x8600, s0;
	s29 =	sadd.s32 s3, s30;
	s30 =	sand.u32 $0x1FFFFFF0, s31  }
0x225: {  	(v2sf) =	vpush v0, $0xC;
	[tilespmem:s20], [sflag:$0x2] =	stream.linear.gather [hbm4b:s29+s2], $0x80, $0x38;
	[tilespmem:$0x18400] =	vst v63  }
0x226: {  	s31 =	sand.u32 $0x1FFFFFF0, s28;
	s6 =	sadd.s32 s3, s30;
	s28 =	spop (v2sf)  }
0x227: {  	[tilespmem:s22], [sflag:$0x2] =	stream.linear.gather [hbm4b:s6+s2], $0x80, $0x38;
	(v2sf) =	vpush v0, $0xD;
	[tilespmem:$0x18400] =	vst v63  }
0x228: {  	s29 =	sadd.s32 s3, s31;
	s30 =	sand.u32 $0x1FFFFFF0, s28;
	s31 =	spop (v2sf)  }
0x229: {  	(v2sf) =	vpush v0, $0xE;
	[tilespmem:s26], [sflag:$0x2] =	stream.linear.gather [hbm4b:s29+s2], $0x80, $0x38;
	[tilespmem:$0x18400] =	vst v63  }
0x22a: {  	s6 =	sadd.s32 s3, s30;
	s20 =	sand.u32 $0x1FFFFFF0, s31;
	s22 =	spop (v2sf)  }
0x22b: {  	(v2sf) =	vpush v0, $0xF;
	[tilespmem:s25], [sflag:$0x2] =	stream.linear.gather [hbm4b:s6+s2], $0x80, $0x38;
	[tilespmem:$0x18400] =	vst v63  }
0x22c: {  	s26 =	sand.u32 $0x1FFFFFF0, s22;
	s25 =	sadd.s32 s3, s20;
	s28 =	spop (v2sf)  }
0x22d: {  	[tilespmem:s10], [sflag:$0x2] =	stream.linear.gather [hbm4b:s25+s2], $0x80, $0x38;
	[tilespmem:$0x18400] =	vst v63  }
0x22e: {  	s29 =	sadd.s32 s3, s26;
	s30 =	sand.u32 $0x1FFFFFF0, s28;
	s31 =	spop (v2sf)  }
0x22f: {  	[tilespmem:s11], [sflag:$0x2] =	stream.linear.gather [hbm4b:s29+s2], $0x80, $0x38;
	[tilespmem:$0x18400] =	vst v63  }
0x230: {  	s15 =	sadd.s32 s3, s30;
	s20 =	sand.u32 $0x1FFFFFF0, s31;
	s22 =	spop (v2sf)  }
0x231: {  	[tilespmem:s7], [sflag:$0x2] =	stream.linear.gather [hbm4b:s15+s2], $0x80, $0x38;
	[tilespmem:$0x18400] =	vst v63  }
0x232: {  	s25 =	sadd.s32 s3, s20;
	s26 =	sand.u32 $0x1FFFFFF0, s22;
	s28 =	spop (v2sf)  }
0x233: {  	[tilespmem:s8], [sflag:$0x2] =	stream.linear.gather [hbm4b:s25+s2], $0x80, $0x38;
	[tilespmem:$0x18400] =	vst v63  }
0x234: {  	s29 =	sadd.s32 s3, s26;
	s30 =	sand.u32 $0x1FFFFFF0, s28;
	s31 =	spop (v2sf)  }
0x235: {  	[tilespmem:s9], [sflag:$0x2] =	stream.linear.gather [hbm4b:s29+s2], $0x80, $0x38;
	[tilespmem:$0x18400] =	vst v63  }
0x236: {  	s8 =	sadd.s32 s3, s30;
	s9 =	sand.u32 $0x1FFFFFF0, s31;
	s10 =	spop (v2sf)  }
0x237: {  	[tilespmem:s4], [sflag:$0x2] =	stream.linear.gather [hbm4b:s8+s2], $0x80, $0x38;
	[tilespmem:$0x18400] =	vst v63  }
0x238: {  	s11 =	sadd.s32 s3, s9;
	s15 =	sand.u32 $0x1FFFFFF0, s10;
	s20 =	spop (v2sf)  }
0x239: {  	[tilespmem:s14], [sflag:$0x2] =	stream.linear.gather [hbm4b:s11+s2], $0x80, $0x38;
	[tilespmem:$0x18400] =	vst v63  }
0x23a: {  	s22 =	sadd.s32 s3, s15;
	s25 =	sand.u32 $0x1FFFFFF0, s20;
	s26 =	spop (v2sf)  }
0x23b: {  	[tilespmem:s1], [sflag:$0x2] =	stream.linear.gather [hbm4b:s22+s2], $0x80, $0x38;
	[tilespmem:$0x18400] =	vst v63  }
0x23c: {  	s28 =	sadd.s32 $0x8B00, s0;
	s29 =	sadd.s32 s3, s25;
	s30 =	sand.u32 $0x1FFFFFF0, s26  }
0x23d: {  	[tilespmem:s28], [sflag:$0x2] =	stream.linear.gather [hbm4b:s29+s2], $0x80, $0x38;
	[tilespmem:$0x18400] =	vst v63  }
0x23e: {  	s0 =	sadd.s32 $0x8B80, s0;
	s31 =	sadd.s32 s3, s30  }
0x23f: {  	[tilespmem:s0], [sflag:$0x2] =	stream.linear.gather [hbm4b:s31+s2], $0x80, $0x38;
	[tilespmem:$0x18400] =	vst v63  }
0x240: {  	_ =	swait.ge [sflag:s18], $0x80  }
0x241: {  	[sflag:s18] =	ssyncset.done $0x0  }
0x242: {  	[sflag:s18] =	ssyncadd.s32 $0xFFFFFF80  }
0x243: {  	_ =	swait.ge [sflag:s18], $0x80  }
0x244: {  	[sflag:s18] =	ssyncset.done $0x0  }
0x245: {  	[sflag:s18] =	ssyncadd.s32 $0xFFFFFF80  }
0x246: {  	_ =	swait.ge [sflag:s18], $0x80  }
0x247: {  	[sflag:s18] =	ssyncset.done $0x0  }
0x248: {  	[sflag:s18] =	ssyncadd.s32 $0xFFFFFF80  }
0x249: {  	_ =	swait.ge [sflag:s18], $0x80  }
0x24a: {  	s0 =	simm.s32 $0x0;
	[sflag:s18] =	ssyncset.done $0x0  }
.LBB2_18:
0x24b: {  	s0 =	sadd.s32 $0x4, s0;
	[sflag:s18] =	ssyncadd.s32 $0xFFFFFF80  }
0x24c: {  	_ =	swait.ge [sflag:s18], $0x80;
	p0 =	slt.u32 s0, $0xFC  }
0x24d: {  	[sflag:s18] =	ssyncset.done $0x0  }
0x24e: {  	[sflag:s18] =	ssyncadd.s32 $0xFFFFFF80  }
0x24f: {  	_ =	swait.ge [sflag:s18], $0x80  }
0x250: {  	[sflag:s18] =	ssyncset.done $0x0  }
0x251: {  	[sflag:s18] =	ssyncadd.s32 $0xFFFFFF80  }
.Ltmp8:
0x252: {  	_ =	swait.ge [sflag:s18], $0x80;
	(pc) =	sbr.rel @p0 .LBB2_18-.Ltmp8, $4  }
0x253: {  	[sflag:s18] =	ssyncset.done $0x0  }
0x254: {  	[sflag:s18] =	ssyncadd.s32 $0xFFFFFF80  }
0x255: {  	_ =	swait.ge [sflag:s18], $0x80  }
0x256: {  	[sflag:s18] =	ssyncset.done $0x0  }
0x257: {  	[sflag:s18] =	ssyncadd.s32 $0xFFFFFF80  }
0x258: {  	_ =	swait.ge [sflag:s19], $0x8000  }
0x259: {  	[sflag:s19] =	ssyncset.done $0x0  }
0x25a: {  	s25 =	simm.s32 $0x480;
	[sflag:s19] =	ssyncadd.s32 $0xFFFF8000  }
0x25b: {  	s26 =	simm.s32 $0x10480;
	v0 =	vld [tilespmem:s25+$0xFFFFFF80]  }
0x25c: {  	v1 =	vld [tilespmem:s26+$0xFFFFFF80];
	_ =	sdelay $0x4  }
0x25d: {  	v0 =	vadd.f32 v1, v0;
	_ =	sdelay $0x1  }
0x25e: {  	[tilespmem:s25+$0xFFFFFF80] =	vst v0;
	v0 =	vld [tilespmem:s25+$0xFFFFFF90]  }
0x25f: {  	v1 =	vld [tilespmem:s26+$0xFFFFFF90];
	_ =	sdelay $0x4  }
0x260: {  	v0 =	vadd.f32 v1, v0;
	_ =	sdelay $0x1  }
0x261: {  	[tilespmem:s25+$0xFFFFFF90] =	vst v0;
	v0 =	vld [tilespmem:s25+$0xFFFFFFA0]  }
0x262: {  	v1 =	vld [tilespmem:s26+$0xFFFFFFA0];
	_ =	sdelay $0x4  }
0x263: {  	v0 =	vadd.f32 v1, v0;
	_ =	sdelay $0x1  }
0x264: {  	[tilespmem:s25+$0xFFFFFFA0] =	vst v0;
	v0 =	vld [tilespmem:s25+$0xFFFFFFB0]  }
0x265: {  	v1 =	vld [tilespmem:s26+$0xFFFFFFB0];
	_ =	sdelay $0x4  }
0x266: {  	v0 =	vadd.f32 v1, v0;
	_ =	sdelay $0x1  }
0x267: {  	[tilespmem:s25+$0xFFFFFFB0] =	vst v0;
	v0 =	vld [tilespmem:s25+$0x0]  }
0x268: {  	v1 =	vld [tilespmem:s26+$0x0];
	_ =	sdelay $0x4  }
0x269: {  	v0 =	vadd.f32 v1, v0;
	_ =	sdelay $0x1  }
0x26a: {  	[tilespmem:s25+$0x0] =	vst v0;
	v0 =	vld [tilespmem:s25+$0x10]  }
0x26b: {  	v1 =	vld [tilespmem:s26+$0x10];
	_ =	sdelay $0x4  }
0x26c: {  	v0 =	vadd.f32 v1, v0;
	_ =	sdelay $0x1  }
0x26d: {  	[tilespmem:s25+$0x10] =	vst v0;
	v0 =	vld [tilespmem:s25+$0x20]  }
0x26e: {  	v1 =	vld [tilespmem:s26+$0x20];
	_ =	sdelay $0x4  }
0x26f: {  	v0 =	vadd.f32 v1, v0;
	_ =	sdelay $0x1  }
0x270: {  	[tilespmem:s25+$0x20] =	vst v0;
	v0 =	vld [tilespmem:s25+$0x30]  }
0x271: {  	v1 =	vld [tilespmem:s26+$0x30];
	_ =	sdelay $0x4  }
0x272: {  	v0 =	vadd.f32 v1, v0  }
0x273: {  	s0 =	simm.s32 $0x0;
	s28 =	simm.s32 $0x580  }
.LBB2_20:
0x274: {  	v1 =	vld [tilespmem:s28+$0xFFFFFF80];
	[tilespmem:s25+$0x30] =	vst v0;
	s26 =	sadd.s32 $0x100, s26;
	s25 =	smov.u32 s28  }
0x275: {  	s0 =	sadd.s32 $0x2, s0;
	v0 =	vld [tilespmem:s26+$0xFFFFFF80]  }
0x276: {  	p0 =	slt.u32 s0, $0xFE;
	_ =	sdelay $0x3  }
0x277: {  	v0 =	vadd.f32 v0, v1;
	_ =	sdelay $0x1  }
0x278: {  	[tilespmem:s28+$0xFFFFFF80] =	vst v0;
	v0 =	vld [tilespmem:s28+$0xFFFFFF90]  }
0x279: {  	v1 =	vld [tilespmem:s26+$0xFFFFFF90];
	_ =	sdelay $0x4  }
0x27a: {  	v0 =	vadd.f32 v1, v0;
	_ =	sdelay $0x1  }
0x27b: {  	[tilespmem:s28+$0xFFFFFF90] =	vst v0;
	v0 =	vld [tilespmem:s28+$0xFFFFFFA0]  }
0x27c: {  	v1 =	vld [tilespmem:s26+$0xFFFFFFA0];
	_ =	sdelay $0x4  }
0x27d: {  	v0 =	vadd.f32 v1, v0;
	_ =	sdelay $0x1  }
0x27e: {  	[tilespmem:s28+$0xFFFFFFA0] =	vst v0;
	v0 =	vld [tilespmem:s28+$0xFFFFFFB0]  }
0x27f: {  	v1 =	vld [tilespmem:s26+$0xFFFFFFB0];
	_ =	sdelay $0x4  }
0x280: {  	v0 =	vadd.f32 v1, v0;
	_ =	sdelay $0x1  }
0x281: {  	[tilespmem:s28+$0xFFFFFFB0] =	vst v0;
	v0 =	vld [tilespmem:s28+$0x0]  }
0x282: {  	v1 =	vld [tilespmem:s26+$0x0];
	_ =	sdelay $0x4  }
0x283: {  	v0 =	vadd.f32 v1, v0;
	_ =	sdelay $0x1  }
0x284: {  	[tilespmem:s28+$0x0] =	vst v0;
	v0 =	vld [tilespmem:s28+$0x10]  }
0x285: {  	v1 =	vld [tilespmem:s26+$0x10];
	_ =	sdelay $0x4  }
0x286: {  	v0 =	vadd.f32 v1, v0;
	_ =	sdelay $0x1  }
0x287: {  	[tilespmem:s28+$0x10] =	vst v0;
	v0 =	vld [tilespmem:s28+$0x20]  }
0x288: {  	v1 =	vld [tilespmem:s26+$0x20];
	_ =	sdelay $0x4  }
0x289: {  	v0 =	vadd.f32 v1, v0;
	_ =	sdelay $0x1  }
0x28a: {  	[tilespmem:s28+$0x20] =	vst v0;
	v0 =	vld [tilespmem:s28+$0x30]  }
0x28b: {  	v1 =	vld [tilespmem:s26+$0x30];
	_ =	sdelay $0x1  }
.Ltmp9:
0x28c: {  	(pc) =	sbr.rel @p0 .LBB2_20-.Ltmp9, $3  }
0x28d: {  	_ =	sdelay $0x1  }
0x28e: {  	v0 =	vadd.f32 v1, v0  }
0x28f: {  	s28 =	sadd.s32 $0x100, s28  }
0x290: {  	[tilespmem:s25+$0x30] =	vst v0;
	s0 =	rddreg [dreg:$0xa]  }
0x291: {  	[tilespmem:s17], [sflag:$0x3] =	stream.linear.gather [hbm4b:s0+s2], $0x8000, $0x38;
	[tilespmem:$0x18400] =	vst v63  }
0x292: {  	s31 =	rddreg [dreg:$0xb];
	s1 =	simm.s32 $0x400  }
0x293: {  	[hbm4b:s31+s2] =	stream.linear.scatter [tilespmem:s1], [sflag:$0x4], $0x8000, $0x38;
	[tilespmem:$0x18400] =	vst v63  }
0x294: {  	_ =	swait.ge [sflag:s23], $0x8000  }
0x295: {  	[sflag:s23] =	ssyncset.done $0x0  }
0x296: {  	[sflag:s23] =	ssyncadd.s32 $0xFFFF8000  }
0x297: {  	_ =	swait.ge [sflag:s21], $0x80  }
0x298: {  	[sflag:s21] =	ssyncset.done $0x0  }
0x299: {  	[sflag:s21] =	ssyncadd.s32 $0xFFFFFF80  }
0x29a: {  	_ =	swait.ge [sflag:s21], $0x80  }
0x29b: {  	[sflag:s21] =	ssyncset.done $0x0  }
0x29c: {  	[sflag:s21] =	ssyncadd.s32 $0xFFFFFF80  }
0x29d: {  	_ =	swait.ge [sflag:s21], $0x80  }
0x29e: {  	[sflag:s21] =	ssyncset.done $0x0  }
0x29f: {  	[sflag:s21] =	ssyncadd.s32 $0xFFFFFF80  }
0x2a0: {  	_ =	swait.ge [sflag:s21], $0x80  }
0x2a1: {  	s0 =	simm.s32 $0x0;
	[sflag:s21] =	ssyncset.done $0x0  }
.LBB2_22:
0x2a2: {  	s0 =	sadd.s32 $0x4, s0;
	[sflag:s21] =	ssyncadd.s32 $0xFFFFFF80  }
0x2a3: {  	_ =	swait.ge [sflag:s21], $0x80;
	p0 =	slt.u32 s0, $0xFC  }
0x2a4: {  	[sflag:s21] =	ssyncset.done $0x0  }
0x2a5: {  	[sflag:s21] =	ssyncadd.s32 $0xFFFFFF80  }
0x2a6: {  	_ =	swait.ge [sflag:s21], $0x80  }
0x2a7: {  	[sflag:s21] =	ssyncset.done $0x0  }
0x2a8: {  	[sflag:s21] =	ssyncadd.s32 $0xFFFFFF80  }
.Ltmp10:
0x2a9: {  	_ =	swait.ge [sflag:s21], $0x80;
	(pc) =	sbr.rel @p0 .LBB2_22-.Ltmp10, $4  }
0x2aa: {  	[sflag:s21] =	ssyncset.done $0x0  }
0x2ab: {  	[sflag:s21] =	ssyncadd.s32 $0xFFFFFF80  }
0x2ac: {  	_ =	swait.ge [sflag:s21], $0x80  }
0x2ad: {  	[sflag:s21] =	ssyncset.done $0x0  }
0x2ae: {  	[sflag:s21] =	ssyncadd.s32 $0xFFFFFF80  }
0x2af: {  	_ =	swait.ge [sflag:s19], $0x8000  }
0x2b0: {  	[sflag:s19] =	ssyncset.done $0x0  }
0x2b1: {  	s0 =	simm.s32 $0x0;
	[sflag:s19] =	ssyncadd.s32 $0xFFFF8000  }
0x2b2: {  	v3 =	vld [tilespmem:s0+$0x8490]  }
0x2b3: {  	v1 =	vld [tilespmem:s0+$0x104B0]  }
0x2b4: {  	v2 =	vld [tilespmem:s0+$0x84B0]  }
0x2b5: {  	v4 =	vld [tilespmem:s0+$0x104A0]  }
0x2b6: {  	v5 =	vld [tilespmem:s0+$0x84A0]  }
0x2b7: {  	v6 =	vld [tilespmem:s0+$0x10490]  }
0x2b8: {  	v0 =	vld [tilespmem:s0+$0x8480]  }
0x2b9: {  	v7 =	vld [tilespmem:s0+$0x10430]  }
0x2ba: {  	v8 =	vld [tilespmem:s0+$0x8430]  }
0x2bb: {  	v2 =	vadd.f32 v1, v2;
	v1 =	vld [tilespmem:s0+$0x10420]  }
0x2bc: {  	v5 =	vadd.f32 v4, v5;
	v4 =	vld [tilespmem:s0+$0x10410]  }
0x2bd: {  	v6 =	vadd.f32 v6, v3;
	v3 =	vld [tilespmem:s0+$0x10400]  }
0x2be: {  	[tilespmem:s0+$0x84B0] =	vst v2;
	v2 =	vld [tilespmem:s0+$0x8420]  }
0x2bf: {  	[tilespmem:s0+$0x8490] =	vst v6;
	v6 =	vld [tilespmem:s0+$0x8410]  }
0x2c0: {  	s1 =	simm.s32 $0x0;
	s4 =	simm.s32 $0x400;
	v7 =	vadd.f32 v7, v8;
	[tilespmem:s0+$0x84A0] =	vst v5;
	v5 =	vld [tilespmem:s0+$0x10480]  }
.LBB2_24:
0x2c1: {  	s5 =	sshra.s32 s4, $0x2;
	s1 =	sadd.s32 $0x2, s1;
	v8 =	vld [tilespmem:s0+$0x8400]  }
0x2c2: {  	v9 =	vld [tilespmem:s5+$0x8490];
	p0 =	slt.u32 s1, $0xFE  }
0x2c3: {  	v10 =	vld [tilespmem:s5+$0x104B0]  }
0x2c4: {  	v11 =	vld [tilespmem:s5+$0x84B0];
	v4 =	vadd.f32 v4, v6;
	[tilespmem:s0+$0x8430] =	vst v7  }
0x2c5: {  	v1 =	vadd.f32 v1, v2;
	v6 =	vld [tilespmem:s5+$0x104A0];
	v0 =	vadd.f32 v5, v0  }
0x2c6: {  	v2 =	vld [tilespmem:s5+$0x84A0];
	v3 =	vadd.f32 v3, v8;
	[tilespmem:s0+$0x8410] =	vst v4  }
0x2c7: {  	v4 =	vld [tilespmem:s5+$0x10490];
	[tilespmem:s0+$0x8480] =	vst v0  }
0x2c8: {  	v0 =	vld [tilespmem:s5+$0x8480];
	[tilespmem:s0+$0x8420] =	vst v1  }
0x2c9: {  	v5 =	vld [tilespmem:s5+$0x10430];
	v7 =	vadd.f32 v10, v11;
	[tilespmem:s0+$0x8400] =	vst v3;
	s0 =	smov.u32 s5  }
0x2ca: {  	v8 =	vld [tilespmem:s0+$0x8430]  }
0x2cb: {  	v1 =	vld [tilespmem:s0+$0x10420];
	v3 =	vadd.f32 v6, v2;
	[tilespmem:s0+$0x84B0] =	vst v7  }
.Ltmp11:
0x2cc: {  	v2 =	vld [tilespmem:s0+$0x8420];
	v6 =	vadd.f32 v4, v9;
	(pc) =	sbr.rel @p0 .LBB2_24-.Ltmp11, $4  }
0x2cd: {  	v4 =	vld [tilespmem:s0+$0x10410];
	[tilespmem:s0+$0x84A0] =	vst v3  }
0x2ce: {  	v3 =	vld [tilespmem:s0+$0x10400];
	[tilespmem:s0+$0x8490] =	vst v6  }
0x2cf: {  	v6 =	vld [tilespmem:s0+$0x8410];
	v7 =	vadd.f32 v5, v8  }
0x2d0: {  	s4 =	sadd.s32 $0x400, s4;
	v5 =	vld [tilespmem:s0+$0x10480]  }
0x2d1: {  	v8 =	vld [tilespmem:s0+$0x8400];
	_ =	sdelay $0x1  }
0x2d2: {  	v1 =	vadd.f32 v1, v2  }
0x2d3: {  	[tilespmem:s0+$0x8430] =	vst v7;
	v4 =	vadd.f32 v4, v6  }
0x2d4: {  	[tilespmem:s0+$0x8420] =	vst v1;
	v0 =	vadd.f32 v5, v0  }
0x2d5: {  	[tilespmem:s0+$0x8410] =	vst v4;
	v63 =	vadd.f32 v3, v8  }
0x2d6: {  	[tilespmem:s0+$0x8480] =	vst v0  }
0x2d7: {  	s31 =	simm.s32 $0x8400;
	s24 =	sadd.s32 $0x1, s24;
	[tilespmem:s0+$0x8400] =	vst v63  }
0x2d8: {  	[hbm4b:s12+s2] =	stream.linear.scatter [tilespmem:s31], [sflag:$0x4], $0x8000, $0x38;
	[tilespmem:$0x18400] =	vst v63  }
0x2d9: {  	p0 =	sne.s32 s24, s13;
	_ =	swait.ge [sflag:s23], $0x8000  }
.Ltmp12:
0x2da: {  	[sflag:s23] =	ssyncset.done $0x0;
	(pc) =	sbr.rel @p0 .LBB2_1-.Ltmp12, $4  }
0x2db: {  	[sflag:s23] =	ssyncadd.s32 $0xFFFF8000  }
0x2dc: {  	_ =	swait.ge [sflag:s23], $0x8000  }
0x2dd: {  	[sflag:s23] =	ssyncset.done $0x0  }
0x2de: {  	[sflag:s23] =	ssyncadd.s32 $0xFFFF8000  }
0x2df: {  	_ =	sfence.sel $0x180000  }
0x2e0: {  	[bflag:$0x0] =	sbarrier.arrive $0xFFFF  }
0x2e1: {  	_ =	strace $0x90000047  }
0x2e2: {  	s0 =	stileid.u32;
	[bflag:$0x2] =	sbarrier.arrive $0xFFFF  }
0x2e3: {  	p0 =	sne.s32 s0, $0x0;
	s0 =	rddreg [dreg:$0x3]  }
0x2e4: {  	s0 =	sadd.s32 @!p0 $0x100000, s0  }
0x2e5: {  	[sflag:s0] =	ssyncadd.tile.s32 @!p0 $0x1;
	_ =	shalt  }
.Lfunc_end2:
_tile_overlayer_lowered:
.L_overlay_start_2:
0x2e6: {  	(tag) =	ssettag $0x2  }
0x2e7: {  	s0 =	rddreg [dreg:$0x0];
	s2 =	stileid.u32  }
0x2e8: {  	s1 =	rddreg [dreg:$0x1];
	p0 =	sne.s32 s2, $0x0  }
0x2e9: {  	s3 =	rddreg [dreg:$0x2];
	[bflag:$0x3] =	sbarrier.arrive $0xFFFF;
	s2 =	simm.s32 @!p0 $0x1C05  }
0x2ea: {  	[timem:s3], [sflag:s2] =	dma.local @!p0 [hbm:s0], s1  }
0x2eb: {  	s0 =	simm.s32 @!p0 $0x5  }
0x2ec: {  	_ =	swait.ge @!p0 [sflag:s0], s1  }
0x2ed: {  	s1 =	ssub.s32 @!p0 $0x0, s1;
	[sflag:s0] =	ssyncset.done @!p0 $0x0  }
0x2ee: {  	[sflag:s0] =	ssyncadd.s32 @!p0 s1  }
0x2ef: {  	[bflag:$0x3] =	sbarrier.arrive $0xFFFF  }
0x2f0: {  	_ =	shalt  }

</sc_bundles>
